<compile_context>
chip_gen: v7x
topology: tpu7x:2x2x1
jax: 0.10.2.dev20260603
libtpu: 0.0.44.dev20260713+nightly
codegen_flags: <defaults>
</compile_context>

<pallas_src>
import functools
import math

import jax
import jax.numpy as jnp
from jax import lax
from jax.experimental import pallas as pl
from jax.experimental.pallas import tpu as pltpu
from jax.experimental.pallas import tpu_sc as plsc

D_MODEL = 128
SCALE = math.sqrt(D_MODEL)
NUM_CORES = 2
NUM_SUBCORES = 16
NUM_WORKERS = NUM_CORES * NUM_SUBCORES
CHUNK = 128
LANES = 16
NB = 5


def _make_kernel(batch: int):
    assert batch % (NUM_WORKERS * CHUNK * NB) == 0
    b_per_w = batch // NUM_WORKERS
    n_chunks = b_per_w // CHUNK
    n_groups = n_chunks // NB

    mesh = plsc.VectorSubcoreMesh(
        core_axis_name="c", subcore_axis_name="s",
        num_cores=NUM_CORES, num_subcores=NUM_SUBCORES)

    @functools.partial(
        pl.kernel,
        out_type=jax.ShapeDtypeStruct((batch, D_MODEL), jnp.float32),
        mesh=mesh,
        scratch_types=[
            pltpu.VMEM((n_chunks, CHUNK), jnp.int32),
            *[pltpu.VMEM((CHUNK, D_MODEL), jnp.float32) for _ in range(NB)],
            *[pltpu.SemaphoreType.DMA for _ in range(2 * NB)],
        ],
    )
    def emb_kernel(idx_hbm, table_hbm, out_hbm, idx_v,
                   g0, g1, g2, g3, g4,
                   gsem0, gsem1, gsem2, gsem3, gsem4,
                   ssem0, ssem1, ssem2, ssem3, ssem4):
        gbuf = (g0, g1, g2, g3, g4)
        gsem = (gsem0, gsem1, gsem2, gsem3, gsem4)
        ssem = (ssem0, ssem1, ssem2, ssem3, ssem4)
        wid = lax.axis_index("s") * NUM_CORES + lax.axis_index("c")
        base = wid * b_per_w
        pltpu.sync_copy(idx_hbm.at[wid], idx_v)

        def fire_gather(b, c):
            pltpu.async_copy(table_hbm.at[idx_v.at[c]], gbuf[b], gsem[b])

        def wait_gather(b):
            pltpu.make_async_copy(
                table_hbm.at[pl.ds(0, CHUNK)], gbuf[b], gsem[b]).wait()

        def fire_store(b, c):
            pltpu.async_copy(
                gbuf[b], out_hbm.at[pl.ds(base + c * CHUNK, CHUNK)], ssem[b])

        def wait_store(b):
            pltpu.make_async_copy(
                gbuf[b], out_hbm.at[pl.ds(0, CHUNK)], ssem[b]).wait()

        def scale(b):
            def row_body(i, carry):
                for j in range(D_MODEL // LANES):
                    sl = pl.ds(j * LANES, LANES)
                    gbuf[b][i, sl] = gbuf[b][i, sl] * SCALE
                return carry
            lax.fori_loop(0, CHUNK, row_body, 0, unroll=2)

        AHEAD = 3
        for b in range(AHEAD):
            fire_gather(b, b)
        for b in range(NB):
            c = b
            g = (b + AHEAD) % NB
            if b >= NB - AHEAD:
                wait_store(g)
            fire_gather(g, c + AHEAD)
            wait_gather(b)
            scale(b)
            fire_store(b, c)

        def group(gi, carry):
            for b in range(NB):
                c = gi * NB + b
                g = (b + AHEAD) % NB
                wait_store(g)
                fire_gather(g, c + AHEAD)
                wait_gather(b)
                scale(b)
                fire_store(b, c)
            return carry

        lax.fori_loop(1, n_groups - 1, group, 0)
        for b in range(NB):
            c = n_chunks - NB + b
            g = (b + AHEAD) % NB
            if c + AHEAD < n_chunks:
                wait_store(g)
                fire_gather(g, c + AHEAD)
            wait_gather(b)
            scale(b)
            fire_store(b, c)
        for b in range(NB):
            wait_store(b)

    return emb_kernel


def kernel(x, table):
    batch = x.shape[0] * x.shape[1]
    idx = x.reshape(NUM_WORKERS, batch // (NUM_WORKERS * CHUNK), CHUNK)
    idx = idx.astype(jnp.int32)
    out = _make_kernel(batch)(idx, table)
    return out.reshape(x.shape[0], x.shape[1], D_MODEL)

# --- scband reference (transcript-rebuilt; emitter-appended) ---
"""Pipeline reference for scband-token-embedding-2817498546414 (READ-ONLY COPY).

The authoritative reference and input builder live on the scoring server;
editing this copy changes nothing except your own understanding.
"""

import jax, jax.numpy as jnp
import numpy as np
import math

VOCAB_SIZE = 1000000
D_MODEL = 128

def setup_inputs(seed: int = 0) -> dict:
    key = jax.random.key(seed)
    k1, k2 = jax.random.split(key)
    x = jax.random.randint(k1, (4096, 200), 0, VOCAB_SIZE, dtype=jnp.int64 if jax.config.read('jax_enable_x64') else jnp.int32)
    table = jax.random.normal(k2, (VOCAB_SIZE, D_MODEL), dtype=jnp.float32)
    return {"x": x, "table": table}

def reference(x, table):
    emb = jnp.take(table, x, axis=0)
    return emb * math.sqrt(D_MODEL)

if __name__ == "__main__":
    import jax
    _d = setup_inputs()
    print(jax.jit(kernel)(*tuple(_d.values())))

</pallas_src>

<mosaic_0001>
#map = affine_map<(d0, d1) -> (0, 0, 0)>
#map1 = affine_map<(d0, d1) -> (0, 0)>
module attributes {stable_mosaic.version = 14 : i64} {
  func.func @emb_kernel(%arg0: i32, %arg1: i32, %arg2: memref<32x200x128xi32, #tpu.memory_space<hbm>>, %arg3: memref<1000000x128xf32, #tpu.memory_space<hbm>>, %arg4: memref<819200x128xf32, #tpu.memory_space<hbm>>, %arg5: memref<200x128xi32, #tpu.memory_space<vmem>>, %arg6: memref<128x128xf32, #tpu.memory_space<vmem>>, %arg7: memref<128x128xf32, #tpu.memory_space<vmem>>, %arg8: memref<128x128xf32, #tpu.memory_space<vmem>>, %arg9: memref<128x128xf32, #tpu.memory_space<vmem>>, %arg10: memref<128x128xf32, #tpu.memory_space<vmem>>, %arg11: memref<!tpu.dma_semaphore, #tpu.memory_space<semaphore_mem>>, %arg12: memref<!tpu.dma_semaphore, #tpu.memory_space<semaphore_mem>>, %arg13: memref<!tpu.dma_semaphore, #tpu.memory_space<semaphore_mem>>, %arg14: memref<!tpu.dma_semaphore, #tpu.memory_space<semaphore_mem>>, %arg15: memref<!tpu.dma_semaphore, #tpu.memory_space<semaphore_mem>>, %arg16: memref<!tpu.dma_semaphore, #tpu.memory_space<semaphore_mem>>, %arg17: memref<!tpu.dma_semaphore, #tpu.memory_space<semaphore_mem>>, %arg18: memref<!tpu.dma_semaphore, #tpu.memory_space<semaphore_mem>>, %arg19: memref<!tpu.dma_semaphore, #tpu.memory_space<semaphore_mem>>, %arg20: memref<!tpu.dma_semaphore, #tpu.memory_space<semaphore_mem>>) attributes {dimension_semantics = [#tpu.dimension_semantics<core_parallel>, #tpu.dimension_semantics<subcore_parallel>], iteration_bounds = array<i64: 2, 16>, scalar_prefetch = 0 : i64, scratch_operands = 16 : i64, tpu.core_type = #tpu.core_type<sc_vector_subcore>, window_params = [{transform_indices = #map}, {transform_indices = #map1}, {transform_indices = #map1}]} {
    %mul3A = arith.constant 2 : i32
    %mul3A_0 = arith.muli %arg1, %mul3A : i32
    %add3A = arith.addi %mul3A_0, %arg0 : i32
    %mul3A_1 = arith.constant 25600 : i32
    %mul3A_2 = arith.muli %add3A, %mul3A_1 : i32
    "tpu.region"() ({
      %run_scoped3A = tpu.sem_alloc : memref<!tpu.dma_semaphore, #tpu.memory_space<semaphore_mem>>
      %dma_start3A_316 = arith.constant 0 : i32
      %dma_start3A_317 = arith.constant 0 : i32
      %dma_start3A_318 = tpu.memref_slice %arg2[%add3A, %dma_start3A_316, %dma_start3A_317] : memref<32x200x128xi32, #tpu.memory_space<hbm>> -> memref<1x200x128xi32, #tpu.memory_space<hbm>>
      %dma_start3A_319 = tpu.memref_squeeze %dma_start3A_318 : memref<1x200x128xi32, #tpu.memory_space<hbm>> -> memref<200x128xi32, #tpu.memory_space<hbm>>
      %dma_start3A_320 = arith.constant 0 : i32
      %dma_start3A_321 = arith.constant 0 : i32
      %dma_start3A_322 = tpu.memref_slice %arg2[%add3A, %dma_start3A_320, %dma_start3A_321] : memref<32x200x128xi32, #tpu.memory_space<hbm>> -> memref<1x200x128xi32, #tpu.memory_space<hbm>>
      %dma_start3A_323 = tpu.memref_squeeze %dma_start3A_322 : memref<1x200x128xi32, #tpu.memory_space<hbm>> -> memref<200x128xi32, #tpu.memory_space<hbm>>
      tpu.enqueue_dma source(%dma_start3A_323 : memref<200x128xi32, #tpu.memory_space<hbm>>) target(%arg5 : memref<200x128xi32, #tpu.memory_space<vmem>>) target_semaphore(%run_scoped3A : memref<!tpu.dma_semaphore, #tpu.memory_space<semaphore_mem>>)
      %dma_wait3A_324 = arith.constant 0 : i32
      %dma_wait3A_325 = arith.constant 0 : i32
      %dma_wait3A_326 = tpu.memref_slice %arg2[%add3A, %dma_wait3A_324, %dma_wait3A_325] : memref<32x200x128xi32, #tpu.memory_space<hbm>> -> memref<1x200x128xi32, #tpu.memory_space<hbm>>
      %dma_wait3A_327 = tpu.memref_squeeze %dma_wait3A_326 : memref<1x200x128xi32, #tpu.memory_space<hbm>> -> memref<200x128xi32, #tpu.memory_space<hbm>>
      %dma_wait3A_328 = arith.constant 0 : i32
      %dma_wait3A_329 = arith.constant 0 : i32
      %dma_wait3A_330 = tpu.memref_slice %arg2[%add3A, %dma_wait3A_328, %dma_wait3A_329] : memref<32x200x128xi32, #tpu.memory_space<hbm>> -> memref<1x200x128xi32, #tpu.memory_space<hbm>>
      %dma_wait3A_331 = tpu.memref_squeeze %dma_wait3A_330 : memref<1x200x128xi32, #tpu.memory_space<hbm>> -> memref<200x128xi32, #tpu.memory_space<hbm>>
      tpu.wait_dma2 semaphore(%run_scoped3A : memref<!tpu.dma_semaphore, #tpu.memory_space<semaphore_mem>>) src(%dma_wait3A_331 : memref<200x128xi32, #tpu.memory_space<hbm>>) dst(%arg5 : memref<200x128xi32, #tpu.memory_space<vmem>>)
      tpu.yield
    }) : () -> ()
    %dma_start3A = arith.constant 0 : i32
    %dma_start3A_3 = arith.constant 0 : i32
    %dma_start3A_4 = tpu.memref_slice %arg5[%dma_start3A, %dma_start3A_3] : memref<200x128xi32, #tpu.memory_space<vmem>> -> memref<1x128xi32, #tpu.memory_space<vmem>>
    %dma_start3A_5 = tpu.memref_squeeze %dma_start3A_4 : memref<1x128xi32, #tpu.memory_space<vmem>> -> memref<128xi32, #tpu.memory_space<vmem>>
    %dma_start3A_6 = arith.constant 0 : i32
    %dma_start3A_7 = arith.constant 0 : i32
    %dma_start3A_8 = tpu.memref_slice %arg3[%dma_start3A_6, %dma_start3A_7] : memref<1000000x128xf32, #tpu.memory_space<hbm>> -> memref<1000000x128xf32, #tpu.memory_space<hbm>>
    tpu.enqueue_indirect_dma source(%dma_start3A_8 : memref<1000000x128xf32, #tpu.memory_space<hbm>>) target(%arg6 : memref<128x128xf32, #tpu.memory_space<vmem>>) offsets(%dma_start3A_5 : memref<128xi32, #tpu.memory_space<vmem>>) semaphore(%arg11 : memref<!tpu.dma_semaphore, #tpu.memory_space<semaphore_mem>>)
    %dma_start3A_9 = arith.constant 1 : i32
    %dma_start3A_10 = arith.constant 0 : i32
    %dma_start3A_11 = tpu.memref_slice %arg5[%dma_start3A_9, %dma_start3A_10] : memref<200x128xi32, #tpu.memory_space<vmem>> -> memref<1x128xi32, #tpu.memory_space<vmem>>
    %dma_start3A_12 = tpu.memref_squeeze %dma_start3A_11 : memref<1x128xi32, #tpu.memory_space<vmem>> -> memref<128xi32, #tpu.memory_space<vmem>>
    %dma_start3A_13 = arith.constant 0 : i32
    %dma_start3A_14 = arith.constant 0 : i32
    %dma_start3A_15 = tpu.memref_slice %arg3[%dma_start3A_13, %dma_start3A_14] : memref<1000000x128xf32, #tpu.memory_space<hbm>> -> memref<1000000x128xf32, #tpu.memory_space<hbm>>
    tpu.enqueue_indirect_dma source(%dma_start3A_15 : memref<1000000x128xf32, #tpu.memory_space<hbm>>) target(%arg7 : memref<128x128xf32, #tpu.memory_space<vmem>>) offsets(%dma_start3A_12 : memref<128xi32, #tpu.memory_space<vmem>>) semaphore(%arg12 : memref<!tpu.dma_semaphore, #tpu.memory_space<semaphore_mem>>)
    %dma_start3A_16 = arith.constant 2 : i32
    %dma_start3A_17 = arith.constant 0 : i32
    %dma_start3A_18 = tpu.memref_slice %arg5[%dma_start3A_16, %dma_start3A_17] : memref<200x128xi32, #tpu.memory_space<vmem>> -> memref<1x128xi32, #tpu.memory_space<vmem>>
    %dma_start3A_19 = tpu.memref_squeeze %dma_start3A_18 : memref<1x128xi32, #tpu.memory_space<vmem>> -> memref<128xi32, #tpu.memory_space<vmem>>
    %dma_start3A_20 = arith.constant 0 : i32
    %dma_start3A_21 = arith.constant 0 : i32
    %dma_start3A_22 = tpu.memref_slice %arg3[%dma_start3A_20, %dma_start3A_21] : memref<1000000x128xf32, #tpu.memory_space<hbm>> -> memref<1000000x128xf32, #tpu.memory_space<hbm>>
    tpu.enqueue_indirect_dma source(%dma_start3A_22 : memref<1000000x128xf32, #tpu.memory_space<hbm>>) target(%arg8 : memref<128x128xf32, #tpu.memory_space<vmem>>) offsets(%dma_start3A_19 : memref<128xi32, #tpu.memory_space<vmem>>) semaphore(%arg13 : memref<!tpu.dma_semaphore, #tpu.memory_space<semaphore_mem>>)
    %dma_start3A_23 = arith.constant 3 : i32
    %dma_start3A_24 = arith.constant 0 : i32
    %dma_start3A_25 = tpu.memref_slice %arg5[%dma_start3A_23, %dma_start3A_24] : memref<200x128xi32, #tpu.memory_space<vmem>> -> memref<1x128xi32, #tpu.memory_space<vmem>>
    %dma_start3A_26 = tpu.memref_squeeze %dma_start3A_25 : memref<1x128xi32, #tpu.memory_space<vmem>> -> memref<128xi32, #tpu.memory_space<vmem>>
    %dma_start3A_27 = arith.constant 0 : i32
    %dma_start3A_28 = arith.constant 0 : i32
    %dma_start3A_29 = tpu.memref_slice %arg3[%dma_start3A_27, %dma_start3A_28] : memref<1000000x128xf32, #tpu.memory_space<hbm>> -> memref<1000000x128xf32, #tpu.memory_space<hbm>>
    tpu.enqueue_indirect_dma source(%dma_start3A_29 : memref<1000000x128xf32, #tpu.memory_space<hbm>>) target(%arg9 : memref<128x128xf32, #tpu.memory_space<vmem>>) offsets(%dma_start3A_26 : memref<128xi32, #tpu.memory_space<vmem>>) semaphore(%arg14 : memref<!tpu.dma_semaphore, #tpu.memory_space<semaphore_mem>>)
    %dma_wait3A = arith.constant 0 : i32
    %dma_wait3A_30 = arith.constant 0 : i32
    %dma_wait3A_31 = tpu.memref_slice %arg3[%dma_wait3A, %dma_wait3A_30] : memref<1000000x128xf32, #tpu.memory_space<hbm>> -> memref<128x128xf32, #tpu.memory_space<hbm>>
    %dma_wait3A_32 = arith.constant 0 : i32
    %dma_wait3A_33 = arith.constant 0 : i32
    %dma_wait3A_34 = tpu.memref_slice %arg3[%dma_wait3A_32, %dma_wait3A_33] : memref<1000000x128xf32, #tpu.memory_space<hbm>> -> memref<128x128xf32, #tpu.memory_space<hbm>>
    tpu.wait_dma2 semaphore(%arg11 : memref<!tpu.dma_semaphore, #tpu.memory_space<semaphore_mem>>) src(%dma_wait3A_34 : memref<128x128xf32, #tpu.memory_space<hbm>>) dst(%arg6 : memref<128x128xf32, #tpu.memory_space<vmem>>)
    %scan3A = arith.constant 0 : i32
    %scan3A_35 = arith.constant 0 : i32
    %scan3A_36 = arith.constant 128 : i32
    %scan3A_37 = arith.addi %scan3A_35, %scan3A_36 : i32
    %scan3A_38 = arith.constant 2 : i32
    scf.for %scan3A_316 = %scan3A_35 to %scan3A_37 step %scan3A_38  : i32 {
      %get3A = arith.index_cast %scan3A_316 : i32 to index
      %get3A_317 = arith.constant 0 : index
      %get3A_318 = tpu.vector_load %arg6[%get3A, %get3A_317] {strides = array<i32>} : memref<128x128xf32, #tpu.memory_space<vmem>>, vector<1x16xf32>,
      %get3A_319 = vector.shape_cast %get3A_318 : vector<1x16xf32> to vector<16xf32>
      %mul3A_320 = arith.constant 11.3137083 : f32
      %mul3A_321 = vector.broadcast %mul3A_320 : f32 to vector<16xf32>
      %mul3A_322 = arith.mulf %get3A_319, %mul3A_321 : vector<16xf32>
      %swap3A = arith.index_cast %scan3A_316 : i32 to index
      %swap3A_323 = arith.constant 0 : index
      %swap3A_324 = tpu.vector_load %arg6[%swap3A, %swap3A_323] {strides = array<i32>} : memref<128x128xf32, #tpu.memory_space<vmem>>, vector<1x16xf32>,
      %swap3A_325 = vector.shape_cast %swap3A_324 : vector<1x16xf32> to vector<16xf32>
      %swap3A_326 = vector.shape_cast %mul3A_322 : vector<16xf32> to vector<1x16xf32>
      tpu.vector_store %arg6[%swap3A, %swap3A_323], %swap3A_326 {strides = array<i32>} : memref<128x128xf32, #tpu.memory_space<vmem>>, vector<1x16xf32>,
      %get3A_327 = arith.index_cast %scan3A_316 : i32 to index
      %get3A_328 = arith.constant 16 : index
      %get3A_329 = tpu.vector_load %arg6[%get3A_327, %get3A_328] {strides = array<i32>} : memref<128x128xf32, #tpu.memory_space<vmem>>, vector<1x16xf32>,
      %get3A_330 = vector.shape_cast %get3A_329 : vector<1x16xf32> to vector<16xf32>
      %mul3A_331 = arith.constant 11.3137083 : f32
      %mul3A_332 = vector.broadcast %mul3A_331 : f32 to vector<16xf32>
      %mul3A_333 = arith.mulf %get3A_330, %mul3A_332 : vector<16xf32>
      %swap3A_334 = arith.index_cast %scan3A_316 : i32 to index
      %swap3A_335 = arith.constant 16 : index
      %swap3A_336 = tpu.vector_load %arg6[%swap3A_334, %swap3A_335] {strides = array<i32>} : memref<128x128xf32, #tpu.memory_space<vmem>>, vector<1x16xf32>,
      %swap3A_337 = vector.shape_cast %swap3A_336 : vector<1x16xf32> to vector<16xf32>
      %swap3A_338 = vector.shape_cast %mul3A_333 : vector<16xf32> to vector<1x16xf32>
      tpu.vector_store %arg6[%swap3A_334, %swap3A_335], %swap3A_338 {strides = array<i32>} : memref<128x128xf32, #tpu.memory_space<vmem>>, vector<1x16xf32>,
      %get3A_339 = arith.index_cast %scan3A_316 : i32 to index
      %get3A_340 = arith.constant 32 : index
      %get3A_341 = tpu.vector_load %arg6[%get3A_339, %get3A_340] {strides = array<i32>} : memref<128x128xf32, #tpu.memory_space<vmem>>, vector<1x16xf32>,
      %get3A_342 = vector.shape_cast %get3A_341 : vector<1x16xf32> to vector<16xf32>
      %mul3A_343 = arith.constant 11.3137083 : f32
      %mul3A_344 = vector.broadcast %mul3A_343 : f32 to vector<16xf32>
      %mul3A_345 = arith.mulf %get3A_342, %mul3A_344 : vector<16xf32>
      %swap3A_346 = arith.index_cast %scan3A_316 : i32 to index
      %swap3A_347 = arith.constant 32 : index
      %swap3A_348 = tpu.vector_load %arg6[%swap3A_346, %swap3A_347] {strides = array<i32>} : memref<128x128xf32, #tpu.memory_space<vmem>>, vector<1x16xf32>,
      %swap3A_349 = vector.shape_cast %swap3A_348 : vector<1x16xf32> to vector<16xf32>
      %swap3A_350 = vector.shape_cast %mul3A_345 : vector<16xf32> to vector<1x16xf32>
      tpu.vector_store %arg6[%swap3A_346, %swap3A_347], %swap3A_350 {strides = array<i32>} : memref<128x128xf32, #tpu.memory_space<vmem>>, vector<1x16xf32>,
      %get3A_351 = arith.index_cast %scan3A_316 : i32 to index
      %get3A_352 = arith.constant 48 : index
      %get3A_353 = tpu.vector_load %arg6[%get3A_351, %get3A_352] {strides = array<i32>} : memref<128x128xf32, #tpu.memory_space<vmem>>, vector<1x16xf32>,
      %get3A_354 = vector.shape_cast %get3A_353 : vector<1x16xf32> to vector<16xf32>
      %mul3A_355 = arith.constant 11.3137083 : f32
      %mul3A_356 = vector.broadcast %mul3A_355 : f32 to vector<16xf32>
      %mul3A_357 = arith.mulf %get3A_354, %mul3A_356 : vector<16xf32>
      %swap3A_358 = arith.index_cast %scan3A_316 : i32 to index
      %swap3A_359 = arith.constant 48 : index
      %swap3A_360 = tpu.vector_load %arg6[%swap3A_358, %swap3A_359] {strides = array<i32>} : memref<128x128xf32, #tpu.memory_space<vmem>>, vector<1x16xf32>,
      %swap3A_361 = vector.shape_cast %swap3A_360 : vector<1x16xf32> to vector<16xf32>
      %swap3A_362 = vector.shape_cast %mul3A_357 : vector<16xf32> to vector<1x16xf32>
      tpu.vector_store %arg6[%swap3A_358, %swap3A_359], %swap3A_362 {strides = array<i32>} : memref<128x128xf32, #tpu.memory_space<vmem>>, vector<1x16xf32>,
      %get3A_363 = arith.index_cast %scan3A_316 : i32 to index
      %get3A_364 = arith.constant 64 : index
      %get3A_365 = tpu.vector_load %arg6[%get3A_363, %get3A_364] {strides = array<i32>} : memref<128x128xf32, #tpu.memory_space<vmem>>, vector<1x16xf32>,
      %get3A_366 = vector.shape_cast %get3A_365 : vector<1x16xf32> to vector<16xf32>
      %mul3A_367 = arith.constant 11.3137083 : f32
      %mul3A_368 = vector.broadcast %mul3A_367 : f32 to vector<16xf32>
      %mul3A_369 = arith.mulf %get3A_366, %mul3A_368 : vector<16xf32>
      %swap3A_370 = arith.index_cast %scan3A_316 : i32 to index
      %swap3A_371 = arith.constant 64 : index
      %swap3A_372 = tpu.vector_load %arg6[%swap3A_370, %swap3A_371] {strides = array<i32>} : memref<128x128xf32, #tpu.memory_space<vmem>>, vector<1x16xf32>,
      %swap3A_373 = vector.shape_cast %swap3A_372 : vector<1x16xf32> to vector<16xf32>
      %swap3A_374 = vector.shape_cast %mul3A_369 : vector<16xf32> to vector<1x16xf32>
      tpu.vector_store %arg6[%swap3A_370, %swap3A_371], %swap3A_374 {strides = array<i32>} : memref<128x128xf32, #tpu.memory_space<vmem>>, vector<1x16xf32>,
      %get3A_375 = arith.index_cast %scan3A_316 : i32 to index
      %get3A_376 = arith.constant 80 : index
      %get3A_377 = tpu.vector_load %arg6[%get3A_375, %get3A_376] {strides = array<i32>} : memref<128x128xf32, #tpu.memory_space<vmem>>, vector<1x16xf32>,
      %get3A_378 = vector.shape_cast %get3A_377 : vector<1x16xf32> to vector<16xf32>
      %mul3A_379 = arith.constant 11.3137083 : f32
      %mul3A_380 = vector.broadcast %mul3A_379 : f32 to vector<16xf32>
      %mul3A_381 = arith.mulf %get3A_378, %mul3A_380 : vector<16xf32>
      %swap3A_382 = arith.index_cast %scan3A_316 : i32 to index
      %swap3A_383 = arith.constant 80 : index
      %swap3A_384 = tpu.vector_load %arg6[%swap3A_382, %swap3A_383] {strides = array<i32>} : memref<128x128xf32, #tpu.memory_space<vmem>>, vector<1x16xf32>,
      %swap3A_385 = vector.shape_cast %swap3A_384 : vector<1x16xf32> to vector<16xf32>
      %swap3A_386 = vector.shape_cast %mul3A_381 : vector<16xf32> to vector<1x16xf32>
      tpu.vector_store %arg6[%swap3A_382, %swap3A_383], %swap3A_386 {strides = array<i32>} : memref<128x128xf32, #tpu.memory_space<vmem>>, vector<1x16xf32>,
      %get3A_387 = arith.index_cast %scan3A_316 : i32 to index
      %get3A_388 = arith.constant 96 : index
      %get3A_389 = tpu.vector_load %arg6[%get3A_387, %get3A_388] {strides = array<i32>} : memref<128x128xf32, #tpu.memory_space<vmem>>, vector<1x16xf32>,
      %get3A_390 = vector.shape_cast %get3A_389 : vector<1x16xf32> to vector<16xf32>
      %mul3A_391 = arith.constant 11.3137083 : f32
      %mul3A_392 = vector.broadcast %mul3A_391 : f32 to vector<16xf32>
      %mul3A_393 = arith.mulf %get3A_390, %mul3A_392 : vector<16xf32>
      %swap3A_394 = arith.index_cast %scan3A_316 : i32 to index
      %swap3A_395 = arith.constant 96 : index
      %swap3A_396 = tpu.vector_load %arg6[%swap3A_394, %swap3A_395] {strides = array<i32>} : memref<128x128xf32, #tpu.memory_space<vmem>>, vector<1x16xf32>,
      %swap3A_397 = vector.shape_cast %swap3A_396 : vector<1x16xf32> to vector<16xf32>
      %swap3A_398 = vector.shape_cast %mul3A_393 : vector<16xf32> to vector<1x16xf32>
      tpu.vector_store %arg6[%swap3A_394, %swap3A_395], %swap3A_398 {strides = array<i32>} : memref<128x128xf32, #tpu.memory_space<vmem>>, vector<1x16xf32>,
      %get3A_399 = arith.index_cast %scan3A_316 : i32 to index
      %get3A_400 = arith.constant 112 : index
      %get3A_401 = tpu.vector_load %arg6[%get3A_399, %get3A_400] {strides = array<i32>} : memref<128x128xf32, #tpu.memory_space<vmem>>, vector<1x16xf32>,
      %get3A_402 = vector.shape_cast %get3A_401 : vector<1x16xf32> to vector<16xf32>
      %mul3A_403 = arith.constant 11.3137083 : f32
      %mul3A_404 = vector.broadcast %mul3A_403 : f32 to vector<16xf32>
      %mul3A_405 = arith.mulf %get3A_402, %mul3A_404 : vector<16xf32>
      %swap3A_406 = arith.index_cast %scan3A_316 : i32 to index
      %swap3A_407 = arith.constant 112 : index
      %swap3A_408 = tpu.vector_load %arg6[%swap3A_406, %swap3A_407] {strides = array<i32>} : memref<128x128xf32, #tpu.memory_space<vmem>>, vector<1x16xf32>,
      %swap3A_409 = vector.shape_cast %swap3A_408 : vector<1x16xf32> to vector<16xf32>
      %swap3A_410 = vector.shape_cast %mul3A_405 : vector<16xf32> to vector<1x16xf32>
      tpu.vector_store %arg6[%swap3A_406, %swap3A_407], %swap3A_410 {strides = array<i32>} : memref<128x128xf32, #tpu.memory_space<vmem>>, vector<1x16xf32>,
      %scan3A_411 = arith.constant 1 : i32
      %scan3A_412 = arith.addi %scan3A_316, %scan3A_411 : i32
      %get3A_413 = arith.index_cast %scan3A_412 : i32 to index
      %get3A_414 = arith.constant 0 : index
      %get3A_415 = tpu.vector_load %arg6[%get3A_413, %get3A_414] {strides = array<i32>} : memref<128x128xf32, #tpu.memory_space<vmem>>, vector<1x16xf32>,
      %get3A_416 = vector.shape_cast %get3A_415 : vector<1x16xf32> to vector<16xf32>
      %mul3A_417 = arith.constant 11.3137083 : f32
      %mul3A_418 = vector.broadcast %mul3A_417 : f32 to vector<16xf32>
      %mul3A_419 = arith.mulf %get3A_416, %mul3A_418 : vector<16xf32>
      %swap3A_420 = arith.index_cast %scan3A_412 : i32 to index
      %swap3A_421 = arith.constant 0 : index
      %swap3A_422 = tpu.vector_load %arg6[%swap3A_420, %swap3A_421] {strides = array<i32>} : memref<128x128xf32, #tpu.memory_space<vmem>>, vector<1x16xf32>,
      %swap3A_423 = vector.shape_cast %swap3A_422 : vector<1x16xf32> to vector<16xf32>
      %swap3A_424 = vector.shape_cast %mul3A_419 : vector<16xf32> to vector<1x16xf32>
      tpu.vector_store %arg6[%swap3A_420, %swap3A_421], %swap3A_424 {strides = array<i32>} : memref<128x128xf32, #tpu.memory_space<vmem>>, vector<1x16xf32>,
      %get3A_425 = arith.index_cast %scan3A_412 : i32 to index
      %get3A_426 = arith.constant 16 : index
      %get3A_427 = tpu.vector_load %arg6[%get3A_425, %get3A_426] {strides = array<i32>} : memref<128x128xf32, #tpu.memory_space<vmem>>, vector<1x16xf32>,
      %get3A_428 = vector.shape_cast %get3A_427 : vector<1x16xf32> to vector<16xf32>
      %mul3A_429 = arith.constant 11.3137083 : f32
      %mul3A_430 = vector.broadcast %mul3A_429 : f32 to vector<16xf32>
      %mul3A_431 = arith.mulf %get3A_428, %mul3A_430 : vector<16xf32>
      %swap3A_432 = arith.index_cast %scan3A_412 : i32 to index
      %swap3A_433 = arith.constant 16 : index
      %swap3A_434 = tpu.vector_load %arg6[%swap3A_432, %swap3A_433] {strides = array<i32>} : memref<128x128xf32, #tpu.memory_space<vmem>>, vector<1x16xf32>,
      %swap3A_435 = vector.shape_cast %swap3A_434 : vector<1x16xf32> to vector<16xf32>
      %swap3A_436 = vector.shape_cast %mul3A_431 : vector<16xf32> to vector<1x16xf32>
      tpu.vector_store %arg6[%swap3A_432, %swap3A_433], %swap3A_436 {strides = array<i32>} : memref<128x128xf32, #tpu.memory_space<vmem>>, vector<1x16xf32>,
      %get3A_437 = arith.index_cast %scan3A_412 : i32 to index
      %get3A_438 = arith.constant 32 : index
      %get3A_439 = tpu.vector_load %arg6[%get3A_437, %get3A_438] {strides = array<i32>} : memref<128x128xf32, #tpu.memory_space<vmem>>, vector<1x16xf32>,
      %get3A_440 = vector.shape_cast %get3A_439 : vector<1x16xf32> to vector<16xf32>
      %mul3A_441 = arith.constant 11.3137083 : f32
      %mul3A_442 = vector.broadcast %mul3A_441 : f32 to vector<16xf32>
      %mul3A_443 = arith.mulf %get3A_440, %mul3A_442 : vector<16xf32>
      %swap3A_444 = arith.index_cast %scan3A_412 : i32 to index
      %swap3A_445 = arith.constant 32 : index
      %swap3A_446 = tpu.vector_load %arg6[%swap3A_444, %swap3A_445] {strides = array<i32>} : memref<128x128xf32, #tpu.memory_space<vmem>>, vector<1x16xf32>,
      %swap3A_447 = vector.shape_cast %swap3A_446 : vector<1x16xf32> to vector<16xf32>
      %swap3A_448 = vector.shape_cast %mul3A_443 : vector<16xf32> to vector<1x16xf32>
      tpu.vector_store %arg6[%swap3A_444, %swap3A_445], %swap3A_448 {strides = array<i32>} : memref<128x128xf32, #tpu.memory_space<vmem>>, vector<1x16xf32>,
      %get3A_449 = arith.index_cast %scan3A_412 : i32 to index
      %get3A_450 = arith.constant 48 : index
      %get3A_451 = tpu.vector_load %arg6[%get3A_449, %get3A_450] {strides = array<i32>} : memref<128x128xf32, #tpu.memory_space<vmem>>, vector<1x16xf32>,
      %get3A_452 = vector.shape_cast %get3A_451 : vector<1x16xf32> to vector<16xf32>
      %mul3A_453 = arith.constant 11.3137083 : f32
      %mul3A_454 = vector.broadcast %mul3A_453 : f32 to vector<16xf32>
      %mul3A_455 = arith.mulf %get3A_452, %mul3A_454 : vector<16xf32>
      %swap3A_456 = arith.index_cast %scan3A_412 : i32 to index
      %swap3A_457 = arith.constant 48 : index
      %swap3A_458 = tpu.vector_load %arg6[%swap3A_456, %swap3A_457] {strides = array<i32>} : memref<128x128xf32, #tpu.memory_space<vmem>>, vector<1x16xf32>,
      %swap3A_459 = vector.shape_cast %swap3A_458 : vector<1x16xf32> to vector<16xf32>
      %swap3A_460 = vector.shape_cast %mul3A_455 : vector<16xf32> to vector<1x16xf32>
      tpu.vector_store %arg6[%swap3A_456, %swap3A_457], %swap3A_460 {strides = array<i32>} : memref<128x128xf32, #tpu.memory_space<vmem>>, vector<1x16xf32>,
      %get3A_461 = arith.index_cast %scan3A_412 : i32 to index
      %get3A_462 = arith.constant 64 : index
      %get3A_463 = tpu.vector_load %arg6[%get3A_461, %get3A_462] {strides = array<i32>} : memref<128x128xf32, #tpu.memory_space<vmem>>, vector<1x16xf32>,
      %get3A_464 = vector.shape_cast %get3A_463 : vector<1x16xf32> to vector<16xf32>
      %mul3A_465 = arith.constant 11.3137083 : f32
      %mul3A_466 = vector.broadcast %mul3A_465 : f32 to vector<16xf32>
      %mul3A_467 = arith.mulf %get3A_464, %mul3A_466 : vector<16xf32>
      %swap3A_468 = arith.index_cast %scan3A_412 : i32 to index
      %swap3A_469 = arith.constant 64 : index
      %swap3A_470 = tpu.vector_load %arg6[%swap3A_468, %swap3A_469] {strides = array<i32>} : memref<128x128xf32, #tpu.memory_space<vmem>>, vector<1x16xf32>,
      %swap3A_471 = vector.shape_cast %swap3A_470 : vector<1x16xf32> to vector<16xf32>
      %swap3A_472 = vector.shape_cast %mul3A_467 : vector<16xf32> to vector<1x16xf32>
      tpu.vector_store %arg6[%swap3A_468, %swap3A_469], %swap3A_472 {strides = array<i32>} : memref<128x128xf32, #tpu.memory_space<vmem>>, vector<1x16xf32>,
      %get3A_473 = arith.index_cast %scan3A_412 : i32 to index
      %get3A_474 = arith.constant 80 : index
      %get3A_475 = tpu.vector_load %arg6[%get3A_473, %get3A_474] {strides = array<i32>} : memref<128x128xf32, #tpu.memory_space<vmem>>, vector<1x16xf32>,
      %get3A_476 = vector.shape_cast %get3A_475 : vector<1x16xf32> to vector<16xf32>
      %mul3A_477 = arith.constant 11.3137083 : f32
      %mul3A_478 = vector.broadcast %mul3A_477 : f32 to vector<16xf32>
      %mul3A_479 = arith.mulf %get3A_476, %mul3A_478 : vector<16xf32>
      %swap3A_480 = arith.index_cast %scan3A_412 : i32 to index
      %swap3A_481 = arith.constant 80 : index
      %swap3A_482 = tpu.vector_load %arg6[%swap3A_480, %swap3A_481] {strides = array<i32>} : memref<128x128xf32, #tpu.memory_space<vmem>>, vector<1x16xf32>,
      %swap3A_483 = vector.shape_cast %swap3A_482 : vector<1x16xf32> to vector<16xf32>
      %swap3A_484 = vector.shape_cast %mul3A_479 : vector<16xf32> to vector<1x16xf32>
      tpu.vector_store %arg6[%swap3A_480, %swap3A_481], %swap3A_484 {strides = array<i32>} : memref<128x128xf32, #tpu.memory_space<vmem>>, vector<1x16xf32>,
      %get3A_485 = arith.index_cast %scan3A_412 : i32 to index
      %get3A_486 = arith.constant 96 : index
      %get3A_487 = tpu.vector_load %arg6[%get3A_485, %get3A_486] {strides = array<i32>} : memref<128x128xf32, #tpu.memory_space<vmem>>, vector<1x16xf32>,
      %get3A_488 = vector.shape_cast %get3A_487 : vector<1x16xf32> to vector<16xf32>
      %mul3A_489 = arith.constant 11.3137083 : f32
      %mul3A_490 = vector.broadcast %mul3A_489 : f32 to vector<16xf32>
      %mul3A_491 = arith.mulf %get3A_488, %mul3A_490 : vector<16xf32>
      %swap3A_492 = arith.index_cast %scan3A_412 : i32 to index
      %swap3A_493 = arith.constant 96 : index
      %swap3A_494 = tpu.vector_load %arg6[%swap3A_492, %swap3A_493] {strides = array<i32>} : memref<128x128xf32, #tpu.memory_space<vmem>>, vector<1x16xf32>,
      %swap3A_495 = vector.shape_cast %swap3A_494 : vector<1x16xf32> to vector<16xf32>
      %swap3A_496 = vector.shape_cast %mul3A_491 : vector<16xf32> to vector<1x16xf32>
      tpu.vector_store %arg6[%swap3A_492, %swap3A_493], %swap3A_496 {strides = array<i32>} : memref<128x128xf32, #tpu.memory_space<vmem>>, vector<1x16xf32>,
      %get3A_497 = arith.index_cast %scan3A_412 : i32 to index
      %get3A_498 = arith.constant 112 : index
      %get3A_499 = tpu.vector_load %arg6[%get3A_497, %get3A_498] {strides = array<i32>} : memref<128x128xf32, #tpu.memory_space<vmem>>, vector<1x16xf32>,
      %get3A_500 = vector.shape_cast %get3A_499 : vector<1x16xf32> to vector<16xf32>
      %mul3A_501 = arith.constant 11.3137083 : f32
      %mul3A_502 = vector.broadcast %mul3A_501 : f32 to vector<16xf32>
      %mul3A_503 = arith.mulf %get3A_500, %mul3A_502 : vector<16xf32>
      %swap3A_504 = arith.index_cast %scan3A_412 : i32 to index
      %swap3A_505 = arith.constant 112 : index
      %swap3A_506 = tpu.vector_load %arg6[%swap3A_504, %swap3A_505] {strides = array<i32>} : memref<128x128xf32, #tpu.memory_space<vmem>>, vector<1x16xf32>,
      %swap3A_507 = vector.shape_cast %swap3A_506 : vector<1x16xf32> to vector<16xf32>
      %swap3A_508 = vector.shape_cast %mul3A_503 : vector<16xf32> to vector<1x16xf32>
      tpu.vector_store %arg6[%swap3A_504, %swap3A_505], %swap3A_508 {strides = array<i32>} : memref<128x128xf32, #tpu.memory_space<vmem>>, vector<1x16xf32>,
    }
    %scan3A_39 = arith.constant 128 : i32
    %add3A_40 = arith.constant 0 : i32
    %add3A_41 = arith.addi %mul3A_2, %add3A_40 : i32
    %dma_start3A_42 = arith.constant 0 : i32
    %dma_start3A_43 = tpu.memref_slice %arg4[%add3A_41, %dma_start3A_42] : memref<819200x128xf32, #tpu.memory_space<hbm>> -> memref<128x128xf32, #tpu.memory_space<hbm>>
    %dma_start3A_44 = arith.constant 0 : i32
    %dma_start3A_45 = tpu.memref_slice %arg4[%add3A_41, %dma_start3A_44] : memref<819200x128xf32, #tpu.memory_space<hbm>> -> memref<128x128xf32, #tpu.memory_space<hbm>>
    tpu.enqueue_dma source(%arg6 : memref<128x128xf32, #tpu.memory_space<vmem>>) target(%dma_start3A_45 : memref<128x128xf32, #tpu.memory_space<hbm>>) target_semaphore(%arg16 : memref<!tpu.dma_semaphore, #tpu.memory_space<semaphore_mem>>)
    %dma_start3A_46 = arith.constant 4 : i32
    %dma_start3A_47 = arith.constant 0 : i32
    %dma_start3A_48 = tpu.memref_slice %arg5[%dma_start3A_46, %dma_start3A_47] : memref<200x128xi32, #tpu.memory_space<vmem>> -> memref<1x128xi32, #tpu.memory_space<vmem>>
    %dma_start3A_49 = tpu.memref_squeeze %dma_start3A_48 : memref<1x128xi32, #tpu.memory_space<vmem>> -> memref<128xi32, #tpu.memory_space<vmem>>
    %dma_start3A_50 = arith.constant 0 : i32
    %dma_start3A_51 = arith.constant 0 : i32
    %dma_start3A_52 = tpu.memref_slice %arg3[%dma_start3A_50, %dma_start3A_51] : memref<1000000x128xf32, #tpu.memory_space<hbm>> -> memref<1000000x128xf32, #tpu.memory_space<hbm>>
    tpu.enqueue_indirect_dma source(%dma_start3A_52 : memref<1000000x128xf32, #tpu.memory_space<hbm>>) target(%arg10 : memref<128x128xf32, #tpu.memory_space<vmem>>) offsets(%dma_start3A_49 : memref<128xi32, #tpu.memory_space<vmem>>) semaphore(%arg15 : memref<!tpu.dma_semaphore, #tpu.memory_space<semaphore_mem>>)
    %dma_wait3A_53 = arith.constant 0 : i32
    %dma_wait3A_54 = arith.constant 0 : i32
    %dma_wait3A_55 = tpu.memref_slice %arg3[%dma_wait3A_53, %dma_wait3A_54] : memref<1000000x128xf32, #tpu.memory_space<hbm>> -> memref<128x128xf32, #tpu.memory_space<hbm>>
    %dma_wait3A_56 = arith.constant 0 : i32
    %dma_wait3A_57 = arith.constant 0 : i32
    %dma_wait3A_58 = tpu.memref_slice %arg3[%dma_wait3A_56, %dma_wait3A_57] : memref<1000000x128xf32, #tpu.memory_space<hbm>> -> memref<128x128xf32, #tpu.memory_space<hbm>>
    tpu.wait_dma2 semaphore(%arg12 : memref<!tpu.dma_semaphore, #tpu.memory_space<semaphore_mem>>) src(%dma_wait3A_58 : memref<128x128xf32, #tpu.memory_space<hbm>>) dst(%arg7 : memref<128x128xf32, #tpu.memory_space<vmem>>)
    %scan3A_59 = arith.constant 0 : i32
    %scan3A_60 = arith.constant 0 : i32
    %scan3A_61 = arith.constant 128 : i32
    %scan3A_62 = arith.addi %scan3A_60, %scan3A_61 : i32
    %scan3A_63 = arith.constant 2 : i32
    scf.for %scan3A_316 = %scan3A_60 to %scan3A_62 step %scan3A_63  : i32 {
      %get3A = arith.index_cast %scan3A_316 : i32 to index
      %get3A_317 = arith.constant 0 : index
      %get3A_318 = tpu.vector_load %arg7[%get3A, %get3A_317] {strides = array<i32>} : memref<128x128xf32, #tpu.memory_space<vmem>>, vector<1x16xf32>,
      %get3A_319 = vector.shape_cast %get3A_318 : vector<1x16xf32> to vector<16xf32>
      %mul3A_320 = arith.constant 11.3137083 : f32
      %mul3A_321 = vector.broadcast %mul3A_320 : f32 to vector<16xf32>
      %mul3A_322 = arith.mulf %get3A_319, %mul3A_321 : vector<16xf32>
      %swap3A = arith.index_cast %scan3A_316 : i32 to index
      %swap3A_323 = arith.constant 0 : index
      %swap3A_324 = tpu.vector_load %arg7[%swap3A, %swap3A_323] {strides = array<i32>} : memref<128x128xf32, #tpu.memory_space<vmem>>, vector<1x16xf32>,
      %swap3A_325 = vector.shape_cast %swap3A_324 : vector<1x16xf32> to vector<16xf32>
      %swap3A_326 = vector.shape_cast %mul3A_322 : vector<16xf32> to vector<1x16xf32>
      tpu.vector_store %arg7[%swap3A, %swap3A_323], %swap3A_326 {strides = array<i32>} : memref<128x128xf32, #tpu.memory_space<vmem>>, vector<1x16xf32>,
      %get3A_327 = arith.index_cast %scan3A_316 : i32 to index
      %get3A_328 = arith.constant 16 : index
      %get3A_329 = tpu.vector_load %arg7[%get3A_327, %get3A_328] {strides = array<i32>} : memref<128x128xf32, #tpu.memory_space<vmem>>, vector<1x16xf32>,
      %get3A_330 = vector.shape_cast %get3A_329 : vector<1x16xf32> to vector<16xf32>
      %mul3A_331 = arith.constant 11.3137083 : f32
      %mul3A_332 = vector.broadcast %mul3A_331 : f32 to vector<16xf32>
      %mul3A_333 = arith.mulf %get3A_330, %mul3A_332 : vector<16xf32>
      %swap3A_334 = arith.index_cast %scan3A_316 : i32 to index
      %swap3A_335 = arith.constant 16 : index
      %swap3A_336 = tpu.vector_load %arg7[%swap3A_334, %swap3A_335] {strides = array<i32>} : memref<128x128xf32, #tpu.memory_space<vmem>>, vector<1x16xf32>,
      %swap3A_337 = vector.shape_cast %swap3A_336 : vector<1x16xf32> to vector<16xf32>
      %swap3A_338 = vector.shape_cast %mul3A_333 : vector<16xf32> to vector<1x16xf32>
      tpu.vector_store %arg7[%swap3A_334, %swap3A_335], %swap3A_338 {strides = array<i32>} : memref<128x128xf32, #tpu.memory_space<vmem>>, vector<1x16xf32>,
      %get3A_339 = arith.index_cast %scan3A_316 : i32 to index
      %get3A_340 = arith.constant 32 : index
      %get3A_341 = tpu.vector_load %arg7[%get3A_339, %get3A_340] {strides = array<i32>} : memref<128x128xf32, #tpu.memory_space<vmem>>, vector<1x16xf32>,
      %get3A_342 = vector.shape_cast %get3A_341 : vector<1x16xf32> to vector<16xf32>
      %mul3A_343 = arith.constant 11.3137083 : f32
      %mul3A_344 = vector.broadcast %mul3A_343 : f32 to vector<16xf32>
      %mul3A_345 = arith.mulf %get3A_342, %mul3A_344 : vector<16xf32>
      %swap3A_346 = arith.index_cast %scan3A_316 : i32 to index
      %swap3A_347 = arith.constant 32 : index
      %swap3A_348 = tpu.vector_load %arg7[%swap3A_346, %swap3A_347] {strides = array<i32>} : memref<128x128xf32, #tpu.memory_space<vmem>>, vector<1x16xf32>,
      %swap3A_349 = vector.shape_cast %swap3A_348 : vector<1x16xf32> to vector<16xf32>
      %swap3A_350 = vector.shape_cast %mul3A_345 : vector<16xf32> to vector<1x16xf32>
      tpu.vector_store %arg7[%swap3A_346, %swap3A_347], %swap3A_350 {strides = array<i32>} : memref<128x128xf32, #tpu.memory_space<vmem>>, vector<1x16xf32>,
      %get3A_351 = arith.index_cast %scan3A_316 : i32 to index
      %get3A_352 = arith.constant 48 : index
      %get3A_353 = tpu.vector_load %arg7[%get3A_351, %get3A_352] {strides = array<i32>} : memref<128x128xf32, #tpu.memory_space<vmem>>, vector<1x16xf32>,
      %get3A_354 = vector.shape_cast %get3A_353 : vector<1x16xf32> to vector<16xf32>
      %mul3A_355 = arith.constant 11.3137083 : f32
      %mul3A_356 = vector.broadcast %mul3A_355 : f32 to vector<16xf32>
      %mul3A_357 = arith.mulf %get3A_354, %mul3A_356 : vector<16xf32>
      %swap3A_358 = arith.index_cast %scan3A_316 : i32 to index
      %swap3A_359 = arith.constant 48 : index
      %swap3A_360 = tpu.vector_load %arg7[%swap3A_358, %swap3A_359] {strides = array<i32>} : memref<128x128xf32, #tpu.memory_space<vmem>>, vector<1x16xf32>,
      %swap3A_361 = vector.shape_cast %swap3A_360 : vector<1x16xf32> to vector<16xf32>
      %swap3A_362 = vector.shape_cast %mul3A_357 : vector<16xf32> to vector<1x16xf32>
      tpu.vector_store %arg7[%swap3A_358, %swap3A_359], %swap3A_362 {strides = array<i32>} : memref<128x128xf32, #tpu.memory_space<vmem>>, vector<1x16xf32>,
      %get3A_363 = arith.index_cast %scan3A_316 : i32 to index
      %get3A_364 = arith.constant 64 : index
      %get3A_365 = tpu.vector_load %arg7[%get3A_363, %get3A_364] {strides = array<i32>} : memref<128x128xf32, #tpu.memory_space<vmem>>, vector<1x16xf32>,
      %get3A_366 = vector.shape_cast %get3A_365 : vector<1x16xf32> to vector<16xf32>
      %mul3A_367 = arith.constant 11.3137083 : f32
      %mul3A_368 = vector.broadcast %mul3A_367 : f32 to vector<16xf32>
      %mul3A_369 = arith.mulf %get3A_366, %mul3A_368 : vector<16xf32>
      %swap3A_370 = arith.index_cast %scan3A_316 : i32 to index
      %swap3A_371 = arith.constant 64 : index
      %swap3A_372 = tpu.vector_load %arg7[%swap3A_370, %swap3A_371] {strides = array<i32>} : memref<128x128xf32, #tpu.memory_space<vmem>>, vector<1x16xf32>,
      %swap3A_373 = vector.shape_cast %swap3A_372 : vector<1x16xf32> to vector<16xf32>
      %swap3A_374 = vector.shape_cast %mul3A_369 : vector<16xf32> to vector<1x16xf32>
      tpu.vector_store %arg7[%swap3A_370, %swap3A_371], %swap3A_374 {strides = array<i32>} : memref<128x128xf32, #tpu.memory_space<vmem>>, vector<1x16xf32>,
      %get3A_375 = arith.index_cast %scan3A_316 : i32 to index
      %get3A_376 = arith.constant 80 : index
      %get3A_377 = tpu.vector_load %arg7[%get3A_375, %get3A_376] {strides = array<i32>} : memref<128x128xf32, #tpu.memory_space<vmem>>, vector<1x16xf32>,
      %get3A_378 = vector.shape_cast %get3A_377 : vector<1x16xf32> to vector<16xf32>
      %mul3A_379 = arith.constant 11.3137083 : f32
      %mul3A_380 = vector.broadcast %mul3A_379 : f32 to vector<16xf32>
      %mul3A_381 = arith.mulf %get3A_378, %mul3A_380 : vector<16xf32>
      %swap3A_382 = arith.index_cast %scan3A_316 : i32 to index
      %swap3A_383 = arith.constant 80 : index
      %swap3A_384 = tpu.vector_load %arg7[%swap3A_382, %swap3A_383] {strides = array<i32>} : memref<128x128xf32, #tpu.memory_space<vmem>>, vector<1x16xf32>,
      %swap3A_385 = vector.shape_cast %swap3A_384 : vector<1x16xf32> to vector<16xf32>
      %swap3A_386 = vector.shape_cast %mul3A_381 : vector<16xf32> to vector<1x16xf32>
      tpu.vector_store %arg7[%swap3A_382, %swap3A_383], %swap3A_386 {strides = array<i32>} : memref<128x128xf32, #tpu.memory_space<vmem>>, vector<1x16xf32>,
      %get3A_387 = arith.index_cast %scan3A_316 : i32 to index
      %get3A_388 = arith.constant 96 : index
      %get3A_389 = tpu.vector_load %arg7[%get3A_387, %get3A_388] {strides = array<i32>} : memref<128x128xf32, #tpu.memory_space<vmem>>, vector<1x16xf32>,
      %get3A_390 = vector.shape_cast %get3A_389 : vector<1x16xf32> to vector<16xf32>
      %mul3A_391 = arith.constant 11.3137083 : f32
      %mul3A_392 = vector.broadcast %mul3A_391 : f32 to vector<16xf32>
      %mul3A_393 = arith.mulf %get3A_390, %mul3A_392 : vector<16xf32>
      %swap3A_394 = arith.index_cast %scan3A_316 : i32 to index
      %swap3A_395 = arith.constant 96 : index
      %swap3A_396 = tpu.vector_load %arg7[%swap3A_394, %swap3A_395] {strides = array<i32>} : memref<128x128xf32, #tpu.memory_space<vmem>>, vector<1x16xf32>,
      %swap3A_397 = vector.shape_cast %swap3A_396 : vector<1x16xf32> to vector<16xf32>
      %swap3A_398 = vector.shape_cast %mul3A_393 : vector<16xf32> to vector<1x16xf32>
      tpu.vector_store %arg7[%swap3A_394, %swap3A_395], %swap3A_398 {strides = array<i32>} : memref<128x128xf32, #tpu.memory_space<vmem>>, vector<1x16xf32>,
      %get3A_399 = arith.index_cast %scan3A_316 : i32 to index
      %get3A_400 = arith.constant 112 : index
      %get3A_401 = tpu.vector_load %arg7[%get3A_399, %get3A_400] {strides = array<i32>} : memref<128x128xf32, #tpu.memory_space<vmem>>, vector<1x16xf32>,
      %get3A_402 = vector.shape_cast %get3A_401 : vector<1x16xf32> to vector<16xf32>
      %mul3A_403 = arith.constant 11.3137083 : f32
      %mul3A_404 = vector.broadcast %mul3A_403 : f32 to vector<16xf32>
      %mul3A_405 = arith.mulf %get3A_402, %mul3A_404 : vector<16xf32>
      %swap3A_406 = arith.index_cast %scan3A_316 : i32 to index
      %swap3A_407 = arith.constant 112 : index
      %swap3A_408 = tpu.vector_load %arg7[%swap3A_406, %swap3A_407] {strides = array<i32>} : memref<128x128xf32, #tpu.memory_space<vmem>>, vector<1x16xf32>,
      %swap3A_409 = vector.shape_cast %swap3A_408 : vector<1x16xf32> to vector<16xf32>
      %swap3A_410 = vector.shape_cast %mul3A_405 : vector<16xf32> to vector<1x16xf32>
      tpu.vector_store %arg7[%swap3A_406, %swap3A_407], %swap3A_410 {strides = array<i32>} : memref<128x128xf32, #tpu.memory_space<vmem>>, vector<1x16xf32>,
      %scan3A_411 = arith.constant 1 : i32
      %scan3A_412 = arith.addi %scan3A_316, %scan3A_411 : i32
      %get3A_413 = arith.index_cast %scan3A_412 : i32 to index
      %get3A_414 = arith.constant 0 : index
      %get3A_415 = tpu.vector_load %arg7[%get3A_413, %get3A_414] {strides = array<i32>} : memref<128x128xf32, #tpu.memory_space<vmem>>, vector<1x16xf32>,
      %get3A_416 = vector.shape_cast %get3A_415 : vector<1x16xf32> to vector<16xf32>
      %mul3A_417 = arith.constant 11.3137083 : f32
      %mul3A_418 = vector.broadcast %mul3A_417 : f32 to vector<16xf32>
      %mul3A_419 = arith.mulf %get3A_416, %mul3A_418 : vector<16xf32>
      %swap3A_420 = arith.index_cast %scan3A_412 : i32 to index
      %swap3A_421 = arith.constant 0 : index
      %swap3A_422 = tpu.vector_load %arg7[%swap3A_420, %swap3A_421] {strides = array<i32>} : memref<128x128xf32, #tpu.memory_space<vmem>>, vector<1x16xf32>,
      %swap3A_423 = vector.shape_cast %swap3A_422 : vector<1x16xf32> to vector<16xf32>
      %swap3A_424 = vector.shape_cast %mul3A_419 : vector<16xf32> to vector<1x16xf32>
      tpu.vector_store %arg7[%swap3A_420, %swap3A_421], %swap3A_424 {strides = array<i32>} : memref<128x128xf32, #tpu.memory_space<vmem>>, vector<1x16xf32>,
      %get3A_425 = arith.index_cast %scan3A_412 : i32 to index
      %get3A_426 = arith.constant 16 : index
      %get3A_427 = tpu.vector_load %arg7[%get3A_425, %get3A_426] {strides = array<i32>} : memref<128x128xf32, #tpu.memory_space<vmem>>, vector<1x16xf32>,
      %get3A_428 = vector.shape_cast %get3A_427 : vector<1x16xf32> to vector<16xf32>
      %mul3A_429 = arith.constant 11.3137083 : f32
      %mul3A_430 = vector.broadcast %mul3A_429 : f32 to vector<16xf32>
      %mul3A_431 = arith.mulf %get3A_428, %mul3A_430 : vector<16xf32>
      %swap3A_432 = arith.index_cast %scan3A_412 : i32 to index
      %swap3A_433 = arith.constant 16 : index
      %swap3A_434 = tpu.vector_load %arg7[%swap3A_432, %swap3A_433] {strides = array<i32>} : memref<128x128xf32, #tpu.memory_space<vmem>>, vector<1x16xf32>,
      %swap3A_435 = vector.shape_cast %swap3A_434 : vector<1x16xf32> to vector<16xf32>
      %swap3A_436 = vector.shape_cast %mul3A_431 : vector<16xf32> to vector<1x16xf32>
      tpu.vector_store %arg7[%swap3A_432, %swap3A_433], %swap3A_436 {strides = array<i32>} : memref<128x128xf32, #tpu.memory_space<vmem>>, vector<1x16xf32>,
      %get3A_437 = arith.index_cast %scan3A_412 : i32 to index
      %get3A_438 = arith.constant 32 : index
      %get3A_439 = tpu.vector_load %arg7[%get3A_437, %get3A_438] {strides = array<i32>} : memref<128x128xf32, #tpu.memory_space<vmem>>, vector<1x16xf32>,
      %get3A_440 = vector.shape_cast %get3A_439 : vector<1x16xf32> to vector<16xf32>
      %mul3A_441 = arith.constant 11.3137083 : f32
      %mul3A_442 = vector.broadcast %mul3A_441 : f32 to vector<16xf32>
      %mul3A_443 = arith.mulf %get3A_440, %mul3A_442 : vector<16xf32>
      %swap3A_444 = arith.index_cast %scan3A_412 : i32 to index
      %swap3A_445 = arith.constant 32 : index
      %swap3A_446 = tpu.vector_load %arg7[%swap3A_444, %swap3A_445] {strides = array<i32>} : memref<128x128xf32, #tpu.memory_space<vmem>>, vector<1x16xf32>,
      %swap3A_447 = vector.shape_cast %swap3A_446 : vector<1x16xf32> to vector<16xf32>
      %swap3A_448 = vector.shape_cast %mul3A_443 : vector<16xf32> to vector<1x16xf32>
      tpu.vector_store %arg7[%swap3A_444, %swap3A_445], %swap3A_448 {strides = array<i32>} : memref<128x128xf32, #tpu.memory_space<vmem>>, vector<1x16xf32>,
      %get3A_449 = arith.index_cast %scan3A_412 : i32 to index
      %get3A_450 = arith.constant 48 : index
      %get3A_451 = tpu.vector_load %arg7[%get3A_449, %get3A_450] {strides = array<i32>} : memref<128x128xf32, #tpu.memory_space<vmem>>, vector<1x16xf32>,
      %get3A_452 = vector.shape_cast %get3A_451 : vector<1x16xf32> to vector<16xf32>
      %mul3A_453 = arith.constant 11.3137083 : f32
      %mul3A_454 = vector.broadcast %mul3A_453 : f32 to vector<16xf32>
      %mul3A_455 = arith.mulf %get3A_452, %mul3A_454 : vector<16xf32>
      %swap3A_456 = arith.index_cast %scan3A_412 : i32 to index
      %swap3A_457 = arith.constant 48 : index
      %swap3A_458 = tpu.vector_load %arg7[%swap3A_456, %swap3A_457] {strides = array<i32>} : memref<128x128xf32, #tpu.memory_space<vmem>>, vector<1x16xf32>,
      %swap3A_459 = vector.shape_cast %swap3A_458 : vector<1x16xf32> to vector<16xf32>
      %swap3A_460 = vector.shape_cast %mul3A_455 : vector<16xf32> to vector<1x16xf32>
      tpu.vector_store %arg7[%swap3A_456, %swap3A_457], %swap3A_460 {strides = array<i32>} : memref<128x128xf32, #tpu.memory_space<vmem>>, vector<1x16xf32>,
      %get3A_461 = arith.index_cast %scan3A_412 : i32 to index
      %get3A_462 = arith.constant 64 : index
      %get3A_463 = tpu.vector_load %arg7[%get3A_461, %get3A_462] {strides = array<i32>} : memref<128x128xf32, #tpu.memory_space<vmem>>, vector<1x16xf32>,
      %get3A_464 = vector.shape_cast %get3A_463 : vector<1x16xf32> to vector<16xf32>
      %mul3A_465 = arith.constant 11.3137083 : f32
      %mul3A_466 = vector.broadcast %mul3A_465 : f32 to vector<16xf32>
      %mul3A_467 = arith.mulf %get3A_464, %mul3A_466 : vector<16xf32>
      %swap3A_468 = arith.index_cast %scan3A_412 : i32 to index
      %swap3A_469 = arith.constant 64 : index
      %swap3A_470 = tpu.vector_load %arg7[%swap3A_468, %swap3A_469] {strides = array<i32>} : memref<128x128xf32, #tpu.memory_space<vmem>>, vector<1x16xf32>,
      %swap3A_471 = vector.shape_cast %swap3A_470 : vector<1x16xf32> to vector<16xf32>
      %swap3A_472 = vector.shape_cast %mul3A_467 : vector<16xf32> to vector<1x16xf32>
      tpu.vector_store %arg7[%swap3A_468, %swap3A_469], %swap3A_472 {strides = array<i32>} : memref<128x128xf32, #tpu.memory_space<vmem>>, vector<1x16xf32>,
      %get3A_473 = arith.index_cast %scan3A_412 : i32 to index
      %get3A_474 = arith.constant 80 : index
      %get3A_475 = tpu.vector_load %arg7[%get3A_473, %get3A_474] {strides = array<i32>} : memref<128x128xf32, #tpu.memory_space<vmem>>, vector<1x16xf32>,
      %get3A_476 = vector.shape_cast %get3A_475 : vector<1x16xf32> to vector<16xf32>
      %mul3A_477 = arith.constant 11.3137083 : f32
      %mul3A_478 = vector.broadcast %mul3A_477 : f32 to vector<16xf32>
      %mul3A_479 = arith.mulf %get3A_476, %mul3A_478 : vector<16xf32>
      %swap3A_480 = arith.index_cast %scan3A_412 : i32 to index
      %swap3A_481 = arith.constant 80 : index
      %swap3A_482 = tpu.vector_load %arg7[%swap3A_480, %swap3A_481] {strides = array<i32>} : memref<128x128xf32, #tpu.memory_space<vmem>>, vector<1x16xf32>,
      %swap3A_483 = vector.shape_cast %swap3A_482 : vector<1x16xf32> to vector<16xf32>
      %swap3A_484 = vector.shape_cast %mul3A_479 : vector<16xf32> to vector<1x16xf32>
      tpu.vector_store %arg7[%swap3A_480, %swap3A_481], %swap3A_484 {strides = array<i32>} : memref<128x128xf32, #tpu.memory_space<vmem>>, vector<1x16xf32>,
      %get3A_485 = arith.index_cast %scan3A_412 : i32 to index
      %get3A_486 = arith.constant 96 : index
      %get3A_487 = tpu.vector_load %arg7[%get3A_485, %get3A_486] {strides = array<i32>} : memref<128x128xf32, #tpu.memory_space<vmem>>, vector<1x16xf32>,
      %get3A_488 = vector.shape_cast %get3A_487 : vector<1x16xf32> to vector<16xf32>
      %mul3A_489 = arith.constant 11.3137083 : f32
      %mul3A_490 = vector.broadcast %mul3A_489 : f32 to vector<16xf32>
      %mul3A_491 = arith.mulf %get3A_488, %mul3A_490 : vector<16xf32>
      %swap3A_492 = arith.index_cast %scan3A_412 : i32 to index
      %swap3A_493 = arith.constant 96 : index
      %swap3A_494 = tpu.vector_load %arg7[%swap3A_492, %swap3A_493] {strides = array<i32>} : memref<128x128xf32, #tpu.memory_space<vmem>>, vector<1x16xf32>,
      %swap3A_495 = vector.shape_cast %swap3A_494 : vector<1x16xf32> to vector<16xf32>
      %swap3A_496 = vector.shape_cast %mul3A_491 : vector<16xf32> to vector<1x16xf32>
      tpu.vector_store %arg7[%swap3A_492, %swap3A_493], %swap3A_496 {strides = array<i32>} : memref<128x128xf32, #tpu.memory_space<vmem>>, vector<1x16xf32>,
      %get3A_497 = arith.index_cast %scan3A_412 : i32 to index
      %get3A_498 = arith.constant 112 : index
      %get3A_499 = tpu.vector_load %arg7[%get3A_497, %get3A_498] {strides = array<i32>} : memref<128x128xf32, #tpu.memory_space<vmem>>, vector<1x16xf32>,
      %get3A_500 = vector.shape_cast %get3A_499 : vector<1x16xf32> to vector<16xf32>
      %mul3A_501 = arith.constant 11.3137083 : f32
      %mul3A_502 = vector.broadcast %mul3A_501 : f32 to vector<16xf32>
      %mul3A_503 = arith.mulf %get3A_500, %mul3A_502 : vector<16xf32>
      %swap3A_504 = arith.index_cast %scan3A_412 : i32 to index
      %swap3A_505 = arith.constant 112 : index
      %swap3A_506 = tpu.vector_load %arg7[%swap3A_504, %swap3A_505] {strides = array<i32>} : memref<128x128xf32, #tpu.memory_space<vmem>>, vector<1x16xf32>,
      %swap3A_507 = vector.shape_cast %swap3A_506 : vector<1x16xf32> to vector<16xf32>
      %swap3A_508 = vector.shape_cast %mul3A_503 : vector<16xf32> to vector<1x16xf32>
      tpu.vector_store %arg7[%swap3A_504, %swap3A_505], %swap3A_508 {strides = array<i32>} : memref<128x128xf32, #tpu.memory_space<vmem>>, vector<1x16xf32>,
    }
    %scan3A_64 = arith.constant 128 : i32
    %add3A_65 = arith.constant 128 : i32
    %add3A_66 = arith.addi %mul3A_2, %add3A_65 : i32
    %dma_start3A_67 = arith.constant 0 : i32
    %dma_start3A_68 = tpu.memref_slice %arg4[%add3A_66, %dma_start3A_67] : memref<819200x128xf32, #tpu.memory_space<hbm>> -> memref<128x128xf32, #tpu.memory_space<hbm>>
    %dma_start3A_69 = arith.constant 0 : i32
    %dma_start3A_70 = tpu.memref_slice %arg4[%add3A_66, %dma_start3A_69] : memref<819200x128xf32, #tpu.memory_space<hbm>> -> memref<128x128xf32, #tpu.memory_space<hbm>>
    tpu.enqueue_dma source(%arg7 : memref<128x128xf32, #tpu.memory_space<vmem>>) target(%dma_start3A_70 : memref<128x128xf32, #tpu.memory_space<hbm>>) target_semaphore(%arg17 : memref<!tpu.dma_semaphore, #tpu.memory_space<semaphore_mem>>)
    %dma_wait3A_71 = arith.constant 0 : i32
    %dma_wait3A_72 = arith.constant 0 : i32
    %dma_wait3A_73 = tpu.memref_slice %arg4[%dma_wait3A_71, %dma_wait3A_72] : memref<819200x128xf32, #tpu.memory_space<hbm>> -> memref<128x128xf32, #tpu.memory_space<hbm>>
    %dma_wait3A_74 = arith.constant 0 : i32
    %dma_wait3A_75 = arith.constant 0 : i32
    %dma_wait3A_76 = tpu.memref_slice %arg4[%dma_wait3A_74, %dma_wait3A_75] : memref<819200x128xf32, #tpu.memory_space<hbm>> -> memref<128x128xf32, #tpu.memory_space<hbm>>
    tpu.wait_dma2 semaphore(%arg16 : memref<!tpu.dma_semaphore, #tpu.memory_space<semaphore_mem>>) src(%arg6 : memref<128x128xf32, #tpu.memory_space<vmem>>) dst(%dma_wait3A_76 : memref<128x128xf32, #tpu.memory_space<hbm>>)
    %dma_start3A_77 = arith.constant 5 : i32
    %dma_start3A_78 = arith.constant 0 : i32
    %dma_start3A_79 = tpu.memref_slice %arg5[%dma_start3A_77, %dma_start3A_78] : memref<200x128xi32, #tpu.memory_space<vmem>> -> memref<1x128xi32, #tpu.memory_space<vmem>>
    %dma_start3A_80 = tpu.memref_squeeze %dma_start3A_79 : memref<1x128xi32, #tpu.memory_space<vmem>> -> memref<128xi32, #tpu.memory_space<vmem>>
    %dma_start3A_81 = arith.constant 0 : i32
    %dma_start3A_82 = arith.constant 0 : i32
    %dma_start3A_83 = tpu.memref_slice %arg3[%dma_start3A_81, %dma_start3A_82] : memref<1000000x128xf32, #tpu.memory_space<hbm>> -> memref<1000000x128xf32, #tpu.memory_space<hbm>>
    tpu.enqueue_indirect_dma source(%dma_start3A_83 : memref<1000000x128xf32, #tpu.memory_space<hbm>>) target(%arg6 : memref<128x128xf32, #tpu.memory_space<vmem>>) offsets(%dma_start3A_80 : memref<128xi32, #tpu.memory_space<vmem>>) semaphore(%arg11 : memref<!tpu.dma_semaphore, #tpu.memory_space<semaphore_mem>>)
    %dma_wait3A_84 = arith.constant 0 : i32
    %dma_wait3A_85 = arith.constant 0 : i32
    %dma_wait3A_86 = tpu.memref_slice %arg3[%dma_wait3A_84, %dma_wait3A_85] : memref<1000000x128xf32, #tpu.memory_space<hbm>> -> memref<128x128xf32, #tpu.memory_space<hbm>>
    %dma_wait3A_87 = arith.constant 0 : i32
    %dma_wait3A_88 = arith.constant 0 : i32
    %dma_wait3A_89 = tpu.memref_slice %arg3[%dma_wait3A_87, %dma_wait3A_88] : memref<1000000x128xf32, #tpu.memory_space<hbm>> -> memref<128x128xf32, #tpu.memory_space<hbm>>
    tpu.wait_dma2 semaphore(%arg13 : memref<!tpu.dma_semaphore, #tpu.memory_space<semaphore_mem>>) src(%dma_wait3A_89 : memref<128x128xf32, #tpu.memory_space<hbm>>) dst(%arg8 : memref<128x128xf32, #tpu.memory_space<vmem>>)
    %scan3A_90 = arith.constant 0 : i32
    %scan3A_91 = arith.constant 0 : i32
    %scan3A_92 = arith.constant 128 : i32
    %scan3A_93 = arith.addi %scan3A_91, %scan3A_92 : i32
    %scan3A_94 = arith.constant 2 : i32
    scf.for %scan3A_316 = %scan3A_91 to %scan3A_93 step %scan3A_94  : i32 {
      %get3A = arith.index_cast %scan3A_316 : i32 to index
      %get3A_317 = arith.constant 0 : index
      %get3A_318 = tpu.vector_load %arg8[%get3A, %get3A_317] {strides = array<i32>} : memref<128x128xf32, #tpu.memory_space<vmem>>, vector<1x16xf32>,
      %get3A_319 = vector.shape_cast %get3A_318 : vector<1x16xf32> to vector<16xf32>
      %mul3A_320 = arith.constant 11.3137083 : f32
      %mul3A_321 = vector.broadcast %mul3A_320 : f32 to vector<16xf32>
      %mul3A_322 = arith.mulf %get3A_319, %mul3A_321 : vector<16xf32>
      %swap3A = arith.index_cast %scan3A_316 : i32 to index
      %swap3A_323 = arith.constant 0 : index
      %swap3A_324 = tpu.vector_load %arg8[%swap3A, %swap3A_323] {strides = array<i32>} : memref<128x128xf32, #tpu.memory_space<vmem>>, vector<1x16xf32>,
      %swap3A_325 = vector.shape_cast %swap3A_324 : vector<1x16xf32> to vector<16xf32>
      %swap3A_326 = vector.shape_cast %mul3A_322 : vector<16xf32> to vector<1x16xf32>
      tpu.vector_store %arg8[%swap3A, %swap3A_323], %swap3A_326 {strides = array<i32>} : memref<128x128xf32, #tpu.memory_space<vmem>>, vector<1x16xf32>,
      %get3A_327 = arith.index_cast %scan3A_316 : i32 to index
      %get3A_328 = arith.constant 16 : index
      %get3A_329 = tpu.vector_load %arg8[%get3A_327, %get3A_328] {strides = array<i32>} : memref<128x128xf32, #tpu.memory_space<vmem>>, vector<1x16xf32>,
      %get3A_330 = vector.shape_cast %get3A_329 : vector<1x16xf32> to vector<16xf32>
      %mul3A_331 = arith.constant 11.3137083 : f32
      %mul3A_332 = vector.broadcast %mul3A_331 : f32 to vector<16xf32>
      %mul3A_333 = arith.mulf %get3A_330, %mul3A_332 : vector<16xf32>
      %swap3A_334 = arith.index_cast %scan3A_316 : i32 to index
      %swap3A_335 = arith.constant 16 : index
      %swap3A_336 = tpu.vector_load %arg8[%swap3A_334, %swap3A_335] {strides = array<i32>} : memref<128x128xf32, #tpu.memory_space<vmem>>, vector<1x16xf32>,
      %swap3A_337 = vector.shape_cast %swap3A_336 : vector<1x16xf32> to vector<16xf32>
      %swap3A_338 = vector.shape_cast %mul3A_333 : vector<16xf32> to vector<1x16xf32>
      tpu.vector_store %arg8[%swap3A_334, %swap3A_335], %swap3A_338 {strides = array<i32>} : memref<128x128xf32, #tpu.memory_space<vmem>>, vector<1x16xf32>,
      %get3A_339 = arith.index_cast %scan3A_316 : i32 to index
      %get3A_340 = arith.constant 32 : index
      %get3A_341 = tpu.vector_load %arg8[%get3A_339, %get3A_340] {strides = array<i32>} : memref<128x128xf32, #tpu.memory_space<vmem>>, vector<1x16xf32>,
      %get3A_342 = vector.shape_cast %get3A_341 : vector<1x16xf32> to vector<16xf32>
      %mul3A_343 = arith.constant 11.3137083 : f32
      %mul3A_344 = vector.broadcast %mul3A_343 : f32 to vector<16xf32>
      %mul3A_345 = arith.mulf %get3A_342, %mul3A_344 : vector<16xf32>
      %swap3A_346 = arith.index_cast %scan3A_316 : i32 to index
      %swap3A_347 = arith.constant 32 : index
      %swap3A_348 = tpu.vector_load %arg8[%swap3A_346, %swap3A_347] {strides = array<i32>} : memref<128x128xf32, #tpu.memory_space<vmem>>, vector<1x16xf32>,
      %swap3A_349 = vector.shape_cast %swap3A_348 : vector<1x16xf32> to vector<16xf32>
      %swap3A_350 = vector.shape_cast %mul3A_345 : vector<16xf32> to vector<1x16xf32>
      tpu.vector_store %arg8[%swap3A_346, %swap3A_347], %swap3A_350 {strides = array<i32>} : memref<128x128xf32, #tpu.memory_space<vmem>>, vector<1x16xf32>,
      %get3A_351 = arith.index_cast %scan3A_316 : i32 to index
      %get3A_352 = arith.constant 48 : index
      %get3A_353 = tpu.vector_load %arg8[%get3A_351, %get3A_352] {strides = array<i32>} : memref<128x128xf32, #tpu.memory_space<vmem>>, vector<1x16xf32>,
      %get3A_354 = vector.shape_cast %get3A_353 : vector<1x16xf32> to vector<16xf32>
      %mul3A_355 = arith.constant 11.3137083 : f32
      %mul3A_356 = vector.broadcast %mul3A_355 : f32 to vector<16xf32>
      %mul3A_357 = arith.mulf %get3A_354, %mul3A_356 : vector<16xf32>
      %swap3A_358 = arith.index_cast %scan3A_316 : i32 to index
      %swap3A_359 = arith.constant 48 : index
      %swap3A_360 = tpu.vector_load %arg8[%swap3A_358, %swap3A_359] {strides = array<i32>} : memref<128x128xf32, #tpu.memory_space<vmem>>, vector<1x16xf32>,
      %swap3A_361 = vector.shape_cast %swap3A_360 : vector<1x16xf32> to vector<16xf32>
      %swap3A_362 = vector.shape_cast %mul3A_357 : vector<16xf32> to vector<1x16xf32>
      tpu.vector_store %arg8[%swap3A_358, %swap3A_359], %swap3A_362 {strides = array<i32>} : memref<128x128xf32, #tpu.memory_space<vmem>>, vector<1x16xf32>,
      %get3A_363 = arith.index_cast %scan3A_316 : i32 to index
      %get3A_364 = arith.constant 64 : index
      %get3A_365 = tpu.vector_load %arg8[%get3A_363, %get3A_364] {strides = array<i32>} : memref<128x128xf32, #tpu.memory_space<vmem>>, vector<1x16xf32>,
      %get3A_366 = vector.shape_cast %get3A_365 : vector<1x16xf32> to vector<16xf32>
      %mul3A_367 = arith.constant 11.3137083 : f32
      %mul3A_368 = vector.broadcast %mul3A_367 : f32 to vector<16xf32>
      %mul3A_369 = arith.mulf %get3A_366, %mul3A_368 : vector<16xf32>
      %swap3A_370 = arith.index_cast %scan3A_316 : i32 to index
      %swap3A_371 = arith.constant 64 : index
      %swap3A_372 = tpu.vector_load %arg8[%swap3A_370, %swap3A_371] {strides = array<i32>} : memref<128x128xf32, #tpu.memory_space<vmem>>, vector<1x16xf32>,
      %swap3A_373 = vector.shape_cast %swap3A_372 : vector<1x16xf32> to vector<16xf32>
      %swap3A_374 = vector.shape_cast %mul3A_369 : vector<16xf32> to vector<1x16xf32>
      tpu.vector_store %arg8[%swap3A_370, %swap3A_371], %swap3A_374 {strides = array<i32>} : memref<128x128xf32, #tpu.memory_space<vmem>>, vector<1x16xf32>,
      %get3A_375 = arith.index_cast %scan3A_316 : i32 to index
      %get3A_376 = arith.constant 80 : index
      %get3A_377 = tpu.vector_load %arg8[%get3A_375, %get3A_376] {strides = array<i32>} : memref<128x128xf32, #tpu.memory_space<vmem>>, vector<1x16xf32>,
      %get3A_378 = vector.shape_cast %get3A_377 : vector<1x16xf32> to vector<16xf32>
      %mul3A_379 = arith.constant 11.3137083 : f32
      %mul3A_380 = vector.broadcast %mul3A_379 : f32 to vector<16xf32>
      %mul3A_381 = arith.mulf %get3A_378, %mul3A_380 : vector<16xf32>
      %swap3A_382 = arith.index_cast %scan3A_316 : i32 to index
      %swap3A_383 = arith.constant 80 : index
      %swap3A_384 = tpu.vector_load %arg8[%swap3A_382, %swap3A_383] {strides = array<i32>} : memref<128x128xf32, #tpu.memory_space<vmem>>, vector<1x16xf32>,
      %swap3A_385 = vector.shape_cast %swap3A_384 : vector<1x16xf32> to vector<16xf32>
      %swap3A_386 = vector.shape_cast %mul3A_381 : vector<16xf32> to vector<1x16xf32>
      tpu.vector_store %arg8[%swap3A_382, %swap3A_383], %swap3A_386 {strides = array<i32>} : memref<128x128xf32, #tpu.memory_space<vmem>>, vector<1x16xf32>,
      %get3A_387 = arith.index_cast %scan3A_316 : i32 to index
      %get3A_388 = arith.constant 96 : index
      %get3A_389 = tpu.vector_load %arg8[%get3A_387, %get3A_388] {strides = array<i32>} : memref<128x128xf32, #tpu.memory_space<vmem>>, vector<1x16xf32>,
      %get3A_390 = vector.shape_cast %get3A_389 : vector<1x16xf32> to vector<16xf32>
      %mul3A_391 = arith.constant 11.3137083 : f32
      %mul3A_392 = vector.broadcast %mul3A_391 : f32 to vector<16xf32>
      %mul3A_393 = arith.mulf %get3A_390, %mul3A_392 : vector<16xf32>
      %swap3A_394 = arith.index_cast %scan3A_316 : i32 to index
      %swap3A_395 = arith.constant 96 : index
      %swap3A_396 = tpu.vector_load %arg8[%swap3A_394, %swap3A_395] {strides = array<i32>} : memref<128x128xf32, #tpu.memory_space<vmem>>, vector<1x16xf32>,
      %swap3A_397 = vector.shape_cast %swap3A_396 : vector<1x16xf32> to vector<16xf32>
      %swap3A_398 = vector.shape_cast %mul3A_393 : vector<16xf32> to vector<1x16xf32>
      tpu.vector_store %arg8[%swap3A_394, %swap3A_395], %swap3A_398 {strides = array<i32>} : memref<128x128xf32, #tpu.memory_space<vmem>>, vector<1x16xf32>,
      %get3A_399 = arith.index_cast %scan3A_316 : i32 to index
      %get3A_400 = arith.constant 112 : index
      %get3A_401 = tpu.vector_load %arg8[%get3A_399, %get3A_400] {strides = array<i32>} : memref<128x128xf32, #tpu.memory_space<vmem>>, vector<1x16xf32>,
      %get3A_402 = vector.shape_cast %get3A_401 : vector<1x16xf32> to vector<16xf32>
      %mul3A_403 = arith.constant 11.3137083 : f32
      %mul3A_404 = vector.broadcast %mul3A_403 : f32 to vector<16xf32>
      %mul3A_405 = arith.mulf %get3A_402, %mul3A_404 : vector<16xf32>
      %swap3A_406 = arith.index_cast %scan3A_316 : i32 to index
      %swap3A_407 = arith.constant 112 : index
      %swap3A_408 = tpu.vector_load %arg8[%swap3A_406, %swap3A_407] {strides = array<i32>} : memref<128x128xf32, #tpu.memory_space<vmem>>, vector<1x16xf32>,
      %swap3A_409 = vector.shape_cast %swap3A_408 : vector<1x16xf32> to vector<16xf32>
      %swap3A_410 = vector.shape_cast %mul3A_405 : vector<16xf32> to vector<1x16xf32>
      tpu.vector_store %arg8[%swap3A_406, %swap3A_407], %swap3A_410 {strides = array<i32>} : memref<128x128xf32, #tpu.memory_space<vmem>>, vector<1x16xf32>,
      %scan3A_411 = arith.constant 1 : i32
      %scan3A_412 = arith.addi %scan3A_316, %scan3A_411 : i32
      %get3A_413 = arith.index_cast %scan3A_412 : i32 to index
      %get3A_414 = arith.constant 0 : index
      %get3A_415 = tpu.vector_load %arg8[%get3A_413, %get3A_414] {strides = array<i32>} : memref<128x128xf32, #tpu.memory_space<vmem>>, vector<1x16xf32>,
      %get3A_416 = vector.shape_cast %get3A_415 : vector<1x16xf32> to vector<16xf32>
      %mul3A_417 = arith.constant 11.3137083 : f32
      %mul3A_418 = vector.broadcast %mul3A_417 : f32 to vector<16xf32>
      %mul3A_419 = arith.mulf %get3A_416, %mul3A_418 : vector<16xf32>
      %swap3A_420 = arith.index_cast %scan3A_412 : i32 to index
      %swap3A_421 = arith.constant 0 : index
      %swap3A_422 = tpu.vector_load %arg8[%swap3A_420, %swap3A_421] {strides = array<i32>} : memref<128x128xf32, #tpu.memory_space<vmem>>, vector<1x16xf32>,
      %swap3A_423 = vector.shape_cast %swap3A_422 : vector<1x16xf32> to vector<16xf32>
      %swap3A_424 = vector.shape_cast %mul3A_419 : vector<16xf32> to vector<1x16xf32>
      tpu.vector_store %arg8[%swap3A_420, %swap3A_421], %swap3A_424 {strides = array<i32>} : memref<128x128xf32, #tpu.memory_space<vmem>>, vector<1x16xf32>,
      %get3A_425 = arith.index_cast %scan3A_412 : i32 to index
      %get3A_426 = arith.constant 16 : index
      %get3A_427 = tpu.vector_load %arg8[%get3A_425, %get3A_426] {strides = array<i32>} : memref<128x128xf32, #tpu.memory_space<vmem>>, vector<1x16xf32>,
      %get3A_428 = vector.shape_cast %get3A_427 : vector<1x16xf32> to vector<16xf32>
      %mul3A_429 = arith.constant 11.3137083 : f32
      %mul3A_430 = vector.broadcast %mul3A_429 : f32 to vector<16xf32>
      %mul3A_431 = arith.mulf %get3A_428, %mul3A_430 : vector<16xf32>
      %swap3A_432 = arith.index_cast %scan3A_412 : i32 to index
      %swap3A_433 = arith.constant 16 : index
      %swap3A_434 = tpu.vector_load %arg8[%swap3A_432, %swap3A_433] {strides = array<i32>} : memref<128x128xf32, #tpu.memory_space<vmem>>, vector<1x16xf32>,
      %swap3A_435 = vector.shape_cast %swap3A_434 : vector<1x16xf32> to vector<16xf32>
      %swap3A_436 = vector.shape_cast %mul3A_431 : vector<16xf32> to vector<1x16xf32>
      tpu.vector_store %arg8[%swap3A_432, %swap3A_433], %swap3A_436 {strides = array<i32>} : memref<128x128xf32, #tpu.memory_space<vmem>>, vector<1x16xf32>,
      %get3A_437 = arith.index_cast %scan3A_412 : i32 to index
      %get3A_438 = arith.constant 32 : index
      %get3A_439 = tpu.vector_load %arg8[%get3A_437, %get3A_438] {strides = array<i32>} : memref<128x128xf32, #tpu.memory_space<vmem>>, vector<1x16xf32>,
      %get3A_440 = vector.shape_cast %get3A_439 : vector<1x16xf32> to vector<16xf32>
      %mul3A_441 = arith.constant 11.3137083 : f32
      %mul3A_442 = vector.broadcast %mul3A_441 : f32 to vector<16xf32>
      %mul3A_443 = arith.mulf %get3A_440, %mul3A_442 : vector<16xf32>
      %swap3A_444 = arith.index_cast %scan3A_412 : i32 to index
      %swap3A_445 = arith.constant 32 : index
      %swap3A_446 = tpu.vector_load %arg8[%swap3A_444, %swap3A_445] {strides = array<i32>} : memref<128x128xf32, #tpu.memory_space<vmem>>, vector<1x16xf32>,
      %swap3A_447 = vector.shape_cast %swap3A_446 : vector<1x16xf32> to vector<16xf32>
      %swap3A_448 = vector.shape_cast %mul3A_443 : vector<16xf32> to vector<1x16xf32>
      tpu.vector_store %arg8[%swap3A_444, %swap3A_445], %swap3A_448 {strides = array<i32>} : memref<128x128xf32, #tpu.memory_space<vmem>>, vector<1x16xf32>,
      %get3A_449 = arith.index_cast %scan3A_412 : i32 to index
      %get3A_450 = arith.constant 48 : index
      %get3A_451 = tpu.vector_load %arg8[%get3A_449, %get3A_450] {strides = array<i32>} : memref<128x128xf32, #tpu.memory_space<vmem>>, vector<1x16xf32>,
      %get3A_452 = vector.shape_cast %get3A_451 : vector<1x16xf32> to vector<16xf32>
      %mul3A_453 = arith.constant 11.3137083 : f32
      %mul3A_454 = vector.broadcast %mul3A_453 : f32 to vector<16xf32>
      %mul3A_455 = arith.mulf %get3A_452, %mul3A_454 : vector<16xf32>
      %swap3A_456 = arith.index_cast %scan3A_412 : i32 to index
      %swap3A_457 = arith.constant 48 : index
      %swap3A_458 = tpu.vector_load %arg8[%swap3A_456, %swap3A_457] {strides = array<i32>} : memref<128x128xf32, #tpu.memory_space<vmem>>, vector<1x16xf32>,
      %swap3A_459 = vector.shape_cast %swap3A_458 : vector<1x16xf32> to vector<16xf32>
      %swap3A_460 = vector.shape_cast %mul3A_455 : vector<16xf32> to vector<1x16xf32>
      tpu.vector_store %arg8[%swap3A_456, %swap3A_457], %swap3A_460 {strides = array<i32>} : memref<128x128xf32, #tpu.memory_space<vmem>>, vector<1x16xf32>,
      %get3A_461 = arith.index_cast %scan3A_412 : i32 to index
      %get3A_462 = arith.constant 64 : index
      %get3A_463 = tpu.vector_load %arg8[%get3A_461, %get3A_462] {strides = array<i32>} : memref<128x128xf32, #tpu.memory_space<vmem>>, vector<1x16xf32>,
      %get3A_464 = vector.shape_cast %get3A_463 : vector<1x16xf32> to vector<16xf32>
      %mul3A_465 = arith.constant 11.3137083 : f32
      %mul3A_466 = vector.broadcast %mul3A_465 : f32 to vector<16xf32>
      %mul3A_467 = arith.mulf %get3A_464, %mul3A_466 : vector<16xf32>
      %swap3A_468 = arith.index_cast %scan3A_412 : i32 to index
      %swap3A_469 = arith.constant 64 : index
      %swap3A_470 = tpu.vector_load %arg8[%swap3A_468, %swap3A_469] {strides = array<i32>} : memref<128x128xf32, #tpu.memory_space<vmem>>, vector<1x16xf32>,
      %swap3A_471 = vector.shape_cast %swap3A_470 : vector<1x16xf32> to vector<16xf32>
      %swap3A_472 = vector.shape_cast %mul3A_467 : vector<16xf32> to vector<1x16xf32>
      tpu.vector_store %arg8[%swap3A_468, %swap3A_469], %swap3A_472 {strides = array<i32>} : memref<128x128xf32, #tpu.memory_space<vmem>>, vector<1x16xf32>,
      %get3A_473 = arith.index_cast %scan3A_412 : i32 to index
      %get3A_474 = arith.constant 80 : index
      %get3A_475 = tpu.vector_load %arg8[%get3A_473, %get3A_474] {strides = array<i32>} : memref<128x128xf32, #tpu.memory_space<vmem>>, vector<1x16xf32>,
      %get3A_476 = vector.shape_cast %get3A_475 : vector<1x16xf32> to vector<16xf32>
      %mul3A_477 = arith.constant 11.3137083 : f32
      %mul3A_478 = vector.broadcast %mul3A_477 : f32 to vector<16xf32>
      %mul3A_479 = arith.mulf %get3A_476, %mul3A_478 : vector<16xf32>
      %swap3A_480 = arith.index_cast %scan3A_412 : i32 to index
      %swap3A_481 = arith.constant 80 : index
      %swap3A_482 = tpu.vector_load %arg8[%swap3A_480, %swap3A_481] {strides = array<i32>} : memref<128x128xf32, #tpu.memory_space<vmem>>, vector<1x16xf32>,
      %swap3A_483 = vector.shape_cast %swap3A_482 : vector<1x16xf32> to vector<16xf32>
      %swap3A_484 = vector.shape_cast %mul3A_479 : vector<16xf32> to vector<1x16xf32>
      tpu.vector_store %arg8[%swap3A_480, %swap3A_481], %swap3A_484 {strides = array<i32>} : memref<128x128xf32, #tpu.memory_space<vmem>>, vector<1x16xf32>,
      %get3A_485 = arith.index_cast %scan3A_412 : i32 to index
      %get3A_486 = arith.constant 96 : index
      %get3A_487 = tpu.vector_load %arg8[%get3A_485, %get3A_486] {strides = array<i32>} : memref<128x128xf32, #tpu.memory_space<vmem>>, vector<1x16xf32>,
      %get3A_488 = vector.shape_cast %get3A_487 : vector<1x16xf32> to vector<16xf32>
      %mul3A_489 = arith.constant 11.3137083 : f32
      %mul3A_490 = vector.broadcast %mul3A_489 : f32 to vector<16xf32>
      %mul3A_491 = arith.mulf %get3A_488, %mul3A_490 : vector<16xf32>
      %swap3A_492 = arith.index_cast %scan3A_412 : i32 to index
      %swap3A_493 = arith.constant 96 : index
      %swap3A_494 = tpu.vector_load %arg8[%swap3A_492, %swap3A_493] {strides = array<i32>} : memref<128x128xf32, #tpu.memory_space<vmem>>, vector<1x16xf32>,
      %swap3A_495 = vector.shape_cast %swap3A_494 : vector<1x16xf32> to vector<16xf32>
      %swap3A_496 = vector.shape_cast %mul3A_491 : vector<16xf32> to vector<1x16xf32>
      tpu.vector_store %arg8[%swap3A_492, %swap3A_493], %swap3A_496 {strides = array<i32>} : memref<128x128xf32, #tpu.memory_space<vmem>>, vector<1x16xf32>,
      %get3A_497 = arith.index_cast %scan3A_412 : i32 to index
      %get3A_498 = arith.constant 112 : index
      %get3A_499 = tpu.vector_load %arg8[%get3A_497, %get3A_498] {strides = array<i32>} : memref<128x128xf32, #tpu.memory_space<vmem>>, vector<1x16xf32>,
      %get3A_500 = vector.shape_cast %get3A_499 : vector<1x16xf32> to vector<16xf32>
      %mul3A_501 = arith.constant 11.3137083 : f32
      %mul3A_502 = vector.broadcast %mul3A_501 : f32 to vector<16xf32>
      %mul3A_503 = arith.mulf %get3A_500, %mul3A_502 : vector<16xf32>
      %swap3A_504 = arith.index_cast %scan3A_412 : i32 to index
      %swap3A_505 = arith.constant 112 : index
      %swap3A_506 = tpu.vector_load %arg8[%swap3A_504, %swap3A_505] {strides = array<i32>} : memref<128x128xf32, #tpu.memory_space<vmem>>, vector<1x16xf32>,
      %swap3A_507 = vector.shape_cast %swap3A_506 : vector<1x16xf32> to vector<16xf32>
      %swap3A_508 = vector.shape_cast %mul3A_503 : vector<16xf32> to vector<1x16xf32>
      tpu.vector_store %arg8[%swap3A_504, %swap3A_505], %swap3A_508 {strides = array<i32>} : memref<128x128xf32, #tpu.memory_space<vmem>>, vector<1x16xf32>,
    }
    %scan3A_95 = arith.constant 128 : i32
    %add3A_96 = arith.constant 256 : i32
    %add3A_97 = arith.addi %mul3A_2, %add3A_96 : i32
    %dma_start3A_98 = arith.constant 0 : i32
    %dma_start3A_99 = tpu.memref_slice %arg4[%add3A_97, %dma_start3A_98] : memref<819200x128xf32, #tpu.memory_space<hbm>> -> memref<128x128xf32, #tpu.memory_space<hbm>>
    %dma_start3A_100 = arith.constant 0 : i32
    %dma_start3A_101 = tpu.memref_slice %arg4[%add3A_97, %dma_start3A_100] : memref<819200x128xf32, #tpu.memory_space<hbm>> -> memref<128x128xf32, #tpu.memory_space<hbm>>
    tpu.enqueue_dma source(%arg8 : memref<128x128xf32, #tpu.memory_space<vmem>>) target(%dma_start3A_101 : memref<128x128xf32, #tpu.memory_space<hbm>>) target_semaphore(%arg18 : memref<!tpu.dma_semaphore, #tpu.memory_space<semaphore_mem>>)
    %dma_wait3A_102 = arith.constant 0 : i32
    %dma_wait3A_103 = arith.constant 0 : i32
    %dma_wait3A_104 = tpu.memref_slice %arg4[%dma_wait3A_102, %dma_wait3A_103] : memref<819200x128xf32, #tpu.memory_space<hbm>> -> memref<128x128xf32, #tpu.memory_space<hbm>>
    %dma_wait3A_105 = arith.constant 0 : i32
    %dma_wait3A_106 = arith.constant 0 : i32
    %dma_wait3A_107 = tpu.memref_slice %arg4[%dma_wait3A_105, %dma_wait3A_106] : memref<819200x128xf32, #tpu.memory_space<hbm>> -> memref<128x128xf32, #tpu.memory_space<hbm>>
    tpu.wait_dma2 semaphore(%arg17 : memref<!tpu.dma_semaphore, #tpu.memory_space<semaphore_mem>>) src(%arg7 : memref<128x128xf32, #tpu.memory_space<vmem>>) dst(%dma_wait3A_107 : memref<128x128xf32, #tpu.memory_space<hbm>>)
    %dma_start3A_108 = arith.constant 6 : i32
    %dma_start3A_109 = arith.constant 0 : i32
    %dma_start3A_110 = tpu.memref_slice %arg5[%dma_start3A_108, %dma_start3A_109] : memref<200x128xi32, #tpu.memory_space<vmem>> -> memref<1x128xi32, #tpu.memory_space<vmem>>
    %dma_start3A_111 = tpu.memref_squeeze %dma_start3A_110 : memref<1x128xi32, #tpu.memory_space<vmem>> -> memref<128xi32, #tpu.memory_space<vmem>>
    %dma_start3A_112 = arith.constant 0 : i32
    %dma_start3A_113 = arith.constant 0 : i32
    %dma_start3A_114 = tpu.memref_slice %arg3[%dma_start3A_112, %dma_start3A_113] : memref<1000000x128xf32, #tpu.memory_space<hbm>> -> memref<1000000x128xf32, #tpu.memory_space<hbm>>
    tpu.enqueue_indirect_dma source(%dma_start3A_114 : memref<1000000x128xf32, #tpu.memory_space<hbm>>) target(%arg7 : memref<128x128xf32, #tpu.memory_space<vmem>>) offsets(%dma_start3A_111 : memref<128xi32, #tpu.memory_space<vmem>>) semaphore(%arg12 : memref<!tpu.dma_semaphore, #tpu.memory_space<semaphore_mem>>)
    %dma_wait3A_115 = arith.constant 0 : i32
    %dma_wait3A_116 = arith.constant 0 : i32
    %dma_wait3A_117 = tpu.memref_slice %arg3[%dma_wait3A_115, %dma_wait3A_116] : memref<1000000x128xf32, #tpu.memory_space<hbm>> -> memref<128x128xf32, #tpu.memory_space<hbm>>
    %dma_wait3A_118 = arith.constant 0 : i32
    %dma_wait3A_119 = arith.constant 0 : i32
    %dma_wait3A_120 = tpu.memref_slice %arg3[%dma_wait3A_118, %dma_wait3A_119] : memref<1000000x128xf32, #tpu.memory_space<hbm>> -> memref<128x128xf32, #tpu.memory_space<hbm>>
    tpu.wait_dma2 semaphore(%arg14 : memref<!tpu.dma_semaphore, #tpu.memory_space<semaphore_mem>>) src(%dma_wait3A_120 : memref<128x128xf32, #tpu.memory_space<hbm>>) dst(%arg9 : memref<128x128xf32, #tpu.memory_space<vmem>>)
    %scan3A_121 = arith.constant 0 : i32
    %scan3A_122 = arith.constant 0 : i32
    %scan3A_123 = arith.constant 128 : i32
    %scan3A_124 = arith.addi %scan3A_122, %scan3A_123 : i32
    %scan3A_125 = arith.constant 2 : i32
    scf.for %scan3A_316 = %scan3A_122 to %scan3A_124 step %scan3A_125  : i32 {
      %get3A = arith.index_cast %scan3A_316 : i32 to index
      %get3A_317 = arith.constant 0 : index
      %get3A_318 = tpu.vector_load %arg9[%get3A, %get3A_317] {strides = array<i32>} : memref<128x128xf32, #tpu.memory_space<vmem>>, vector<1x16xf32>,
      %get3A_319 = vector.shape_cast %get3A_318 : vector<1x16xf32> to vector<16xf32>
      %mul3A_320 = arith.constant 11.3137083 : f32
      %mul3A_321 = vector.broadcast %mul3A_320 : f32 to vector<16xf32>
      %mul3A_322 = arith.mulf %get3A_319, %mul3A_321 : vector<16xf32>
      %swap3A = arith.index_cast %scan3A_316 : i32 to index
      %swap3A_323 = arith.constant 0 : index
      %swap3A_324 = tpu.vector_load %arg9[%swap3A, %swap3A_323] {strides = array<i32>} : memref<128x128xf32, #tpu.memory_space<vmem>>, vector<1x16xf32>,
      %swap3A_325 = vector.shape_cast %swap3A_324 : vector<1x16xf32> to vector<16xf32>
      %swap3A_326 = vector.shape_cast %mul3A_322 : vector<16xf32> to vector<1x16xf32>
      tpu.vector_store %arg9[%swap3A, %swap3A_323], %swap3A_326 {strides = array<i32>} : memref<128x128xf32, #tpu.memory_space<vmem>>, vector<1x16xf32>,
      %get3A_327 = arith.index_cast %scan3A_316 : i32 to index
      %get3A_328 = arith.constant 16 : index
      %get3A_329 = tpu.vector_load %arg9[%get3A_327, %get3A_328] {strides = array<i32>} : memref<128x128xf32, #tpu.memory_space<vmem>>, vector<1x16xf32>,
      %get3A_330 = vector.shape_cast %get3A_329 : vector<1x16xf32> to vector<16xf32>
      %mul3A_331 = arith.constant 11.3137083 : f32
      %mul3A_332 = vector.broadcast %mul3A_331 : f32 to vector<16xf32>
      %mul3A_333 = arith.mulf %get3A_330, %mul3A_332 : vector<16xf32>
      %swap3A_334 = arith.index_cast %scan3A_316 : i32 to index
      %swap3A_335 = arith.constant 16 : index
      %swap3A_336 = tpu.vector_load %arg9[%swap3A_334, %swap3A_335] {strides = array<i32>} : memref<128x128xf32, #tpu.memory_space<vmem>>, vector<1x16xf32>,
      %swap3A_337 = vector.shape_cast %swap3A_336 : vector<1x16xf32> to vector<16xf32>
      %swap3A_338 = vector.shape_cast %mul3A_333 : vector<16xf32> to vector<1x16xf32>
      tpu.vector_store %arg9[%swap3A_334, %swap3A_335], %swap3A_338 {strides = array<i32>} : memref<128x128xf32, #tpu.memory_space<vmem>>, vector<1x16xf32>,
      %get3A_339 = arith.index_cast %scan3A_316 : i32 to index
      %get3A_340 = arith.constant 32 : index
      %get3A_341 = tpu.vector_load %arg9[%get3A_339, %get3A_340] {strides = array<i32>} : memref<128x128xf32, #tpu.memory_space<vmem>>, vector<1x16xf32>,
      %get3A_342 = vector.shape_cast %get3A_341 : vector<1x16xf32> to vector<16xf32>
      %mul3A_343 = arith.constant 11.3137083 : f32
      %mul3A_344 = vector.broadcast %mul3A_343 : f32 to vector<16xf32>
      %mul3A_345 = arith.mulf %get3A_342, %mul3A_344 : vector<16xf32>
      %swap3A_346 = arith.index_cast %scan3A_316 : i32 to index
      %swap3A_347 = arith.constant 32 : index
      %swap3A_348 = tpu.vector_load %arg9[%swap3A_346, %swap3A_347] {strides = array<i32>} : memref<128x128xf32, #tpu.memory_space<vmem>>, vector<1x16xf32>,
      %swap3A_349 = vector.shape_cast %swap3A_348 : vector<1x16xf32> to vector<16xf32>
      %swap3A_350 = vector.shape_cast %mul3A_345 : vector<16xf32> to vector<1x16xf32>
      tpu.vector_store %arg9[%swap3A_346, %swap3A_347], %swap3A_350 {strides = array<i32>} : memref<128x128xf32, #tpu.memory_space<vmem>>, vector<1x16xf32>,
      %get3A_351 = arith.index_cast %scan3A_316 : i32 to index
      %get3A_352 = arith.constant 48 : index
      %get3A_353 = tpu.vector_load %arg9[%get3A_351, %get3A_352] {strides = array<i32>} : memref<128x128xf32, #tpu.memory_space<vmem>>, vector<1x16xf32>,
      %get3A_354 = vector.shape_cast %get3A_353 : vector<1x16xf32> to vector<16xf32>
      %mul3A_355 = arith.constant 11.3137083 : f32
      %mul3A_356 = vector.broadcast %mul3A_355 : f32 to vector<16xf32>
      %mul3A_357 = arith.mulf %get3A_354, %mul3A_356 : vector<16xf32>
      %swap3A_358 = arith.index_cast %scan3A_316 : i32 to index
      %swap3A_359 = arith.constant 48 : index
      %swap3A_360 = tpu.vector_load %arg9[%swap3A_358, %swap3A_359] {strides = array<i32>} : memref<128x128xf32, #tpu.memory_space<vmem>>, vector<1x16xf32>,
      %swap3A_361 = vector.shape_cast %swap3A_360 : vector<1x16xf32> to vector<16xf32>
      %swap3A_362 = vector.shape_cast %mul3A_357 : vector<16xf32> to vector<1x16xf32>
      tpu.vector_store %arg9[%swap3A_358, %swap3A_359], %swap3A_362 {strides = array<i32>} : memref<128x128xf32, #tpu.memory_space<vmem>>, vector<1x16xf32>,
      %get3A_363 = arith.index_cast %scan3A_316 : i32 to index
      %get3A_364 = arith.constant 64 : index
      %get3A_365 = tpu.vector_load %arg9[%get3A_363, %get3A_364] {strides = array<i32>} : memref<128x128xf32, #tpu.memory_space<vmem>>, vector<1x16xf32>,
      %get3A_366 = vector.shape_cast %get3A_365 : vector<1x16xf32> to vector<16xf32>
      %mul3A_367 = arith.constant 11.3137083 : f32
      %mul3A_368 = vector.broadcast %mul3A_367 : f32 to vector<16xf32>
      %mul3A_369 = arith.mulf %get3A_366, %mul3A_368 : vector<16xf32>
      %swap3A_370 = arith.index_cast %scan3A_316 : i32 to index
      %swap3A_371 = arith.constant 64 : index
      %swap3A_372 = tpu.vector_load %arg9[%swap3A_370, %swap3A_371] {strides = array<i32>} : memref<128x128xf32, #tpu.memory_space<vmem>>, vector<1x16xf32>,
      %swap3A_373 = vector.shape_cast %swap3A_372 : vector<1x16xf32> to vector<16xf32>
      %swap3A_374 = vector.shape_cast %mul3A_369 : vector<16xf32> to vector<1x16xf32>
      tpu.vector_store %arg9[%swap3A_370, %swap3A_371], %swap3A_374 {strides = array<i32>} : memref<128x128xf32, #tpu.memory_space<vmem>>, vector<1x16xf32>,
      %get3A_375 = arith.index_cast %scan3A_316 : i32 to index
      %get3A_376 = arith.constant 80 : index
      %get3A_377 = tpu.vector_load %arg9[%get3A_375, %get3A_376] {strides = array<i32>} : memref<128x128xf32, #tpu.memory_space<vmem>>, vector<1x16xf32>,
      %get3A_378 = vector.shape_cast %get3A_377 : vector<1x16xf32> to vector<16xf32>
      %mul3A_379 = arith.constant 11.3137083 : f32
      %mul3A_380 = vector.broadcast %mul3A_379 : f32 to vector<16xf32>
      %mul3A_381 = arith.mulf %get3A_378, %mul3A_380 : vector<16xf32>
      %swap3A_382 = arith.index_cast %scan3A_316 : i32 to index
      %swap3A_383 = arith.constant 80 : index
      %swap3A_384 = tpu.vector_load %arg9[%swap3A_382, %swap3A_383] {strides = array<i32>} : memref<128x128xf32, #tpu.memory_space<vmem>>, vector<1x16xf32>,
      %swap3A_385 = vector.shape_cast %swap3A_384 : vector<1x16xf32> to vector<16xf32>
      %swap3A_386 = vector.shape_cast %mul3A_381 : vector<16xf32> to vector<1x16xf32>
      tpu.vector_store %arg9[%swap3A_382, %swap3A_383], %swap3A_386 {strides = array<i32>} : memref<128x128xf32, #tpu.memory_space<vmem>>, vector<1x16xf32>,
      %get3A_387 = arith.index_cast %scan3A_316 : i32 to index
      %get3A_388 = arith.constant 96 : index
      %get3A_389 = tpu.vector_load %arg9[%get3A_387, %get3A_388] {strides = array<i32>} : memref<128x128xf32, #tpu.memory_space<vmem>>, vector<1x16xf32>,
      %get3A_390 = vector.shape_cast %get3A_389 : vector<1x16xf32> to vector<16xf32>
      %mul3A_391 = arith.constant 11.3137083 : f32
      %mul3A_392 = vector.broadcast %mul3A_391 : f32 to vector<16xf32>
      %mul3A_393 = arith.mulf %get3A_390, %mul3A_392 : vector<16xf32>
      %swap3A_394 = arith.index_cast %scan3A_316 : i32 to index
      %swap3A_395 = arith.constant 96 : index
      %swap3A_396 = tpu.vector_load %arg9[%swap3A_394, %swap3A_395] {strides = array<i32>} : memref<128x128xf32, #tpu.memory_space<vmem>>, vector<1x16xf32>,
      %swap3A_397 = vector.shape_cast %swap3A_396 : vector<1x16xf32> to vector<16xf32>
      %swap3A_398 = vector.shape_cast %mul3A_393 : vector<16xf32> to vector<1x16xf32>
      tpu.vector_store %arg9[%swap3A_394, %swap3A_395], %swap3A_398 {strides = array<i32>} : memref<128x128xf32, #tpu.memory_space<vmem>>, vector<1x16xf32>,
      %get3A_399 = arith.index_cast %scan3A_316 : i32 to index
      %get3A_400 = arith.constant 112 : index
      %get3A_401 = tpu.vector_load %arg9[%get3A_399, %get3A_400] {strides = array<i32>} : memref<128x128xf32, #tpu.memory_space<vmem>>, vector<1x16xf32>,
      %get3A_402 = vector.shape_cast %get3A_401 : vector<1x16xf32> to vector<16xf32>
      %mul3A_403 = arith.constant 11.3137083 : f32
      %mul3A_404 = vector.broadcast %mul3A_403 : f32 to vector<16xf32>
      %mul3A_405 = arith.mulf %get3A_402, %mul3A_404 : vector<16xf32>
      %swap3A_406 = arith.index_cast %scan3A_316 : i32 to index
      %swap3A_407 = arith.constant 112 : index
      %swap3A_408 = tpu.vector_load %arg9[%swap3A_406, %swap3A_407] {strides = array<i32>} : memref<128x128xf32, #tpu.memory_space<vmem>>, vector<1x16xf32>,
      %swap3A_409 = vector.shape_cast %swap3A_408 : vector<1x16xf32> to vector<16xf32>
      %swap3A_410 = vector.shape_cast %mul3A_405 : vector<16xf32> to vector<1x16xf32>
      tpu.vector_store %arg9[%swap3A_406, %swap3A_407], %swap3A_410 {strides = array<i32>} : memref<128x128xf32, #tpu.memory_space<vmem>>, vector<1x16xf32>,
      %scan3A_411 = arith.constant 1 : i32
      %scan3A_412 = arith.addi %scan3A_316, %scan3A_411 : i32
      %get3A_413 = arith.index_cast %scan3A_412 : i32 to index
      %get3A_414 = arith.constant 0 : index
      %get3A_415 = tpu.vector_load %arg9[%get3A_413, %get3A_414] {strides = array<i32>} : memref<128x128xf32, #tpu.memory_space<vmem>>, vector<1x16xf32>,
      %get3A_416 = vector.shape_cast %get3A_415 : vector<1x16xf32> to vector<16xf32>
      %mul3A_417 = arith.constant 11.3137083 : f32
      %mul3A_418 = vector.broadcast %mul3A_417 : f32 to vector<16xf32>
      %mul3A_419 = arith.mulf %get3A_416, %mul3A_418 : vector<16xf32>
      %swap3A_420 = arith.index_cast %scan3A_412 : i32 to index
      %swap3A_421 = arith.constant 0 : index
      %swap3A_422 = tpu.vector_load %arg9[%swap3A_420, %swap3A_421] {strides = array<i32>} : memref<128x128xf32, #tpu.memory_space<vmem>>, vector<1x16xf32>,
      %swap3A_423 = vector.shape_cast %swap3A_422 : vector<1x16xf32> to vector<16xf32>
      %swap3A_424 = vector.shape_cast %mul3A_419 : vector<16xf32> to vector<1x16xf32>
      tpu.vector_store %arg9[%swap3A_420, %swap3A_421], %swap3A_424 {strides = array<i32>} : memref<128x128xf32, #tpu.memory_space<vmem>>, vector<1x16xf32>,
      %get3A_425 = arith.index_cast %scan3A_412 : i32 to index
      %get3A_426 = arith.constant 16 : index
      %get3A_427 = tpu.vector_load %arg9[%get3A_425, %get3A_426] {strides = array<i32>} : memref<128x128xf32, #tpu.memory_space<vmem>>, vector<1x16xf32>,
      %get3A_428 = vector.shape_cast %get3A_427 : vector<1x16xf32> to vector<16xf32>
      %mul3A_429 = arith.constant 11.3137083 : f32
      %mul3A_430 = vector.broadcast %mul3A_429 : f32 to vector<16xf32>
      %mul3A_431 = arith.mulf %get3A_428, %mul3A_430 : vector<16xf32>
      %swap3A_432 = arith.index_cast %scan3A_412 : i32 to index
      %swap3A_433 = arith.constant 16 : index
      %swap3A_434 = tpu.vector_load %arg9[%swap3A_432, %swap3A_433] {strides = array<i32>} : memref<128x128xf32, #tpu.memory_space<vmem>>, vector<1x16xf32>,
      %swap3A_435 = vector.shape_cast %swap3A_434 : vector<1x16xf32> to vector<16xf32>
      %swap3A_436 = vector.shape_cast %mul3A_431 : vector<16xf32> to vector<1x16xf32>
      tpu.vector_store %arg9[%swap3A_432, %swap3A_433], %swap3A_436 {strides = array<i32>} : memref<128x128xf32, #tpu.memory_space<vmem>>, vector<1x16xf32>,
      %get3A_437 = arith.index_cast %scan3A_412 : i32 to index
      %get3A_438 = arith.constant 32 : index
      %get3A_439 = tpu.vector_load %arg9[%get3A_437, %get3A_438] {strides = array<i32>} : memref<128x128xf32, #tpu.memory_space<vmem>>, vector<1x16xf32>,
      %get3A_440 = vector.shape_cast %get3A_439 : vector<1x16xf32> to vector<16xf32>
      %mul3A_441 = arith.constant 11.3137083 : f32
      %mul3A_442 = vector.broadcast %mul3A_441 : f32 to vector<16xf32>
      %mul3A_443 = arith.mulf %get3A_440, %mul3A_442 : vector<16xf32>
      %swap3A_444 = arith.index_cast %scan3A_412 : i32 to index
      %swap3A_445 = arith.constant 32 : index
      %swap3A_446 = tpu.vector_load %arg9[%swap3A_444, %swap3A_445] {strides = array<i32>} : memref<128x128xf32, #tpu.memory_space<vmem>>, vector<1x16xf32>,
      %swap3A_447 = vector.shape_cast %swap3A_446 : vector<1x16xf32> to vector<16xf32>
      %swap3A_448 = vector.shape_cast %mul3A_443 : vector<16xf32> to vector<1x16xf32>
      tpu.vector_store %arg9[%swap3A_444, %swap3A_445], %swap3A_448 {strides = array<i32>} : memref<128x128xf32, #tpu.memory_space<vmem>>, vector<1x16xf32>,
      %get3A_449 = arith.index_cast %scan3A_412 : i32 to index
      %get3A_450 = arith.constant 48 : index
      %get3A_451 = tpu.vector_load %arg9[%get3A_449, %get3A_450] {strides = array<i32>} : memref<128x128xf32, #tpu.memory_space<vmem>>, vector<1x16xf32>,
      %get3A_452 = vector.shape_cast %get3A_451 : vector<1x16xf32> to vector<16xf32>
      %mul3A_453 = arith.constant 11.3137083 : f32
      %mul3A_454 = vector.broadcast %mul3A_453 : f32 to vector<16xf32>
      %mul3A_455 = arith.mulf %get3A_452, %mul3A_454 : vector<16xf32>
      %swap3A_456 = arith.index_cast %scan3A_412 : i32 to index
      %swap3A_457 = arith.constant 48 : index
      %swap3A_458 = tpu.vector_load %arg9[%swap3A_456, %swap3A_457] {strides = array<i32>} : memref<128x128xf32, #tpu.memory_space<vmem>>, vector<1x16xf32>,
      %swap3A_459 = vector.shape_cast %swap3A_458 : vector<1x16xf32> to vector<16xf32>
      %swap3A_460 = vector.shape_cast %mul3A_455 : vector<16xf32> to vector<1x16xf32>
      tpu.vector_store %arg9[%swap3A_456, %swap3A_457], %swap3A_460 {strides = array<i32>} : memref<128x128xf32, #tpu.memory_space<vmem>>, vector<1x16xf32>,
      %get3A_461 = arith.index_cast %scan3A_412 : i32 to index
      %get3A_462 = arith.constant 64 : index
      %get3A_463 = tpu.vector_load %arg9[%get3A_461, %get3A_462] {strides = array<i32>} : memref<128x128xf32, #tpu.memory_space<vmem>>, vector<1x16xf32>,
      %get3A_464 = vector.shape_cast %get3A_463 : vector<1x16xf32> to vector<16xf32>
      %mul3A_465 = arith.constant 11.3137083 : f32
      %mul3A_466 = vector.broadcast %mul3A_465 : f32 to vector<16xf32>
      %mul3A_467 = arith.mulf %get3A_464, %mul3A_466 : vector<16xf32>
      %swap3A_468 = arith.index_cast %scan3A_412 : i32 to index
      %swap3A_469 = arith.constant 64 : index
      %swap3A_470 = tpu.vector_load %arg9[%swap3A_468, %swap3A_469] {strides = array<i32>} : memref<128x128xf32, #tpu.memory_space<vmem>>, vector<1x16xf32>,
      %swap3A_471 = vector.shape_cast %swap3A_470 : vector<1x16xf32> to vector<16xf32>
      %swap3A_472 = vector.shape_cast %mul3A_467 : vector<16xf32> to vector<1x16xf32>
      tpu.vector_store %arg9[%swap3A_468, %swap3A_469], %swap3A_472 {strides = array<i32>} : memref<128x128xf32, #tpu.memory_space<vmem>>, vector<1x16xf32>,
      %get3A_473 = arith.index_cast %scan3A_412 : i32 to index
      %get3A_474 = arith.constant 80 : index
      %get3A_475 = tpu.vector_load %arg9[%get3A_473, %get3A_474] {strides = array<i32>} : memref<128x128xf32, #tpu.memory_space<vmem>>, vector<1x16xf32>,
      %get3A_476 = vector.shape_cast %get3A_475 : vector<1x16xf32> to vector<16xf32>
      %mul3A_477 = arith.constant 11.3137083 : f32
      %mul3A_478 = vector.broadcast %mul3A_477 : f32 to vector<16xf32>
      %mul3A_479 = arith.mulf %get3A_476, %mul3A_478 : vector<16xf32>
      %swap3A_480 = arith.index_cast %scan3A_412 : i32 to index
      %swap3A_481 = arith.constant 80 : index
      %swap3A_482 = tpu.vector_load %arg9[%swap3A_480, %swap3A_481] {strides = array<i32>} : memref<128x128xf32, #tpu.memory_space<vmem>>, vector<1x16xf32>,
      %swap3A_483 = vector.shape_cast %swap3A_482 : vector<1x16xf32> to vector<16xf32>
      %swap3A_484 = vector.shape_cast %mul3A_479 : vector<16xf32> to vector<1x16xf32>
      tpu.vector_store %arg9[%swap3A_480, %swap3A_481], %swap3A_484 {strides = array<i32>} : memref<128x128xf32, #tpu.memory_space<vmem>>, vector<1x16xf32>,
      %get3A_485 = arith.index_cast %scan3A_412 : i32 to index
      %get3A_486 = arith.constant 96 : index
      %get3A_487 = tpu.vector_load %arg9[%get3A_485, %get3A_486] {strides = array<i32>} : memref<128x128xf32, #tpu.memory_space<vmem>>, vector<1x16xf32>,
      %get3A_488 = vector.shape_cast %get3A_487 : vector<1x16xf32> to vector<16xf32>
      %mul3A_489 = arith.constant 11.3137083 : f32
      %mul3A_490 = vector.broadcast %mul3A_489 : f32 to vector<16xf32>
      %mul3A_491 = arith.mulf %get3A_488, %mul3A_490 : vector<16xf32>
      %swap3A_492 = arith.index_cast %scan3A_412 : i32 to index
      %swap3A_493 = arith.constant 96 : index
      %swap3A_494 = tpu.vector_load %arg9[%swap3A_492, %swap3A_493] {strides = array<i32>} : memref<128x128xf32, #tpu.memory_space<vmem>>, vector<1x16xf32>,
      %swap3A_495 = vector.shape_cast %swap3A_494 : vector<1x16xf32> to vector<16xf32>
      %swap3A_496 = vector.shape_cast %mul3A_491 : vector<16xf32> to vector<1x16xf32>
      tpu.vector_store %arg9[%swap3A_492, %swap3A_493], %swap3A_496 {strides = array<i32>} : memref<128x128xf32, #tpu.memory_space<vmem>>, vector<1x16xf32>,
      %get3A_497 = arith.index_cast %scan3A_412 : i32 to index
      %get3A_498 = arith.constant 112 : index
      %get3A_499 = tpu.vector_load %arg9[%get3A_497, %get3A_498] {strides = array<i32>} : memref<128x128xf32, #tpu.memory_space<vmem>>, vector<1x16xf32>,
      %get3A_500 = vector.shape_cast %get3A_499 : vector<1x16xf32> to vector<16xf32>
      %mul3A_501 = arith.constant 11.3137083 : f32
      %mul3A_502 = vector.broadcast %mul3A_501 : f32 to vector<16xf32>
      %mul3A_503 = arith.mulf %get3A_500, %mul3A_502 : vector<16xf32>
      %swap3A_504 = arith.index_cast %scan3A_412 : i32 to index
      %swap3A_505 = arith.constant 112 : index
      %swap3A_506 = tpu.vector_load %arg9[%swap3A_504, %swap3A_505] {strides = array<i32>} : memref<128x128xf32, #tpu.memory_space<vmem>>, vector<1x16xf32>,
      %swap3A_507 = vector.shape_cast %swap3A_506 : vector<1x16xf32> to vector<16xf32>
      %swap3A_508 = vector.shape_cast %mul3A_503 : vector<16xf32> to vector<1x16xf32>
      tpu.vector_store %arg9[%swap3A_504, %swap3A_505], %swap3A_508 {strides = array<i32>} : memref<128x128xf32, #tpu.memory_space<vmem>>, vector<1x16xf32>,
    }
    %scan3A_126 = arith.constant 128 : i32
    %add3A_127 = arith.constant 384 : i32
    %add3A_128 = arith.addi %mul3A_2, %add3A_127 : i32
    %dma_start3A_129 = arith.constant 0 : i32
    %dma_start3A_130 = tpu.memref_slice %arg4[%add3A_128, %dma_start3A_129] : memref<819200x128xf32, #tpu.memory_space<hbm>> -> memref<128x128xf32, #tpu.memory_space<hbm>>
    %dma_start3A_131 = arith.constant 0 : i32
    %dma_start3A_132 = tpu.memref_slice %arg4[%add3A_128, %dma_start3A_131] : memref<819200x128xf32, #tpu.memory_space<hbm>> -> memref<128x128xf32, #tpu.memory_space<hbm>>
    tpu.enqueue_dma source(%arg9 : memref<128x128xf32, #tpu.memory_space<vmem>>) target(%dma_start3A_132 : memref<128x128xf32, #tpu.memory_space<hbm>>) target_semaphore(%arg19 : memref<!tpu.dma_semaphore, #tpu.memory_space<semaphore_mem>>)
    %dma_wait3A_133 = arith.constant 0 : i32
    %dma_wait3A_134 = arith.constant 0 : i32
    %dma_wait3A_135 = tpu.memref_slice %arg4[%dma_wait3A_133, %dma_wait3A_134] : memref<819200x128xf32, #tpu.memory_space<hbm>> -> memref<128x128xf32, #tpu.memory_space<hbm>>
    %dma_wait3A_136 = arith.constant 0 : i32
    %dma_wait3A_137 = arith.constant 0 : i32
    %dma_wait3A_138 = tpu.memref_slice %arg4[%dma_wait3A_136, %dma_wait3A_137] : memref<819200x128xf32, #tpu.memory_space<hbm>> -> memref<128x128xf32, #tpu.memory_space<hbm>>
    tpu.wait_dma2 semaphore(%arg18 : memref<!tpu.dma_semaphore, #tpu.memory_space<semaphore_mem>>) src(%arg8 : memref<128x128xf32, #tpu.memory_space<vmem>>) dst(%dma_wait3A_138 : memref<128x128xf32, #tpu.memory_space<hbm>>)
    %dma_start3A_139 = arith.constant 7 : i32
    %dma_start3A_140 = arith.constant 0 : i32
    %dma_start3A_141 = tpu.memref_slice %arg5[%dma_start3A_139, %dma_start3A_140] : memref<200x128xi32, #tpu.memory_space<vmem>> -> memref<1x128xi32, #tpu.memory_space<vmem>>
    %dma_start3A_142 = tpu.memref_squeeze %dma_start3A_141 : memref<1x128xi32, #tpu.memory_space<vmem>> -> memref<128xi32, #tpu.memory_space<vmem>>
    %dma_start3A_143 = arith.constant 0 : i32
    %dma_start3A_144 = arith.constant 0 : i32
    %dma_start3A_145 = tpu.memref_slice %arg3[%dma_start3A_143, %dma_start3A_144] : memref<1000000x128xf32, #tpu.memory_space<hbm>> -> memref<1000000x128xf32, #tpu.memory_space<hbm>>
    tpu.enqueue_indirect_dma source(%dma_start3A_145 : memref<1000000x128xf32, #tpu.memory_space<hbm>>) target(%arg8 : memref<128x128xf32, #tpu.memory_space<vmem>>) offsets(%dma_start3A_142 : memref<128xi32, #tpu.memory_space<vmem>>) semaphore(%arg13 : memref<!tpu.dma_semaphore, #tpu.memory_space<semaphore_mem>>)
    %dma_wait3A_146 = arith.constant 0 : i32
    %dma_wait3A_147 = arith.constant 0 : i32
    %dma_wait3A_148 = tpu.memref_slice %arg3[%dma_wait3A_146, %dma_wait3A_147] : memref<1000000x128xf32, #tpu.memory_space<hbm>> -> memref<128x128xf32, #tpu.memory_space<hbm>>
    %dma_wait3A_149 = arith.constant 0 : i32
    %dma_wait3A_150 = arith.constant 0 : i32
    %dma_wait3A_151 = tpu.memref_slice %arg3[%dma_wait3A_149, %dma_wait3A_150] : memref<1000000x128xf32, #tpu.memory_space<hbm>> -> memref<128x128xf32, #tpu.memory_space<hbm>>
    tpu.wait_dma2 semaphore(%arg15 : memref<!tpu.dma_semaphore, #tpu.memory_space<semaphore_mem>>) src(%dma_wait3A_151 : memref<128x128xf32, #tpu.memory_space<hbm>>) dst(%arg10 : memref<128x128xf32, #tpu.memory_space<vmem>>)
    %scan3A_152 = arith.constant 0 : i32
    %scan3A_153 = arith.constant 0 : i32
    %scan3A_154 = arith.constant 128 : i32
    %scan3A_155 = arith.addi %scan3A_153, %scan3A_154 : i32
    %scan3A_156 = arith.constant 2 : i32
    scf.for %scan3A_316 = %scan3A_153 to %scan3A_155 step %scan3A_156  : i32 {
      %get3A = arith.index_cast %scan3A_316 : i32 to index
      %get3A_317 = arith.constant 0 : index
      %get3A_318 = tpu.vector_load %arg10[%get3A, %get3A_317] {strides = array<i32>} : memref<128x128xf32, #tpu.memory_space<vmem>>, vector<1x16xf32>,
      %get3A_319 = vector.shape_cast %get3A_318 : vector<1x16xf32> to vector<16xf32>
      %mul3A_320 = arith.constant 11.3137083 : f32
      %mul3A_321 = vector.broadcast %mul3A_320 : f32 to vector<16xf32>
      %mul3A_322 = arith.mulf %get3A_319, %mul3A_321 : vector<16xf32>
      %swap3A = arith.index_cast %scan3A_316 : i32 to index
      %swap3A_323 = arith.constant 0 : index
      %swap3A_324 = tpu.vector_load %arg10[%swap3A, %swap3A_323] {strides = array<i32>} : memref<128x128xf32, #tpu.memory_space<vmem>>, vector<1x16xf32>,
      %swap3A_325 = vector.shape_cast %swap3A_324 : vector<1x16xf32> to vector<16xf32>
      %swap3A_326 = vector.shape_cast %mul3A_322 : vector<16xf32> to vector<1x16xf32>
      tpu.vector_store %arg10[%swap3A, %swap3A_323], %swap3A_326 {strides = array<i32>} : memref<128x128xf32, #tpu.memory_space<vmem>>, vector<1x16xf32>,
      %get3A_327 = arith.index_cast %scan3A_316 : i32 to index
      %get3A_328 = arith.constant 16 : index
      %get3A_329 = tpu.vector_load %arg10[%get3A_327, %get3A_328] {strides = array<i32>} : memref<128x128xf32, #tpu.memory_space<vmem>>, vector<1x16xf32>,
      %get3A_330 = vector.shape_cast %get3A_329 : vector<1x16xf32> to vector<16xf32>
      %mul3A_331 = arith.constant 11.3137083 : f32
      %mul3A_332 = vector.broadcast %mul3A_331 : f32 to vector<16xf32>
      %mul3A_333 = arith.mulf %get3A_330, %mul3A_332 : vector<16xf32>
      %swap3A_334 = arith.index_cast %scan3A_316 : i32 to index
      %swap3A_335 = arith.constant 16 : index
      %swap3A_336 = tpu.vector_load %arg10[%swap3A_334, %swap3A_335] {strides = array<i32>} : memref<128x128xf32, #tpu.memory_space<vmem>>, vector<1x16xf32>,
      %swap3A_337 = vector.shape_cast %swap3A_336 : vector<1x16xf32> to vector<16xf32>
      %swap3A_338 = vector.shape_cast %mul3A_333 : vector<16xf32> to vector<1x16xf32>
      tpu.vector_store %arg10[%swap3A_334, %swap3A_335], %swap3A_338 {strides = array<i32>} : memref<128x128xf32, #tpu.memory_space<vmem>>, vector<1x16xf32>,
      %get3A_339 = arith.index_cast %scan3A_316 : i32 to index
      %get3A_340 = arith.constant 32 : index
      %get3A_341 = tpu.vector_load %arg10[%get3A_339, %get3A_340] {strides = array<i32>} : memref<128x128xf32, #tpu.memory_space<vmem>>, vector<1x16xf32>,
      %get3A_342 = vector.shape_cast %get3A_341 : vector<1x16xf32> to vector<16xf32>
      %mul3A_343 = arith.constant 11.3137083 : f32
      %mul3A_344 = vector.broadcast %mul3A_343 : f32 to vector<16xf32>
      %mul3A_345 = arith.mulf %get3A_342, %mul3A_344 : vector<16xf32>
      %swap3A_346 = arith.index_cast %scan3A_316 : i32 to index
      %swap3A_347 = arith.constant 32 : index
      %swap3A_348 = tpu.vector_load %arg10[%swap3A_346, %swap3A_347] {strides = array<i32>} : memref<128x128xf32, #tpu.memory_space<vmem>>, vector<1x16xf32>,
      %swap3A_349 = vector.shape_cast %swap3A_348 : vector<1x16xf32> to vector<16xf32>
      %swap3A_350 = vector.shape_cast %mul3A_345 : vector<16xf32> to vector<1x16xf32>
      tpu.vector_store %arg10[%swap3A_346, %swap3A_347], %swap3A_350 {strides = array<i32>} : memref<128x128xf32, #tpu.memory_space<vmem>>, vector<1x16xf32>,
      %get3A_351 = arith.index_cast %scan3A_316 : i32 to index
      %get3A_352 = arith.constant 48 : index
      %get3A_353 = tpu.vector_load %arg10[%get3A_351, %get3A_352] {strides = array<i32>} : memref<128x128xf32, #tpu.memory_space<vmem>>, vector<1x16xf32>,
      %get3A_354 = vector.shape_cast %get3A_353 : vector<1x16xf32> to vector<16xf32>
      %mul3A_355 = arith.constant 11.3137083 : f32
      %mul3A_356 = vector.broadcast %mul3A_355 : f32 to vector<16xf32>
      %mul3A_357 = arith.mulf %get3A_354, %mul3A_356 : vector<16xf32>
      %swap3A_358 = arith.index_cast %scan3A_316 : i32 to index
      %swap3A_359 = arith.constant 48 : index
      %swap3A_360 = tpu.vector_load %arg10[%swap3A_358, %swap3A_359] {strides = array<i32>} : memref<128x128xf32, #tpu.memory_space<vmem>>, vector<1x16xf32>,
      %swap3A_361 = vector.shape_cast %swap3A_360 : vector<1x16xf32> to vector<16xf32>
      %swap3A_362 = vector.shape_cast %mul3A_357 : vector<16xf32> to vector<1x16xf32>
      tpu.vector_store %arg10[%swap3A_358, %swap3A_359], %swap3A_362 {strides = array<i32>} : memref<128x128xf32, #tpu.memory_space<vmem>>, vector<1x16xf32>,
      %get3A_363 = arith.index_cast %scan3A_316 : i32 to index
      %get3A_364 = arith.constant 64 : index
      %get3A_365 = tpu.vector_load %arg10[%get3A_363, %get3A_364] {strides = array<i32>} : memref<128x128xf32, #tpu.memory_space<vmem>>, vector<1x16xf32>,
      %get3A_366 = vector.shape_cast %get3A_365 : vector<1x16xf32> to vector<16xf32>
      %mul3A_367 = arith.constant 11.3137083 : f32
      %mul3A_368 = vector.broadcast %mul3A_367 : f32 to vector<16xf32>
      %mul3A_369 = arith.mulf %get3A_366, %mul3A_368 : vector<16xf32>
      %swap3A_370 = arith.index_cast %scan3A_316 : i32 to index
      %swap3A_371 = arith.constant 64 : index
      %swap3A_372 = tpu.vector_load %arg10[%swap3A_370, %swap3A_371] {strides = array<i32>} : memref<128x128xf32, #tpu.memory_space<vmem>>, vector<1x16xf32>,
      %swap3A_373 = vector.shape_cast %swap3A_372 : vector<1x16xf32> to vector<16xf32>
      %swap3A_374 = vector.shape_cast %mul3A_369 : vector<16xf32> to vector<1x16xf32>
      tpu.vector_store %arg10[%swap3A_370, %swap3A_371], %swap3A_374 {strides = array<i32>} : memref<128x128xf32, #tpu.memory_space<vmem>>, vector<1x16xf32>,
      %get3A_375 = arith.index_cast %scan3A_316 : i32 to index
      %get3A_376 = arith.constant 80 : index
      %get3A_377 = tpu.vector_load %arg10[%get3A_375, %get3A_376] {strides = array<i32>} : memref<128x128xf32, #tpu.memory_space<vmem>>, vector<1x16xf32>,
      %get3A_378 = vector.shape_cast %get3A_377 : vector<1x16xf32> to vector<16xf32>
      %mul3A_379 = arith.constant 11.3137083 : f32
      %mul3A_380 = vector.broadcast %mul3A_379 : f32 to vector<16xf32>
      %mul3A_381 = arith.mulf %get3A_378, %mul3A_380 : vector<16xf32>
      %swap3A_382 = arith.index_cast %scan3A_316 : i32 to index
      %swap3A_383 = arith.constant 80 : index
      %swap3A_384 = tpu.vector_load %arg10[%swap3A_382, %swap3A_383] {strides = array<i32>} : memref<128x128xf32, #tpu.memory_space<vmem>>, vector<1x16xf32>,
      %swap3A_385 = vector.shape_cast %swap3A_384 : vector<1x16xf32> to vector<16xf32>
      %swap3A_386 = vector.shape_cast %mul3A_381 : vector<16xf32> to vector<1x16xf32>
      tpu.vector_store %arg10[%swap3A_382, %swap3A_383], %swap3A_386 {strides = array<i32>} : memref<128x128xf32, #tpu.memory_space<vmem>>, vector<1x16xf32>,
      %get3A_387 = arith.index_cast %scan3A_316 : i32 to index
      %get3A_388 = arith.constant 96 : index
      %get3A_389 = tpu.vector_load %arg10[%get3A_387, %get3A_388] {strides = array<i32>} : memref<128x128xf32, #tpu.memory_space<vmem>>, vector<1x16xf32>,
      %get3A_390 = vector.shape_cast %get3A_389 : vector<1x16xf32> to vector<16xf32>
      %mul3A_391 = arith.constant 11.3137083 : f32
      %mul3A_392 = vector.broadcast %mul3A_391 : f32 to vector<16xf32>
      %mul3A_393 = arith.mulf %get3A_390, %mul3A_392 : vector<16xf32>
      %swap3A_394 = arith.index_cast %scan3A_316 : i32 to index
      %swap3A_395 = arith.constant 96 : index
      %swap3A_396 = tpu.vector_load %arg10[%swap3A_394, %swap3A_395] {strides = array<i32>} : memref<128x128xf32, #tpu.memory_space<vmem>>, vector<1x16xf32>,
      %swap3A_397 = vector.shape_cast %swap3A_396 : vector<1x16xf32> to vector<16xf32>
      %swap3A_398 = vector.shape_cast %mul3A_393 : vector<16xf32> to vector<1x16xf32>
      tpu.vector_store %arg10[%swap3A_394, %swap3A_395], %swap3A_398 {strides = array<i32>} : memref<128x128xf32, #tpu.memory_space<vmem>>, vector<1x16xf32>,
      %get3A_399 = arith.index_cast %scan3A_316 : i32 to index
      %get3A_400 = arith.constant 112 : index
      %get3A_401 = tpu.vector_load %arg10[%get3A_399, %get3A_400] {strides = array<i32>} : memref<128x128xf32, #tpu.memory_space<vmem>>, vector<1x16xf32>,
      %get3A_402 = vector.shape_cast %get3A_401 : vector<1x16xf32> to vector<16xf32>
      %mul3A_403 = arith.constant 11.3137083 : f32
      %mul3A_404 = vector.broadcast %mul3A_403 : f32 to vector<16xf32>
      %mul3A_405 = arith.mulf %get3A_402, %mul3A_404 : vector<16xf32>
      %swap3A_406 = arith.index_cast %scan3A_316 : i32 to index
      %swap3A_407 = arith.constant 112 : index
      %swap3A_408 = tpu.vector_load %arg10[%swap3A_406, %swap3A_407] {strides = array<i32>} : memref<128x128xf32, #tpu.memory_space<vmem>>, vector<1x16xf32>,
      %swap3A_409 = vector.shape_cast %swap3A_408 : vector<1x16xf32> to vector<16xf32>
      %swap3A_410 = vector.shape_cast %mul3A_405 : vector<16xf32> to vector<1x16xf32>
      tpu.vector_store %arg10[%swap3A_406, %swap3A_407], %swap3A_410 {strides = array<i32>} : memref<128x128xf32, #tpu.memory_space<vmem>>, vector<1x16xf32>,
      %scan3A_411 = arith.constant 1 : i32
      %scan3A_412 = arith.addi %scan3A_316, %scan3A_411 : i32
      %get3A_413 = arith.index_cast %scan3A_412 : i32 to index
      %get3A_414 = arith.constant 0 : index
      %get3A_415 = tpu.vector_load %arg10[%get3A_413, %get3A_414] {strides = array<i32>} : memref<128x128xf32, #tpu.memory_space<vmem>>, vector<1x16xf32>,
      %get3A_416 = vector.shape_cast %get3A_415 : vector<1x16xf32> to vector<16xf32>
      %mul3A_417 = arith.constant 11.3137083 : f32
      %mul3A_418 = vector.broadcast %mul3A_417 : f32 to vector<16xf32>
      %mul3A_419 = arith.mulf %get3A_416, %mul3A_418 : vector<16xf32>
      %swap3A_420 = arith.index_cast %scan3A_412 : i32 to index
      %swap3A_421 = arith.constant 0 : index
      %swap3A_422 = tpu.vector_load %arg10[%swap3A_420, %swap3A_421] {strides = array<i32>} : memref<128x128xf32, #tpu.memory_space<vmem>>, vector<1x16xf32>,
      %swap3A_423 = vector.shape_cast %swap3A_422 : vector<1x16xf32> to vector<16xf32>
      %swap3A_424 = vector.shape_cast %mul3A_419 : vector<16xf32> to vector<1x16xf32>
      tpu.vector_store %arg10[%swap3A_420, %swap3A_421], %swap3A_424 {strides = array<i32>} : memref<128x128xf32, #tpu.memory_space<vmem>>, vector<1x16xf32>,
      %get3A_425 = arith.index_cast %scan3A_412 : i32 to index
      %get3A_426 = arith.constant 16 : index
      %get3A_427 = tpu.vector_load %arg10[%get3A_425, %get3A_426] {strides = array<i32>} : memref<128x128xf32, #tpu.memory_space<vmem>>, vector<1x16xf32>,
      %get3A_428 = vector.shape_cast %get3A_427 : vector<1x16xf32> to vector<16xf32>
      %mul3A_429 = arith.constant 11.3137083 : f32
      %mul3A_430 = vector.broadcast %mul3A_429 : f32 to vector<16xf32>
      %mul3A_431 = arith.mulf %get3A_428, %mul3A_430 : vector<16xf32>
      %swap3A_432 = arith.index_cast %scan3A_412 : i32 to index
      %swap3A_433 = arith.constant 16 : index
      %swap3A_434 = tpu.vector_load %arg10[%swap3A_432, %swap3A_433] {strides = array<i32>} : memref<128x128xf32, #tpu.memory_space<vmem>>, vector<1x16xf32>,
      %swap3A_435 = vector.shape_cast %swap3A_434 : vector<1x16xf32> to vector<16xf32>
      %swap3A_436 = vector.shape_cast %mul3A_431 : vector<16xf32> to vector<1x16xf32>
      tpu.vector_store %arg10[%swap3A_432, %swap3A_433], %swap3A_436 {strides = array<i32>} : memref<128x128xf32, #tpu.memory_space<vmem>>, vector<1x16xf32>,
      %get3A_437 = arith.index_cast %scan3A_412 : i32 to index
      %get3A_438 = arith.constant 32 : index
      %get3A_439 = tpu.vector_load %arg10[%get3A_437, %get3A_438] {strides = array<i32>} : memref<128x128xf32, #tpu.memory_space<vmem>>, vector<1x16xf32>,
      %get3A_440 = vector.shape_cast %get3A_439 : vector<1x16xf32> to vector<16xf32>
      %mul3A_441 = arith.constant 11.3137083 : f32
      %mul3A_442 = vector.broadcast %mul3A_441 : f32 to vector<16xf32>
      %mul3A_443 = arith.mulf %get3A_440, %mul3A_442 : vector<16xf32>
      %swap3A_444 = arith.index_cast %scan3A_412 : i32 to index
      %swap3A_445 = arith.constant 32 : index
      %swap3A_446 = tpu.vector_load %arg10[%swap3A_444, %swap3A_445] {strides = array<i32>} : memref<128x128xf32, #tpu.memory_space<vmem>>, vector<1x16xf32>,
      %swap3A_447 = vector.shape_cast %swap3A_446 : vector<1x16xf32> to vector<16xf32>
      %swap3A_448 = vector.shape_cast %mul3A_443 : vector<16xf32> to vector<1x16xf32>
      tpu.vector_store %arg10[%swap3A_444, %swap3A_445], %swap3A_448 {strides = array<i32>} : memref<128x128xf32, #tpu.memory_space<vmem>>, vector<1x16xf32>,
      %get3A_449 = arith.index_cast %scan3A_412 : i32 to index
      %get3A_450 = arith.constant 48 : index
      %get3A_451 = tpu.vector_load %arg10[%get3A_449, %get3A_450] {strides = array<i32>} : memref<128x128xf32, #tpu.memory_space<vmem>>, vector<1x16xf32>,
      %get3A_452 = vector.shape_cast %get3A_451 : vector<1x16xf32> to vector<16xf32>
      %mul3A_453 = arith.constant 11.3137083 : f32
      %mul3A_454 = vector.broadcast %mul3A_453 : f32 to vector<16xf32>
      %mul3A_455 = arith.mulf %get3A_452, %mul3A_454 : vector<16xf32>
      %swap3A_456 = arith.index_cast %scan3A_412 : i32 to index
      %swap3A_457 = arith.constant 48 : index
      %swap3A_458 = tpu.vector_load %arg10[%swap3A_456, %swap3A_457] {strides = array<i32>} : memref<128x128xf32, #tpu.memory_space<vmem>>, vector<1x16xf32>,
      %swap3A_459 = vector.shape_cast %swap3A_458 : vector<1x16xf32> to vector<16xf32>
      %swap3A_460 = vector.shape_cast %mul3A_455 : vector<16xf32> to vector<1x16xf32>
      tpu.vector_store %arg10[%swap3A_456, %swap3A_457], %swap3A_460 {strides = array<i32>} : memref<128x128xf32, #tpu.memory_space<vmem>>, vector<1x16xf32>,
      %get3A_461 = arith.index_cast %scan3A_412 : i32 to index
      %get3A_462 = arith.constant 64 : index
      %get3A_463 = tpu.vector_load %arg10[%get3A_461, %get3A_462] {strides = array<i32>} : memref<128x128xf32, #tpu.memory_space<vmem>>, vector<1x16xf32>,
      %get3A_464 = vector.shape_cast %get3A_463 : vector<1x16xf32> to vector<16xf32>
      %mul3A_465 = arith.constant 11.3137083 : f32
      %mul3A_466 = vector.broadcast %mul3A_465 : f32 to vector<16xf32>
      %mul3A_467 = arith.mulf %get3A_464, %mul3A_466 : vector<16xf32>
      %swap3A_468 = arith.index_cast %scan3A_412 : i32 to index
      %swap3A_469 = arith.constant 64 : index
      %swap3A_470 = tpu.vector_load %arg10[%swap3A_468, %swap3A_469] {strides = array<i32>} : memref<128x128xf32, #tpu.memory_space<vmem>>, vector<1x16xf32>,
      %swap3A_471 = vector.shape_cast %swap3A_470 : vector<1x16xf32> to vector<16xf32>
      %swap3A_472 = vector.shape_cast %mul3A_467 : vector<16xf32> to vector<1x16xf32>
      tpu.vector_store %arg10[%swap3A_468, %swap3A_469], %swap3A_472 {strides = array<i32>} : memref<128x128xf32, #tpu.memory_space<vmem>>, vector<1x16xf32>,
      %get3A_473 = arith.index_cast %scan3A_412 : i32 to index
      %get3A_474 = arith.constant 80 : index
      %get3A_475 = tpu.vector_load %arg10[%get3A_473, %get3A_474] {strides = array<i32>} : memref<128x128xf32, #tpu.memory_space<vmem>>, vector<1x16xf32>,
      %get3A_476 = vector.shape_cast %get3A_475 : vector<1x16xf32> to vector<16xf32>
      %mul3A_477 = arith.constant 11.3137083 : f32
      %mul3A_478 = vector.broadcast %mul3A_477 : f32 to vector<16xf32>
      %mul3A_479 = arith.mulf %get3A_476, %mul3A_478 : vector<16xf32>
      %swap3A_480 = arith.index_cast %scan3A_412 : i32 to index
      %swap3A_481 = arith.constant 80 : index
      %swap3A_482 = tpu.vector_load %arg10[%swap3A_480, %swap3A_481] {strides = array<i32>} : memref<128x128xf32, #tpu.memory_space<vmem>>, vector<1x16xf32>,
      %swap3A_483 = vector.shape_cast %swap3A_482 : vector<1x16xf32> to vector<16xf32>
      %swap3A_484 = vector.shape_cast %mul3A_479 : vector<16xf32> to vector<1x16xf32>
      tpu.vector_store %arg10[%swap3A_480, %swap3A_481], %swap3A_484 {strides = array<i32>} : memref<128x128xf32, #tpu.memory_space<vmem>>, vector<1x16xf32>,
      %get3A_485 = arith.index_cast %scan3A_412 : i32 to index
      %get3A_486 = arith.constant 96 : index
      %get3A_487 = tpu.vector_load %arg10[%get3A_485, %get3A_486] {strides = array<i32>} : memref<128x128xf32, #tpu.memory_space<vmem>>, vector<1x16xf32>,
      %get3A_488 = vector.shape_cast %get3A_487 : vector<1x16xf32> to vector<16xf32>
      %mul3A_489 = arith.constant 11.3137083 : f32
      %mul3A_490 = vector.broadcast %mul3A_489 : f32 to vector<16xf32>
      %mul3A_491 = arith.mulf %get3A_488, %mul3A_490 : vector<16xf32>
      %swap3A_492 = arith.index_cast %scan3A_412 : i32 to index
      %swap3A_493 = arith.constant 96 : index
      %swap3A_494 = tpu.vector_load %arg10[%swap3A_492, %swap3A_493] {strides = array<i32>} : memref<128x128xf32, #tpu.memory_space<vmem>>, vector<1x16xf32>,
      %swap3A_495 = vector.shape_cast %swap3A_494 : vector<1x16xf32> to vector<16xf32>
      %swap3A_496 = vector.shape_cast %mul3A_491 : vector<16xf32> to vector<1x16xf32>
      tpu.vector_store %arg10[%swap3A_492, %swap3A_493], %swap3A_496 {strides = array<i32>} : memref<128x128xf32, #tpu.memory_space<vmem>>, vector<1x16xf32>,
      %get3A_497 = arith.index_cast %scan3A_412 : i32 to index
      %get3A_498 = arith.constant 112 : index
      %get3A_499 = tpu.vector_load %arg10[%get3A_497, %get3A_498] {strides = array<i32>} : memref<128x128xf32, #tpu.memory_space<vmem>>, vector<1x16xf32>,
      %get3A_500 = vector.shape_cast %get3A_499 : vector<1x16xf32> to vector<16xf32>
      %mul3A_501 = arith.constant 11.3137083 : f32
      %mul3A_502 = vector.broadcast %mul3A_501 : f32 to vector<16xf32>
      %mul3A_503 = arith.mulf %get3A_500, %mul3A_502 : vector<16xf32>
      %swap3A_504 = arith.index_cast %scan3A_412 : i32 to index
      %swap3A_505 = arith.constant 112 : index
      %swap3A_506 = tpu.vector_load %arg10[%swap3A_504, %swap3A_505] {strides = array<i32>} : memref<128x128xf32, #tpu.memory_space<vmem>>, vector<1x16xf32>,
      %swap3A_507 = vector.shape_cast %swap3A_506 : vector<1x16xf32> to vector<16xf32>
      %swap3A_508 = vector.shape_cast %mul3A_503 : vector<16xf32> to vector<1x16xf32>
      tpu.vector_store %arg10[%swap3A_504, %swap3A_505], %swap3A_508 {strides = array<i32>} : memref<128x128xf32, #tpu.memory_space<vmem>>, vector<1x16xf32>,
    }
    %scan3A_157 = arith.constant 128 : i32
    %add3A_158 = arith.constant 512 : i32
    %add3A_159 = arith.addi %mul3A_2, %add3A_158 : i32
    %dma_start3A_160 = arith.constant 0 : i32
    %dma_start3A_161 = tpu.memref_slice %arg4[%add3A_159, %dma_start3A_160] : memref<819200x128xf32, #tpu.memory_space<hbm>> -> memref<128x128xf32, #tpu.memory_space<hbm>>
    %dma_start3A_162 = arith.constant 0 : i32
    %dma_start3A_163 = tpu.memref_slice %arg4[%add3A_159, %dma_start3A_162] : memref<819200x128xf32, #tpu.memory_space<hbm>> -> memref<128x128xf32, #tpu.memory_space<hbm>>
    tpu.enqueue_dma source(%arg10 : memref<128x128xf32, #tpu.memory_space<vmem>>) target(%dma_start3A_163 : memref<128x128xf32, #tpu.memory_space<hbm>>) target_semaphore(%arg20 : memref<!tpu.dma_semaphore, #tpu.memory_space<semaphore_mem>>)
    %scan3A_164 = arith.constant 0 : i32
    %scan3A_165 = arith.constant 1 : i32
    %scan3A_166 = arith.constant 38 : i32
    %scan3A_167 = arith.addi %scan3A_165, %scan3A_166 : i32
    %scan3A_168 = arith.constant 1 : i32
    scf.for %scan3A_316 = %scan3A_165 to %scan3A_167 step %scan3A_168  : i32 {
      %mul3A_317 = arith.constant 5 : i32
      %mul3A_318 = arith.muli %scan3A_316, %mul3A_317 : i32
      %add3A_319 = arith.constant 0 : i32
      %add3A_320 = arith.addi %mul3A_318, %add3A_319 : i32
      %dma_wait3A_321 = arith.constant 0 : i32
      %dma_wait3A_322 = arith.constant 0 : i32
      %dma_wait3A_323 = tpu.memref_slice %arg4[%dma_wait3A_321, %dma_wait3A_322] : memref<819200x128xf32, #tpu.memory_space<hbm>> -> memref<128x128xf32, #tpu.memory_space<hbm>>
      %dma_wait3A_324 = arith.constant 0 : i32
      %dma_wait3A_325 = arith.constant 0 : i32
      %dma_wait3A_326 = tpu.memref_slice %arg4[%dma_wait3A_324, %dma_wait3A_325] : memref<819200x128xf32, #tpu.memory_space<hbm>> -> memref<128x128xf32, #tpu.memory_space<hbm>>
      tpu.wait_dma2 semaphore(%arg19 : memref<!tpu.dma_semaphore, #tpu.memory_space<semaphore_mem>>) src(%arg9 : memref<128x128xf32, #tpu.memory_space<vmem>>) dst(%dma_wait3A_326 : memref<128x128xf32, #tpu.memory_space<hbm>>)
      %add3A_327 = arith.constant 3 : i32
      %add3A_328 = arith.addi %add3A_320, %add3A_327 : i32
      %dma_start3A_329 = arith.constant 0 : i32
      %dma_start3A_330 = tpu.memref_slice %arg5[%add3A_328, %dma_start3A_329] : memref<200x128xi32, #tpu.memory_space<vmem>> -> memref<1x128xi32, #tpu.memory_space<vmem>>
      %dma_start3A_331 = tpu.memref_squeeze %dma_start3A_330 : memref<1x128xi32, #tpu.memory_space<vmem>> -> memref<128xi32, #tpu.memory_space<vmem>>
      %dma_start3A_332 = arith.constant 0 : i32
      %dma_start3A_333 = arith.constant 0 : i32
      %dma_start3A_334 = tpu.memref_slice %arg3[%dma_start3A_332, %dma_start3A_333] : memref<1000000x128xf32, #tpu.memory_space<hbm>> -> memref<1000000x128xf32, #tpu.memory_space<hbm>>
      tpu.enqueue_indirect_dma source(%dma_start3A_334 : memref<1000000x128xf32, #tpu.memory_space<hbm>>) target(%arg9 : memref<128x128xf32, #tpu.memory_space<vmem>>) offsets(%dma_start3A_331 : memref<128xi32, #tpu.memory_space<vmem>>) semaphore(%arg14 : memref<!tpu.dma_semaphore, #tpu.memory_space<semaphore_mem>>)
      %dma_wait3A_335 = arith.constant 0 : i32
      %dma_wait3A_336 = arith.constant 0 : i32
      %dma_wait3A_337 = tpu.memref_slice %arg3[%dma_wait3A_335, %dma_wait3A_336] : memref<1000000x128xf32, #tpu.memory_space<hbm>> -> memref<128x128xf32, #tpu.memory_space<hbm>>
      %dma_wait3A_338 = arith.constant 0 : i32
      %dma_wait3A_339 = arith.constant 0 : i32
      %dma_wait3A_340 = tpu.memref_slice %arg3[%dma_wait3A_338, %dma_wait3A_339] : memref<1000000x128xf32, #tpu.memory_space<hbm>> -> memref<128x128xf32, #tpu.memory_space<hbm>>
      tpu.wait_dma2 semaphore(%arg11 : memref<!tpu.dma_semaphore, #tpu.memory_space<semaphore_mem>>) src(%dma_wait3A_340 : memref<128x128xf32, #tpu.memory_space<hbm>>) dst(%arg6 : memref<128x128xf32, #tpu.memory_space<vmem>>)
      %scan3A_341 = arith.constant 0 : i32
      %scan3A_342 = arith.constant 0 : i32
      %scan3A_343 = arith.constant 128 : i32
      %scan3A_344 = arith.addi %scan3A_342, %scan3A_343 : i32
      %scan3A_345 = arith.constant 2 : i32
      scf.for %scan3A_502 = %scan3A_342 to %scan3A_344 step %scan3A_345  : i32 {
        %get3A = arith.index_cast %scan3A_502 : i32 to index
        %get3A_503 = arith.constant 0 : index
        %get3A_504 = tpu.vector_load %arg6[%get3A, %get3A_503] {strides = array<i32>} : memref<128x128xf32, #tpu.memory_space<vmem>>, vector<1x16xf32>,
        %get3A_505 = vector.shape_cast %get3A_504 : vector<1x16xf32> to vector<16xf32>
        %mul3A_506 = arith.constant 11.3137083 : f32
        %mul3A_507 = vector.broadcast %mul3A_506 : f32 to vector<16xf32>
        %mul3A_508 = arith.mulf %get3A_505, %mul3A_507 : vector<16xf32>
        %swap3A = arith.index_cast %scan3A_502 : i32 to index
        %swap3A_509 = arith.constant 0 : index
        %swap3A_510 = tpu.vector_load %arg6[%swap3A, %swap3A_509] {strides = array<i32>} : memref<128x128xf32, #tpu.memory_space<vmem>>, vector<1x16xf32>,
        %swap3A_511 = vector.shape_cast %swap3A_510 : vector<1x16xf32> to vector<16xf32>
        %swap3A_512 = vector.shape_cast %mul3A_508 : vector<16xf32> to vector<1x16xf32>
        tpu.vector_store %arg6[%swap3A, %swap3A_509], %swap3A_512 {strides = array<i32>} : memref<128x128xf32, #tpu.memory_space<vmem>>, vector<1x16xf32>,
        %get3A_513 = arith.index_cast %scan3A_502 : i32 to index
        %get3A_514 = arith.constant 16 : index
        %get3A_515 = tpu.vector_load %arg6[%get3A_513, %get3A_514] {strides = array<i32>} : memref<128x128xf32, #tpu.memory_space<vmem>>, vector<1x16xf32>,
        %get3A_516 = vector.shape_cast %get3A_515 : vector<1x16xf32> to vector<16xf32>
        %mul3A_517 = arith.constant 11.3137083 : f32
        %mul3A_518 = vector.broadcast %mul3A_517 : f32 to vector<16xf32>
        %mul3A_519 = arith.mulf %get3A_516, %mul3A_518 : vector<16xf32>
        %swap3A_520 = arith.index_cast %scan3A_502 : i32 to index
        %swap3A_521 = arith.constant 16 : index
        %swap3A_522 = tpu.vector_load %arg6[%swap3A_520, %swap3A_521] {strides = array<i32>} : memref<128x128xf32, #tpu.memory_space<vmem>>, vector<1x16xf32>,
        %swap3A_523 = vector.shape_cast %swap3A_522 : vector<1x16xf32> to vector<16xf32>
        %swap3A_524 = vector.shape_cast %mul3A_519 : vector<16xf32> to vector<1x16xf32>
        tpu.vector_store %arg6[%swap3A_520, %swap3A_521], %swap3A_524 {strides = array<i32>} : memref<128x128xf32, #tpu.memory_space<vmem>>, vector<1x16xf32>,
        %get3A_525 = arith.index_cast %scan3A_502 : i32 to index
        %get3A_526 = arith.constant 32 : index
        %get3A_527 = tpu.vector_load %arg6[%get3A_525, %get3A_526] {strides = array<i32>} : memref<128x128xf32, #tpu.memory_space<vmem>>, vector<1x16xf32>,
        %get3A_528 = vector.shape_cast %get3A_527 : vector<1x16xf32> to vector<16xf32>
        %mul3A_529 = arith.constant 11.3137083 : f32
        %mul3A_530 = vector.broadcast %mul3A_529 : f32 to vector<16xf32>
        %mul3A_531 = arith.mulf %get3A_528, %mul3A_530 : vector<16xf32>
        %swap3A_532 = arith.index_cast %scan3A_502 : i32 to index
        %swap3A_533 = arith.constant 32 : index
        %swap3A_534 = tpu.vector_load %arg6[%swap3A_532, %swap3A_533] {strides = array<i32>} : memref<128x128xf32, #tpu.memory_space<vmem>>, vector<1x16xf32>,
        %swap3A_535 = vector.shape_cast %swap3A_534 : vector<1x16xf32> to vector<16xf32>
        %swap3A_536 = vector.shape_cast %mul3A_531 : vector<16xf32> to vector<1x16xf32>
        tpu.vector_store %arg6[%swap3A_532, %swap3A_533], %swap3A_536 {strides = array<i32>} : memref<128x128xf32, #tpu.memory_space<vmem>>, vector<1x16xf32>,
        %get3A_537 = arith.index_cast %scan3A_502 : i32 to index
        %get3A_538 = arith.constant 48 : index
        %get3A_539 = tpu.vector_load %arg6[%get3A_537, %get3A_538] {strides = array<i32>} : memref<128x128xf32, #tpu.memory_space<vmem>>, vector<1x16xf32>,
        %get3A_540 = vector.shape_cast %get3A_539 : vector<1x16xf32> to vector<16xf32>
        %mul3A_541 = arith.constant 11.3137083 : f32
        %mul3A_542 = vector.broadcast %mul3A_541 : f32 to vector<16xf32>
        %mul3A_543 = arith.mulf %get3A_540, %mul3A_542 : vector<16xf32>
        %swap3A_544 = arith.index_cast %scan3A_502 : i32 to index
        %swap3A_545 = arith.constant 48 : index
        %swap3A_546 = tpu.vector_load %arg6[%swap3A_544, %swap3A_545] {strides = array<i32>} : memref<128x128xf32, #tpu.memory_space<vmem>>, vector<1x16xf32>,
        %swap3A_547 = vector.shape_cast %swap3A_546 : vector<1x16xf32> to vector<16xf32>
        %swap3A_548 = vector.shape_cast %mul3A_543 : vector<16xf32> to vector<1x16xf32>
        tpu.vector_store %arg6[%swap3A_544, %swap3A_545], %swap3A_548 {strides = array<i32>} : memref<128x128xf32, #tpu.memory_space<vmem>>, vector<1x16xf32>,
        %get3A_549 = arith.index_cast %scan3A_502 : i32 to index
        %get3A_550 = arith.constant 64 : index
        %get3A_551 = tpu.vector_load %arg6[%get3A_549, %get3A_550] {strides = array<i32>} : memref<128x128xf32, #tpu.memory_space<vmem>>, vector<1x16xf32>,
        %get3A_552 = vector.shape_cast %get3A_551 : vector<1x16xf32> to vector<16xf32>
        %mul3A_553 = arith.constant 11.3137083 : f32
        %mul3A_554 = vector.broadcast %mul3A_553 : f32 to vector<16xf32>
        %mul3A_555 = arith.mulf %get3A_552, %mul3A_554 : vector<16xf32>
        %swap3A_556 = arith.index_cast %scan3A_502 : i32 to index
        %swap3A_557 = arith.constant 64 : index
        %swap3A_558 = tpu.vector_load %arg6[%swap3A_556, %swap3A_557] {strides = array<i32>} : memref<128x128xf32, #tpu.memory_space<vmem>>, vector<1x16xf32>,
        %swap3A_559 = vector.shape_cast %swap3A_558 : vector<1x16xf32> to vector<16xf32>
        %swap3A_560 = vector.shape_cast %mul3A_555 : vector<16xf32> to vector<1x16xf32>
        tpu.vector_store %arg6[%swap3A_556, %swap3A_557], %swap3A_560 {strides = array<i32>} : memref<128x128xf32, #tpu.memory_space<vmem>>, vector<1x16xf32>,
        %get3A_561 = arith.index_cast %scan3A_502 : i32 to index
        %get3A_562 = arith.constant 80 : index
        %get3A_563 = tpu.vector_load %arg6[%get3A_561, %get3A_562] {strides = array<i32>} : memref<128x128xf32, #tpu.memory_space<vmem>>, vector<1x16xf32>,
        %get3A_564 = vector.shape_cast %get3A_563 : vector<1x16xf32> to vector<16xf32>
        %mul3A_565 = arith.constant 11.3137083 : f32
        %mul3A_566 = vector.broadcast %mul3A_565 : f32 to vector<16xf32>
        %mul3A_567 = arith.mulf %get3A_564, %mul3A_566 : vector<16xf32>
        %swap3A_568 = arith.index_cast %scan3A_502 : i32 to index
        %swap3A_569 = arith.constant 80 : index
        %swap3A_570 = tpu.vector_load %arg6[%swap3A_568, %swap3A_569] {strides = array<i32>} : memref<128x128xf32, #tpu.memory_space<vmem>>, vector<1x16xf32>,
        %swap3A_571 = vector.shape_cast %swap3A_570 : vector<1x16xf32> to vector<16xf32>
        %swap3A_572 = vector.shape_cast %mul3A_567 : vector<16xf32> to vector<1x16xf32>
        tpu.vector_store %arg6[%swap3A_568, %swap3A_569], %swap3A_572 {strides = array<i32>} : memref<128x128xf32, #tpu.memory_space<vmem>>, vector<1x16xf32>,
        %get3A_573 = arith.index_cast %scan3A_502 : i32 to index
        %get3A_574 = arith.constant 96 : index
        %get3A_575 = tpu.vector_load %arg6[%get3A_573, %get3A_574] {strides = array<i32>} : memref<128x128xf32, #tpu.memory_space<vmem>>, vector<1x16xf32>,
        %get3A_576 = vector.shape_cast %get3A_575 : vector<1x16xf32> to vector<16xf32>
        %mul3A_577 = arith.constant 11.3137083 : f32
        %mul3A_578 = vector.broadcast %mul3A_577 : f32 to vector<16xf32>
        %mul3A_579 = arith.mulf %get3A_576, %mul3A_578 : vector<16xf32>
        %swap3A_580 = arith.index_cast %scan3A_502 : i32 to index
        %swap3A_581 = arith.constant 96 : index
        %swap3A_582 = tpu.vector_load %arg6[%swap3A_580, %swap3A_581] {strides = array<i32>} : memref<128x128xf32, #tpu.memory_space<vmem>>, vector<1x16xf32>,
        %swap3A_583 = vector.shape_cast %swap3A_582 : vector<1x16xf32> to vector<16xf32>
        %swap3A_584 = vector.shape_cast %mul3A_579 : vector<16xf32> to vector<1x16xf32>
        tpu.vector_store %arg6[%swap3A_580, %swap3A_581], %swap3A_584 {strides = array<i32>} : memref<128x128xf32, #tpu.memory_space<vmem>>, vector<1x16xf32>,
        %get3A_585 = arith.index_cast %scan3A_502 : i32 to index
        %get3A_586 = arith.constant 112 : index
        %get3A_587 = tpu.vector_load %arg6[%get3A_585, %get3A_586] {strides = array<i32>} : memref<128x128xf32, #tpu.memory_space<vmem>>, vector<1x16xf32>,
        %get3A_588 = vector.shape_cast %get3A_587 : vector<1x16xf32> to vector<16xf32>
        %mul3A_589 = arith.constant 11.3137083 : f32
        %mul3A_590 = vector.broadcast %mul3A_589 : f32 to vector<16xf32>
        %mul3A_591 = arith.mulf %get3A_588, %mul3A_590 : vector<16xf32>
        %swap3A_592 = arith.index_cast %scan3A_502 : i32 to index
        %swap3A_593 = arith.constant 112 : index
        %swap3A_594 = tpu.vector_load %arg6[%swap3A_592, %swap3A_593] {strides = array<i32>} : memref<128x128xf32, #tpu.memory_space<vmem>>, vector<1x16xf32>,
        %swap3A_595 = vector.shape_cast %swap3A_594 : vector<1x16xf32> to vector<16xf32>
        %swap3A_596 = vector.shape_cast %mul3A_591 : vector<16xf32> to vector<1x16xf32>
        tpu.vector_store %arg6[%swap3A_592, %swap3A_593], %swap3A_596 {strides = array<i32>} : memref<128x128xf32, #tpu.memory_space<vmem>>, vector<1x16xf32>,
        %scan3A_597 = arith.constant 1 : i32
        %scan3A_598 = arith.addi %scan3A_502, %scan3A_597 : i32
        %get3A_599 = arith.index_cast %scan3A_598 : i32 to index
        %get3A_600 = arith.constant 0 : index
        %get3A_601 = tpu.vector_load %arg6[%get3A_599, %get3A_600] {strides = array<i32>} : memref<128x128xf32, #tpu.memory_space<vmem>>, vector<1x16xf32>,
        %get3A_602 = vector.shape_cast %get3A_601 : vector<1x16xf32> to vector<16xf32>
        %mul3A_603 = arith.constant 11.3137083 : f32
        %mul3A_604 = vector.broadcast %mul3A_603 : f32 to vector<16xf32>
        %mul3A_605 = arith.mulf %get3A_602, %mul3A_604 : vector<16xf32>
        %swap3A_606 = arith.index_cast %scan3A_598 : i32 to index
        %swap3A_607 = arith.constant 0 : index
        %swap3A_608 = tpu.vector_load %arg6[%swap3A_606, %swap3A_607] {strides = array<i32>} : memref<128x128xf32, #tpu.memory_space<vmem>>, vector<1x16xf32>,
        %swap3A_609 = vector.shape_cast %swap3A_608 : vector<1x16xf32> to vector<16xf32>
        %swap3A_610 = vector.shape_cast %mul3A_605 : vector<16xf32> to vector<1x16xf32>
        tpu.vector_store %arg6[%swap3A_606, %swap3A_607], %swap3A_610 {strides = array<i32>} : memref<128x128xf32, #tpu.memory_space<vmem>>, vector<1x16xf32>,
        %get3A_611 = arith.index_cast %scan3A_598 : i32 to index
        %get3A_612 = arith.constant 16 : index
        %get3A_613 = tpu.vector_load %arg6[%get3A_611, %get3A_612] {strides = array<i32>} : memref<128x128xf32, #tpu.memory_space<vmem>>, vector<1x16xf32>,
        %get3A_614 = vector.shape_cast %get3A_613 : vector<1x16xf32> to vector<16xf32>
        %mul3A_615 = arith.constant 11.3137083 : f32
        %mul3A_616 = vector.broadcast %mul3A_615 : f32 to vector<16xf32>
        %mul3A_617 = arith.mulf %get3A_614, %mul3A_616 : vector<16xf32>
        %swap3A_618 = arith.index_cast %scan3A_598 : i32 to index
        %swap3A_619 = arith.constant 16 : index
        %swap3A_620 = tpu.vector_load %arg6[%swap3A_618, %swap3A_619] {strides = array<i32>} : memref<128x128xf32, #tpu.memory_space<vmem>>, vector<1x16xf32>,
        %swap3A_621 = vector.shape_cast %swap3A_620 : vector<1x16xf32> to vector<16xf32>
        %swap3A_622 = vector.shape_cast %mul3A_617 : vector<16xf32> to vector<1x16xf32>
        tpu.vector_store %arg6[%swap3A_618, %swap3A_619], %swap3A_622 {strides = array<i32>} : memref<128x128xf32, #tpu.memory_space<vmem>>, vector<1x16xf32>,
        %get3A_623 = arith.index_cast %scan3A_598 : i32 to index
        %get3A_624 = arith.constant 32 : index
        %get3A_625 = tpu.vector_load %arg6[%get3A_623, %get3A_624] {strides = array<i32>} : memref<128x128xf32, #tpu.memory_space<vmem>>, vector<1x16xf32>,
        %get3A_626 = vector.shape_cast %get3A_625 : vector<1x16xf32> to vector<16xf32>
        %mul3A_627 = arith.constant 11.3137083 : f32
        %mul3A_628 = vector.broadcast %mul3A_627 : f32 to vector<16xf32>
        %mul3A_629 = arith.mulf %get3A_626, %mul3A_628 : vector<16xf32>
        %swap3A_630 = arith.index_cast %scan3A_598 : i32 to index
        %swap3A_631 = arith.constant 32 : index
        %swap3A_632 = tpu.vector_load %arg6[%swap3A_630, %swap3A_631] {strides = array<i32>} : memref<128x128xf32, #tpu.memory_space<vmem>>, vector<1x16xf32>,
        %swap3A_633 = vector.shape_cast %swap3A_632 : vector<1x16xf32> to vector<16xf32>
        %swap3A_634 = vector.shape_cast %mul3A_629 : vector<16xf32> to vector<1x16xf32>
        tpu.vector_store %arg6[%swap3A_630, %swap3A_631], %swap3A_634 {strides = array<i32>} : memref<128x128xf32, #tpu.memory_space<vmem>>, vector<1x16xf32>,
        %get3A_635 = arith.index_cast %scan3A_598 : i32 to index
        %get3A_636 = arith.constant 48 : index
        %get3A_637 = tpu.vector_load %arg6[%get3A_635, %get3A_636] {strides = array<i32>} : memref<128x128xf32, #tpu.memory_space<vmem>>, vector<1x16xf32>,
        %get3A_638 = vector.shape_cast %get3A_637 : vector<1x16xf32> to vector<16xf32>
        %mul3A_639 = arith.constant 11.3137083 : f32
        %mul3A_640 = vector.broadcast %mul3A_639 : f32 to vector<16xf32>
        %mul3A_641 = arith.mulf %get3A_638, %mul3A_640 : vector<16xf32>
        %swap3A_642 = arith.index_cast %scan3A_598 : i32 to index
        %swap3A_643 = arith.constant 48 : index
        %swap3A_644 = tpu.vector_load %arg6[%swap3A_642, %swap3A_643] {strides = array<i32>} : memref<128x128xf32, #tpu.memory_space<vmem>>, vector<1x16xf32>,
        %swap3A_645 = vector.shape_cast %swap3A_644 : vector<1x16xf32> to vector<16xf32>
        %swap3A_646 = vector.shape_cast %mul3A_641 : vector<16xf32> to vector<1x16xf32>
        tpu.vector_store %arg6[%swap3A_642, %swap3A_643], %swap3A_646 {strides = array<i32>} : memref<128x128xf32, #tpu.memory_space<vmem>>, vector<1x16xf32>,
        %get3A_647 = arith.index_cast %scan3A_598 : i32 to index
        %get3A_648 = arith.constant 64 : index
        %get3A_649 = tpu.vector_load %arg6[%get3A_647, %get3A_648] {strides = array<i32>} : memref<128x128xf32, #tpu.memory_space<vmem>>, vector<1x16xf32>,
        %get3A_650 = vector.shape_cast %get3A_649 : vector<1x16xf32> to vector<16xf32>
        %mul3A_651 = arith.constant 11.3137083 : f32
        %mul3A_652 = vector.broadcast %mul3A_651 : f32 to vector<16xf32>
        %mul3A_653 = arith.mulf %get3A_650, %mul3A_652 : vector<16xf32>
        %swap3A_654 = arith.index_cast %scan3A_598 : i32 to index
        %swap3A_655 = arith.constant 64 : index
        %swap3A_656 = tpu.vector_load %arg6[%swap3A_654, %swap3A_655] {strides = array<i32>} : memref<128x128xf32, #tpu.memory_space<vmem>>, vector<1x16xf32>,
        %swap3A_657 = vector.shape_cast %swap3A_656 : vector<1x16xf32> to vector<16xf32>
        %swap3A_658 = vector.shape_cast %mul3A_653 : vector<16xf32> to vector<1x16xf32>
        tpu.vector_store %arg6[%swap3A_654, %swap3A_655], %swap3A_658 {strides = array<i32>} : memref<128x128xf32, #tpu.memory_space<vmem>>, vector<1x16xf32>,
        %get3A_659 = arith.index_cast %scan3A_598 : i32 to index
        %get3A_660 = arith.constant 80 : index
        %get3A_661 = tpu.vector_load %arg6[%get3A_659, %get3A_660] {strides = array<i32>} : memref<128x128xf32, #tpu.memory_space<vmem>>, vector<1x16xf32>,
        %get3A_662 = vector.shape_cast %get3A_661 : vector<1x16xf32> to vector<16xf32>
        %mul3A_663 = arith.constant 11.3137083 : f32
        %mul3A_664 = vector.broadcast %mul3A_663 : f32 to vector<16xf32>
        %mul3A_665 = arith.mulf %get3A_662, %mul3A_664 : vector<16xf32>
        %swap3A_666 = arith.index_cast %scan3A_598 : i32 to index
        %swap3A_667 = arith.constant 80 : index
        %swap3A_668 = tpu.vector_load %arg6[%swap3A_666, %swap3A_667] {strides = array<i32>} : memref<128x128xf32, #tpu.memory_space<vmem>>, vector<1x16xf32>,
        %swap3A_669 = vector.shape_cast %swap3A_668 : vector<1x16xf32> to vector<16xf32>
        %swap3A_670 = vector.shape_cast %mul3A_665 : vector<16xf32> to vector<1x16xf32>
        tpu.vector_store %arg6[%swap3A_666, %swap3A_667], %swap3A_670 {strides = array<i32>} : memref<128x128xf32, #tpu.memory_space<vmem>>, vector<1x16xf32>,
        %get3A_671 = arith.index_cast %scan3A_598 : i32 to index
        %get3A_672 = arith.constant 96 : index
        %get3A_673 = tpu.vector_load %arg6[%get3A_671, %get3A_672] {strides = array<i32>} : memref<128x128xf32, #tpu.memory_space<vmem>>, vector<1x16xf32>,
        %get3A_674 = vector.shape_cast %get3A_673 : vector<1x16xf32> to vector<16xf32>
        %mul3A_675 = arith.constant 11.3137083 : f32
        %mul3A_676 = vector.broadcast %mul3A_675 : f32 to vector<16xf32>
        %mul3A_677 = arith.mulf %get3A_674, %mul3A_676 : vector<16xf32>
        %swap3A_678 = arith.index_cast %scan3A_598 : i32 to index
        %swap3A_679 = arith.constant 96 : index
        %swap3A_680 = tpu.vector_load %arg6[%swap3A_678, %swap3A_679] {strides = array<i32>} : memref<128x128xf32, #tpu.memory_space<vmem>>, vector<1x16xf32>,
        %swap3A_681 = vector.shape_cast %swap3A_680 : vector<1x16xf32> to vector<16xf32>
        %swap3A_682 = vector.shape_cast %mul3A_677 : vector<16xf32> to vector<1x16xf32>
        tpu.vector_store %arg6[%swap3A_678, %swap3A_679], %swap3A_682 {strides = array<i32>} : memref<128x128xf32, #tpu.memory_space<vmem>>, vector<1x16xf32>,
        %get3A_683 = arith.index_cast %scan3A_598 : i32 to index
        %get3A_684 = arith.constant 112 : index
        %get3A_685 = tpu.vector_load %arg6[%get3A_683, %get3A_684] {strides = array<i32>} : memref<128x128xf32, #tpu.memory_space<vmem>>, vector<1x16xf32>,
        %get3A_686 = vector.shape_cast %get3A_685 : vector<1x16xf32> to vector<16xf32>
        %mul3A_687 = arith.constant 11.3137083 : f32
        %mul3A_688 = vector.broadcast %mul3A_687 : f32 to vector<16xf32>
        %mul3A_689 = arith.mulf %get3A_686, %mul3A_688 : vector<16xf32>
        %swap3A_690 = arith.index_cast %scan3A_598 : i32 to index
        %swap3A_691 = arith.constant 112 : index
        %swap3A_692 = tpu.vector_load %arg6[%swap3A_690, %swap3A_691] {strides = array<i32>} : memref<128x128xf32, #tpu.memory_space<vmem>>, vector<1x16xf32>,
        %swap3A_693 = vector.shape_cast %swap3A_692 : vector<1x16xf32> to vector<16xf32>
        %swap3A_694 = vector.shape_cast %mul3A_689 : vector<16xf32> to vector<1x16xf32>
        tpu.vector_store %arg6[%swap3A_690, %swap3A_691], %swap3A_694 {strides = array<i32>} : memref<128x128xf32, #tpu.memory_space<vmem>>, vector<1x16xf32>,
      }
      %scan3A_346 = arith.constant 128 : i32
      %mul3A_347 = arith.constant 128 : i32
      %mul3A_348 = arith.muli %add3A_320, %mul3A_347 : i32
      %add3A_349 = arith.addi %mul3A_2, %mul3A_348 : i32
      %dma_start3A_350 = arith.constant 0 : i32
      %dma_start3A_351 = tpu.memref_slice %arg4[%add3A_349, %dma_start3A_350] : memref<819200x128xf32, #tpu.memory_space<hbm>> -> memref<128x128xf32, #tpu.memory_space<hbm>>
      %dma_start3A_352 = arith.constant 0 : i32
      %dma_start3A_353 = tpu.memref_slice %arg4[%add3A_349, %dma_start3A_352] : memref<819200x128xf32, #tpu.memory_space<hbm>> -> memref<128x128xf32, #tpu.memory_space<hbm>>
      tpu.enqueue_dma source(%arg6 : memref<128x128xf32, #tpu.memory_space<vmem>>) target(%dma_start3A_353 : memref<128x128xf32, #tpu.memory_space<hbm>>) target_semaphore(%arg16 : memref<!tpu.dma_semaphore, #tpu.memory_space<semaphore_mem>>)
      %mul3A_354 = arith.constant 5 : i32
      %mul3A_355 = arith.muli %scan3A_316, %mul3A_354 : i32
      %add3A_356 = arith.constant 1 : i32
      %add3A_357 = arith.addi %mul3A_355, %add3A_356 : i32
      %dma_wait3A_358 = arith.constant 0 : i32
      %dma_wait3A_359 = arith.constant 0 : i32
      %dma_wait3A_360 = tpu.memref_slice %arg4[%dma_wait3A_358, %dma_wait3A_359] : memref<819200x128xf32, #tpu.memory_space<hbm>> -> memref<128x128xf32, #tpu.memory_space<hbm>>
      %dma_wait3A_361 = arith.constant 0 : i32
      %dma_wait3A_362 = arith.constant 0 : i32
      %dma_wait3A_363 = tpu.memref_slice %arg4[%dma_wait3A_361, %dma_wait3A_362] : memref<819200x128xf32, #tpu.memory_space<hbm>> -> memref<128x128xf32, #tpu.memory_space<hbm>>
      tpu.wait_dma2 semaphore(%arg20 : memref<!tpu.dma_semaphore, #tpu.memory_space<semaphore_mem>>) src(%arg10 : memref<128x128xf32, #tpu.memory_space<vmem>>) dst(%dma_wait3A_363 : memref<128x128xf32, #tpu.memory_space<hbm>>)
      %add3A_364 = arith.constant 3 : i32
      %add3A_365 = arith.addi %add3A_357, %add3A_364 : i32
      %dma_start3A_366 = arith.constant 0 : i32
      %dma_start3A_367 = tpu.memref_slice %arg5[%add3A_365, %dma_start3A_366] : memref<200x128xi32, #tpu.memory_space<vmem>> -> memref<1x128xi32, #tpu.memory_space<vmem>>
      %dma_start3A_368 = tpu.memref_squeeze %dma_start3A_367 : memref<1x128xi32, #tpu.memory_space<vmem>> -> memref<128xi32, #tpu.memory_space<vmem>>
      %dma_start3A_369 = arith.constant 0 : i32
      %dma_start3A_370 = arith.constant 0 : i32
      %dma_start3A_371 = tpu.memref_slice %arg3[%dma_start3A_369, %dma_start3A_370] : memref<1000000x128xf32, #tpu.memory_space<hbm>> -> memref<1000000x128xf32, #tpu.memory_space<hbm>>
      tpu.enqueue_indirect_dma source(%dma_start3A_371 : memref<1000000x128xf32, #tpu.memory_space<hbm>>) target(%arg10 : memref<128x128xf32, #tpu.memory_space<vmem>>) offsets(%dma_start3A_368 : memref<128xi32, #tpu.memory_space<vmem>>) semaphore(%arg15 : memref<!tpu.dma_semaphore, #tpu.memory_space<semaphore_mem>>)
      %dma_wait3A_372 = arith.constant 0 : i32
      %dma_wait3A_373 = arith.constant 0 : i32
      %dma_wait3A_374 = tpu.memref_slice %arg3[%dma_wait3A_372, %dma_wait3A_373] : memref<1000000x128xf32, #tpu.memory_space<hbm>> -> memref<128x128xf32, #tpu.memory_space<hbm>>
      %dma_wait3A_375 = arith.constant 0 : i32
      %dma_wait3A_376 = arith.constant 0 : i32
      %dma_wait3A_377 = tpu.memref_slice %arg3[%dma_wait3A_375, %dma_wait3A_376] : memref<1000000x128xf32, #tpu.memory_space<hbm>> -> memref<128x128xf32, #tpu.memory_space<hbm>>
      tpu.wait_dma2 semaphore(%arg12 : memref<!tpu.dma_semaphore, #tpu.memory_space<semaphore_mem>>) src(%dma_wait3A_377 : memref<128x128xf32, #tpu.memory_space<hbm>>) dst(%arg7 : memref<128x128xf32, #tpu.memory_space<vmem>>)
      %scan3A_378 = arith.constant 0 : i32
      %scan3A_379 = arith.constant 0 : i32
      %scan3A_380 = arith.constant 128 : i32
      %scan3A_381 = arith.addi %scan3A_379, %scan3A_380 : i32
      %scan3A_382 = arith.constant 2 : i32
      scf.for %scan3A_502 = %scan3A_379 to %scan3A_381 step %scan3A_382  : i32 {
        %get3A = arith.index_cast %scan3A_502 : i32 to index
        %get3A_503 = arith.constant 0 : index
        %get3A_504 = tpu.vector_load %arg7[%get3A, %get3A_503] {strides = array<i32>} : memref<128x128xf32, #tpu.memory_space<vmem>>, vector<1x16xf32>,
        %get3A_505 = vector.shape_cast %get3A_504 : vector<1x16xf32> to vector<16xf32>
        %mul3A_506 = arith.constant 11.3137083 : f32
        %mul3A_507 = vector.broadcast %mul3A_506 : f32 to vector<16xf32>
        %mul3A_508 = arith.mulf %get3A_505, %mul3A_507 : vector<16xf32>
        %swap3A = arith.index_cast %scan3A_502 : i32 to index
        %swap3A_509 = arith.constant 0 : index
        %swap3A_510 = tpu.vector_load %arg7[%swap3A, %swap3A_509] {strides = array<i32>} : memref<128x128xf32, #tpu.memory_space<vmem>>, vector<1x16xf32>,
        %swap3A_511 = vector.shape_cast %swap3A_510 : vector<1x16xf32> to vector<16xf32>
        %swap3A_512 = vector.shape_cast %mul3A_508 : vector<16xf32> to vector<1x16xf32>
        tpu.vector_store %arg7[%swap3A, %swap3A_509], %swap3A_512 {strides = array<i32>} : memref<128x128xf32, #tpu.memory_space<vmem>>, vector<1x16xf32>,
        %get3A_513 = arith.index_cast %scan3A_502 : i32 to index
        %get3A_514 = arith.constant 16 : index
        %get3A_515 = tpu.vector_load %arg7[%get3A_513, %get3A_514] {strides = array<i32>} : memref<128x128xf32, #tpu.memory_space<vmem>>, vector<1x16xf32>,
        %get3A_516 = vector.shape_cast %get3A_515 : vector<1x16xf32> to vector<16xf32>
        %mul3A_517 = arith.constant 11.3137083 : f32
        %mul3A_518 = vector.broadcast %mul3A_517 : f32 to vector<16xf32>
        %mul3A_519 = arith.mulf %get3A_516, %mul3A_518 : vector<16xf32>
        %swap3A_520 = arith.index_cast %scan3A_502 : i32 to index
        %swap3A_521 = arith.constant 16 : index
        %swap3A_522 = tpu.vector_load %arg7[%swap3A_520, %swap3A_521] {strides = array<i32>} : memref<128x128xf32, #tpu.memory_space<vmem>>, vector<1x16xf32>,
        %swap3A_523 = vector.shape_cast %swap3A_522 : vector<1x16xf32> to vector<16xf32>
        %swap3A_524 = vector.shape_cast %mul3A_519 : vector<16xf32> to vector<1x16xf32>
        tpu.vector_store %arg7[%swap3A_520, %swap3A_521], %swap3A_524 {strides = array<i32>} : memref<128x128xf32, #tpu.memory_space<vmem>>, vector<1x16xf32>,
        %get3A_525 = arith.index_cast %scan3A_502 : i32 to index
        %get3A_526 = arith.constant 32 : index
        %get3A_527 = tpu.vector_load %arg7[%get3A_525, %get3A_526] {strides = array<i32>} : memref<128x128xf32, #tpu.memory_space<vmem>>, vector<1x16xf32>,
        %get3A_528 = vector.shape_cast %get3A_527 : vector<1x16xf32> to vector<16xf32>
        %mul3A_529 = arith.constant 11.3137083 : f32
        %mul3A_530 = vector.broadcast %mul3A_529 : f32 to vector<16xf32>
        %mul3A_531 = arith.mulf %get3A_528, %mul3A_530 : vector<16xf32>
        %swap3A_532 = arith.index_cast %scan3A_502 : i32 to index
        %swap3A_533 = arith.constant 32 : index
        %swap3A_534 = tpu.vector_load %arg7[%swap3A_532, %swap3A_533] {strides = array<i32>} : memref<128x128xf32, #tpu.memory_space<vmem>>, vector<1x16xf32>,
        %swap3A_535 = vector.shape_cast %swap3A_534 : vector<1x16xf32> to vector<16xf32>
        %swap3A_536 = vector.shape_cast %mul3A_531 : vector<16xf32> to vector<1x16xf32>
        tpu.vector_store %arg7[%swap3A_532, %swap3A_533], %swap3A_536 {strides = array<i32>} : memref<128x128xf32, #tpu.memory_space<vmem>>, vector<1x16xf32>,
        %get3A_537 = arith.index_cast %scan3A_502 : i32 to index
        %get3A_538 = arith.constant 48 : index
        %get3A_539 = tpu.vector_load %arg7[%get3A_537, %get3A_538] {strides = array<i32>} : memref<128x128xf32, #tpu.memory_space<vmem>>, vector<1x16xf32>,
        %get3A_540 = vector.shape_cast %get3A_539 : vector<1x16xf32> to vector<16xf32>
        %mul3A_541 = arith.constant 11.3137083 : f32
        %mul3A_542 = vector.broadcast %mul3A_541 : f32 to vector<16xf32>
        %mul3A_543 = arith.mulf %get3A_540, %mul3A_542 : vector<16xf32>
        %swap3A_544 = arith.index_cast %scan3A_502 : i32 to index
        %swap3A_545 = arith.constant 48 : index
        %swap3A_546 = tpu.vector_load %arg7[%swap3A_544, %swap3A_545] {strides = array<i32>} : memref<128x128xf32, #tpu.memory_space<vmem>>, vector<1x16xf32>,
        %swap3A_547 = vector.shape_cast %swap3A_546 : vector<1x16xf32> to vector<16xf32>
        %swap3A_548 = vector.shape_cast %mul3A_543 : vector<16xf32> to vector<1x16xf32>
        tpu.vector_store %arg7[%swap3A_544, %swap3A_545], %swap3A_548 {strides = array<i32>} : memref<128x128xf32, #tpu.memory_space<vmem>>, vector<1x16xf32>,
        %get3A_549 = arith.index_cast %scan3A_502 : i32 to index
        %get3A_550 = arith.constant 64 : index
        %get3A_551 = tpu.vector_load %arg7[%get3A_549, %get3A_550] {strides = array<i32>} : memref<128x128xf32, #tpu.memory_space<vmem>>, vector<1x16xf32>,
        %get3A_552 = vector.shape_cast %get3A_551 : vector<1x16xf32> to vector<16xf32>
        %mul3A_553 = arith.constant 11.3137083 : f32
        %mul3A_554 = vector.broadcast %mul3A_553 : f32 to vector<16xf32>
        %mul3A_555 = arith.mulf %get3A_552, %mul3A_554 : vector<16xf32>
        %swap3A_556 = arith.index_cast %scan3A_502 : i32 to index
        %swap3A_557 = arith.constant 64 : index
        %swap3A_558 = tpu.vector_load %arg7[%swap3A_556, %swap3A_557] {strides = array<i32>} : memref<128x128xf32, #tpu.memory_space<vmem>>, vector<1x16xf32>,
        %swap3A_559 = vector.shape_cast %swap3A_558 : vector<1x16xf32> to vector<16xf32>
        %swap3A_560 = vector.shape_cast %mul3A_555 : vector<16xf32> to vector<1x16xf32>
        tpu.vector_store %arg7[%swap3A_556, %swap3A_557], %swap3A_560 {strides = array<i32>} : memref<128x128xf32, #tpu.memory_space<vmem>>, vector<1x16xf32>,
        %get3A_561 = arith.index_cast %scan3A_502 : i32 to index
        %get3A_562 = arith.constant 80 : index
        %get3A_563 = tpu.vector_load %arg7[%get3A_561, %get3A_562] {strides = array<i32>} : memref<128x128xf32, #tpu.memory_space<vmem>>, vector<1x16xf32>,
        %get3A_564 = vector.shape_cast %get3A_563 : vector<1x16xf32> to vector<16xf32>
        %mul3A_565 = arith.constant 11.3137083 : f32
        %mul3A_566 = vector.broadcast %mul3A_565 : f32 to vector<16xf32>
        %mul3A_567 = arith.mulf %get3A_564, %mul3A_566 : vector<16xf32>
        %swap3A_568 = arith.index_cast %scan3A_502 : i32 to index
        %swap3A_569 = arith.constant 80 : index
        %swap3A_570 = tpu.vector_load %arg7[%swap3A_568, %swap3A_569] {strides = array<i32>} : memref<128x128xf32, #tpu.memory_space<vmem>>, vector<1x16xf32>,
        %swap3A_571 = vector.shape_cast %swap3A_570 : vector<1x16xf32> to vector<16xf32>
        %swap3A_572 = vector.shape_cast %mul3A_567 : vector<16xf32> to vector<1x16xf32>
        tpu.vector_store %arg7[%swap3A_568, %swap3A_569], %swap3A_572 {strides = array<i32>} : memref<128x128xf32, #tpu.memory_space<vmem>>, vector<1x16xf32>,
        %get3A_573 = arith.index_cast %scan3A_502 : i32 to index
        %get3A_574 = arith.constant 96 : index
        %get3A_575 = tpu.vector_load %arg7[%get3A_573, %get3A_574] {strides = array<i32>} : memref<128x128xf32, #tpu.memory_space<vmem>>, vector<1x16xf32>,
        %get3A_576 = vector.shape_cast %get3A_575 : vector<1x16xf32> to vector<16xf32>
        %mul3A_577 = arith.constant 11.3137083 : f32
        %mul3A_578 = vector.broadcast %mul3A_577 : f32 to vector<16xf32>
        %mul3A_579 = arith.mulf %get3A_576, %mul3A_578 : vector<16xf32>
        %swap3A_580 = arith.index_cast %scan3A_502 : i32 to index
        %swap3A_581 = arith.constant 96 : index
        %swap3A_582 = tpu.vector_load %arg7[%swap3A_580, %swap3A_581] {strides = array<i32>} : memref<128x128xf32, #tpu.memory_space<vmem>>, vector<1x16xf32>,
        %swap3A_583 = vector.shape_cast %swap3A_582 : vector<1x16xf32> to vector<16xf32>
        %swap3A_584 = vector.shape_cast %mul3A_579 : vector<16xf32> to vector<1x16xf32>
        tpu.vector_store %arg7[%swap3A_580, %swap3A_581], %swap3A_584 {strides = array<i32>} : memref<128x128xf32, #tpu.memory_space<vmem>>, vector<1x16xf32>,
        %get3A_585 = arith.index_cast %scan3A_502 : i32 to index
        %get3A_586 = arith.constant 112 : index
        %get3A_587 = tpu.vector_load %arg7[%get3A_585, %get3A_586] {strides = array<i32>} : memref<128x128xf32, #tpu.memory_space<vmem>>, vector<1x16xf32>,
        %get3A_588 = vector.shape_cast %get3A_587 : vector<1x16xf32> to vector<16xf32>
        %mul3A_589 = arith.constant 11.3137083 : f32
        %mul3A_590 = vector.broadcast %mul3A_589 : f32 to vector<16xf32>
        %mul3A_591 = arith.mulf %get3A_588, %mul3A_590 : vector<16xf32>
        %swap3A_592 = arith.index_cast %scan3A_502 : i32 to index
        %swap3A_593 = arith.constant 112 : index
        %swap3A_594 = tpu.vector_load %arg7[%swap3A_592, %swap3A_593] {strides = array<i32>} : memref<128x128xf32, #tpu.memory_space<vmem>>, vector<1x16xf32>,
        %swap3A_595 = vector.shape_cast %swap3A_594 : vector<1x16xf32> to vector<16xf32>
        %swap3A_596 = vector.shape_cast %mul3A_591 : vector<16xf32> to vector<1x16xf32>
        tpu.vector_store %arg7[%swap3A_592, %swap3A_593], %swap3A_596 {strides = array<i32>} : memref<128x128xf32, #tpu.memory_space<vmem>>, vector<1x16xf32>,
        %scan3A_597 = arith.constant 1 : i32
        %scan3A_598 = arith.addi %scan3A_502, %scan3A_597 : i32
        %get3A_599 = arith.index_cast %scan3A_598 : i32 to index
        %get3A_600 = arith.constant 0 : index
        %get3A_601 = tpu.vector_load %arg7[%get3A_599, %get3A_600] {strides = array<i32>} : memref<128x128xf32, #tpu.memory_space<vmem>>, vector<1x16xf32>,
        %get3A_602 = vector.shape_cast %get3A_601 : vector<1x16xf32> to vector<16xf32>
        %mul3A_603 = arith.constant 11.3137083 : f32
        %mul3A_604 = vector.broadcast %mul3A_603 : f32 to vector<16xf32>
        %mul3A_605 = arith.mulf %get3A_602, %mul3A_604 : vector<16xf32>
        %swap3A_606 = arith.index_cast %scan3A_598 : i32 to index
        %swap3A_607 = arith.constant 0 : index
        %swap3A_608 = tpu.vector_load %arg7[%swap3A_606, %swap3A_607] {strides = array<i32>} : memref<128x128xf32, #tpu.memory_space<vmem>>, vector<1x16xf32>,
        %swap3A_609 = vector.shape_cast %swap3A_608 : vector<1x16xf32> to vector<16xf32>
        %swap3A_610 = vector.shape_cast %mul3A_605 : vector<16xf32> to vector<1x16xf32>
        tpu.vector_store %arg7[%swap3A_606, %swap3A_607], %swap3A_610 {strides = array<i32>} : memref<128x128xf32, #tpu.memory_space<vmem>>, vector<1x16xf32>,
        %get3A_611 = arith.index_cast %scan3A_598 : i32 to index
        %get3A_612 = arith.constant 16 : index
        %get3A_613 = tpu.vector_load %arg7[%get3A_611, %get3A_612] {strides = array<i32>} : memref<128x128xf32, #tpu.memory_space<vmem>>, vector<1x16xf32>,
        %get3A_614 = vector.shape_cast %get3A_613 : vector<1x16xf32> to vector<16xf32>
        %mul3A_615 = arith.constant 11.3137083 : f32
        %mul3A_616 = vector.broadcast %mul3A_615 : f32 to vector<16xf32>
        %mul3A_617 = arith.mulf %get3A_614, %mul3A_616 : vector<16xf32>
        %swap3A_618 = arith.index_cast %scan3A_598 : i32 to index
        %swap3A_619 = arith.constant 16 : index
        %swap3A_620 = tpu.vector_load %arg7[%swap3A_618, %swap3A_619] {strides = array<i32>} : memref<128x128xf32, #tpu.memory_space<vmem>>, vector<1x16xf32>,
        %swap3A_621 = vector.shape_cast %swap3A_620 : vector<1x16xf32> to vector<16xf32>
        %swap3A_622 = vector.shape_cast %mul3A_617 : vector<16xf32> to vector<1x16xf32>
        tpu.vector_store %arg7[%swap3A_618, %swap3A_619], %swap3A_622 {strides = array<i32>} : memref<128x128xf32, #tpu.memory_space<vmem>>, vector<1x16xf32>,
        %get3A_623 = arith.index_cast %scan3A_598 : i32 to index
        %get3A_624 = arith.constant 32 : index
        %get3A_625 = tpu.vector_load %arg7[%get3A_623, %get3A_624] {strides = array<i32>} : memref<128x128xf32, #tpu.memory_space<vmem>>, vector<1x16xf32>,
        %get3A_626 = vector.shape_cast %get3A_625 : vector<1x16xf32> to vector<16xf32>
        %mul3A_627 = arith.constant 11.3137083 : f32
        %mul3A_628 = vector.broadcast %mul3A_627 : f32 to vector<16xf32>
        %mul3A_629 = arith.mulf %get3A_626, %mul3A_628 : vector<16xf32>
        %swap3A_630 = arith.index_cast %scan3A_598 : i32 to index
        %swap3A_631 = arith.constant 32 : index
        %swap3A_632 = tpu.vector_load %arg7[%swap3A_630, %swap3A_631] {strides = array<i32>} : memref<128x128xf32, #tpu.memory_space<vmem>>, vector<1x16xf32>,
        %swap3A_633 = vector.shape_cast %swap3A_632 : vector<1x16xf32> to vector<16xf32>
        %swap3A_634 = vector.shape_cast %mul3A_629 : vector<16xf32> to vector<1x16xf32>
        tpu.vector_store %arg7[%swap3A_630, %swap3A_631], %swap3A_634 {strides = array<i32>} : memref<128x128xf32, #tpu.memory_space<vmem>>, vector<1x16xf32>,
        %get3A_635 = arith.index_cast %scan3A_598 : i32 to index
        %get3A_636 = arith.constant 48 : index
        %get3A_637 = tpu.vector_load %arg7[%get3A_635, %get3A_636] {strides = array<i32>} : memref<128x128xf32, #tpu.memory_space<vmem>>, vector<1x16xf32>,
        %get3A_638 = vector.shape_cast %get3A_637 : vector<1x16xf32> to vector<16xf32>
        %mul3A_639 = arith.constant 11.3137083 : f32
        %mul3A_640 = vector.broadcast %mul3A_639 : f32 to vector<16xf32>
        %mul3A_641 = arith.mulf %get3A_638, %mul3A_640 : vector<16xf32>
        %swap3A_642 = arith.index_cast %scan3A_598 : i32 to index
        %swap3A_643 = arith.constant 48 : index
        %swap3A_644 = tpu.vector_load %arg7[%swap3A_642, %swap3A_643] {strides = array<i32>} : memref<128x128xf32, #tpu.memory_space<vmem>>, vector<1x16xf32>,
        %swap3A_645 = vector.shape_cast %swap3A_644 : vector<1x16xf32> to vector<16xf32>
        %swap3A_646 = vector.shape_cast %mul3A_641 : vector<16xf32> to vector<1x16xf32>
        tpu.vector_store %arg7[%swap3A_642, %swap3A_643], %swap3A_646 {strides = array<i32>} : memref<128x128xf32, #tpu.memory_space<vmem>>, vector<1x16xf32>,
        %get3A_647 = arith.index_cast %scan3A_598 : i32 to index
        %get3A_648 = arith.constant 64 : index
        %get3A_649 = tpu.vector_load %arg7[%get3A_647, %get3A_648] {strides = array<i32>} : memref<128x128xf32, #tpu.memory_space<vmem>>, vector<1x16xf32>,
        %get3A_650 = vector.shape_cast %get3A_649 : vector<1x16xf32> to vector<16xf32>
        %mul3A_651 = arith.constant 11.3137083 : f32
        %mul3A_652 = vector.broadcast %mul3A_651 : f32 to vector<16xf32>
        %mul3A_653 = arith.mulf %get3A_650, %mul3A_652 : vector<16xf32>
        %swap3A_654 = arith.index_cast %scan3A_598 : i32 to index
        %swap3A_655 = arith.constant 64 : index
        %swap3A_656 = tpu.vector_load %arg7[%swap3A_654, %swap3A_655] {strides = array<i32>} : memref<128x128xf32, #tpu.memory_space<vmem>>, vector<1x16xf32>,
        %swap3A_657 = vector.shape_cast %swap3A_656 : vector<1x16xf32> to vector<16xf32>
        %swap3A_658 = vector.shape_cast %mul3A_653 : vector<16xf32> to vector<1x16xf32>
        tpu.vector_store %arg7[%swap3A_654, %swap3A_655], %swap3A_658 {strides = array<i32>} : memref<128x128xf32, #tpu.memory_space<vmem>>, vector<1x16xf32>,
        %get3A_659 = arith.index_cast %scan3A_598 : i32 to index
        %get3A_660 = arith.constant 80 : index
        %get3A_661 = tpu.vector_load %arg7[%get3A_659, %get3A_660] {strides = array<i32>} : memref<128x128xf32, #tpu.memory_space<vmem>>, vector<1x16xf32>,
        %get3A_662 = vector.shape_cast %get3A_661 : vector<1x16xf32> to vector<16xf32>
        %mul3A_663 = arith.constant 11.3137083 : f32
        %mul3A_664 = vector.broadcast %mul3A_663 : f32 to vector<16xf32>
        %mul3A_665 = arith.mulf %get3A_662, %mul3A_664 : vector<16xf32>
        %swap3A_666 = arith.index_cast %scan3A_598 : i32 to index
        %swap3A_667 = arith.constant 80 : index
        %swap3A_668 = tpu.vector_load %arg7[%swap3A_666, %swap3A_667] {strides = array<i32>} : memref<128x128xf32, #tpu.memory_space<vmem>>, vector<1x16xf32>,
        %swap3A_669 = vector.shape_cast %swap3A_668 : vector<1x16xf32> to vector<16xf32>
        %swap3A_670 = vector.shape_cast %mul3A_665 : vector<16xf32> to vector<1x16xf32>
        tpu.vector_store %arg7[%swap3A_666, %swap3A_667], %swap3A_670 {strides = array<i32>} : memref<128x128xf32, #tpu.memory_space<vmem>>, vector<1x16xf32>,
        %get3A_671 = arith.index_cast %scan3A_598 : i32 to index
        %get3A_672 = arith.constant 96 : index
        %get3A_673 = tpu.vector_load %arg7[%get3A_671, %get3A_672] {strides = array<i32>} : memref<128x128xf32, #tpu.memory_space<vmem>>, vector<1x16xf32>,
        %get3A_674 = vector.shape_cast %get3A_673 : vector<1x16xf32> to vector<16xf32>
        %mul3A_675 = arith.constant 11.3137083 : f32
        %mul3A_676 = vector.broadcast %mul3A_675 : f32 to vector<16xf32>
        %mul3A_677 = arith.mulf %get3A_674, %mul3A_676 : vector<16xf32>
        %swap3A_678 = arith.index_cast %scan3A_598 : i32 to index
        %swap3A_679 = arith.constant 96 : index
        %swap3A_680 = tpu.vector_load %arg7[%swap3A_678, %swap3A_679] {strides = array<i32>} : memref<128x128xf32, #tpu.memory_space<vmem>>, vector<1x16xf32>,
        %swap3A_681 = vector.shape_cast %swap3A_680 : vector<1x16xf32> to vector<16xf32>
        %swap3A_682 = vector.shape_cast %mul3A_677 : vector<16xf32> to vector<1x16xf32>
        tpu.vector_store %arg7[%swap3A_678, %swap3A_679], %swap3A_682 {strides = array<i32>} : memref<128x128xf32, #tpu.memory_space<vmem>>, vector<1x16xf32>,
        %get3A_683 = arith.index_cast %scan3A_598 : i32 to index
        %get3A_684 = arith.constant 112 : index
        %get3A_685 = tpu.vector_load %arg7[%get3A_683, %get3A_684] {strides = array<i32>} : memref<128x128xf32, #tpu.memory_space<vmem>>, vector<1x16xf32>,
        %get3A_686 = vector.shape_cast %get3A_685 : vector<1x16xf32> to vector<16xf32>
        %mul3A_687 = arith.constant 11.3137083 : f32
        %mul3A_688 = vector.broadcast %mul3A_687 : f32 to vector<16xf32>
        %mul3A_689 = arith.mulf %get3A_686, %mul3A_688 : vector<16xf32>
        %swap3A_690 = arith.index_cast %scan3A_598 : i32 to index
        %swap3A_691 = arith.constant 112 : index
        %swap3A_692 = tpu.vector_load %arg7[%swap3A_690, %swap3A_691] {strides = array<i32>} : memref<128x128xf32, #tpu.memory_space<vmem>>, vector<1x16xf32>,
        %swap3A_693 = vector.shape_cast %swap3A_692 : vector<1x16xf32> to vector<16xf32>
        %swap3A_694 = vector.shape_cast %mul3A_689 : vector<16xf32> to vector<1x16xf32>
        tpu.vector_store %arg7[%swap3A_690, %swap3A_691], %swap3A_694 {strides = array<i32>} : memref<128x128xf32, #tpu.memory_space<vmem>>, vector<1x16xf32>,
      }
      %scan3A_383 = arith.constant 128 : i32
      %mul3A_384 = arith.constant 128 : i32
      %mul3A_385 = arith.muli %add3A_357, %mul3A_384 : i32
      %add3A_386 = arith.addi %mul3A_2, %mul3A_385 : i32
      %dma_start3A_387 = arith.constant 0 : i32
      %dma_start3A_388 = tpu.memref_slice %arg4[%add3A_386, %dma_start3A_387] : memref<819200x128xf32, #tpu.memory_space<hbm>> -> memref<128x128xf32, #tpu.memory_space<hbm>>
      %dma_start3A_389 = arith.constant 0 : i32
      %dma_start3A_390 = tpu.memref_slice %arg4[%add3A_386, %dma_start3A_389] : memref<819200x128xf32, #tpu.memory_space<hbm>> -> memref<128x128xf32, #tpu.memory_space<hbm>>
      tpu.enqueue_dma source(%arg7 : memref<128x128xf32, #tpu.memory_space<vmem>>) target(%dma_start3A_390 : memref<128x128xf32, #tpu.memory_space<hbm>>) target_semaphore(%arg17 : memref<!tpu.dma_semaphore, #tpu.memory_space<semaphore_mem>>)
      %mul3A_391 = arith.constant 5 : i32
      %mul3A_392 = arith.muli %scan3A_316, %mul3A_391 : i32
      %add3A_393 = arith.constant 2 : i32
      %add3A_394 = arith.addi %mul3A_392, %add3A_393 : i32
      %dma_wait3A_395 = arith.constant 0 : i32
      %dma_wait3A_396 = arith.constant 0 : i32
      %dma_wait3A_397 = tpu.memref_slice %arg4[%dma_wait3A_395, %dma_wait3A_396] : memref<819200x128xf32, #tpu.memory_space<hbm>> -> memref<128x128xf32, #tpu.memory_space<hbm>>
      %dma_wait3A_398 = arith.constant 0 : i32
      %dma_wait3A_399 = arith.constant 0 : i32
      %dma_wait3A_400 = tpu.memref_slice %arg4[%dma_wait3A_398, %dma_wait3A_399] : memref<819200x128xf32, #tpu.memory_space<hbm>> -> memref<128x128xf32, #tpu.memory_space<hbm>>
      tpu.wait_dma2 semaphore(%arg16 : memref<!tpu.dma_semaphore, #tpu.memory_space<semaphore_mem>>) src(%arg6 : memref<128x128xf32, #tpu.memory_space<vmem>>) dst(%dma_wait3A_400 : memref<128x128xf32, #tpu.memory_space<hbm>>)
      %add3A_401 = arith.constant 3 : i32
      %add3A_402 = arith.addi %add3A_394, %add3A_401 : i32
      %dma_start3A_403 = arith.constant 0 : i32
      %dma_start3A_404 = tpu.memref_slice %arg5[%add3A_402, %dma_start3A_403] : memref<200x128xi32, #tpu.memory_space<vmem>> -> memref<1x128xi32, #tpu.memory_space<vmem>>
      %dma_start3A_405 = tpu.memref_squeeze %dma_start3A_404 : memref<1x128xi32, #tpu.memory_space<vmem>> -> memref<128xi32, #tpu.memory_space<vmem>>
      %dma_start3A_406 = arith.constant 0 : i32
      %dma_start3A_407 = arith.constant 0 : i32
      %dma_start3A_408 = tpu.memref_slice %arg3[%dma_start3A_406, %dma_start3A_407] : memref<1000000x128xf32, #tpu.memory_space<hbm>> -> memref<1000000x128xf32, #tpu.memory_space<hbm>>
      tpu.enqueue_indirect_dma source(%dma_start3A_408 : memref<1000000x128xf32, #tpu.memory_space<hbm>>) target(%arg6 : memref<128x128xf32, #tpu.memory_space<vmem>>) offsets(%dma_start3A_405 : memref<128xi32, #tpu.memory_space<vmem>>) semaphore(%arg11 : memref<!tpu.dma_semaphore, #tpu.memory_space<semaphore_mem>>)
      %dma_wait3A_409 = arith.constant 0 : i32
      %dma_wait3A_410 = arith.constant 0 : i32
      %dma_wait3A_411 = tpu.memref_slice %arg3[%dma_wait3A_409, %dma_wait3A_410] : memref<1000000x128xf32, #tpu.memory_space<hbm>> -> memref<128x128xf32, #tpu.memory_space<hbm>>
      %dma_wait3A_412 = arith.constant 0 : i32
      %dma_wait3A_413 = arith.constant 0 : i32
      %dma_wait3A_414 = tpu.memref_slice %arg3[%dma_wait3A_412, %dma_wait3A_413] : memref<1000000x128xf32, #tpu.memory_space<hbm>> -> memref<128x128xf32, #tpu.memory_space<hbm>>
      tpu.wait_dma2 semaphore(%arg13 : memref<!tpu.dma_semaphore, #tpu.memory_space<semaphore_mem>>) src(%dma_wait3A_414 : memref<128x128xf32, #tpu.memory_space<hbm>>) dst(%arg8 : memref<128x128xf32, #tpu.memory_space<vmem>>)
      %scan3A_415 = arith.constant 0 : i32
      %scan3A_416 = arith.constant 0 : i32
      %scan3A_417 = arith.constant 128 : i32
      %scan3A_418 = arith.addi %scan3A_416, %scan3A_417 : i32
      %scan3A_419 = arith.constant 2 : i32
      scf.for %scan3A_502 = %scan3A_416 to %scan3A_418 step %scan3A_419  : i32 {
        %get3A = arith.index_cast %scan3A_502 : i32 to index
        %get3A_503 = arith.constant 0 : index
        %get3A_504 = tpu.vector_load %arg8[%get3A, %get3A_503] {strides = array<i32>} : memref<128x128xf32, #tpu.memory_space<vmem>>, vector<1x16xf32>,
        %get3A_505 = vector.shape_cast %get3A_504 : vector<1x16xf32> to vector<16xf32>
        %mul3A_506 = arith.constant 11.3137083 : f32
        %mul3A_507 = vector.broadcast %mul3A_506 : f32 to vector<16xf32>
        %mul3A_508 = arith.mulf %get3A_505, %mul3A_507 : vector<16xf32>
        %swap3A = arith.index_cast %scan3A_502 : i32 to index
        %swap3A_509 = arith.constant 0 : index
        %swap3A_510 = tpu.vector_load %arg8[%swap3A, %swap3A_509] {strides = array<i32>} : memref<128x128xf32, #tpu.memory_space<vmem>>, vector<1x16xf32>,
        %swap3A_511 = vector.shape_cast %swap3A_510 : vector<1x16xf32> to vector<16xf32>
        %swap3A_512 = vector.shape_cast %mul3A_508 : vector<16xf32> to vector<1x16xf32>
        tpu.vector_store %arg8[%swap3A, %swap3A_509], %swap3A_512 {strides = array<i32>} : memref<128x128xf32, #tpu.memory_space<vmem>>, vector<1x16xf32>,
        %get3A_513 = arith.index_cast %scan3A_502 : i32 to index
        %get3A_514 = arith.constant 16 : index
        %get3A_515 = tpu.vector_load %arg8[%get3A_513, %get3A_514] {strides = array<i32>} : memref<128x128xf32, #tpu.memory_space<vmem>>, vector<1x16xf32>,
        %get3A_516 = vector.shape_cast %get3A_515 : vector<1x16xf32> to vector<16xf32>
        %mul3A_517 = arith.constant 11.3137083 : f32
        %mul3A_518 = vector.broadcast %mul3A_517 : f32 to vector<16xf32>
        %mul3A_519 = arith.mulf %get3A_516, %mul3A_518 : vector<16xf32>
        %swap3A_520 = arith.index_cast %scan3A_502 : i32 to index
        %swap3A_521 = arith.constant 16 : index
        %swap3A_522 = tpu.vector_load %arg8[%swap3A_520, %swap3A_521] {strides = array<i32>} : memref<128x128xf32, #tpu.memory_space<vmem>>, vector<1x16xf32>,
        %swap3A_523 = vector.shape_cast %swap3A_522 : vector<1x16xf32> to vector<16xf32>
        %swap3A_524 = vector.shape_cast %mul3A_519 : vector<16xf32> to vector<1x16xf32>
        tpu.vector_store %arg8[%swap3A_520, %swap3A_521], %swap3A_524 {strides = array<i32>} : memref<128x128xf32, #tpu.memory_space<vmem>>, vector<1x16xf32>,
        %get3A_525 = arith.index_cast %scan3A_502 : i32 to index
        %get3A_526 = arith.constant 32 : index
        %get3A_527 = tpu.vector_load %arg8[%get3A_525, %get3A_526] {strides = array<i32>} : memref<128x128xf32, #tpu.memory_space<vmem>>, vector<1x16xf32>,
        %get3A_528 = vector.shape_cast %get3A_527 : vector<1x16xf32> to vector<16xf32>
        %mul3A_529 = arith.constant 11.3137083 : f32
        %mul3A_530 = vector.broadcast %mul3A_529 : f32 to vector<16xf32>
        %mul3A_531 = arith.mulf %get3A_528, %mul3A_530 : vector<16xf32>
        %swap3A_532 = arith.index_cast %scan3A_502 : i32 to index
        %swap3A_533 = arith.constant 32 : index
        %swap3A_534 = tpu.vector_load %arg8[%swap3A_532, %swap3A_533] {strides = array<i32>} : memref<128x128xf32, #tpu.memory_space<vmem>>, vector<1x16xf32>,
        %swap3A_535 = vector.shape_cast %swap3A_534 : vector<1x16xf32> to vector<16xf32>
        %swap3A_536 = vector.shape_cast %mul3A_531 : vector<16xf32> to vector<1x16xf32>
        tpu.vector_store %arg8[%swap3A_532, %swap3A_533], %swap3A_536 {strides = array<i32>} : memref<128x128xf32, #tpu.memory_space<vmem>>, vector<1x16xf32>,
        %get3A_537 = arith.index_cast %scan3A_502 : i32 to index
        %get3A_538 = arith.constant 48 : index
        %get3A_539 = tpu.vector_load %arg8[%get3A_537, %get3A_538] {strides = array<i32>} : memref<128x128xf32, #tpu.memory_space<vmem>>, vector<1x16xf32>,
        %get3A_540 = vector.shape_cast %get3A_539 : vector<1x16xf32> to vector<16xf32>
        %mul3A_541 = arith.constant 11.3137083 : f32
        %mul3A_542 = vector.broadcast %mul3A_541 : f32 to vector<16xf32>
        %mul3A_543 = arith.mulf %get3A_540, %mul3A_542 : vector<16xf32>
        %swap3A_544 = arith.index_cast %scan3A_502 : i32 to index
        %swap3A_545 = arith.constant 48 : index
        %swap3A_546 = tpu.vector_load %arg8[%swap3A_544, %swap3A_545] {strides = array<i32>} : memref<128x128xf32, #tpu.memory_space<vmem>>, vector<1x16xf32>,
        %swap3A_547 = vector.shape_cast %swap3A_546 : vector<1x16xf32> to vector<16xf32>
        %swap3A_548 = vector.shape_cast %mul3A_543 : vector<16xf32> to vector<1x16xf32>
        tpu.vector_store %arg8[%swap3A_544, %swap3A_545], %swap3A_548 {strides = array<i32>} : memref<128x128xf32, #tpu.memory_space<vmem>>, vector<1x16xf32>,
        %get3A_549 = arith.index_cast %scan3A_502 : i32 to index
        %get3A_550 = arith.constant 64 : index
        %get3A_551 = tpu.vector_load %arg8[%get3A_549, %get3A_550] {strides = array<i32>} : memref<128x128xf32, #tpu.memory_space<vmem>>, vector<1x16xf32>,
        %get3A_552 = vector.shape_cast %get3A_551 : vector<1x16xf32> to vector<16xf32>
        %mul3A_553 = arith.constant 11.3137083 : f32
        %mul3A_554 = vector.broadcast %mul3A_553 : f32 to vector<16xf32>
        %mul3A_555 = arith.mulf %get3A_552, %mul3A_554 : vector<16xf32>
        %swap3A_556 = arith.index_cast %scan3A_502 : i32 to index
        %swap3A_557 = arith.constant 64 : index
        %swap3A_558 = tpu.vector_load %arg8[%swap3A_556, %swap3A_557] {strides = array<i32>} : memref<128x128xf32, #tpu.memory_space<vmem>>, vector<1x16xf32>,
        %swap3A_559 = vector.shape_cast %swap3A_558 : vector<1x16xf32> to vector<16xf32>
        %swap3A_560 = vector.shape_cast %mul3A_555 : vector<16xf32> to vector<1x16xf32>
        tpu.vector_store %arg8[%swap3A_556, %swap3A_557], %swap3A_560 {strides = array<i32>} : memref<128x128xf32, #tpu.memory_space<vmem>>, vector<1x16xf32>,
        %get3A_561 = arith.index_cast %scan3A_502 : i32 to index
        %get3A_562 = arith.constant 80 : index
        %get3A_563 = tpu.vector_load %arg8[%get3A_561, %get3A_562] {strides = array<i32>} : memref<128x128xf32, #tpu.memory_space<vmem>>, vector<1x16xf32>,
        %get3A_564 = vector.shape_cast %get3A_563 : vector<1x16xf32> to vector<16xf32>
        %mul3A_565 = arith.constant 11.3137083 : f32
        %mul3A_566 = vector.broadcast %mul3A_565 : f32 to vector<16xf32>
        %mul3A_567 = arith.mulf %get3A_564, %mul3A_566 : vector<16xf32>
        %swap3A_568 = arith.index_cast %scan3A_502 : i32 to index
        %swap3A_569 = arith.constant 80 : index
        %swap3A_570 = tpu.vector_load %arg8[%swap3A_568, %swap3A_569] {strides = array<i32>} : memref<128x128xf32, #tpu.memory_space<vmem>>, vector<1x16xf32>,
        %swap3A_571 = vector.shape_cast %swap3A_570 : vector<1x16xf32> to vector<16xf32>
        %swap3A_572 = vector.shape_cast %mul3A_567 : vector<16xf32> to vector<1x16xf32>
        tpu.vector_store %arg8[%swap3A_568, %swap3A_569], %swap3A_572 {strides = array<i32>} : memref<128x128xf32, #tpu.memory_space<vmem>>, vector<1x16xf32>,
        %get3A_573 = arith.index_cast %scan3A_502 : i32 to index
        %get3A_574 = arith.constant 96 : index
        %get3A_575 = tpu.vector_load %arg8[%get3A_573, %get3A_574] {strides = array<i32>} : memref<128x128xf32, #tpu.memory_space<vmem>>, vector<1x16xf32>,
        %get3A_576 = vector.shape_cast %get3A_575 : vector<1x16xf32> to vector<16xf32>
        %mul3A_577 = arith.constant 11.3137083 : f32
        %mul3A_578 = vector.broadcast %mul3A_577 : f32 to vector<16xf32>
        %mul3A_579 = arith.mulf %get3A_576, %mul3A_578 : vector<16xf32>
        %swap3A_580 = arith.index_cast %scan3A_502 : i32 to index
        %swap3A_581 = arith.constant 96 : index
        %swap3A_582 = tpu.vector_load %arg8[%swap3A_580, %swap3A_581] {strides = array<i32>} : memref<128x128xf32, #tpu.memory_space<vmem>>, vector<1x16xf32>,
        %swap3A_583 = vector.shape_cast %swap3A_582 : vector<1x16xf32> to vector<16xf32>
        %swap3A_584 = vector.shape_cast %mul3A_579 : vector<16xf32> to vector<1x16xf32>
        tpu.vector_store %arg8[%swap3A_580, %swap3A_581], %swap3A_584 {strides = array<i32>} : memref<128x128xf32, #tpu.memory_space<vmem>>, vector<1x16xf32>,
        %get3A_585 = arith.index_cast %scan3A_502 : i32 to index
        %get3A_586 = arith.constant 112 : index
        %get3A_587 = tpu.vector_load %arg8[%get3A_585, %get3A_586] {strides = array<i32>} : memref<128x128xf32, #tpu.memory_space<vmem>>, vector<1x16xf32>,
        %get3A_588 = vector.shape_cast %get3A_587 : vector<1x16xf32> to vector<16xf32>
        %mul3A_589 = arith.constant 11.3137083 : f32
        %mul3A_590 = vector.broadcast %mul3A_589 : f32 to vector<16xf32>
        %mul3A_591 = arith.mulf %get3A_588, %mul3A_590 : vector<16xf32>
        %swap3A_592 = arith.index_cast %scan3A_502 : i32 to index
        %swap3A_593 = arith.constant 112 : index
        %swap3A_594 = tpu.vector_load %arg8[%swap3A_592, %swap3A_593] {strides = array<i32>} : memref<128x128xf32, #tpu.memory_space<vmem>>, vector<1x16xf32>,
        %swap3A_595 = vector.shape_cast %swap3A_594 : vector<1x16xf32> to vector<16xf32>
        %swap3A_596 = vector.shape_cast %mul3A_591 : vector<16xf32> to vector<1x16xf32>
        tpu.vector_store %arg8[%swap3A_592, %swap3A_593], %swap3A_596 {strides = array<i32>} : memref<128x128xf32, #tpu.memory_space<vmem>>, vector<1x16xf32>,
        %scan3A_597 = arith.constant 1 : i32
        %scan3A_598 = arith.addi %scan3A_502, %scan3A_597 : i32
        %get3A_599 = arith.index_cast %scan3A_598 : i32 to index
        %get3A_600 = arith.constant 0 : index
        %get3A_601 = tpu.vector_load %arg8[%get3A_599, %get3A_600] {strides = array<i32>} : memref<128x128xf32, #tpu.memory_space<vmem>>, vector<1x16xf32>,
        %get3A_602 = vector.shape_cast %get3A_601 : vector<1x16xf32> to vector<16xf32>
        %mul3A_603 = arith.constant 11.3137083 : f32
        %mul3A_604 = vector.broadcast %mul3A_603 : f32 to vector<16xf32>
        %mul3A_605 = arith.mulf %get3A_602, %mul3A_604 : vector<16xf32>
        %swap3A_606 = arith.index_cast %scan3A_598 : i32 to index
        %swap3A_607 = arith.constant 0 : index
        %swap3A_608 = tpu.vector_load %arg8[%swap3A_606, %swap3A_607] {strides = array<i32>} : memref<128x128xf32, #tpu.memory_space<vmem>>, vector<1x16xf32>,
        %swap3A_609 = vector.shape_cast %swap3A_608 : vector<1x16xf32> to vector<16xf32>
        %swap3A_610 = vector.shape_cast %mul3A_605 : vector<16xf32> to vector<1x16xf32>
        tpu.vector_store %arg8[%swap3A_606, %swap3A_607], %swap3A_610 {strides = array<i32>} : memref<128x128xf32, #tpu.memory_space<vmem>>, vector<1x16xf32>,
        %get3A_611 = arith.index_cast %scan3A_598 : i32 to index
        %get3A_612 = arith.constant 16 : index
        %get3A_613 = tpu.vector_load %arg8[%get3A_611, %get3A_612] {strides = array<i32>} : memref<128x128xf32, #tpu.memory_space<vmem>>, vector<1x16xf32>,
        %get3A_614 = vector.shape_cast %get3A_613 : vector<1x16xf32> to vector<16xf32>
        %mul3A_615 = arith.constant 11.3137083 : f32
        %mul3A_616 = vector.broadcast %mul3A_615 : f32 to vector<16xf32>
        %mul3A_617 = arith.mulf %get3A_614, %mul3A_616 : vector<16xf32>
        %swap3A_618 = arith.index_cast %scan3A_598 : i32 to index
        %swap3A_619 = arith.constant 16 : index
        %swap3A_620 = tpu.vector_load %arg8[%swap3A_618, %swap3A_619] {strides = array<i32>} : memref<128x128xf32, #tpu.memory_space<vmem>>, vector<1x16xf32>,
        %swap3A_621 = vector.shape_cast %swap3A_620 : vector<1x16xf32> to vector<16xf32>
        %swap3A_622 = vector.shape_cast %mul3A_617 : vector<16xf32> to vector<1x16xf32>
        tpu.vector_store %arg8[%swap3A_618, %swap3A_619], %swap3A_622 {strides = array<i32>} : memref<128x128xf32, #tpu.memory_space<vmem>>, vector<1x16xf32>,
        %get3A_623 = arith.index_cast %scan3A_598 : i32 to index
        %get3A_624 = arith.constant 32 : index
        %get3A_625 = tpu.vector_load %arg8[%get3A_623, %get3A_624] {strides = array<i32>} : memref<128x128xf32, #tpu.memory_space<vmem>>, vector<1x16xf32>,
        %get3A_626 = vector.shape_cast %get3A_625 : vector<1x16xf32> to vector<16xf32>
        %mul3A_627 = arith.constant 11.3137083 : f32
        %mul3A_628 = vector.broadcast %mul3A_627 : f32 to vector<16xf32>
        %mul3A_629 = arith.mulf %get3A_626, %mul3A_628 : vector<16xf32>
        %swap3A_630 = arith.index_cast %scan3A_598 : i32 to index
        %swap3A_631 = arith.constant 32 : index
        %swap3A_632 = tpu.vector_load %arg8[%swap3A_630, %swap3A_631] {strides = array<i32>} : memref<128x128xf32, #tpu.memory_space<vmem>>, vector<1x16xf32>,
        %swap3A_633 = vector.shape_cast %swap3A_632 : vector<1x16xf32> to vector<16xf32>
        %swap3A_634 = vector.shape_cast %mul3A_629 : vector<16xf32> to vector<1x16xf32>
        tpu.vector_store %arg8[%swap3A_630, %swap3A_631], %swap3A_634 {strides = array<i32>} : memref<128x128xf32, #tpu.memory_space<vmem>>, vector<1x16xf32>,
        %get3A_635 = arith.index_cast %scan3A_598 : i32 to index
        %get3A_636 = arith.constant 48 : index
        %get3A_637 = tpu.vector_load %arg8[%get3A_635, %get3A_636] {strides = array<i32>} : memref<128x128xf32, #tpu.memory_space<vmem>>, vector<1x16xf32>,
        %get3A_638 = vector.shape_cast %get3A_637 : vector<1x16xf32> to vector<16xf32>
        %mul3A_639 = arith.constant 11.3137083 : f32
        %mul3A_640 = vector.broadcast %mul3A_639 : f32 to vector<16xf32>
        %mul3A_641 = arith.mulf %get3A_638, %mul3A_640 : vector<16xf32>
        %swap3A_642 = arith.index_cast %scan3A_598 : i32 to index
        %swap3A_643 = arith.constant 48 : index
        %swap3A_644 = tpu.vector_load %arg8[%swap3A_642, %swap3A_643] {strides = array<i32>} : memref<128x128xf32, #tpu.memory_space<vmem>>, vector<1x16xf32>,
        %swap3A_645 = vector.shape_cast %swap3A_644 : vector<1x16xf32> to vector<16xf32>
        %swap3A_646 = vector.shape_cast %mul3A_641 : vector<16xf32> to vector<1x16xf32>
        tpu.vector_store %arg8[%swap3A_642, %swap3A_643], %swap3A_646 {strides = array<i32>} : memref<128x128xf32, #tpu.memory_space<vmem>>, vector<1x16xf32>,
        %get3A_647 = arith.index_cast %scan3A_598 : i32 to index
        %get3A_648 = arith.constant 64 : index
        %get3A_649 = tpu.vector_load %arg8[%get3A_647, %get3A_648] {strides = array<i32>} : memref<128x128xf32, #tpu.memory_space<vmem>>, vector<1x16xf32>,
        %get3A_650 = vector.shape_cast %get3A_649 : vector<1x16xf32> to vector<16xf32>
        %mul3A_651 = arith.constant 11.3137083 : f32
        %mul3A_652 = vector.broadcast %mul3A_651 : f32 to vector<16xf32>
        %mul3A_653 = arith.mulf %get3A_650, %mul3A_652 : vector<16xf32>
        %swap3A_654 = arith.index_cast %scan3A_598 : i32 to index
        %swap3A_655 = arith.constant 64 : index
        %swap3A_656 = tpu.vector_load %arg8[%swap3A_654, %swap3A_655] {strides = array<i32>} : memref<128x128xf32, #tpu.memory_space<vmem>>, vector<1x16xf32>,
        %swap3A_657 = vector.shape_cast %swap3A_656 : vector<1x16xf32> to vector<16xf32>
        %swap3A_658 = vector.shape_cast %mul3A_653 : vector<16xf32> to vector<1x16xf32>
        tpu.vector_store %arg8[%swap3A_654, %swap3A_655], %swap3A_658 {strides = array<i32>} : memref<128x128xf32, #tpu.memory_space<vmem>>, vector<1x16xf32>,
        %get3A_659 = arith.index_cast %scan3A_598 : i32 to index
        %get3A_660 = arith.constant 80 : index
        %get3A_661 = tpu.vector_load %arg8[%get3A_659, %get3A_660] {strides = array<i32>} : memref<128x128xf32, #tpu.memory_space<vmem>>, vector<1x16xf32>,
        %get3A_662 = vector.shape_cast %get3A_661 : vector<1x16xf32> to vector<16xf32>
        %mul3A_663 = arith.constant 11.3137083 : f32
        %mul3A_664 = vector.broadcast %mul3A_663 : f32 to vector<16xf32>
        %mul3A_665 = arith.mulf %get3A_662, %mul3A_664 : vector<16xf32>
        %swap3A_666 = arith.index_cast %scan3A_598 : i32 to index
        %swap3A_667 = arith.constant 80 : index
        %swap3A_668 = tpu.vector_load %arg8[%swap3A_666, %swap3A_667] {strides = array<i32>} : memref<128x128xf32, #tpu.memory_space<vmem>>, vector<1x16xf32>,
        %swap3A_669 = vector.shape_cast %swap3A_668 : vector<1x16xf32> to vector<16xf32>
        %swap3A_670 = vector.shape_cast %mul3A_665 : vector<16xf32> to vector<1x16xf32>
        tpu.vector_store %arg8[%swap3A_666, %swap3A_667], %swap3A_670 {strides = array<i32>} : memref<128x128xf32, #tpu.memory_space<vmem>>, vector<1x16xf32>,
        %get3A_671 = arith.index_cast %scan3A_598 : i32 to index
        %get3A_672 = arith.constant 96 : index
        %get3A_673 = tpu.vector_load %arg8[%get3A_671, %get3A_672] {strides = array<i32>} : memref<128x128xf32, #tpu.memory_space<vmem>>, vector<1x16xf32>,
        %get3A_674 = vector.shape_cast %get3A_673 : vector<1x16xf32> to vector<16xf32>
        %mul3A_675 = arith.constant 11.3137083 : f32
        %mul3A_676 = vector.broadcast %mul3A_675 : f32 to vector<16xf32>
        %mul3A_677 = arith.mulf %get3A_674, %mul3A_676 : vector<16xf32>
        %swap3A_678 = arith.index_cast %scan3A_598 : i32 to index
        %swap3A_679 = arith.constant 96 : index
        %swap3A_680 = tpu.vector_load %arg8[%swap3A_678, %swap3A_679] {strides = array<i32>} : memref<128x128xf32, #tpu.memory_space<vmem>>, vector<1x16xf32>,
        %swap3A_681 = vector.shape_cast %swap3A_680 : vector<1x16xf32> to vector<16xf32>
        %swap3A_682 = vector.shape_cast %mul3A_677 : vector<16xf32> to vector<1x16xf32>
        tpu.vector_store %arg8[%swap3A_678, %swap3A_679], %swap3A_682 {strides = array<i32>} : memref<128x128xf32, #tpu.memory_space<vmem>>, vector<1x16xf32>,
        %get3A_683 = arith.index_cast %scan3A_598 : i32 to index
        %get3A_684 = arith.constant 112 : index
        %get3A_685 = tpu.vector_load %arg8[%get3A_683, %get3A_684] {strides = array<i32>} : memref<128x128xf32, #tpu.memory_space<vmem>>, vector<1x16xf32>,
        %get3A_686 = vector.shape_cast %get3A_685 : vector<1x16xf32> to vector<16xf32>
        %mul3A_687 = arith.constant 11.3137083 : f32
        %mul3A_688 = vector.broadcast %mul3A_687 : f32 to vector<16xf32>
        %mul3A_689 = arith.mulf %get3A_686, %mul3A_688 : vector<16xf32>
        %swap3A_690 = arith.index_cast %scan3A_598 : i32 to index
        %swap3A_691 = arith.constant 112 : index
        %swap3A_692 = tpu.vector_load %arg8[%swap3A_690, %swap3A_691] {strides = array<i32>} : memref<128x128xf32, #tpu.memory_space<vmem>>, vector<1x16xf32>,
        %swap3A_693 = vector.shape_cast %swap3A_692 : vector<1x16xf32> to vector<16xf32>
        %swap3A_694 = vector.shape_cast %mul3A_689 : vector<16xf32> to vector<1x16xf32>
        tpu.vector_store %arg8[%swap3A_690, %swap3A_691], %swap3A_694 {strides = array<i32>} : memref<128x128xf32, #tpu.memory_space<vmem>>, vector<1x16xf32>,
      }
      %scan3A_420 = arith.constant 128 : i32
      %mul3A_421 = arith.constant 128 : i32
      %mul3A_422 = arith.muli %add3A_394, %mul3A_421 : i32
      %add3A_423 = arith.addi %mul3A_2, %mul3A_422 : i32
      %dma_start3A_424 = arith.constant 0 : i32
      %dma_start3A_425 = tpu.memref_slice %arg4[%add3A_423, %dma_start3A_424] : memref<819200x128xf32, #tpu.memory_space<hbm>> -> memref<128x128xf32, #tpu.memory_space<hbm>>
      %dma_start3A_426 = arith.constant 0 : i32
      %dma_start3A_427 = tpu.memref_slice %arg4[%add3A_423, %dma_start3A_426] : memref<819200x128xf32, #tpu.memory_space<hbm>> -> memref<128x128xf32, #tpu.memory_space<hbm>>
      tpu.enqueue_dma source(%arg8 : memref<128x128xf32, #tpu.memory_space<vmem>>) target(%dma_start3A_427 : memref<128x128xf32, #tpu.memory_space<hbm>>) target_semaphore(%arg18 : memref<!tpu.dma_semaphore, #tpu.memory_space<semaphore_mem>>)
      %mul3A_428 = arith.constant 5 : i32
      %mul3A_429 = arith.muli %scan3A_316, %mul3A_428 : i32
      %add3A_430 = arith.constant 3 : i32
      %add3A_431 = arith.addi %mul3A_429, %add3A_430 : i32
      %dma_wait3A_432 = arith.constant 0 : i32
      %dma_wait3A_433 = arith.constant 0 : i32
      %dma_wait3A_434 = tpu.memref_slice %arg4[%dma_wait3A_432, %dma_wait3A_433] : memref<819200x128xf32, #tpu.memory_space<hbm>> -> memref<128x128xf32, #tpu.memory_space<hbm>>
      %dma_wait3A_435 = arith.constant 0 : i32
      %dma_wait3A_436 = arith.constant 0 : i32
      %dma_wait3A_437 = tpu.memref_slice %arg4[%dma_wait3A_435, %dma_wait3A_436] : memref<819200x128xf32, #tpu.memory_space<hbm>> -> memref<128x128xf32, #tpu.memory_space<hbm>>
      tpu.wait_dma2 semaphore(%arg17 : memref<!tpu.dma_semaphore, #tpu.memory_space<semaphore_mem>>) src(%arg7 : memref<128x128xf32, #tpu.memory_space<vmem>>) dst(%dma_wait3A_437 : memref<128x128xf32, #tpu.memory_space<hbm>>)
      %add3A_438 = arith.constant 3 : i32
      %add3A_439 = arith.addi %add3A_431, %add3A_438 : i32
      %dma_start3A_440 = arith.constant 0 : i32
      %dma_start3A_441 = tpu.memref_slice %arg5[%add3A_439, %dma_start3A_440] : memref<200x128xi32, #tpu.memory_space<vmem>> -> memref<1x128xi32, #tpu.memory_space<vmem>>
      %dma_start3A_442 = tpu.memref_squeeze %dma_start3A_441 : memref<1x128xi32, #tpu.memory_space<vmem>> -> memref<128xi32, #tpu.memory_space<vmem>>
      %dma_start3A_443 = arith.constant 0 : i32
      %dma_start3A_444 = arith.constant 0 : i32
      %dma_start3A_445 = tpu.memref_slice %arg3[%dma_start3A_443, %dma_start3A_444] : memref<1000000x128xf32, #tpu.memory_space<hbm>> -> memref<1000000x128xf32, #tpu.memory_space<hbm>>
      tpu.enqueue_indirect_dma source(%dma_start3A_445 : memref<1000000x128xf32, #tpu.memory_space<hbm>>) target(%arg7 : memref<128x128xf32, #tpu.memory_space<vmem>>) offsets(%dma_start3A_442 : memref<128xi32, #tpu.memory_space<vmem>>) semaphore(%arg12 : memref<!tpu.dma_semaphore, #tpu.memory_space<semaphore_mem>>)
      %dma_wait3A_446 = arith.constant 0 : i32
      %dma_wait3A_447 = arith.constant 0 : i32
      %dma_wait3A_448 = tpu.memref_slice %arg3[%dma_wait3A_446, %dma_wait3A_447] : memref<1000000x128xf32, #tpu.memory_space<hbm>> -> memref<128x128xf32, #tpu.memory_space<hbm>>
      %dma_wait3A_449 = arith.constant 0 : i32
      %dma_wait3A_450 = arith.constant 0 : i32
      %dma_wait3A_451 = tpu.memref_slice %arg3[%dma_wait3A_449, %dma_wait3A_450] : memref<1000000x128xf32, #tpu.memory_space<hbm>> -> memref<128x128xf32, #tpu.memory_space<hbm>>
      tpu.wait_dma2 semaphore(%arg14 : memref<!tpu.dma_semaphore, #tpu.memory_space<semaphore_mem>>) src(%dma_wait3A_451 : memref<128x128xf32, #tpu.memory_space<hbm>>) dst(%arg9 : memref<128x128xf32, #tpu.memory_space<vmem>>)
      %scan3A_452 = arith.constant 0 : i32
      %scan3A_453 = arith.constant 0 : i32
      %scan3A_454 = arith.constant 128 : i32
      %scan3A_455 = arith.addi %scan3A_453, %scan3A_454 : i32
      %scan3A_456 = arith.constant 2 : i32
      scf.for %scan3A_502 = %scan3A_453 to %scan3A_455 step %scan3A_456  : i32 {
        %get3A = arith.index_cast %scan3A_502 : i32 to index
        %get3A_503 = arith.constant 0 : index
        %get3A_504 = tpu.vector_load %arg9[%get3A, %get3A_503] {strides = array<i32>} : memref<128x128xf32, #tpu.memory_space<vmem>>, vector<1x16xf32>,
        %get3A_505 = vector.shape_cast %get3A_504 : vector<1x16xf32> to vector<16xf32>
        %mul3A_506 = arith.constant 11.3137083 : f32
        %mul3A_507 = vector.broadcast %mul3A_506 : f32 to vector<16xf32>
        %mul3A_508 = arith.mulf %get3A_505, %mul3A_507 : vector<16xf32>
        %swap3A = arith.index_cast %scan3A_502 : i32 to index
        %swap3A_509 = arith.constant 0 : index
        %swap3A_510 = tpu.vector_load %arg9[%swap3A, %swap3A_509] {strides = array<i32>} : memref<128x128xf32, #tpu.memory_space<vmem>>, vector<1x16xf32>,
        %swap3A_511 = vector.shape_cast %swap3A_510 : vector<1x16xf32> to vector<16xf32>
        %swap3A_512 = vector.shape_cast %mul3A_508 : vector<16xf32> to vector<1x16xf32>
        tpu.vector_store %arg9[%swap3A, %swap3A_509], %swap3A_512 {strides = array<i32>} : memref<128x128xf32, #tpu.memory_space<vmem>>, vector<1x16xf32>,
        %get3A_513 = arith.index_cast %scan3A_502 : i32 to index
        %get3A_514 = arith.constant 16 : index
        %get3A_515 = tpu.vector_load %arg9[%get3A_513, %get3A_514] {strides = array<i32>} : memref<128x128xf32, #tpu.memory_space<vmem>>, vector<1x16xf32>,
        %get3A_516 = vector.shape_cast %get3A_515 : vector<1x16xf32> to vector<16xf32>
        %mul3A_517 = arith.constant 11.3137083 : f32
        %mul3A_518 = vector.broadcast %mul3A_517 : f32 to vector<16xf32>
        %mul3A_519 = arith.mulf %get3A_516, %mul3A_518 : vector<16xf32>
        %swap3A_520 = arith.index_cast %scan3A_502 : i32 to index
        %swap3A_521 = arith.constant 16 : index
        %swap3A_522 = tpu.vector_load %arg9[%swap3A_520, %swap3A_521] {strides = array<i32>} : memref<128x128xf32, #tpu.memory_space<vmem>>, vector<1x16xf32>,
        %swap3A_523 = vector.shape_cast %swap3A_522 : vector<1x16xf32> to vector<16xf32>
        %swap3A_524 = vector.shape_cast %mul3A_519 : vector<16xf32> to vector<1x16xf32>
        tpu.vector_store %arg9[%swap3A_520, %swap3A_521], %swap3A_524 {strides = array<i32>} : memref<128x128xf32, #tpu.memory_space<vmem>>, vector<1x16xf32>,
        %get3A_525 = arith.index_cast %scan3A_502 : i32 to index
        %get3A_526 = arith.constant 32 : index
        %get3A_527 = tpu.vector_load %arg9[%get3A_525, %get3A_526] {strides = array<i32>} : memref<128x128xf32, #tpu.memory_space<vmem>>, vector<1x16xf32>,
        %get3A_528 = vector.shape_cast %get3A_527 : vector<1x16xf32> to vector<16xf32>
        %mul3A_529 = arith.constant 11.3137083 : f32
        %mul3A_530 = vector.broadcast %mul3A_529 : f32 to vector<16xf32>
        %mul3A_531 = arith.mulf %get3A_528, %mul3A_530 : vector<16xf32>
        %swap3A_532 = arith.index_cast %scan3A_502 : i32 to index
        %swap3A_533 = arith.constant 32 : index
        %swap3A_534 = tpu.vector_load %arg9[%swap3A_532, %swap3A_533] {strides = array<i32>} : memref<128x128xf32, #tpu.memory_space<vmem>>, vector<1x16xf32>,
        %swap3A_535 = vector.shape_cast %swap3A_534 : vector<1x16xf32> to vector<16xf32>
        %swap3A_536 = vector.shape_cast %mul3A_531 : vector<16xf32> to vector<1x16xf32>
        tpu.vector_store %arg9[%swap3A_532, %swap3A_533], %swap3A_536 {strides = array<i32>} : memref<128x128xf32, #tpu.memory_space<vmem>>, vector<1x16xf32>,
        %get3A_537 = arith.index_cast %scan3A_502 : i32 to index
        %get3A_538 = arith.constant 48 : index
        %get3A_539 = tpu.vector_load %arg9[%get3A_537, %get3A_538] {strides = array<i32>} : memref<128x128xf32, #tpu.memory_space<vmem>>, vector<1x16xf32>,
        %get3A_540 = vector.shape_cast %get3A_539 : vector<1x16xf32> to vector<16xf32>
        %mul3A_541 = arith.constant 11.3137083 : f32
        %mul3A_542 = vector.broadcast %mul3A_541 : f32 to vector<16xf32>
        %mul3A_543 = arith.mulf %get3A_540, %mul3A_542 : vector<16xf32>
        %swap3A_544 = arith.index_cast %scan3A_502 : i32 to index
        %swap3A_545 = arith.constant 48 : index
        %swap3A_546 = tpu.vector_load %arg9[%swap3A_544, %swap3A_545] {strides = array<i32>} : memref<128x128xf32, #tpu.memory_space<vmem>>, vector<1x16xf32>,
        %swap3A_547 = vector.shape_cast %swap3A_546 : vector<1x16xf32> to vector<16xf32>
        %swap3A_548 = vector.shape_cast %mul3A_543 : vector<16xf32> to vector<1x16xf32>
        tpu.vector_store %arg9[%swap3A_544, %swap3A_545], %swap3A_548 {strides = array<i32>} : memref<128x128xf32, #tpu.memory_space<vmem>>, vector<1x16xf32>,
        %get3A_549 = arith.index_cast %scan3A_502 : i32 to index
        %get3A_550 = arith.constant 64 : index
        %get3A_551 = tpu.vector_load %arg9[%get3A_549, %get3A_550] {strides = array<i32>} : memref<128x128xf32, #tpu.memory_space<vmem>>, vector<1x16xf32>,
        %get3A_552 = vector.shape_cast %get3A_551 : vector<1x16xf32> to vector<16xf32>
        %mul3A_553 = arith.constant 11.3137083 : f32
        %mul3A_554 = vector.broadcast %mul3A_553 : f32 to vector<16xf32>
        %mul3A_555 = arith.mulf %get3A_552, %mul3A_554 : vector<16xf32>
        %swap3A_556 = arith.index_cast %scan3A_502 : i32 to index
        %swap3A_557 = arith.constant 64 : index
        %swap3A_558 = tpu.vector_load %arg9[%swap3A_556, %swap3A_557] {strides = array<i32>} : memref<128x128xf32, #tpu.memory_space<vmem>>, vector<1x16xf32>,
        %swap3A_559 = vector.shape_cast %swap3A_558 : vector<1x16xf32> to vector<16xf32>
        %swap3A_560 = vector.shape_cast %mul3A_555 : vector<16xf32> to vector<1x16xf32>
        tpu.vector_store %arg9[%swap3A_556, %swap3A_557], %swap3A_560 {strides = array<i32>} : memref<128x128xf32, #tpu.memory_space<vmem>>, vector<1x16xf32>,
        %get3A_561 = arith.index_cast %scan3A_502 : i32 to index
        %get3A_562 = arith.constant 80 : index
        %get3A_563 = tpu.vector_load %arg9[%get3A_561, %get3A_562] {strides = array<i32>} : memref<128x128xf32, #tpu.memory_space<vmem>>, vector<1x16xf32>,
        %get3A_564 = vector.shape_cast %get3A_563 : vector<1x16xf32> to vector<16xf32>
        %mul3A_565 = arith.constant 11.3137083 : f32
        %mul3A_566 = vector.broadcast %mul3A_565 : f32 to vector<16xf32>
        %mul3A_567 = arith.mulf %get3A_564, %mul3A_566 : vector<16xf32>
        %swap3A_568 = arith.index_cast %scan3A_502 : i32 to index
        %swap3A_569 = arith.constant 80 : index
        %swap3A_570 = tpu.vector_load %arg9[%swap3A_568, %swap3A_569] {strides = array<i32>} : memref<128x128xf32, #tpu.memory_space<vmem>>, vector<1x16xf32>,
        %swap3A_571 = vector.shape_cast %swap3A_570 : vector<1x16xf32> to vector<16xf32>
        %swap3A_572 = vector.shape_cast %mul3A_567 : vector<16xf32> to vector<1x16xf32>
        tpu.vector_store %arg9[%swap3A_568, %swap3A_569], %swap3A_572 {strides = array<i32>} : memref<128x128xf32, #tpu.memory_space<vmem>>, vector<1x16xf32>,
        %get3A_573 = arith.index_cast %scan3A_502 : i32 to index
        %get3A_574 = arith.constant 96 : index
        %get3A_575 = tpu.vector_load %arg9[%get3A_573, %get3A_574] {strides = array<i32>} : memref<128x128xf32, #tpu.memory_space<vmem>>, vector<1x16xf32>,
        %get3A_576 = vector.shape_cast %get3A_575 : vector<1x16xf32> to vector<16xf32>
        %mul3A_577 = arith.constant 11.3137083 : f32
        %mul3A_578 = vector.broadcast %mul3A_577 : f32 to vector<16xf32>
        %mul3A_579 = arith.mulf %get3A_576, %mul3A_578 : vector<16xf32>
        %swap3A_580 = arith.index_cast %scan3A_502 : i32 to index
        %swap3A_581 = arith.constant 96 : index
        %swap3A_582 = tpu.vector_load %arg9[%swap3A_580, %swap3A_581] {strides = array<i32>} : memref<128x128xf32, #tpu.memory_space<vmem>>, vector<1x16xf32>,
        %swap3A_583 = vector.shape_cast %swap3A_582 : vector<1x16xf32> to vector<16xf32>
        %swap3A_584 = vector.shape_cast %mul3A_579 : vector<16xf32> to vector<1x16xf32>
        tpu.vector_store %arg9[%swap3A_580, %swap3A_581], %swap3A_584 {strides = array<i32>} : memref<128x128xf32, #tpu.memory_space<vmem>>, vector<1x16xf32>,
        %get3A_585 = arith.index_cast %scan3A_502 : i32 to index
        %get3A_586 = arith.constant 112 : index
        %get3A_587 = tpu.vector_load %arg9[%get3A_585, %get3A_586] {strides = array<i32>} : memref<128x128xf32, #tpu.memory_space<vmem>>, vector<1x16xf32>,
        %get3A_588 = vector.shape_cast %get3A_587 : vector<1x16xf32> to vector<16xf32>
        %mul3A_589 = arith.constant 11.3137083 : f32
        %mul3A_590 = vector.broadcast %mul3A_589 : f32 to vector<16xf32>
        %mul3A_591 = arith.mulf %get3A_588, %mul3A_590 : vector<16xf32>
        %swap3A_592 = arith.index_cast %scan3A_502 : i32 to index
        %swap3A_593 = arith.constant 112 : index
        %swap3A_594 = tpu.vector_load %arg9[%swap3A_592, %swap3A_593] {strides = array<i32>} : memref<128x128xf32, #tpu.memory_space<vmem>>, vector<1x16xf32>,
        %swap3A_595 = vector.shape_cast %swap3A_594 : vector<1x16xf32> to vector<16xf32>
        %swap3A_596 = vector.shape_cast %mul3A_591 : vector<16xf32> to vector<1x16xf32>
        tpu.vector_store %arg9[%swap3A_592, %swap3A_593], %swap3A_596 {strides = array<i32>} : memref<128x128xf32, #tpu.memory_space<vmem>>, vector<1x16xf32>,
        %scan3A_597 = arith.constant 1 : i32
        %scan3A_598 = arith.addi %scan3A_502, %scan3A_597 : i32
        %get3A_599 = arith.index_cast %scan3A_598 : i32 to index
        %get3A_600 = arith.constant 0 : index
        %get3A_601 = tpu.vector_load %arg9[%get3A_599, %get3A_600] {strides = array<i32>} : memref<128x128xf32, #tpu.memory_space<vmem>>, vector<1x16xf32>,
        %get3A_602 = vector.shape_cast %get3A_601 : vector<1x16xf32> to vector<16xf32>
        %mul3A_603 = arith.constant 11.3137083 : f32
        %mul3A_604 = vector.broadcast %mul3A_603 : f32 to vector<16xf32>
        %mul3A_605 = arith.mulf %get3A_602, %mul3A_604 : vector<16xf32>
        %swap3A_606 = arith.index_cast %scan3A_598 : i32 to index
        %swap3A_607 = arith.constant 0 : index
        %swap3A_608 = tpu.vector_load %arg9[%swap3A_606, %swap3A_607] {strides = array<i32>} : memref<128x128xf32, #tpu.memory_space<vmem>>, vector<1x16xf32>,
        %swap3A_609 = vector.shape_cast %swap3A_608 : vector<1x16xf32> to vector<16xf32>
        %swap3A_610 = vector.shape_cast %mul3A_605 : vector<16xf32> to vector<1x16xf32>
        tpu.vector_store %arg9[%swap3A_606, %swap3A_607], %swap3A_610 {strides = array<i32>} : memref<128x128xf32, #tpu.memory_space<vmem>>, vector<1x16xf32>,
        %get3A_611 = arith.index_cast %scan3A_598 : i32 to index
        %get3A_612 = arith.constant 16 : index
        %get3A_613 = tpu.vector_load %arg9[%get3A_611, %get3A_612] {strides = array<i32>} : memref<128x128xf32, #tpu.memory_space<vmem>>, vector<1x16xf32>,
        %get3A_614 = vector.shape_cast %get3A_613 : vector<1x16xf32> to vector<16xf32>
        %mul3A_615 = arith.constant 11.3137083 : f32
        %mul3A_616 = vector.broadcast %mul3A_615 : f32 to vector<16xf32>
        %mul3A_617 = arith.mulf %get3A_614, %mul3A_616 : vector<16xf32>
        %swap3A_618 = arith.index_cast %scan3A_598 : i32 to index
        %swap3A_619 = arith.constant 16 : index
        %swap3A_620 = tpu.vector_load %arg9[%swap3A_618, %swap3A_619] {strides = array<i32>} : memref<128x128xf32, #tpu.memory_space<vmem>>, vector<1x16xf32>,
        %swap3A_621 = vector.shape_cast %swap3A_620 : vector<1x16xf32> to vector<16xf32>
        %swap3A_622 = vector.shape_cast %mul3A_617 : vector<16xf32> to vector<1x16xf32>
        tpu.vector_store %arg9[%swap3A_618, %swap3A_619], %swap3A_622 {strides = array<i32>} : memref<128x128xf32, #tpu.memory_space<vmem>>, vector<1x16xf32>,
        %get3A_623 = arith.index_cast %scan3A_598 : i32 to index
        %get3A_624 = arith.constant 32 : index
        %get3A_625 = tpu.vector_load %arg9[%get3A_623, %get3A_624] {strides = array<i32>} : memref<128x128xf32, #tpu.memory_space<vmem>>, vector<1x16xf32>,
        %get3A_626 = vector.shape_cast %get3A_625 : vector<1x16xf32> to vector<16xf32>
        %mul3A_627 = arith.constant 11.3137083 : f32
        %mul3A_628 = vector.broadcast %mul3A_627 : f32 to vector<16xf32>
        %mul3A_629 = arith.mulf %get3A_626, %mul3A_628 : vector<16xf32>
        %swap3A_630 = arith.index_cast %scan3A_598 : i32 to index
        %swap3A_631 = arith.constant 32 : index
        %swap3A_632 = tpu.vector_load %arg9[%swap3A_630, %swap3A_631] {strides = array<i32>} : memref<128x128xf32, #tpu.memory_space<vmem>>, vector<1x16xf32>,
        %swap3A_633 = vector.shape_cast %swap3A_632 : vector<1x16xf32> to vector<16xf32>
        %swap3A_634 = vector.shape_cast %mul3A_629 : vector<16xf32> to vector<1x16xf32>
        tpu.vector_store %arg9[%swap3A_630, %swap3A_631], %swap3A_634 {strides = array<i32>} : memref<128x128xf32, #tpu.memory_space<vmem>>, vector<1x16xf32>,
        %get3A_635 = arith.index_cast %scan3A_598 : i32 to index
        %get3A_636 = arith.constant 48 : index
        %get3A_637 = tpu.vector_load %arg9[%get3A_635, %get3A_636] {strides = array<i32>} : memref<128x128xf32, #tpu.memory_space<vmem>>, vector<1x16xf32>,
        %get3A_638 = vector.shape_cast %get3A_637 : vector<1x16xf32> to vector<16xf32>
        %mul3A_639 = arith.constant 11.3137083 : f32
        %mul3A_640 = vector.broadcast %mul3A_639 : f32 to vector<16xf32>
        %mul3A_641 = arith.mulf %get3A_638, %mul3A_640 : vector<16xf32>
        %swap3A_642 = arith.index_cast %scan3A_598 : i32 to index
        %swap3A_643 = arith.constant 48 : index
        %swap3A_644 = tpu.vector_load %arg9[%swap3A_642, %swap3A_643] {strides = array<i32>} : memref<128x128xf32, #tpu.memory_space<vmem>>, vector<1x16xf32>,
        %swap3A_645 = vector.shape_cast %swap3A_644 : vector<1x16xf32> to vector<16xf32>
        %swap3A_646 = vector.shape_cast %mul3A_641 : vector<16xf32> to vector<1x16xf32>
        tpu.vector_store %arg9[%swap3A_642, %swap3A_643], %swap3A_646 {strides = array<i32>} : memref<128x128xf32, #tpu.memory_space<vmem>>, vector<1x16xf32>,
        %get3A_647 = arith.index_cast %scan3A_598 : i32 to index
        %get3A_648 = arith.constant 64 : index
        %get3A_649 = tpu.vector_load %arg9[%get3A_647, %get3A_648] {strides = array<i32>} : memref<128x128xf32, #tpu.memory_space<vmem>>, vector<1x16xf32>,
        %get3A_650 = vector.shape_cast %get3A_649 : vector<1x16xf32> to vector<16xf32>
        %mul3A_651 = arith.constant 11.3137083 : f32
        %mul3A_652 = vector.broadcast %mul3A_651 : f32 to vector<16xf32>
        %mul3A_653 = arith.mulf %get3A_650, %mul3A_652 : vector<16xf32>
        %swap3A_654 = arith.index_cast %scan3A_598 : i32 to index
        %swap3A_655 = arith.constant 64 : index
        %swap3A_656 = tpu.vector_load %arg9[%swap3A_654, %swap3A_655] {strides = array<i32>} : memref<128x128xf32, #tpu.memory_space<vmem>>, vector<1x16xf32>,
        %swap3A_657 = vector.shape_cast %swap3A_656 : vector<1x16xf32> to vector<16xf32>
        %swap3A_658 = vector.shape_cast %mul3A_653 : vector<16xf32> to vector<1x16xf32>
        tpu.vector_store %arg9[%swap3A_654, %swap3A_655], %swap3A_658 {strides = array<i32>} : memref<128x128xf32, #tpu.memory_space<vmem>>, vector<1x16xf32>,
        %get3A_659 = arith.index_cast %scan3A_598 : i32 to index
        %get3A_660 = arith.constant 80 : index
        %get3A_661 = tpu.vector_load %arg9[%get3A_659, %get3A_660] {strides = array<i32>} : memref<128x128xf32, #tpu.memory_space<vmem>>, vector<1x16xf32>,
        %get3A_662 = vector.shape_cast %get3A_661 : vector<1x16xf32> to vector<16xf32>
        %mul3A_663 = arith.constant 11.3137083 : f32
        %mul3A_664 = vector.broadcast %mul3A_663 : f32 to vector<16xf32>
        %mul3A_665 = arith.mulf %get3A_662, %mul3A_664 : vector<16xf32>
        %swap3A_666 = arith.index_cast %scan3A_598 : i32 to index
        %swap3A_667 = arith.constant 80 : index
        %swap3A_668 = tpu.vector_load %arg9[%swap3A_666, %swap3A_667] {strides = array<i32>} : memref<128x128xf32, #tpu.memory_space<vmem>>, vector<1x16xf32>,
        %swap3A_669 = vector.shape_cast %swap3A_668 : vector<1x16xf32> to vector<16xf32>
        %swap3A_670 = vector.shape_cast %mul3A_665 : vector<16xf32> to vector<1x16xf32>
        tpu.vector_store %arg9[%swap3A_666, %swap3A_667], %swap3A_670 {strides = array<i32>} : memref<128x128xf32, #tpu.memory_space<vmem>>, vector<1x16xf32>,
        %get3A_671 = arith.index_cast %scan3A_598 : i32 to index
        %get3A_672 = arith.constant 96 : index
        %get3A_673 = tpu.vector_load %arg9[%get3A_671, %get3A_672] {strides = array<i32>} : memref<128x128xf32, #tpu.memory_space<vmem>>, vector<1x16xf32>,
        %get3A_674 = vector.shape_cast %get3A_673 : vector<1x16xf32> to vector<16xf32>
        %mul3A_675 = arith.constant 11.3137083 : f32
        %mul3A_676 = vector.broadcast %mul3A_675 : f32 to vector<16xf32>
        %mul3A_677 = arith.mulf %get3A_674, %mul3A_676 : vector<16xf32>
        %swap3A_678 = arith.index_cast %scan3A_598 : i32 to index
        %swap3A_679 = arith.constant 96 : index
        %swap3A_680 = tpu.vector_load %arg9[%swap3A_678, %swap3A_679] {strides = array<i32>} : memref<128x128xf32, #tpu.memory_space<vmem>>, vector<1x16xf32>,
        %swap3A_681 = vector.shape_cast %swap3A_680 : vector<1x16xf32> to vector<16xf32>
        %swap3A_682 = vector.shape_cast %mul3A_677 : vector<16xf32> to vector<1x16xf32>
        tpu.vector_store %arg9[%swap3A_678, %swap3A_679], %swap3A_682 {strides = array<i32>} : memref<128x128xf32, #tpu.memory_space<vmem>>, vector<1x16xf32>,
        %get3A_683 = arith.index_cast %scan3A_598 : i32 to index
        %get3A_684 = arith.constant 112 : index
        %get3A_685 = tpu.vector_load %arg9[%get3A_683, %get3A_684] {strides = array<i32>} : memref<128x128xf32, #tpu.memory_space<vmem>>, vector<1x16xf32>,
        %get3A_686 = vector.shape_cast %get3A_685 : vector<1x16xf32> to vector<16xf32>
        %mul3A_687 = arith.constant 11.3137083 : f32
        %mul3A_688 = vector.broadcast %mul3A_687 : f32 to vector<16xf32>
        %mul3A_689 = arith.mulf %get3A_686, %mul3A_688 : vector<16xf32>
        %swap3A_690 = arith.index_cast %scan3A_598 : i32 to index
        %swap3A_691 = arith.constant 112 : index
        %swap3A_692 = tpu.vector_load %arg9[%swap3A_690, %swap3A_691] {strides = array<i32>} : memref<128x128xf32, #tpu.memory_space<vmem>>, vector<1x16xf32>,
        %swap3A_693 = vector.shape_cast %swap3A_692 : vector<1x16xf32> to vector<16xf32>
        %swap3A_694 = vector.shape_cast %mul3A_689 : vector<16xf32> to vector<1x16xf32>
        tpu.vector_store %arg9[%swap3A_690, %swap3A_691], %swap3A_694 {strides = array<i32>} : memref<128x128xf32, #tpu.memory_space<vmem>>, vector<1x16xf32>,
      }
      %scan3A_457 = arith.constant 128 : i32
      %mul3A_458 = arith.constant 128 : i32
      %mul3A_459 = arith.muli %add3A_431, %mul3A_458 : i32
      %add3A_460 = arith.addi %mul3A_2, %mul3A_459 : i32
      %dma_start3A_461 = arith.constant 0 : i32
      %dma_start3A_462 = tpu.memref_slice %arg4[%add3A_460, %dma_start3A_461] : memref<819200x128xf32, #tpu.memory_space<hbm>> -> memref<128x128xf32, #tpu.memory_space<hbm>>
      %dma_start3A_463 = arith.constant 0 : i32
      %dma_start3A_464 = tpu.memref_slice %arg4[%add3A_460, %dma_start3A_463] : memref<819200x128xf32, #tpu.memory_space<hbm>> -> memref<128x128xf32, #tpu.memory_space<hbm>>
      tpu.enqueue_dma source(%arg9 : memref<128x128xf32, #tpu.memory_space<vmem>>) target(%dma_start3A_464 : memref<128x128xf32, #tpu.memory_space<hbm>>) target_semaphore(%arg19 : memref<!tpu.dma_semaphore, #tpu.memory_space<semaphore_mem>>)
      %mul3A_465 = arith.constant 5 : i32
      %mul3A_466 = arith.muli %scan3A_316, %mul3A_465 : i32
      %add3A_467 = arith.constant 4 : i32
      %add3A_468 = arith.addi %mul3A_466, %add3A_467 : i32
      %dma_wait3A_469 = arith.constant 0 : i32
      %dma_wait3A_470 = arith.constant 0 : i32
      %dma_wait3A_471 = tpu.memref_slice %arg4[%dma_wait3A_469, %dma_wait3A_470] : memref<819200x128xf32, #tpu.memory_space<hbm>> -> memref<128x128xf32, #tpu.memory_space<hbm>>
      %dma_wait3A_472 = arith.constant 0 : i32
      %dma_wait3A_473 = arith.constant 0 : i32
      %dma_wait3A_474 = tpu.memref_slice %arg4[%dma_wait3A_472, %dma_wait3A_473] : memref<819200x128xf32, #tpu.memory_space<hbm>> -> memref<128x128xf32, #tpu.memory_space<hbm>>
      tpu.wait_dma2 semaphore(%arg18 : memref<!tpu.dma_semaphore, #tpu.memory_space<semaphore_mem>>) src(%arg8 : memref<128x128xf32, #tpu.memory_space<vmem>>) dst(%dma_wait3A_474 : memref<128x128xf32, #tpu.memory_space<hbm>>)
      %add3A_475 = arith.constant 3 : i32
      %add3A_476 = arith.addi %add3A_468, %add3A_475 : i32
      %dma_start3A_477 = arith.constant 0 : i32
      %dma_start3A_478 = tpu.memref_slice %arg5[%add3A_476, %dma_start3A_477] : memref<200x128xi32, #tpu.memory_space<vmem>> -> memref<1x128xi32, #tpu.memory_space<vmem>>
      %dma_start3A_479 = tpu.memref_squeeze %dma_start3A_478 : memref<1x128xi32, #tpu.memory_space<vmem>> -> memref<128xi32, #tpu.memory_space<vmem>>
      %dma_start3A_480 = arith.constant 0 : i32
      %dma_start3A_481 = arith.constant 0 : i32
      %dma_start3A_482 = tpu.memref_slice %arg3[%dma_start3A_480, %dma_start3A_481] : memref<1000000x128xf32, #tpu.memory_space<hbm>> -> memref<1000000x128xf32, #tpu.memory_space<hbm>>
      tpu.enqueue_indirect_dma source(%dma_start3A_482 : memref<1000000x128xf32, #tpu.memory_space<hbm>>) target(%arg8 : memref<128x128xf32, #tpu.memory_space<vmem>>) offsets(%dma_start3A_479 : memref<128xi32, #tpu.memory_space<vmem>>) semaphore(%arg13 : memref<!tpu.dma_semaphore, #tpu.memory_space<semaphore_mem>>)
      %dma_wait3A_483 = arith.constant 0 : i32
      %dma_wait3A_484 = arith.constant 0 : i32
      %dma_wait3A_485 = tpu.memref_slice %arg3[%dma_wait3A_483, %dma_wait3A_484] : memref<1000000x128xf32, #tpu.memory_space<hbm>> -> memref<128x128xf32, #tpu.memory_space<hbm>>
      %dma_wait3A_486 = arith.constant 0 : i32
      %dma_wait3A_487 = arith.constant 0 : i32
      %dma_wait3A_488 = tpu.memref_slice %arg3[%dma_wait3A_486, %dma_wait3A_487] : memref<1000000x128xf32, #tpu.memory_space<hbm>> -> memref<128x128xf32, #tpu.memory_space<hbm>>
      tpu.wait_dma2 semaphore(%arg15 : memref<!tpu.dma_semaphore, #tpu.memory_space<semaphore_mem>>) src(%dma_wait3A_488 : memref<128x128xf32, #tpu.memory_space<hbm>>) dst(%arg10 : memref<128x128xf32, #tpu.memory_space<vmem>>)
      %scan3A_489 = arith.constant 0 : i32
      %scan3A_490 = arith.constant 0 : i32
      %scan3A_491 = arith.constant 128 : i32
      %scan3A_492 = arith.addi %scan3A_490, %scan3A_491 : i32
      %scan3A_493 = arith.constant 2 : i32
      scf.for %scan3A_502 = %scan3A_490 to %scan3A_492 step %scan3A_493  : i32 {
        %get3A = arith.index_cast %scan3A_502 : i32 to index
        %get3A_503 = arith.constant 0 : index
        %get3A_504 = tpu.vector_load %arg10[%get3A, %get3A_503] {strides = array<i32>} : memref<128x128xf32, #tpu.memory_space<vmem>>, vector<1x16xf32>,
        %get3A_505 = vector.shape_cast %get3A_504 : vector<1x16xf32> to vector<16xf32>
        %mul3A_506 = arith.constant 11.3137083 : f32
        %mul3A_507 = vector.broadcast %mul3A_506 : f32 to vector<16xf32>
        %mul3A_508 = arith.mulf %get3A_505, %mul3A_507 : vector<16xf32>
        %swap3A = arith.index_cast %scan3A_502 : i32 to index
        %swap3A_509 = arith.constant 0 : index
        %swap3A_510 = tpu.vector_load %arg10[%swap3A, %swap3A_509] {strides = array<i32>} : memref<128x128xf32, #tpu.memory_space<vmem>>, vector<1x16xf32>,
        %swap3A_511 = vector.shape_cast %swap3A_510 : vector<1x16xf32> to vector<16xf32>
        %swap3A_512 = vector.shape_cast %mul3A_508 : vector<16xf32> to vector<1x16xf32>
        tpu.vector_store %arg10[%swap3A, %swap3A_509], %swap3A_512 {strides = array<i32>} : memref<128x128xf32, #tpu.memory_space<vmem>>, vector<1x16xf32>,
        %get3A_513 = arith.index_cast %scan3A_502 : i32 to index
        %get3A_514 = arith.constant 16 : index
        %get3A_515 = tpu.vector_load %arg10[%get3A_513, %get3A_514] {strides = array<i32>} : memref<128x128xf32, #tpu.memory_space<vmem>>, vector<1x16xf32>,
        %get3A_516 = vector.shape_cast %get3A_515 : vector<1x16xf32> to vector<16xf32>
        %mul3A_517 = arith.constant 11.3137083 : f32
        %mul3A_518 = vector.broadcast %mul3A_517 : f32 to vector<16xf32>
        %mul3A_519 = arith.mulf %get3A_516, %mul3A_518 : vector<16xf32>
        %swap3A_520 = arith.index_cast %scan3A_502 : i32 to index
        %swap3A_521 = arith.constant 16 : index
        %swap3A_522 = tpu.vector_load %arg10[%swap3A_520, %swap3A_521] {strides = array<i32>} : memref<128x128xf32, #tpu.memory_space<vmem>>, vector<1x16xf32>,
        %swap3A_523 = vector.shape_cast %swap3A_522 : vector<1x16xf32> to vector<16xf32>
        %swap3A_524 = vector.shape_cast %mul3A_519 : vector<16xf32> to vector<1x16xf32>
        tpu.vector_store %arg10[%swap3A_520, %swap3A_521], %swap3A_524 {strides = array<i32>} : memref<128x128xf32, #tpu.memory_space<vmem>>, vector<1x16xf32>,
        %get3A_525 = arith.index_cast %scan3A_502 : i32 to index
        %get3A_526 = arith.constant 32 : index
        %get3A_527 = tpu.vector_load %arg10[%get3A_525, %get3A_526] {strides = array<i32>} : memref<128x128xf32, #tpu.memory_space<vmem>>, vector<1x16xf32>,
        %get3A_528 = vector.shape_cast %get3A_527 : vector<1x16xf32> to vector<16xf32>
        %mul3A_529 = arith.constant 11.3137083 : f32
        %mul3A_530 = vector.broadcast %mul3A_529 : f32 to vector<16xf32>
        %mul3A_531 = arith.mulf %get3A_528, %mul3A_530 : vector<16xf32>
        %swap3A_532 = arith.index_cast %scan3A_502 : i32 to index
        %swap3A_533 = arith.constant 32 : index
        %swap3A_534 = tpu.vector_load %arg10[%swap3A_532, %swap3A_533] {strides = array<i32>} : memref<128x128xf32, #tpu.memory_space<vmem>>, vector<1x16xf32>,
        %swap3A_535 = vector.shape_cast %swap3A_534 : vector<1x16xf32> to vector<16xf32>
        %swap3A_536 = vector.shape_cast %mul3A_531 : vector<16xf32> to vector<1x16xf32>
        tpu.vector_store %arg10[%swap3A_532, %swap3A_533], %swap3A_536 {strides = array<i32>} : memref<128x128xf32, #tpu.memory_space<vmem>>, vector<1x16xf32>,
        %get3A_537 = arith.index_cast %scan3A_502 : i32 to index
        %get3A_538 = arith.constant 48 : index
        %get3A_539 = tpu.vector_load %arg10[%get3A_537, %get3A_538] {strides = array<i32>} : memref<128x128xf32, #tpu.memory_space<vmem>>, vector<1x16xf32>,
        %get3A_540 = vector.shape_cast %get3A_539 : vector<1x16xf32> to vector<16xf32>
        %mul3A_541 = arith.constant 11.3137083 : f32
        %mul3A_542 = vector.broadcast %mul3A_541 : f32 to vector<16xf32>
        %mul3A_543 = arith.mulf %get3A_540, %mul3A_542 : vector<16xf32>
        %swap3A_544 = arith.index_cast %scan3A_502 : i32 to index
        %swap3A_545 = arith.constant 48 : index
        %swap3A_546 = tpu.vector_load %arg10[%swap3A_544, %swap3A_545] {strides = array<i32>} : memref<128x128xf32, #tpu.memory_space<vmem>>, vector<1x16xf32>,
        %swap3A_547 = vector.shape_cast %swap3A_546 : vector<1x16xf32> to vector<16xf32>
        %swap3A_548 = vector.shape_cast %mul3A_543 : vector<16xf32> to vector<1x16xf32>
        tpu.vector_store %arg10[%swap3A_544, %swap3A_545], %swap3A_548 {strides = array<i32>} : memref<128x128xf32, #tpu.memory_space<vmem>>, vector<1x16xf32>,
        %get3A_549 = arith.index_cast %scan3A_502 : i32 to index
        %get3A_550 = arith.constant 64 : index
        %get3A_551 = tpu.vector_load %arg10[%get3A_549, %get3A_550] {strides = array<i32>} : memref<128x128xf32, #tpu.memory_space<vmem>>, vector<1x16xf32>,
        %get3A_552 = vector.shape_cast %get3A_551 : vector<1x16xf32> to vector<16xf32>
        %mul3A_553 = arith.constant 11.3137083 : f32
        %mul3A_554 = vector.broadcast %mul3A_553 : f32 to vector<16xf32>
        %mul3A_555 = arith.mulf %get3A_552, %mul3A_554 : vector<16xf32>
        %swap3A_556 = arith.index_cast %scan3A_502 : i32 to index
        %swap3A_557 = arith.constant 64 : index
        %swap3A_558 = tpu.vector_load %arg10[%swap3A_556, %swap3A_557] {strides = array<i32>} : memref<128x128xf32, #tpu.memory_space<vmem>>, vector<1x16xf32>,
        %swap3A_559 = vector.shape_cast %swap3A_558 : vector<1x16xf32> to vector<16xf32>
        %swap3A_560 = vector.shape_cast %mul3A_555 : vector<16xf32> to vector<1x16xf32>
        tpu.vector_store %arg10[%swap3A_556, %swap3A_557], %swap3A_560 {strides = array<i32>} : memref<128x128xf32, #tpu.memory_space<vmem>>, vector<1x16xf32>,
        %get3A_561 = arith.index_cast %scan3A_502 : i32 to index
        %get3A_562 = arith.constant 80 : index
        %get3A_563 = tpu.vector_load %arg10[%get3A_561, %get3A_562] {strides = array<i32>} : memref<128x128xf32, #tpu.memory_space<vmem>>, vector<1x16xf32>,
        %get3A_564 = vector.shape_cast %get3A_563 : vector<1x16xf32> to vector<16xf32>
        %mul3A_565 = arith.constant 11.3137083 : f32
        %mul3A_566 = vector.broadcast %mul3A_565 : f32 to vector<16xf32>
        %mul3A_567 = arith.mulf %get3A_564, %mul3A_566 : vector<16xf32>
        %swap3A_568 = arith.index_cast %scan3A_502 : i32 to index
        %swap3A_569 = arith.constant 80 : index
        %swap3A_570 = tpu.vector_load %arg10[%swap3A_568, %swap3A_569] {strides = array<i32>} : memref<128x128xf32, #tpu.memory_space<vmem>>, vector<1x16xf32>,
        %swap3A_571 = vector.shape_cast %swap3A_570 : vector<1x16xf32> to vector<16xf32>
        %swap3A_572 = vector.shape_cast %mul3A_567 : vector<16xf32> to vector<1x16xf32>
        tpu.vector_store %arg10[%swap3A_568, %swap3A_569], %swap3A_572 {strides = array<i32>} : memref<128x128xf32, #tpu.memory_space<vmem>>, vector<1x16xf32>,
        %get3A_573 = arith.index_cast %scan3A_502 : i32 to index
        %get3A_574 = arith.constant 96 : index
        %get3A_575 = tpu.vector_load %arg10[%get3A_573, %get3A_574] {strides = array<i32>} : memref<128x128xf32, #tpu.memory_space<vmem>>, vector<1x16xf32>,
        %get3A_576 = vector.shape_cast %get3A_575 : vector<1x16xf32> to vector<16xf32>
        %mul3A_577 = arith.constant 11.3137083 : f32
        %mul3A_578 = vector.broadcast %mul3A_577 : f32 to vector<16xf32>
        %mul3A_579 = arith.mulf %get3A_576, %mul3A_578 : vector<16xf32>
        %swap3A_580 = arith.index_cast %scan3A_502 : i32 to index
        %swap3A_581 = arith.constant 96 : index
        %swap3A_582 = tpu.vector_load %arg10[%swap3A_580, %swap3A_581] {strides = array<i32>} : memref<128x128xf32, #tpu.memory_space<vmem>>, vector<1x16xf32>,
        %swap3A_583 = vector.shape_cast %swap3A_582 : vector<1x16xf32> to vector<16xf32>
        %swap3A_584 = vector.shape_cast %mul3A_579 : vector<16xf32> to vector<1x16xf32>
        tpu.vector_store %arg10[%swap3A_580, %swap3A_581], %swap3A_584 {strides = array<i32>} : memref<128x128xf32, #tpu.memory_space<vmem>>, vector<1x16xf32>,
        %get3A_585 = arith.index_cast %scan3A_502 : i32 to index
        %get3A_586 = arith.constant 112 : index
        %get3A_587 = tpu.vector_load %arg10[%get3A_585, %get3A_586] {strides = array<i32>} : memref<128x128xf32, #tpu.memory_space<vmem>>, vector<1x16xf32>,
        %get3A_588 = vector.shape_cast %get3A_587 : vector<1x16xf32> to vector<16xf32>
        %mul3A_589 = arith.constant 11.3137083 : f32
        %mul3A_590 = vector.broadcast %mul3A_589 : f32 to vector<16xf32>
        %mul3A_591 = arith.mulf %get3A_588, %mul3A_590 : vector<16xf32>
        %swap3A_592 = arith.index_cast %scan3A_502 : i32 to index
        %swap3A_593 = arith.constant 112 : index
        %swap3A_594 = tpu.vector_load %arg10[%swap3A_592, %swap3A_593] {strides = array<i32>} : memref<128x128xf32, #tpu.memory_space<vmem>>, vector<1x16xf32>,
        %swap3A_595 = vector.shape_cast %swap3A_594 : vector<1x16xf32> to vector<16xf32>
        %swap3A_596 = vector.shape_cast %mul3A_591 : vector<16xf32> to vector<1x16xf32>
        tpu.vector_store %arg10[%swap3A_592, %swap3A_593], %swap3A_596 {strides = array<i32>} : memref<128x128xf32, #tpu.memory_space<vmem>>, vector<1x16xf32>,
        %scan3A_597 = arith.constant 1 : i32
        %scan3A_598 = arith.addi %scan3A_502, %scan3A_597 : i32
        %get3A_599 = arith.index_cast %scan3A_598 : i32 to index
        %get3A_600 = arith.constant 0 : index
        %get3A_601 = tpu.vector_load %arg10[%get3A_599, %get3A_600] {strides = array<i32>} : memref<128x128xf32, #tpu.memory_space<vmem>>, vector<1x16xf32>,
        %get3A_602 = vector.shape_cast %get3A_601 : vector<1x16xf32> to vector<16xf32>
        %mul3A_603 = arith.constant 11.3137083 : f32
        %mul3A_604 = vector.broadcast %mul3A_603 : f32 to vector<16xf32>
        %mul3A_605 = arith.mulf %get3A_602, %mul3A_604 : vector<16xf32>
        %swap3A_606 = arith.index_cast %scan3A_598 : i32 to index
        %swap3A_607 = arith.constant 0 : index
        %swap3A_608 = tpu.vector_load %arg10[%swap3A_606, %swap3A_607] {strides = array<i32>} : memref<128x128xf32, #tpu.memory_space<vmem>>, vector<1x16xf32>,
        %swap3A_609 = vector.shape_cast %swap3A_608 : vector<1x16xf32> to vector<16xf32>
        %swap3A_610 = vector.shape_cast %mul3A_605 : vector<16xf32> to vector<1x16xf32>
        tpu.vector_store %arg10[%swap3A_606, %swap3A_607], %swap3A_610 {strides = array<i32>} : memref<128x128xf32, #tpu.memory_space<vmem>>, vector<1x16xf32>,
        %get3A_611 = arith.index_cast %scan3A_598 : i32 to index
        %get3A_612 = arith.constant 16 : index
        %get3A_613 = tpu.vector_load %arg10[%get3A_611, %get3A_612] {strides = array<i32>} : memref<128x128xf32, #tpu.memory_space<vmem>>, vector<1x16xf32>,
        %get3A_614 = vector.shape_cast %get3A_613 : vector<1x16xf32> to vector<16xf32>
        %mul3A_615 = arith.constant 11.3137083 : f32
        %mul3A_616 = vector.broadcast %mul3A_615 : f32 to vector<16xf32>
        %mul3A_617 = arith.mulf %get3A_614, %mul3A_616 : vector<16xf32>
        %swap3A_618 = arith.index_cast %scan3A_598 : i32 to index
        %swap3A_619 = arith.constant 16 : index
        %swap3A_620 = tpu.vector_load %arg10[%swap3A_618, %swap3A_619] {strides = array<i32>} : memref<128x128xf32, #tpu.memory_space<vmem>>, vector<1x16xf32>,
        %swap3A_621 = vector.shape_cast %swap3A_620 : vector<1x16xf32> to vector<16xf32>
        %swap3A_622 = vector.shape_cast %mul3A_617 : vector<16xf32> to vector<1x16xf32>
        tpu.vector_store %arg10[%swap3A_618, %swap3A_619], %swap3A_622 {strides = array<i32>} : memref<128x128xf32, #tpu.memory_space<vmem>>, vector<1x16xf32>,
        %get3A_623 = arith.index_cast %scan3A_598 : i32 to index
        %get3A_624 = arith.constant 32 : index
        %get3A_625 = tpu.vector_load %arg10[%get3A_623, %get3A_624] {strides = array<i32>} : memref<128x128xf32, #tpu.memory_space<vmem>>, vector<1x16xf32>,
        %get3A_626 = vector.shape_cast %get3A_625 : vector<1x16xf32> to vector<16xf32>
        %mul3A_627 = arith.constant 11.3137083 : f32
        %mul3A_628 = vector.broadcast %mul3A_627 : f32 to vector<16xf32>
        %mul3A_629 = arith.mulf %get3A_626, %mul3A_628 : vector<16xf32>
        %swap3A_630 = arith.index_cast %scan3A_598 : i32 to index
        %swap3A_631 = arith.constant 32 : index
        %swap3A_632 = tpu.vector_load %arg10[%swap3A_630, %swap3A_631] {strides = array<i32>} : memref<128x128xf32, #tpu.memory_space<vmem>>, vector<1x16xf32>,
        %swap3A_633 = vector.shape_cast %swap3A_632 : vector<1x16xf32> to vector<16xf32>
        %swap3A_634 = vector.shape_cast %mul3A_629 : vector<16xf32> to vector<1x16xf32>
        tpu.vector_store %arg10[%swap3A_630, %swap3A_631], %swap3A_634 {strides = array<i32>} : memref<128x128xf32, #tpu.memory_space<vmem>>, vector<1x16xf32>,
        %get3A_635 = arith.index_cast %scan3A_598 : i32 to index
        %get3A_636 = arith.constant 48 : index
        %get3A_637 = tpu.vector_load %arg10[%get3A_635, %get3A_636] {strides = array<i32>} : memref<128x128xf32, #tpu.memory_space<vmem>>, vector<1x16xf32>,
        %get3A_638 = vector.shape_cast %get3A_637 : vector<1x16xf32> to vector<16xf32>
        %mul3A_639 = arith.constant 11.3137083 : f32
        %mul3A_640 = vector.broadcast %mul3A_639 : f32 to vector<16xf32>
        %mul3A_641 = arith.mulf %get3A_638, %mul3A_640 : vector<16xf32>
        %swap3A_642 = arith.index_cast %scan3A_598 : i32 to index
        %swap3A_643 = arith.constant 48 : index
        %swap3A_644 = tpu.vector_load %arg10[%swap3A_642, %swap3A_643] {strides = array<i32>} : memref<128x128xf32, #tpu.memory_space<vmem>>, vector<1x16xf32>,
        %swap3A_645 = vector.shape_cast %swap3A_644 : vector<1x16xf32> to vector<16xf32>
        %swap3A_646 = vector.shape_cast %mul3A_641 : vector<16xf32> to vector<1x16xf32>
        tpu.vector_store %arg10[%swap3A_642, %swap3A_643], %swap3A_646 {strides = array<i32>} : memref<128x128xf32, #tpu.memory_space<vmem>>, vector<1x16xf32>,
        %get3A_647 = arith.index_cast %scan3A_598 : i32 to index
        %get3A_648 = arith.constant 64 : index
        %get3A_649 = tpu.vector_load %arg10[%get3A_647, %get3A_648] {strides = array<i32>} : memref<128x128xf32, #tpu.memory_space<vmem>>, vector<1x16xf32>,
        %get3A_650 = vector.shape_cast %get3A_649 : vector<1x16xf32> to vector<16xf32>
        %mul3A_651 = arith.constant 11.3137083 : f32
        %mul3A_652 = vector.broadcast %mul3A_651 : f32 to vector<16xf32>
        %mul3A_653 = arith.mulf %get3A_650, %mul3A_652 : vector<16xf32>
        %swap3A_654 = arith.index_cast %scan3A_598 : i32 to index
        %swap3A_655 = arith.constant 64 : index
        %swap3A_656 = tpu.vector_load %arg10[%swap3A_654, %swap3A_655] {strides = array<i32>} : memref<128x128xf32, #tpu.memory_space<vmem>>, vector<1x16xf32>,
        %swap3A_657 = vector.shape_cast %swap3A_656 : vector<1x16xf32> to vector<16xf32>
        %swap3A_658 = vector.shape_cast %mul3A_653 : vector<16xf32> to vector<1x16xf32>
        tpu.vector_store %arg10[%swap3A_654, %swap3A_655], %swap3A_658 {strides = array<i32>} : memref<128x128xf32, #tpu.memory_space<vmem>>, vector<1x16xf32>,
        %get3A_659 = arith.index_cast %scan3A_598 : i32 to index
        %get3A_660 = arith.constant 80 : index
        %get3A_661 = tpu.vector_load %arg10[%get3A_659, %get3A_660] {strides = array<i32>} : memref<128x128xf32, #tpu.memory_space<vmem>>, vector<1x16xf32>,
        %get3A_662 = vector.shape_cast %get3A_661 : vector<1x16xf32> to vector<16xf32>
        %mul3A_663 = arith.constant 11.3137083 : f32
        %mul3A_664 = vector.broadcast %mul3A_663 : f32 to vector<16xf32>
        %mul3A_665 = arith.mulf %get3A_662, %mul3A_664 : vector<16xf32>
        %swap3A_666 = arith.index_cast %scan3A_598 : i32 to index
        %swap3A_667 = arith.constant 80 : index
        %swap3A_668 = tpu.vector_load %arg10[%swap3A_666, %swap3A_667] {strides = array<i32>} : memref<128x128xf32, #tpu.memory_space<vmem>>, vector<1x16xf32>,
        %swap3A_669 = vector.shape_cast %swap3A_668 : vector<1x16xf32> to vector<16xf32>
        %swap3A_670 = vector.shape_cast %mul3A_665 : vector<16xf32> to vector<1x16xf32>
        tpu.vector_store %arg10[%swap3A_666, %swap3A_667], %swap3A_670 {strides = array<i32>} : memref<128x128xf32, #tpu.memory_space<vmem>>, vector<1x16xf32>,
        %get3A_671 = arith.index_cast %scan3A_598 : i32 to index
        %get3A_672 = arith.constant 96 : index
        %get3A_673 = tpu.vector_load %arg10[%get3A_671, %get3A_672] {strides = array<i32>} : memref<128x128xf32, #tpu.memory_space<vmem>>, vector<1x16xf32>,
        %get3A_674 = vector.shape_cast %get3A_673 : vector<1x16xf32> to vector<16xf32>
        %mul3A_675 = arith.constant 11.3137083 : f32
        %mul3A_676 = vector.broadcast %mul3A_675 : f32 to vector<16xf32>
        %mul3A_677 = arith.mulf %get3A_674, %mul3A_676 : vector<16xf32>
        %swap3A_678 = arith.index_cast %scan3A_598 : i32 to index
        %swap3A_679 = arith.constant 96 : index
        %swap3A_680 = tpu.vector_load %arg10[%swap3A_678, %swap3A_679] {strides = array<i32>} : memref<128x128xf32, #tpu.memory_space<vmem>>, vector<1x16xf32>,
        %swap3A_681 = vector.shape_cast %swap3A_680 : vector<1x16xf32> to vector<16xf32>
        %swap3A_682 = vector.shape_cast %mul3A_677 : vector<16xf32> to vector<1x16xf32>
        tpu.vector_store %arg10[%swap3A_678, %swap3A_679], %swap3A_682 {strides = array<i32>} : memref<128x128xf32, #tpu.memory_space<vmem>>, vector<1x16xf32>,
        %get3A_683 = arith.index_cast %scan3A_598 : i32 to index
        %get3A_684 = arith.constant 112 : index
        %get3A_685 = tpu.vector_load %arg10[%get3A_683, %get3A_684] {strides = array<i32>} : memref<128x128xf32, #tpu.memory_space<vmem>>, vector<1x16xf32>,
        %get3A_686 = vector.shape_cast %get3A_685 : vector<1x16xf32> to vector<16xf32>
        %mul3A_687 = arith.constant 11.3137083 : f32
        %mul3A_688 = vector.broadcast %mul3A_687 : f32 to vector<16xf32>
        %mul3A_689 = arith.mulf %get3A_686, %mul3A_688 : vector<16xf32>
        %swap3A_690 = arith.index_cast %scan3A_598 : i32 to index
        %swap3A_691 = arith.constant 112 : index
        %swap3A_692 = tpu.vector_load %arg10[%swap3A_690, %swap3A_691] {strides = array<i32>} : memref<128x128xf32, #tpu.memory_space<vmem>>, vector<1x16xf32>,
        %swap3A_693 = vector.shape_cast %swap3A_692 : vector<1x16xf32> to vector<16xf32>
        %swap3A_694 = vector.shape_cast %mul3A_689 : vector<16xf32> to vector<1x16xf32>
        tpu.vector_store %arg10[%swap3A_690, %swap3A_691], %swap3A_694 {strides = array<i32>} : memref<128x128xf32, #tpu.memory_space<vmem>>, vector<1x16xf32>,
      }
      %scan3A_494 = arith.constant 128 : i32
      %mul3A_495 = arith.constant 128 : i32
      %mul3A_496 = arith.muli %add3A_468, %mul3A_495 : i32
      %add3A_497 = arith.addi %mul3A_2, %mul3A_496 : i32
      %dma_start3A_498 = arith.constant 0 : i32
      %dma_start3A_499 = tpu.memref_slice %arg4[%add3A_497, %dma_start3A_498] : memref<819200x128xf32, #tpu.memory_space<hbm>> -> memref<128x128xf32, #tpu.memory_space<hbm>>
      %dma_start3A_500 = arith.constant 0 : i32
      %dma_start3A_501 = tpu.memref_slice %arg4[%add3A_497, %dma_start3A_500] : memref<819200x128xf32, #tpu.memory_space<hbm>> -> memref<128x128xf32, #tpu.memory_space<hbm>>
      tpu.enqueue_dma source(%arg10 : memref<128x128xf32, #tpu.memory_space<vmem>>) target(%dma_start3A_501 : memref<128x128xf32, #tpu.memory_space<hbm>>) target_semaphore(%arg20 : memref<!tpu.dma_semaphore, #tpu.memory_space<semaphore_mem>>)
    }
    %scan3A_169 = arith.constant 38 : i32
    %dma_wait3A_170 = arith.constant 0 : i32
    %dma_wait3A_171 = arith.constant 0 : i32
    %dma_wait3A_172 = tpu.memref_slice %arg4[%dma_wait3A_170, %dma_wait3A_171] : memref<819200x128xf32, #tpu.memory_space<hbm>> -> memref<128x128xf32, #tpu.memory_space<hbm>>
    %dma_wait3A_173 = arith.constant 0 : i32
    %dma_wait3A_174 = arith.constant 0 : i32
    %dma_wait3A_175 = tpu.memref_slice %arg4[%dma_wait3A_173, %dma_wait3A_174] : memref<819200x128xf32, #tpu.memory_space<hbm>> -> memref<128x128xf32, #tpu.memory_space<hbm>>
    tpu.wait_dma2 semaphore(%arg19 : memref<!tpu.dma_semaphore, #tpu.memory_space<semaphore_mem>>) src(%arg9 : memref<128x128xf32, #tpu.memory_space<vmem>>) dst(%dma_wait3A_175 : memref<128x128xf32, #tpu.memory_space<hbm>>)
    %dma_start3A_176 = arith.constant 198 : i32
    %dma_start3A_177 = arith.constant 0 : i32
    %dma_start3A_178 = tpu.memref_slice %arg5[%dma_start3A_176, %dma_start3A_177] : memref<200x128xi32, #tpu.memory_space<vmem>> -> memref<1x128xi32, #tpu.memory_space<vmem>>
    %dma_start3A_179 = tpu.memref_squeeze %dma_start3A_178 : memref<1x128xi32, #tpu.memory_space<vmem>> -> memref<128xi32, #tpu.memory_space<vmem>>
    %dma_start3A_180 = arith.constant 0 : i32
    %dma_start3A_181 = arith.constant 0 : i32
    %dma_start3A_182 = tpu.memref_slice %arg3[%dma_start3A_180, %dma_start3A_181] : memref<1000000x128xf32, #tpu.memory_space<hbm>> -> memref<1000000x128xf32, #tpu.memory_space<hbm>>
    tpu.enqueue_indirect_dma source(%dma_start3A_182 : memref<1000000x128xf32, #tpu.memory_space<hbm>>) target(%arg9 : memref<128x128xf32, #tpu.memory_space<vmem>>) offsets(%dma_start3A_179 : memref<128xi32, #tpu.memory_space<vmem>>) semaphore(%arg14 : memref<!tpu.dma_semaphore, #tpu.memory_space<semaphore_mem>>)
    %dma_wait3A_183 = arith.constant 0 : i32
    %dma_wait3A_184 = arith.constant 0 : i32
    %dma_wait3A_185 = tpu.memref_slice %arg3[%dma_wait3A_183, %dma_wait3A_184] : memref<1000000x128xf32, #tpu.memory_space<hbm>> -> memref<128x128xf32, #tpu.memory_space<hbm>>
    %dma_wait3A_186 = arith.constant 0 : i32
    %dma_wait3A_187 = arith.constant 0 : i32
    %dma_wait3A_188 = tpu.memref_slice %arg3[%dma_wait3A_186, %dma_wait3A_187] : memref<1000000x128xf32, #tpu.memory_space<hbm>> -> memref<128x128xf32, #tpu.memory_space<hbm>>
    tpu.wait_dma2 semaphore(%arg11 : memref<!tpu.dma_semaphore, #tpu.memory_space<semaphore_mem>>) src(%dma_wait3A_188 : memref<128x128xf32, #tpu.memory_space<hbm>>) dst(%arg6 : memref<128x128xf32, #tpu.memory_space<vmem>>)
    %scan3A_189 = arith.constant 0 : i32
    %scan3A_190 = arith.constant 0 : i32
    %scan3A_191 = arith.constant 128 : i32
    %scan3A_192 = arith.addi %scan3A_190, %scan3A_191 : i32
    %scan3A_193 = arith.constant 2 : i32
    scf.for %scan3A_316 = %scan3A_190 to %scan3A_192 step %scan3A_193  : i32 {
      %get3A = arith.index_cast %scan3A_316 : i32 to index
      %get3A_317 = arith.constant 0 : index
      %get3A_318 = tpu.vector_load %arg6[%get3A, %get3A_317] {strides = array<i32>} : memref<128x128xf32, #tpu.memory_space<vmem>>, vector<1x16xf32>,
      %get3A_319 = vector.shape_cast %get3A_318 : vector<1x16xf32> to vector<16xf32>
      %mul3A_320 = arith.constant 11.3137083 : f32
      %mul3A_321 = vector.broadcast %mul3A_320 : f32 to vector<16xf32>
      %mul3A_322 = arith.mulf %get3A_319, %mul3A_321 : vector<16xf32>
      %swap3A = arith.index_cast %scan3A_316 : i32 to index
      %swap3A_323 = arith.constant 0 : index
      %swap3A_324 = tpu.vector_load %arg6[%swap3A, %swap3A_323] {strides = array<i32>} : memref<128x128xf32, #tpu.memory_space<vmem>>, vector<1x16xf32>,
      %swap3A_325 = vector.shape_cast %swap3A_324 : vector<1x16xf32> to vector<16xf32>
      %swap3A_326 = vector.shape_cast %mul3A_322 : vector<16xf32> to vector<1x16xf32>
      tpu.vector_store %arg6[%swap3A, %swap3A_323], %swap3A_326 {strides = array<i32>} : memref<128x128xf32, #tpu.memory_space<vmem>>, vector<1x16xf32>,
      %get3A_327 = arith.index_cast %scan3A_316 : i32 to index
      %get3A_328 = arith.constant 16 : index
      %get3A_329 = tpu.vector_load %arg6[%get3A_327, %get3A_328] {strides = array<i32>} : memref<128x128xf32, #tpu.memory_space<vmem>>, vector<1x16xf32>,
      %get3A_330 = vector.shape_cast %get3A_329 : vector<1x16xf32> to vector<16xf32>
      %mul3A_331 = arith.constant 11.3137083 : f32
      %mul3A_332 = vector.broadcast %mul3A_331 : f32 to vector<16xf32>
      %mul3A_333 = arith.mulf %get3A_330, %mul3A_332 : vector<16xf32>
      %swap3A_334 = arith.index_cast %scan3A_316 : i32 to index
      %swap3A_335 = arith.constant 16 : index
      %swap3A_336 = tpu.vector_load %arg6[%swap3A_334, %swap3A_335] {strides = array<i32>} : memref<128x128xf32, #tpu.memory_space<vmem>>, vector<1x16xf32>,
      %swap3A_337 = vector.shape_cast %swap3A_336 : vector<1x16xf32> to vector<16xf32>
      %swap3A_338 = vector.shape_cast %mul3A_333 : vector<16xf32> to vector<1x16xf32>
      tpu.vector_store %arg6[%swap3A_334, %swap3A_335], %swap3A_338 {strides = array<i32>} : memref<128x128xf32, #tpu.memory_space<vmem>>, vector<1x16xf32>,
      %get3A_339 = arith.index_cast %scan3A_316 : i32 to index
      %get3A_340 = arith.constant 32 : index
      %get3A_341 = tpu.vector_load %arg6[%get3A_339, %get3A_340] {strides = array<i32>} : memref<128x128xf32, #tpu.memory_space<vmem>>, vector<1x16xf32>,
      %get3A_342 = vector.shape_cast %get3A_341 : vector<1x16xf32> to vector<16xf32>
      %mul3A_343 = arith.constant 11.3137083 : f32
      %mul3A_344 = vector.broadcast %mul3A_343 : f32 to vector<16xf32>
      %mul3A_345 = arith.mulf %get3A_342, %mul3A_344 : vector<16xf32>
      %swap3A_346 = arith.index_cast %scan3A_316 : i32 to index
      %swap3A_347 = arith.constant 32 : index
      %swap3A_348 = tpu.vector_load %arg6[%swap3A_346, %swap3A_347] {strides = array<i32>} : memref<128x128xf32, #tpu.memory_space<vmem>>, vector<1x16xf32>,
      %swap3A_349 = vector.shape_cast %swap3A_348 : vector<1x16xf32> to vector<16xf32>
      %swap3A_350 = vector.shape_cast %mul3A_345 : vector<16xf32> to vector<1x16xf32>
      tpu.vector_store %arg6[%swap3A_346, %swap3A_347], %swap3A_350 {strides = array<i32>} : memref<128x128xf32, #tpu.memory_space<vmem>>, vector<1x16xf32>,
      %get3A_351 = arith.index_cast %scan3A_316 : i32 to index
      %get3A_352 = arith.constant 48 : index
      %get3A_353 = tpu.vector_load %arg6[%get3A_351, %get3A_352] {strides = array<i32>} : memref<128x128xf32, #tpu.memory_space<vmem>>, vector<1x16xf32>,
      %get3A_354 = vector.shape_cast %get3A_353 : vector<1x16xf32> to vector<16xf32>
      %mul3A_355 = arith.constant 11.3137083 : f32
      %mul3A_356 = vector.broadcast %mul3A_355 : f32 to vector<16xf32>
      %mul3A_357 = arith.mulf %get3A_354, %mul3A_356 : vector<16xf32>
      %swap3A_358 = arith.index_cast %scan3A_316 : i32 to index
      %swap3A_359 = arith.constant 48 : index
      %swap3A_360 = tpu.vector_load %arg6[%swap3A_358, %swap3A_359] {strides = array<i32>} : memref<128x128xf32, #tpu.memory_space<vmem>>, vector<1x16xf32>,
      %swap3A_361 = vector.shape_cast %swap3A_360 : vector<1x16xf32> to vector<16xf32>
      %swap3A_362 = vector.shape_cast %mul3A_357 : vector<16xf32> to vector<1x16xf32>
      tpu.vector_store %arg6[%swap3A_358, %swap3A_359], %swap3A_362 {strides = array<i32>} : memref<128x128xf32, #tpu.memory_space<vmem>>, vector<1x16xf32>,
      %get3A_363 = arith.index_cast %scan3A_316 : i32 to index
      %get3A_364 = arith.constant 64 : index
      %get3A_365 = tpu.vector_load %arg6[%get3A_363, %get3A_364] {strides = array<i32>} : memref<128x128xf32, #tpu.memory_space<vmem>>, vector<1x16xf32>,
      %get3A_366 = vector.shape_cast %get3A_365 : vector<1x16xf32> to vector<16xf32>
      %mul3A_367 = arith.constant 11.3137083 : f32
      %mul3A_368 = vector.broadcast %mul3A_367 : f32 to vector<16xf32>
      %mul3A_369 = arith.mulf %get3A_366, %mul3A_368 : vector<16xf32>
      %swap3A_370 = arith.index_cast %scan3A_316 : i32 to index
      %swap3A_371 = arith.constant 64 : index
      %swap3A_372 = tpu.vector_load %arg6[%swap3A_370, %swap3A_371] {strides = array<i32>} : memref<128x128xf32, #tpu.memory_space<vmem>>, vector<1x16xf32>,
      %swap3A_373 = vector.shape_cast %swap3A_372 : vector<1x16xf32> to vector<16xf32>
      %swap3A_374 = vector.shape_cast %mul3A_369 : vector<16xf32> to vector<1x16xf32>
      tpu.vector_store %arg6[%swap3A_370, %swap3A_371], %swap3A_374 {strides = array<i32>} : memref<128x128xf32, #tpu.memory_space<vmem>>, vector<1x16xf32>,
      %get3A_375 = arith.index_cast %scan3A_316 : i32 to index
      %get3A_376 = arith.constant 80 : index
      %get3A_377 = tpu.vector_load %arg6[%get3A_375, %get3A_376] {strides = array<i32>} : memref<128x128xf32, #tpu.memory_space<vmem>>, vector<1x16xf32>,
      %get3A_378 = vector.shape_cast %get3A_377 : vector<1x16xf32> to vector<16xf32>
      %mul3A_379 = arith.constant 11.3137083 : f32
      %mul3A_380 = vector.broadcast %mul3A_379 : f32 to vector<16xf32>
      %mul3A_381 = arith.mulf %get3A_378, %mul3A_380 : vector<16xf32>
      %swap3A_382 = arith.index_cast %scan3A_316 : i32 to index
      %swap3A_383 = arith.constant 80 : index
      %swap3A_384 = tpu.vector_load %arg6[%swap3A_382, %swap3A_383] {strides = array<i32>} : memref<128x128xf32, #tpu.memory_space<vmem>>, vector<1x16xf32>,
      %swap3A_385 = vector.shape_cast %swap3A_384 : vector<1x16xf32> to vector<16xf32>
      %swap3A_386 = vector.shape_cast %mul3A_381 : vector<16xf32> to vector<1x16xf32>
      tpu.vector_store %arg6[%swap3A_382, %swap3A_383], %swap3A_386 {strides = array<i32>} : memref<128x128xf32, #tpu.memory_space<vmem>>, vector<1x16xf32>,
      %get3A_387 = arith.index_cast %scan3A_316 : i32 to index
      %get3A_388 = arith.constant 96 : index
      %get3A_389 = tpu.vector_load %arg6[%get3A_387, %get3A_388] {strides = array<i32>} : memref<128x128xf32, #tpu.memory_space<vmem>>, vector<1x16xf32>,
      %get3A_390 = vector.shape_cast %get3A_389 : vector<1x16xf32> to vector<16xf32>
      %mul3A_391 = arith.constant 11.3137083 : f32
      %mul3A_392 = vector.broadcast %mul3A_391 : f32 to vector<16xf32>
      %mul3A_393 = arith.mulf %get3A_390, %mul3A_392 : vector<16xf32>
      %swap3A_394 = arith.index_cast %scan3A_316 : i32 to index
      %swap3A_395 = arith.constant 96 : index
      %swap3A_396 = tpu.vector_load %arg6[%swap3A_394, %swap3A_395] {strides = array<i32>} : memref<128x128xf32, #tpu.memory_space<vmem>>, vector<1x16xf32>,
      %swap3A_397 = vector.shape_cast %swap3A_396 : vector<1x16xf32> to vector<16xf32>
      %swap3A_398 = vector.shape_cast %mul3A_393 : vector<16xf32> to vector<1x16xf32>
      tpu.vector_store %arg6[%swap3A_394, %swap3A_395], %swap3A_398 {strides = array<i32>} : memref<128x128xf32, #tpu.memory_space<vmem>>, vector<1x16xf32>,
      %get3A_399 = arith.index_cast %scan3A_316 : i32 to index
      %get3A_400 = arith.constant 112 : index
      %get3A_401 = tpu.vector_load %arg6[%get3A_399, %get3A_400] {strides = array<i32>} : memref<128x128xf32, #tpu.memory_space<vmem>>, vector<1x16xf32>,
      %get3A_402 = vector.shape_cast %get3A_401 : vector<1x16xf32> to vector<16xf32>
      %mul3A_403 = arith.constant 11.3137083 : f32
      %mul3A_404 = vector.broadcast %mul3A_403 : f32 to vector<16xf32>
      %mul3A_405 = arith.mulf %get3A_402, %mul3A_404 : vector<16xf32>
      %swap3A_406 = arith.index_cast %scan3A_316 : i32 to index
      %swap3A_407 = arith.constant 112 : index
      %swap3A_408 = tpu.vector_load %arg6[%swap3A_406, %swap3A_407] {strides = array<i32>} : memref<128x128xf32, #tpu.memory_space<vmem>>, vector<1x16xf32>,
      %swap3A_409 = vector.shape_cast %swap3A_408 : vector<1x16xf32> to vector<16xf32>
      %swap3A_410 = vector.shape_cast %mul3A_405 : vector<16xf32> to vector<1x16xf32>
      tpu.vector_store %arg6[%swap3A_406, %swap3A_407], %swap3A_410 {strides = array<i32>} : memref<128x128xf32, #tpu.memory_space<vmem>>, vector<1x16xf32>,
      %scan3A_411 = arith.constant 1 : i32
      %scan3A_412 = arith.addi %scan3A_316, %scan3A_411 : i32
      %get3A_413 = arith.index_cast %scan3A_412 : i32 to index
      %get3A_414 = arith.constant 0 : index
      %get3A_415 = tpu.vector_load %arg6[%get3A_413, %get3A_414] {strides = array<i32>} : memref<128x128xf32, #tpu.memory_space<vmem>>, vector<1x16xf32>,
      %get3A_416 = vector.shape_cast %get3A_415 : vector<1x16xf32> to vector<16xf32>
      %mul3A_417 = arith.constant 11.3137083 : f32
      %mul3A_418 = vector.broadcast %mul3A_417 : f32 to vector<16xf32>
      %mul3A_419 = arith.mulf %get3A_416, %mul3A_418 : vector<16xf32>
      %swap3A_420 = arith.index_cast %scan3A_412 : i32 to index
      %swap3A_421 = arith.constant 0 : index
      %swap3A_422 = tpu.vector_load %arg6[%swap3A_420, %swap3A_421] {strides = array<i32>} : memref<128x128xf32, #tpu.memory_space<vmem>>, vector<1x16xf32>,
      %swap3A_423 = vector.shape_cast %swap3A_422 : vector<1x16xf32> to vector<16xf32>
      %swap3A_424 = vector.shape_cast %mul3A_419 : vector<16xf32> to vector<1x16xf32>
      tpu.vector_store %arg6[%swap3A_420, %swap3A_421], %swap3A_424 {strides = array<i32>} : memref<128x128xf32, #tpu.memory_space<vmem>>, vector<1x16xf32>,
      %get3A_425 = arith.index_cast %scan3A_412 : i32 to index
      %get3A_426 = arith.constant 16 : index
      %get3A_427 = tpu.vector_load %arg6[%get3A_425, %get3A_426] {strides = array<i32>} : memref<128x128xf32, #tpu.memory_space<vmem>>, vector<1x16xf32>,
      %get3A_428 = vector.shape_cast %get3A_427 : vector<1x16xf32> to vector<16xf32>
      %mul3A_429 = arith.constant 11.3137083 : f32
      %mul3A_430 = vector.broadcast %mul3A_429 : f32 to vector<16xf32>
      %mul3A_431 = arith.mulf %get3A_428, %mul3A_430 : vector<16xf32>
      %swap3A_432 = arith.index_cast %scan3A_412 : i32 to index
      %swap3A_433 = arith.constant 16 : index
      %swap3A_434 = tpu.vector_load %arg6[%swap3A_432, %swap3A_433] {strides = array<i32>} : memref<128x128xf32, #tpu.memory_space<vmem>>, vector<1x16xf32>,
      %swap3A_435 = vector.shape_cast %swap3A_434 : vector<1x16xf32> to vector<16xf32>
      %swap3A_436 = vector.shape_cast %mul3A_431 : vector<16xf32> to vector<1x16xf32>
      tpu.vector_store %arg6[%swap3A_432, %swap3A_433], %swap3A_436 {strides = array<i32>} : memref<128x128xf32, #tpu.memory_space<vmem>>, vector<1x16xf32>,
      %get3A_437 = arith.index_cast %scan3A_412 : i32 to index
      %get3A_438 = arith.constant 32 : index
      %get3A_439 = tpu.vector_load %arg6[%get3A_437, %get3A_438] {strides = array<i32>} : memref<128x128xf32, #tpu.memory_space<vmem>>, vector<1x16xf32>,
      %get3A_440 = vector.shape_cast %get3A_439 : vector<1x16xf32> to vector<16xf32>
      %mul3A_441 = arith.constant 11.3137083 : f32
      %mul3A_442 = vector.broadcast %mul3A_441 : f32 to vector<16xf32>
      %mul3A_443 = arith.mulf %get3A_440, %mul3A_442 : vector<16xf32>
      %swap3A_444 = arith.index_cast %scan3A_412 : i32 to index
      %swap3A_445 = arith.constant 32 : index
      %swap3A_446 = tpu.vector_load %arg6[%swap3A_444, %swap3A_445] {strides = array<i32>} : memref<128x128xf32, #tpu.memory_space<vmem>>, vector<1x16xf32>,
      %swap3A_447 = vector.shape_cast %swap3A_446 : vector<1x16xf32> to vector<16xf32>
      %swap3A_448 = vector.shape_cast %mul3A_443 : vector<16xf32> to vector<1x16xf32>
      tpu.vector_store %arg6[%swap3A_444, %swap3A_445], %swap3A_448 {strides = array<i32>} : memref<128x128xf32, #tpu.memory_space<vmem>>, vector<1x16xf32>,
      %get3A_449 = arith.index_cast %scan3A_412 : i32 to index
      %get3A_450 = arith.constant 48 : index
      %get3A_451 = tpu.vector_load %arg6[%get3A_449, %get3A_450] {strides = array<i32>} : memref<128x128xf32, #tpu.memory_space<vmem>>, vector<1x16xf32>,
      %get3A_452 = vector.shape_cast %get3A_451 : vector<1x16xf32> to vector<16xf32>
      %mul3A_453 = arith.constant 11.3137083 : f32
      %mul3A_454 = vector.broadcast %mul3A_453 : f32 to vector<16xf32>
      %mul3A_455 = arith.mulf %get3A_452, %mul3A_454 : vector<16xf32>
      %swap3A_456 = arith.index_cast %scan3A_412 : i32 to index
      %swap3A_457 = arith.constant 48 : index
      %swap3A_458 = tpu.vector_load %arg6[%swap3A_456, %swap3A_457] {strides = array<i32>} : memref<128x128xf32, #tpu.memory_space<vmem>>, vector<1x16xf32>,
      %swap3A_459 = vector.shape_cast %swap3A_458 : vector<1x16xf32> to vector<16xf32>
      %swap3A_460 = vector.shape_cast %mul3A_455 : vector<16xf32> to vector<1x16xf32>
      tpu.vector_store %arg6[%swap3A_456, %swap3A_457], %swap3A_460 {strides = array<i32>} : memref<128x128xf32, #tpu.memory_space<vmem>>, vector<1x16xf32>,
      %get3A_461 = arith.index_cast %scan3A_412 : i32 to index
      %get3A_462 = arith.constant 64 : index
      %get3A_463 = tpu.vector_load %arg6[%get3A_461, %get3A_462] {strides = array<i32>} : memref<128x128xf32, #tpu.memory_space<vmem>>, vector<1x16xf32>,
      %get3A_464 = vector.shape_cast %get3A_463 : vector<1x16xf32> to vector<16xf32>
      %mul3A_465 = arith.constant 11.3137083 : f32
      %mul3A_466 = vector.broadcast %mul3A_465 : f32 to vector<16xf32>
      %mul3A_467 = arith.mulf %get3A_464, %mul3A_466 : vector<16xf32>
      %swap3A_468 = arith.index_cast %scan3A_412 : i32 to index
      %swap3A_469 = arith.constant 64 : index
      %swap3A_470 = tpu.vector_load %arg6[%swap3A_468, %swap3A_469] {strides = array<i32>} : memref<128x128xf32, #tpu.memory_space<vmem>>, vector<1x16xf32>,
      %swap3A_471 = vector.shape_cast %swap3A_470 : vector<1x16xf32> to vector<16xf32>
      %swap3A_472 = vector.shape_cast %mul3A_467 : vector<16xf32> to vector<1x16xf32>
      tpu.vector_store %arg6[%swap3A_468, %swap3A_469], %swap3A_472 {strides = array<i32>} : memref<128x128xf32, #tpu.memory_space<vmem>>, vector<1x16xf32>,
      %get3A_473 = arith.index_cast %scan3A_412 : i32 to index
      %get3A_474 = arith.constant 80 : index
      %get3A_475 = tpu.vector_load %arg6[%get3A_473, %get3A_474] {strides = array<i32>} : memref<128x128xf32, #tpu.memory_space<vmem>>, vector<1x16xf32>,
      %get3A_476 = vector.shape_cast %get3A_475 : vector<1x16xf32> to vector<16xf32>
      %mul3A_477 = arith.constant 11.3137083 : f32
      %mul3A_478 = vector.broadcast %mul3A_477 : f32 to vector<16xf32>
      %mul3A_479 = arith.mulf %get3A_476, %mul3A_478 : vector<16xf32>
      %swap3A_480 = arith.index_cast %scan3A_412 : i32 to index
      %swap3A_481 = arith.constant 80 : index
      %swap3A_482 = tpu.vector_load %arg6[%swap3A_480, %swap3A_481] {strides = array<i32>} : memref<128x128xf32, #tpu.memory_space<vmem>>, vector<1x16xf32>,
      %swap3A_483 = vector.shape_cast %swap3A_482 : vector<1x16xf32> to vector<16xf32>
      %swap3A_484 = vector.shape_cast %mul3A_479 : vector<16xf32> to vector<1x16xf32>
      tpu.vector_store %arg6[%swap3A_480, %swap3A_481], %swap3A_484 {strides = array<i32>} : memref<128x128xf32, #tpu.memory_space<vmem>>, vector<1x16xf32>,
      %get3A_485 = arith.index_cast %scan3A_412 : i32 to index
      %get3A_486 = arith.constant 96 : index
      %get3A_487 = tpu.vector_load %arg6[%get3A_485, %get3A_486] {strides = array<i32>} : memref<128x128xf32, #tpu.memory_space<vmem>>, vector<1x16xf32>,
      %get3A_488 = vector.shape_cast %get3A_487 : vector<1x16xf32> to vector<16xf32>
      %mul3A_489 = arith.constant 11.3137083 : f32
      %mul3A_490 = vector.broadcast %mul3A_489 : f32 to vector<16xf32>
      %mul3A_491 = arith.mulf %get3A_488, %mul3A_490 : vector<16xf32>
      %swap3A_492 = arith.index_cast %scan3A_412 : i32 to index
      %swap3A_493 = arith.constant 96 : index
      %swap3A_494 = tpu.vector_load %arg6[%swap3A_492, %swap3A_493] {strides = array<i32>} : memref<128x128xf32, #tpu.memory_space<vmem>>, vector<1x16xf32>,
      %swap3A_495 = vector.shape_cast %swap3A_494 : vector<1x16xf32> to vector<16xf32>
      %swap3A_496 = vector.shape_cast %mul3A_491 : vector<16xf32> to vector<1x16xf32>
      tpu.vector_store %arg6[%swap3A_492, %swap3A_493], %swap3A_496 {strides = array<i32>} : memref<128x128xf32, #tpu.memory_space<vmem>>, vector<1x16xf32>,
      %get3A_497 = arith.index_cast %scan3A_412 : i32 to index
      %get3A_498 = arith.constant 112 : index
      %get3A_499 = tpu.vector_load %arg6[%get3A_497, %get3A_498] {strides = array<i32>} : memref<128x128xf32, #tpu.memory_space<vmem>>, vector<1x16xf32>,
      %get3A_500 = vector.shape_cast %get3A_499 : vector<1x16xf32> to vector<16xf32>
      %mul3A_501 = arith.constant 11.3137083 : f32
      %mul3A_502 = vector.broadcast %mul3A_501 : f32 to vector<16xf32>
      %mul3A_503 = arith.mulf %get3A_500, %mul3A_502 : vector<16xf32>
      %swap3A_504 = arith.index_cast %scan3A_412 : i32 to index
      %swap3A_505 = arith.constant 112 : index
      %swap3A_506 = tpu.vector_load %arg6[%swap3A_504, %swap3A_505] {strides = array<i32>} : memref<128x128xf32, #tpu.memory_space<vmem>>, vector<1x16xf32>,
      %swap3A_507 = vector.shape_cast %swap3A_506 : vector<1x16xf32> to vector<16xf32>
      %swap3A_508 = vector.shape_cast %mul3A_503 : vector<16xf32> to vector<1x16xf32>
      tpu.vector_store %arg6[%swap3A_504, %swap3A_505], %swap3A_508 {strides = array<i32>} : memref<128x128xf32, #tpu.memory_space<vmem>>, vector<1x16xf32>,
    }
    %scan3A_194 = arith.constant 128 : i32
    %add3A_195 = arith.constant 24960 : i32
    %add3A_196 = arith.addi %mul3A_2, %add3A_195 : i32
    %dma_start3A_197 = arith.constant 0 : i32
    %dma_start3A_198 = tpu.memref_slice %arg4[%add3A_196, %dma_start3A_197] : memref<819200x128xf32, #tpu.memory_space<hbm>> -> memref<128x128xf32, #tpu.memory_space<hbm>>
    %dma_start3A_199 = arith.constant 0 : i32
    %dma_start3A_200 = tpu.memref_slice %arg4[%add3A_196, %dma_start3A_199] : memref<819200x128xf32, #tpu.memory_space<hbm>> -> memref<128x128xf32, #tpu.memory_space<hbm>>
    tpu.enqueue_dma source(%arg6 : memref<128x128xf32, #tpu.memory_space<vmem>>) target(%dma_start3A_200 : memref<128x128xf32, #tpu.memory_space<hbm>>) target_semaphore(%arg16 : memref<!tpu.dma_semaphore, #tpu.memory_space<semaphore_mem>>)
    %dma_wait3A_201 = arith.constant 0 : i32
    %dma_wait3A_202 = arith.constant 0 : i32
    %dma_wait3A_203 = tpu.memref_slice %arg4[%dma_wait3A_201, %dma_wait3A_202] : memref<819200x128xf32, #tpu.memory_space<hbm>> -> memref<128x128xf32, #tpu.memory_space<hbm>>
    %dma_wait3A_204 = arith.constant 0 : i32
    %dma_wait3A_205 = arith.constant 0 : i32
    %dma_wait3A_206 = tpu.memref_slice %arg4[%dma_wait3A_204, %dma_wait3A_205] : memref<819200x128xf32, #tpu.memory_space<hbm>> -> memref<128x128xf32, #tpu.memory_space<hbm>>
    tpu.wait_dma2 semaphore(%arg20 : memref<!tpu.dma_semaphore, #tpu.memory_space<semaphore_mem>>) src(%arg10 : memref<128x128xf32, #tpu.memory_space<vmem>>) dst(%dma_wait3A_206 : memref<128x128xf32, #tpu.memory_space<hbm>>)
    %dma_start3A_207 = arith.constant 199 : i32
    %dma_start3A_208 = arith.constant 0 : i32
    %dma_start3A_209 = tpu.memref_slice %arg5[%dma_start3A_207, %dma_start3A_208] : memref<200x128xi32, #tpu.memory_space<vmem>> -> memref<1x128xi32, #tpu.memory_space<vmem>>
    %dma_start3A_210 = tpu.memref_squeeze %dma_start3A_209 : memref<1x128xi32, #tpu.memory_space<vmem>> -> memref<128xi32, #tpu.memory_space<vmem>>
    %dma_start3A_211 = arith.constant 0 : i32
    %dma_start3A_212 = arith.constant 0 : i32
    %dma_start3A_213 = tpu.memref_slice %arg3[%dma_start3A_211, %dma_start3A_212] : memref<1000000x128xf32, #tpu.memory_space<hbm>> -> memref<1000000x128xf32, #tpu.memory_space<hbm>>
    tpu.enqueue_indirect_dma source(%dma_start3A_213 : memref<1000000x128xf32, #tpu.memory_space<hbm>>) target(%arg10 : memref<128x128xf32, #tpu.memory_space<vmem>>) offsets(%dma_start3A_210 : memref<128xi32, #tpu.memory_space<vmem>>) semaphore(%arg15 : memref<!tpu.dma_semaphore, #tpu.memory_space<semaphore_mem>>)
    %dma_wait3A_214 = arith.constant 0 : i32
    %dma_wait3A_215 = arith.constant 0 : i32
    %dma_wait3A_216 = tpu.memref_slice %arg3[%dma_wait3A_214, %dma_wait3A_215] : memref<1000000x128xf32, #tpu.memory_space<hbm>> -> memref<128x128xf32, #tpu.memory_space<hbm>>
    %dma_wait3A_217 = arith.constant 0 : i32
    %dma_wait3A_218 = arith.constant 0 : i32
    %dma_wait3A_219 = tpu.memref_slice %arg3[%dma_wait3A_217, %dma_wait3A_218] : memref<1000000x128xf32, #tpu.memory_space<hbm>> -> memref<128x128xf32, #tpu.memory_space<hbm>>
    tpu.wait_dma2 semaphore(%arg12 : memref<!tpu.dma_semaphore, #tpu.memory_space<semaphore_mem>>) src(%dma_wait3A_219 : memref<128x128xf32, #tpu.memory_space<hbm>>) dst(%arg7 : memref<128x128xf32, #tpu.memory_space<vmem>>)
    %scan3A_220 = arith.constant 0 : i32
    %scan3A_221 = arith.constant 0 : i32
    %scan3A_222 = arith.constant 128 : i32
    %scan3A_223 = arith.addi %scan3A_221, %scan3A_222 : i32
    %scan3A_224 = arith.constant 2 : i32
    scf.for %scan3A_316 = %scan3A_221 to %scan3A_223 step %scan3A_224  : i32 {
      %get3A = arith.index_cast %scan3A_316 : i32 to index
      %get3A_317 = arith.constant 0 : index
      %get3A_318 = tpu.vector_load %arg7[%get3A, %get3A_317] {strides = array<i32>} : memref<128x128xf32, #tpu.memory_space<vmem>>, vector<1x16xf32>,
      %get3A_319 = vector.shape_cast %get3A_318 : vector<1x16xf32> to vector<16xf32>
      %mul3A_320 = arith.constant 11.3137083 : f32
      %mul3A_321 = vector.broadcast %mul3A_320 : f32 to vector<16xf32>
      %mul3A_322 = arith.mulf %get3A_319, %mul3A_321 : vector<16xf32>
      %swap3A = arith.index_cast %scan3A_316 : i32 to index
      %swap3A_323 = arith.constant 0 : index
      %swap3A_324 = tpu.vector_load %arg7[%swap3A, %swap3A_323] {strides = array<i32>} : memref<128x128xf32, #tpu.memory_space<vmem>>, vector<1x16xf32>,
      %swap3A_325 = vector.shape_cast %swap3A_324 : vector<1x16xf32> to vector<16xf32>
      %swap3A_326 = vector.shape_cast %mul3A_322 : vector<16xf32> to vector<1x16xf32>
      tpu.vector_store %arg7[%swap3A, %swap3A_323], %swap3A_326 {strides = array<i32>} : memref<128x128xf32, #tpu.memory_space<vmem>>, vector<1x16xf32>,
      %get3A_327 = arith.index_cast %scan3A_316 : i32 to index
      %get3A_328 = arith.constant 16 : index
      %get3A_329 = tpu.vector_load %arg7[%get3A_327, %get3A_328] {strides = array<i32>} : memref<128x128xf32, #tpu.memory_space<vmem>>, vector<1x16xf32>,
      %get3A_330 = vector.shape_cast %get3A_329 : vector<1x16xf32> to vector<16xf32>
      %mul3A_331 = arith.constant 11.3137083 : f32
      %mul3A_332 = vector.broadcast %mul3A_331 : f32 to vector<16xf32>
      %mul3A_333 = arith.mulf %get3A_330, %mul3A_332 : vector<16xf32>
      %swap3A_334 = arith.index_cast %scan3A_316 : i32 to index
      %swap3A_335 = arith.constant 16 : index
      %swap3A_336 = tpu.vector_load %arg7[%swap3A_334, %swap3A_335] {strides = array<i32>} : memref<128x128xf32, #tpu.memory_space<vmem>>, vector<1x16xf32>,
      %swap3A_337 = vector.shape_cast %swap3A_336 : vector<1x16xf32> to vector<16xf32>
      %swap3A_338 = vector.shape_cast %mul3A_333 : vector<16xf32> to vector<1x16xf32>
      tpu.vector_store %arg7[%swap3A_334, %swap3A_335], %swap3A_338 {strides = array<i32>} : memref<128x128xf32, #tpu.memory_space<vmem>>, vector<1x16xf32>,
      %get3A_339 = arith.index_cast %scan3A_316 : i32 to index
      %get3A_340 = arith.constant 32 : index
      %get3A_341 = tpu.vector_load %arg7[%get3A_339, %get3A_340] {strides = array<i32>} : memref<128x128xf32, #tpu.memory_space<vmem>>, vector<1x16xf32>,
      %get3A_342 = vector.shape_cast %get3A_341 : vector<1x16xf32> to vector<16xf32>
      %mul3A_343 = arith.constant 11.3137083 : f32
      %mul3A_344 = vector.broadcast %mul3A_343 : f32 to vector<16xf32>
      %mul3A_345 = arith.mulf %get3A_342, %mul3A_344 : vector<16xf32>
      %swap3A_346 = arith.index_cast %scan3A_316 : i32 to index
      %swap3A_347 = arith.constant 32 : index
      %swap3A_348 = tpu.vector_load %arg7[%swap3A_346, %swap3A_347] {strides = array<i32>} : memref<128x128xf32, #tpu.memory_space<vmem>>, vector<1x16xf32>,
      %swap3A_349 = vector.shape_cast %swap3A_348 : vector<1x16xf32> to vector<16xf32>
      %swap3A_350 = vector.shape_cast %mul3A_345 : vector<16xf32> to vector<1x16xf32>
      tpu.vector_store %arg7[%swap3A_346, %swap3A_347], %swap3A_350 {strides = array<i32>} : memref<128x128xf32, #tpu.memory_space<vmem>>, vector<1x16xf32>,
      %get3A_351 = arith.index_cast %scan3A_316 : i32 to index
      %get3A_352 = arith.constant 48 : index
      %get3A_353 = tpu.vector_load %arg7[%get3A_351, %get3A_352] {strides = array<i32>} : memref<128x128xf32, #tpu.memory_space<vmem>>, vector<1x16xf32>,
      %get3A_354 = vector.shape_cast %get3A_353 : vector<1x16xf32> to vector<16xf32>
      %mul3A_355 = arith.constant 11.3137083 : f32
      %mul3A_356 = vector.broadcast %mul3A_355 : f32 to vector<16xf32>
      %mul3A_357 = arith.mulf %get3A_354, %mul3A_356 : vector<16xf32>
      %swap3A_358 = arith.index_cast %scan3A_316 : i32 to index
      %swap3A_359 = arith.constant 48 : index
      %swap3A_360 = tpu.vector_load %arg7[%swap3A_358, %swap3A_359] {strides = array<i32>} : memref<128x128xf32, #tpu.memory_space<vmem>>, vector<1x16xf32>,
      %swap3A_361 = vector.shape_cast %swap3A_360 : vector<1x16xf32> to vector<16xf32>
      %swap3A_362 = vector.shape_cast %mul3A_357 : vector<16xf32> to vector<1x16xf32>
      tpu.vector_store %arg7[%swap3A_358, %swap3A_359], %swap3A_362 {strides = array<i32>} : memref<128x128xf32, #tpu.memory_space<vmem>>, vector<1x16xf32>,
      %get3A_363 = arith.index_cast %scan3A_316 : i32 to index
      %get3A_364 = arith.constant 64 : index
      %get3A_365 = tpu.vector_load %arg7[%get3A_363, %get3A_364] {strides = array<i32>} : memref<128x128xf32, #tpu.memory_space<vmem>>, vector<1x16xf32>,
      %get3A_366 = vector.shape_cast %get3A_365 : vector<1x16xf32> to vector<16xf32>
      %mul3A_367 = arith.constant 11.3137083 : f32
      %mul3A_368 = vector.broadcast %mul3A_367 : f32 to vector<16xf32>
      %mul3A_369 = arith.mulf %get3A_366, %mul3A_368 : vector<16xf32>
      %swap3A_370 = arith.index_cast %scan3A_316 : i32 to index
      %swap3A_371 = arith.constant 64 : index
      %swap3A_372 = tpu.vector_load %arg7[%swap3A_370, %swap3A_371] {strides = array<i32>} : memref<128x128xf32, #tpu.memory_space<vmem>>, vector<1x16xf32>,
      %swap3A_373 = vector.shape_cast %swap3A_372 : vector<1x16xf32> to vector<16xf32>
      %swap3A_374 = vector.shape_cast %mul3A_369 : vector<16xf32> to vector<1x16xf32>
      tpu.vector_store %arg7[%swap3A_370, %swap3A_371], %swap3A_374 {strides = array<i32>} : memref<128x128xf32, #tpu.memory_space<vmem>>, vector<1x16xf32>,
      %get3A_375 = arith.index_cast %scan3A_316 : i32 to index
      %get3A_376 = arith.constant 80 : index
      %get3A_377 = tpu.vector_load %arg7[%get3A_375, %get3A_376] {strides = array<i32>} : memref<128x128xf32, #tpu.memory_space<vmem>>, vector<1x16xf32>,
      %get3A_378 = vector.shape_cast %get3A_377 : vector<1x16xf32> to vector<16xf32>
      %mul3A_379 = arith.constant 11.3137083 : f32
      %mul3A_380 = vector.broadcast %mul3A_379 : f32 to vector<16xf32>
      %mul3A_381 = arith.mulf %get3A_378, %mul3A_380 : vector<16xf32>
      %swap3A_382 = arith.index_cast %scan3A_316 : i32 to index
      %swap3A_383 = arith.constant 80 : index
      %swap3A_384 = tpu.vector_load %arg7[%swap3A_382, %swap3A_383] {strides = array<i32>} : memref<128x128xf32, #tpu.memory_space<vmem>>, vector<1x16xf32>,
      %swap3A_385 = vector.shape_cast %swap3A_384 : vector<1x16xf32> to vector<16xf32>
      %swap3A_386 = vector.shape_cast %mul3A_381 : vector<16xf32> to vector<1x16xf32>
      tpu.vector_store %arg7[%swap3A_382, %swap3A_383], %swap3A_386 {strides = array<i32>} : memref<128x128xf32, #tpu.memory_space<vmem>>, vector<1x16xf32>,
      %get3A_387 = arith.index_cast %scan3A_316 : i32 to index
      %get3A_388 = arith.constant 96 : index
      %get3A_389 = tpu.vector_load %arg7[%get3A_387, %get3A_388] {strides = array<i32>} : memref<128x128xf32, #tpu.memory_space<vmem>>, vector<1x16xf32>,
      %get3A_390 = vector.shape_cast %get3A_389 : vector<1x16xf32> to vector<16xf32>
      %mul3A_391 = arith.constant 11.3137083 : f32
      %mul3A_392 = vector.broadcast %mul3A_391 : f32 to vector<16xf32>
      %mul3A_393 = arith.mulf %get3A_390, %mul3A_392 : vector<16xf32>
      %swap3A_394 = arith.index_cast %scan3A_316 : i32 to index
      %swap3A_395 = arith.constant 96 : index
      %swap3A_396 = tpu.vector_load %arg7[%swap3A_394, %swap3A_395] {strides = array<i32>} : memref<128x128xf32, #tpu.memory_space<vmem>>, vector<1x16xf32>,
      %swap3A_397 = vector.shape_cast %swap3A_396 : vector<1x16xf32> to vector<16xf32>
      %swap3A_398 = vector.shape_cast %mul3A_393 : vector<16xf32> to vector<1x16xf32>
      tpu.vector_store %arg7[%swap3A_394, %swap3A_395], %swap3A_398 {strides = array<i32>} : memref<128x128xf32, #tpu.memory_space<vmem>>, vector<1x16xf32>,
      %get3A_399 = arith.index_cast %scan3A_316 : i32 to index
      %get3A_400 = arith.constant 112 : index
      %get3A_401 = tpu.vector_load %arg7[%get3A_399, %get3A_400] {strides = array<i32>} : memref<128x128xf32, #tpu.memory_space<vmem>>, vector<1x16xf32>,
      %get3A_402 = vector.shape_cast %get3A_401 : vector<1x16xf32> to vector<16xf32>
      %mul3A_403 = arith.constant 11.3137083 : f32
      %mul3A_404 = vector.broadcast %mul3A_403 : f32 to vector<16xf32>
      %mul3A_405 = arith.mulf %get3A_402, %mul3A_404 : vector<16xf32>
      %swap3A_406 = arith.index_cast %scan3A_316 : i32 to index
      %swap3A_407 = arith.constant 112 : index
      %swap3A_408 = tpu.vector_load %arg7[%swap3A_406, %swap3A_407] {strides = array<i32>} : memref<128x128xf32, #tpu.memory_space<vmem>>, vector<1x16xf32>,
      %swap3A_409 = vector.shape_cast %swap3A_408 : vector<1x16xf32> to vector<16xf32>
      %swap3A_410 = vector.shape_cast %mul3A_405 : vector<16xf32> to vector<1x16xf32>
      tpu.vector_store %arg7[%swap3A_406, %swap3A_407], %swap3A_410 {strides = array<i32>} : memref<128x128xf32, #tpu.memory_space<vmem>>, vector<1x16xf32>,
      %scan3A_411 = arith.constant 1 : i32
      %scan3A_412 = arith.addi %scan3A_316, %scan3A_411 : i32
      %get3A_413 = arith.index_cast %scan3A_412 : i32 to index
      %get3A_414 = arith.constant 0 : index
      %get3A_415 = tpu.vector_load %arg7[%get3A_413, %get3A_414] {strides = array<i32>} : memref<128x128xf32, #tpu.memory_space<vmem>>, vector<1x16xf32>,
      %get3A_416 = vector.shape_cast %get3A_415 : vector<1x16xf32> to vector<16xf32>
      %mul3A_417 = arith.constant 11.3137083 : f32
      %mul3A_418 = vector.broadcast %mul3A_417 : f32 to vector<16xf32>
      %mul3A_419 = arith.mulf %get3A_416, %mul3A_418 : vector<16xf32>
      %swap3A_420 = arith.index_cast %scan3A_412 : i32 to index
      %swap3A_421 = arith.constant 0 : index
      %swap3A_422 = tpu.vector_load %arg7[%swap3A_420, %swap3A_421] {strides = array<i32>} : memref<128x128xf32, #tpu.memory_space<vmem>>, vector<1x16xf32>,
      %swap3A_423 = vector.shape_cast %swap3A_422 : vector<1x16xf32> to vector<16xf32>
      %swap3A_424 = vector.shape_cast %mul3A_419 : vector<16xf32> to vector<1x16xf32>
      tpu.vector_store %arg7[%swap3A_420, %swap3A_421], %swap3A_424 {strides = array<i32>} : memref<128x128xf32, #tpu.memory_space<vmem>>, vector<1x16xf32>,
      %get3A_425 = arith.index_cast %scan3A_412 : i32 to index
      %get3A_426 = arith.constant 16 : index
      %get3A_427 = tpu.vector_load %arg7[%get3A_425, %get3A_426] {strides = array<i32>} : memref<128x128xf32, #tpu.memory_space<vmem>>, vector<1x16xf32>,
      %get3A_428 = vector.shape_cast %get3A_427 : vector<1x16xf32> to vector<16xf32>
      %mul3A_429 = arith.constant 11.3137083 : f32
      %mul3A_430 = vector.broadcast %mul3A_429 : f32 to vector<16xf32>
      %mul3A_431 = arith.mulf %get3A_428, %mul3A_430 : vector<16xf32>
      %swap3A_432 = arith.index_cast %scan3A_412 : i32 to index
      %swap3A_433 = arith.constant 16 : index
      %swap3A_434 = tpu.vector_load %arg7[%swap3A_432, %swap3A_433] {strides = array<i32>} : memref<128x128xf32, #tpu.memory_space<vmem>>, vector<1x16xf32>,
      %swap3A_435 = vector.shape_cast %swap3A_434 : vector<1x16xf32> to vector<16xf32>
      %swap3A_436 = vector.shape_cast %mul3A_431 : vector<16xf32> to vector<1x16xf32>
      tpu.vector_store %arg7[%swap3A_432, %swap3A_433], %swap3A_436 {strides = array<i32>} : memref<128x128xf32, #tpu.memory_space<vmem>>, vector<1x16xf32>,
      %get3A_437 = arith.index_cast %scan3A_412 : i32 to index
      %get3A_438 = arith.constant 32 : index
      %get3A_439 = tpu.vector_load %arg7[%get3A_437, %get3A_438] {strides = array<i32>} : memref<128x128xf32, #tpu.memory_space<vmem>>, vector<1x16xf32>,
      %get3A_440 = vector.shape_cast %get3A_439 : vector<1x16xf32> to vector<16xf32>
      %mul3A_441 = arith.constant 11.3137083 : f32
      %mul3A_442 = vector.broadcast %mul3A_441 : f32 to vector<16xf32>
      %mul3A_443 = arith.mulf %get3A_440, %mul3A_442 : vector<16xf32>
      %swap3A_444 = arith.index_cast %scan3A_412 : i32 to index
      %swap3A_445 = arith.constant 32 : index
      %swap3A_446 = tpu.vector_load %arg7[%swap3A_444, %swap3A_445] {strides = array<i32>} : memref<128x128xf32, #tpu.memory_space<vmem>>, vector<1x16xf32>,
      %swap3A_447 = vector.shape_cast %swap3A_446 : vector<1x16xf32> to vector<16xf32>
      %swap3A_448 = vector.shape_cast %mul3A_443 : vector<16xf32> to vector<1x16xf32>
      tpu.vector_store %arg7[%swap3A_444, %swap3A_445], %swap3A_448 {strides = array<i32>} : memref<128x128xf32, #tpu.memory_space<vmem>>, vector<1x16xf32>,
      %get3A_449 = arith.index_cast %scan3A_412 : i32 to index
      %get3A_450 = arith.constant 48 : index
      %get3A_451 = tpu.vector_load %arg7[%get3A_449, %get3A_450] {strides = array<i32>} : memref<128x128xf32, #tpu.memory_space<vmem>>, vector<1x16xf32>,
      %get3A_452 = vector.shape_cast %get3A_451 : vector<1x16xf32> to vector<16xf32>
      %mul3A_453 = arith.constant 11.3137083 : f32
      %mul3A_454 = vector.broadcast %mul3A_453 : f32 to vector<16xf32>
      %mul3A_455 = arith.mulf %get3A_452, %mul3A_454 : vector<16xf32>
      %swap3A_456 = arith.index_cast %scan3A_412 : i32 to index
      %swap3A_457 = arith.constant 48 : index
      %swap3A_458 = tpu.vector_load %arg7[%swap3A_456, %swap3A_457] {strides = array<i32>} : memref<128x128xf32, #tpu.memory_space<vmem>>, vector<1x16xf32>,
      %swap3A_459 = vector.shape_cast %swap3A_458 : vector<1x16xf32> to vector<16xf32>
      %swap3A_460 = vector.shape_cast %mul3A_455 : vector<16xf32> to vector<1x16xf32>
      tpu.vector_store %arg7[%swap3A_456, %swap3A_457], %swap3A_460 {strides = array<i32>} : memref<128x128xf32, #tpu.memory_space<vmem>>, vector<1x16xf32>,
      %get3A_461 = arith.index_cast %scan3A_412 : i32 to index
      %get3A_462 = arith.constant 64 : index
      %get3A_463 = tpu.vector_load %arg7[%get3A_461, %get3A_462] {strides = array<i32>} : memref<128x128xf32, #tpu.memory_space<vmem>>, vector<1x16xf32>,
      %get3A_464 = vector.shape_cast %get3A_463 : vector<1x16xf32> to vector<16xf32>
      %mul3A_465 = arith.constant 11.3137083 : f32
      %mul3A_466 = vector.broadcast %mul3A_465 : f32 to vector<16xf32>
      %mul3A_467 = arith.mulf %get3A_464, %mul3A_466 : vector<16xf32>
      %swap3A_468 = arith.index_cast %scan3A_412 : i32 to index
      %swap3A_469 = arith.constant 64 : index
      %swap3A_470 = tpu.vector_load %arg7[%swap3A_468, %swap3A_469] {strides = array<i32>} : memref<128x128xf32, #tpu.memory_space<vmem>>, vector<1x16xf32>,
      %swap3A_471 = vector.shape_cast %swap3A_470 : vector<1x16xf32> to vector<16xf32>
      %swap3A_472 = vector.shape_cast %mul3A_467 : vector<16xf32> to vector<1x16xf32>
      tpu.vector_store %arg7[%swap3A_468, %swap3A_469], %swap3A_472 {strides = array<i32>} : memref<128x128xf32, #tpu.memory_space<vmem>>, vector<1x16xf32>,
      %get3A_473 = arith.index_cast %scan3A_412 : i32 to index
      %get3A_474 = arith.constant 80 : index
      %get3A_475 = tpu.vector_load %arg7[%get3A_473, %get3A_474] {strides = array<i32>} : memref<128x128xf32, #tpu.memory_space<vmem>>, vector<1x16xf32>,
      %get3A_476 = vector.shape_cast %get3A_475 : vector<1x16xf32> to vector<16xf32>
      %mul3A_477 = arith.constant 11.3137083 : f32
      %mul3A_478 = vector.broadcast %mul3A_477 : f32 to vector<16xf32>
      %mul3A_479 = arith.mulf %get3A_476, %mul3A_478 : vector<16xf32>
      %swap3A_480 = arith.index_cast %scan3A_412 : i32 to index
      %swap3A_481 = arith.constant 80 : index
      %swap3A_482 = tpu.vector_load %arg7[%swap3A_480, %swap3A_481] {strides = array<i32>} : memref<128x128xf32, #tpu.memory_space<vmem>>, vector<1x16xf32>,
      %swap3A_483 = vector.shape_cast %swap3A_482 : vector<1x16xf32> to vector<16xf32>
      %swap3A_484 = vector.shape_cast %mul3A_479 : vector<16xf32> to vector<1x16xf32>
      tpu.vector_store %arg7[%swap3A_480, %swap3A_481], %swap3A_484 {strides = array<i32>} : memref<128x128xf32, #tpu.memory_space<vmem>>, vector<1x16xf32>,
      %get3A_485 = arith.index_cast %scan3A_412 : i32 to index
      %get3A_486 = arith.constant 96 : index
      %get3A_487 = tpu.vector_load %arg7[%get3A_485, %get3A_486] {strides = array<i32>} : memref<128x128xf32, #tpu.memory_space<vmem>>, vector<1x16xf32>,
      %get3A_488 = vector.shape_cast %get3A_487 : vector<1x16xf32> to vector<16xf32>
      %mul3A_489 = arith.constant 11.3137083 : f32
      %mul3A_490 = vector.broadcast %mul3A_489 : f32 to vector<16xf32>
      %mul3A_491 = arith.mulf %get3A_488, %mul3A_490 : vector<16xf32>
      %swap3A_492 = arith.index_cast %scan3A_412 : i32 to index
      %swap3A_493 = arith.constant 96 : index
      %swap3A_494 = tpu.vector_load %arg7[%swap3A_492, %swap3A_493] {strides = array<i32>} : memref<128x128xf32, #tpu.memory_space<vmem>>, vector<1x16xf32>,
      %swap3A_495 = vector.shape_cast %swap3A_494 : vector<1x16xf32> to vector<16xf32>
      %swap3A_496 = vector.shape_cast %mul3A_491 : vector<16xf32> to vector<1x16xf32>
      tpu.vector_store %arg7[%swap3A_492, %swap3A_493], %swap3A_496 {strides = array<i32>} : memref<128x128xf32, #tpu.memory_space<vmem>>, vector<1x16xf32>,
      %get3A_497 = arith.index_cast %scan3A_412 : i32 to index
      %get3A_498 = arith.constant 112 : index
      %get3A_499 = tpu.vector_load %arg7[%get3A_497, %get3A_498] {strides = array<i32>} : memref<128x128xf32, #tpu.memory_space<vmem>>, vector<1x16xf32>,
      %get3A_500 = vector.shape_cast %get3A_499 : vector<1x16xf32> to vector<16xf32>
      %mul3A_501 = arith.constant 11.3137083 : f32
      %mul3A_502 = vector.broadcast %mul3A_501 : f32 to vector<16xf32>
      %mul3A_503 = arith.mulf %get3A_500, %mul3A_502 : vector<16xf32>
      %swap3A_504 = arith.index_cast %scan3A_412 : i32 to index
      %swap3A_505 = arith.constant 112 : index
      %swap3A_506 = tpu.vector_load %arg7[%swap3A_504, %swap3A_505] {strides = array<i32>} : memref<128x128xf32, #tpu.memory_space<vmem>>, vector<1x16xf32>,
      %swap3A_507 = vector.shape_cast %swap3A_506 : vector<1x16xf32> to vector<16xf32>
      %swap3A_508 = vector.shape_cast %mul3A_503 : vector<16xf32> to vector<1x16xf32>
      tpu.vector_store %arg7[%swap3A_504, %swap3A_505], %swap3A_508 {strides = array<i32>} : memref<128x128xf32, #tpu.memory_space<vmem>>, vector<1x16xf32>,
    }
    %scan3A_225 = arith.constant 128 : i32
    %add3A_226 = arith.constant 25088 : i32
    %add3A_227 = arith.addi %mul3A_2, %add3A_226 : i32
    %dma_start3A_228 = arith.constant 0 : i32
    %dma_start3A_229 = tpu.memref_slice %arg4[%add3A_227, %dma_start3A_228] : memref<819200x128xf32, #tpu.memory_space<hbm>> -> memref<128x128xf32, #tpu.memory_space<hbm>>
    %dma_start3A_230 = arith.constant 0 : i32
    %dma_start3A_231 = tpu.memref_slice %arg4[%add3A_227, %dma_start3A_230] : memref<819200x128xf32, #tpu.memory_space<hbm>> -> memref<128x128xf32, #tpu.memory_space<hbm>>
    tpu.enqueue_dma source(%arg7 : memref<128x128xf32, #tpu.memory_space<vmem>>) target(%dma_start3A_231 : memref<128x128xf32, #tpu.memory_space<hbm>>) target_semaphore(%arg17 : memref<!tpu.dma_semaphore, #tpu.memory_space<semaphore_mem>>)
    %dma_wait3A_232 = arith.constant 0 : i32
    %dma_wait3A_233 = arith.constant 0 : i32
    %dma_wait3A_234 = tpu.memref_slice %arg3[%dma_wait3A_232, %dma_wait3A_233] : memref<1000000x128xf32, #tpu.memory_space<hbm>> -> memref<128x128xf32, #tpu.memory_space<hbm>>
    %dma_wait3A_235 = arith.constant 0 : i32
    %dma_wait3A_236 = arith.constant 0 : i32
    %dma_wait3A_237 = tpu.memref_slice %arg3[%dma_wait3A_235, %dma_wait3A_236] : memref<1000000x128xf32, #tpu.memory_space<hbm>> -> memref<128x128xf32, #tpu.memory_space<hbm>>
    tpu.wait_dma2 semaphore(%arg13 : memref<!tpu.dma_semaphore, #tpu.memory_space<semaphore_mem>>) src(%dma_wait3A_237 : memref<128x128xf32, #tpu.memory_space<hbm>>) dst(%arg8 : memref<128x128xf32, #tpu.memory_space<vmem>>)
    %scan3A_238 = arith.constant 0 : i32
    %scan3A_239 = arith.constant 0 : i32
    %scan3A_240 = arith.constant 128 : i32
    %scan3A_241 = arith.addi %scan3A_239, %scan3A_240 : i32
    %scan3A_242 = arith.constant 2 : i32
    scf.for %scan3A_316 = %scan3A_239 to %scan3A_241 step %scan3A_242  : i32 {
      %get3A = arith.index_cast %scan3A_316 : i32 to index
      %get3A_317 = arith.constant 0 : index
      %get3A_318 = tpu.vector_load %arg8[%get3A, %get3A_317] {strides = array<i32>} : memref<128x128xf32, #tpu.memory_space<vmem>>, vector<1x16xf32>,
      %get3A_319 = vector.shape_cast %get3A_318 : vector<1x16xf32> to vector<16xf32>
      %mul3A_320 = arith.constant 11.3137083 : f32
      %mul3A_321 = vector.broadcast %mul3A_320 : f32 to vector<16xf32>
      %mul3A_322 = arith.mulf %get3A_319, %mul3A_321 : vector<16xf32>
      %swap3A = arith.index_cast %scan3A_316 : i32 to index
      %swap3A_323 = arith.constant 0 : index
      %swap3A_324 = tpu.vector_load %arg8[%swap3A, %swap3A_323] {strides = array<i32>} : memref<128x128xf32, #tpu.memory_space<vmem>>, vector<1x16xf32>,
      %swap3A_325 = vector.shape_cast %swap3A_324 : vector<1x16xf32> to vector<16xf32>
      %swap3A_326 = vector.shape_cast %mul3A_322 : vector<16xf32> to vector<1x16xf32>
      tpu.vector_store %arg8[%swap3A, %swap3A_323], %swap3A_326 {strides = array<i32>} : memref<128x128xf32, #tpu.memory_space<vmem>>, vector<1x16xf32>,
      %get3A_327 = arith.index_cast %scan3A_316 : i32 to index
      %get3A_328 = arith.constant 16 : index
      %get3A_329 = tpu.vector_load %arg8[%get3A_327, %get3A_328] {strides = array<i32>} : memref<128x128xf32, #tpu.memory_space<vmem>>, vector<1x16xf32>,
      %get3A_330 = vector.shape_cast %get3A_329 : vector<1x16xf32> to vector<16xf32>
      %mul3A_331 = arith.constant 11.3137083 : f32
      %mul3A_332 = vector.broadcast %mul3A_331 : f32 to vector<16xf32>
      %mul3A_333 = arith.mulf %get3A_330, %mul3A_332 : vector<16xf32>
      %swap3A_334 = arith.index_cast %scan3A_316 : i32 to index
      %swap3A_335 = arith.constant 16 : index
      %swap3A_336 = tpu.vector_load %arg8[%swap3A_334, %swap3A_335] {strides = array<i32>} : memref<128x128xf32, #tpu.memory_space<vmem>>, vector<1x16xf32>,
      %swap3A_337 = vector.shape_cast %swap3A_336 : vector<1x16xf32> to vector<16xf32>
      %swap3A_338 = vector.shape_cast %mul3A_333 : vector<16xf32> to vector<1x16xf32>
      tpu.vector_store %arg8[%swap3A_334, %swap3A_335], %swap3A_338 {strides = array<i32>} : memref<128x128xf32, #tpu.memory_space<vmem>>, vector<1x16xf32>,
      %get3A_339 = arith.index_cast %scan3A_316 : i32 to index
      %get3A_340 = arith.constant 32 : index
      %get3A_341 = tpu.vector_load %arg8[%get3A_339, %get3A_340] {strides = array<i32>} : memref<128x128xf32, #tpu.memory_space<vmem>>, vector<1x16xf32>,
      %get3A_342 = vector.shape_cast %get3A_341 : vector<1x16xf32> to vector<16xf32>
      %mul3A_343 = arith.constant 11.3137083 : f32
      %mul3A_344 = vector.broadcast %mul3A_343 : f32 to vector<16xf32>
      %mul3A_345 = arith.mulf %get3A_342, %mul3A_344 : vector<16xf32>
      %swap3A_346 = arith.index_cast %scan3A_316 : i32 to index
      %swap3A_347 = arith.constant 32 : index
      %swap3A_348 = tpu.vector_load %arg8[%swap3A_346, %swap3A_347] {strides = array<i32>} : memref<128x128xf32, #tpu.memory_space<vmem>>, vector<1x16xf32>,
      %swap3A_349 = vector.shape_cast %swap3A_348 : vector<1x16xf32> to vector<16xf32>
      %swap3A_350 = vector.shape_cast %mul3A_345 : vector<16xf32> to vector<1x16xf32>
      tpu.vector_store %arg8[%swap3A_346, %swap3A_347], %swap3A_350 {strides = array<i32>} : memref<128x128xf32, #tpu.memory_space<vmem>>, vector<1x16xf32>,
      %get3A_351 = arith.index_cast %scan3A_316 : i32 to index
      %get3A_352 = arith.constant 48 : index
      %get3A_353 = tpu.vector_load %arg8[%get3A_351, %get3A_352] {strides = array<i32>} : memref<128x128xf32, #tpu.memory_space<vmem>>, vector<1x16xf32>,
      %get3A_354 = vector.shape_cast %get3A_353 : vector<1x16xf32> to vector<16xf32>
      %mul3A_355 = arith.constant 11.3137083 : f32
      %mul3A_356 = vector.broadcast %mul3A_355 : f32 to vector<16xf32>
      %mul3A_357 = arith.mulf %get3A_354, %mul3A_356 : vector<16xf32>
      %swap3A_358 = arith.index_cast %scan3A_316 : i32 to index
      %swap3A_359 = arith.constant 48 : index
      %swap3A_360 = tpu.vector_load %arg8[%swap3A_358, %swap3A_359] {strides = array<i32>} : memref<128x128xf32, #tpu.memory_space<vmem>>, vector<1x16xf32>,
      %swap3A_361 = vector.shape_cast %swap3A_360 : vector<1x16xf32> to vector<16xf32>
      %swap3A_362 = vector.shape_cast %mul3A_357 : vector<16xf32> to vector<1x16xf32>
      tpu.vector_store %arg8[%swap3A_358, %swap3A_359], %swap3A_362 {strides = array<i32>} : memref<128x128xf32, #tpu.memory_space<vmem>>, vector<1x16xf32>,
      %get3A_363 = arith.index_cast %scan3A_316 : i32 to index
      %get3A_364 = arith.constant 64 : index
      %get3A_365 = tpu.vector_load %arg8[%get3A_363, %get3A_364] {strides = array<i32>} : memref<128x128xf32, #tpu.memory_space<vmem>>, vector<1x16xf32>,
      %get3A_366 = vector.shape_cast %get3A_365 : vector<1x16xf32> to vector<16xf32>
      %mul3A_367 = arith.constant 11.3137083 : f32
      %mul3A_368 = vector.broadcast %mul3A_367 : f32 to vector<16xf32>
      %mul3A_369 = arith.mulf %get3A_366, %mul3A_368 : vector<16xf32>
      %swap3A_370 = arith.index_cast %scan3A_316 : i32 to index
      %swap3A_371 = arith.constant 64 : index
      %swap3A_372 = tpu.vector_load %arg8[%swap3A_370, %swap3A_371] {strides = array<i32>} : memref<128x128xf32, #tpu.memory_space<vmem>>, vector<1x16xf32>,
      %swap3A_373 = vector.shape_cast %swap3A_372 : vector<1x16xf32> to vector<16xf32>
      %swap3A_374 = vector.shape_cast %mul3A_369 : vector<16xf32> to vector<1x16xf32>
      tpu.vector_store %arg8[%swap3A_370, %swap3A_371], %swap3A_374 {strides = array<i32>} : memref<128x128xf32, #tpu.memory_space<vmem>>, vector<1x16xf32>,
      %get3A_375 = arith.index_cast %scan3A_316 : i32 to index
      %get3A_376 = arith.constant 80 : index
      %get3A_377 = tpu.vector_load %arg8[%get3A_375, %get3A_376] {strides = array<i32>} : memref<128x128xf32, #tpu.memory_space<vmem>>, vector<1x16xf32>,
      %get3A_378 = vector.shape_cast %get3A_377 : vector<1x16xf32> to vector<16xf32>
      %mul3A_379 = arith.constant 11.3137083 : f32
      %mul3A_380 = vector.broadcast %mul3A_379 : f32 to vector<16xf32>
      %mul3A_381 = arith.mulf %get3A_378, %mul3A_380 : vector<16xf32>
      %swap3A_382 = arith.index_cast %scan3A_316 : i32 to index
      %swap3A_383 = arith.constant 80 : index
      %swap3A_384 = tpu.vector_load %arg8[%swap3A_382, %swap3A_383] {strides = array<i32>} : memref<128x128xf32, #tpu.memory_space<vmem>>, vector<1x16xf32>,
      %swap3A_385 = vector.shape_cast %swap3A_384 : vector<1x16xf32> to vector<16xf32>
      %swap3A_386 = vector.shape_cast %mul3A_381 : vector<16xf32> to vector<1x16xf32>
      tpu.vector_store %arg8[%swap3A_382, %swap3A_383], %swap3A_386 {strides = array<i32>} : memref<128x128xf32, #tpu.memory_space<vmem>>, vector<1x16xf32>,
      %get3A_387 = arith.index_cast %scan3A_316 : i32 to index
      %get3A_388 = arith.constant 96 : index
      %get3A_389 = tpu.vector_load %arg8[%get3A_387, %get3A_388] {strides = array<i32>} : memref<128x128xf32, #tpu.memory_space<vmem>>, vector<1x16xf32>,
      %get3A_390 = vector.shape_cast %get3A_389 : vector<1x16xf32> to vector<16xf32>
      %mul3A_391 = arith.constant 11.3137083 : f32
      %mul3A_392 = vector.broadcast %mul3A_391 : f32 to vector<16xf32>
      %mul3A_393 = arith.mulf %get3A_390, %mul3A_392 : vector<16xf32>
      %swap3A_394 = arith.index_cast %scan3A_316 : i32 to index
      %swap3A_395 = arith.constant 96 : index
      %swap3A_396 = tpu.vector_load %arg8[%swap3A_394, %swap3A_395] {strides = array<i32>} : memref<128x128xf32, #tpu.memory_space<vmem>>, vector<1x16xf32>,
      %swap3A_397 = vector.shape_cast %swap3A_396 : vector<1x16xf32> to vector<16xf32>
      %swap3A_398 = vector.shape_cast %mul3A_393 : vector<16xf32> to vector<1x16xf32>
      tpu.vector_store %arg8[%swap3A_394, %swap3A_395], %swap3A_398 {strides = array<i32>} : memref<128x128xf32, #tpu.memory_space<vmem>>, vector<1x16xf32>,
      %get3A_399 = arith.index_cast %scan3A_316 : i32 to index
      %get3A_400 = arith.constant 112 : index
      %get3A_401 = tpu.vector_load %arg8[%get3A_399, %get3A_400] {strides = array<i32>} : memref<128x128xf32, #tpu.memory_space<vmem>>, vector<1x16xf32>,
      %get3A_402 = vector.shape_cast %get3A_401 : vector<1x16xf32> to vector<16xf32>
      %mul3A_403 = arith.constant 11.3137083 : f32
      %mul3A_404 = vector.broadcast %mul3A_403 : f32 to vector<16xf32>
      %mul3A_405 = arith.mulf %get3A_402, %mul3A_404 : vector<16xf32>
      %swap3A_406 = arith.index_cast %scan3A_316 : i32 to index
      %swap3A_407 = arith.constant 112 : index
      %swap3A_408 = tpu.vector_load %arg8[%swap3A_406, %swap3A_407] {strides = array<i32>} : memref<128x128xf32, #tpu.memory_space<vmem>>, vector<1x16xf32>,
      %swap3A_409 = vector.shape_cast %swap3A_408 : vector<1x16xf32> to vector<16xf32>
      %swap3A_410 = vector.shape_cast %mul3A_405 : vector<16xf32> to vector<1x16xf32>
      tpu.vector_store %arg8[%swap3A_406, %swap3A_407], %swap3A_410 {strides = array<i32>} : memref<128x128xf32, #tpu.memory_space<vmem>>, vector<1x16xf32>,
      %scan3A_411 = arith.constant 1 : i32
      %scan3A_412 = arith.addi %scan3A_316, %scan3A_411 : i32
      %get3A_413 = arith.index_cast %scan3A_412 : i32 to index
      %get3A_414 = arith.constant 0 : index
      %get3A_415 = tpu.vector_load %arg8[%get3A_413, %get3A_414] {strides = array<i32>} : memref<128x128xf32, #tpu.memory_space<vmem>>, vector<1x16xf32>,
      %get3A_416 = vector.shape_cast %get3A_415 : vector<1x16xf32> to vector<16xf32>
      %mul3A_417 = arith.constant 11.3137083 : f32
      %mul3A_418 = vector.broadcast %mul3A_417 : f32 to vector<16xf32>
      %mul3A_419 = arith.mulf %get3A_416, %mul3A_418 : vector<16xf32>
      %swap3A_420 = arith.index_cast %scan3A_412 : i32 to index
      %swap3A_421 = arith.constant 0 : index
      %swap3A_422 = tpu.vector_load %arg8[%swap3A_420, %swap3A_421] {strides = array<i32>} : memref<128x128xf32, #tpu.memory_space<vmem>>, vector<1x16xf32>,
      %swap3A_423 = vector.shape_cast %swap3A_422 : vector<1x16xf32> to vector<16xf32>
      %swap3A_424 = vector.shape_cast %mul3A_419 : vector<16xf32> to vector<1x16xf32>
      tpu.vector_store %arg8[%swap3A_420, %swap3A_421], %swap3A_424 {strides = array<i32>} : memref<128x128xf32, #tpu.memory_space<vmem>>, vector<1x16xf32>,
      %get3A_425 = arith.index_cast %scan3A_412 : i32 to index
      %get3A_426 = arith.constant 16 : index
      %get3A_427 = tpu.vector_load %arg8[%get3A_425, %get3A_426] {strides = array<i32>} : memref<128x128xf32, #tpu.memory_space<vmem>>, vector<1x16xf32>,
      %get3A_428 = vector.shape_cast %get3A_427 : vector<1x16xf32> to vector<16xf32>
      %mul3A_429 = arith.constant 11.3137083 : f32
      %mul3A_430 = vector.broadcast %mul3A_429 : f32 to vector<16xf32>
      %mul3A_431 = arith.mulf %get3A_428, %mul3A_430 : vector<16xf32>
      %swap3A_432 = arith.index_cast %scan3A_412 : i32 to index
      %swap3A_433 = arith.constant 16 : index
      %swap3A_434 = tpu.vector_load %arg8[%swap3A_432, %swap3A_433] {strides = array<i32>} : memref<128x128xf32, #tpu.memory_space<vmem>>, vector<1x16xf32>,
      %swap3A_435 = vector.shape_cast %swap3A_434 : vector<1x16xf32> to vector<16xf32>
      %swap3A_436 = vector.shape_cast %mul3A_431 : vector<16xf32> to vector<1x16xf32>
      tpu.vector_store %arg8[%swap3A_432, %swap3A_433], %swap3A_436 {strides = array<i32>} : memref<128x128xf32, #tpu.memory_space<vmem>>, vector<1x16xf32>,
      %get3A_437 = arith.index_cast %scan3A_412 : i32 to index
      %get3A_438 = arith.constant 32 : index
      %get3A_439 = tpu.vector_load %arg8[%get3A_437, %get3A_438] {strides = array<i32>} : memref<128x128xf32, #tpu.memory_space<vmem>>, vector<1x16xf32>,
      %get3A_440 = vector.shape_cast %get3A_439 : vector<1x16xf32> to vector<16xf32>
      %mul3A_441 = arith.constant 11.3137083 : f32
      %mul3A_442 = vector.broadcast %mul3A_441 : f32 to vector<16xf32>
      %mul3A_443 = arith.mulf %get3A_440, %mul3A_442 : vector<16xf32>
      %swap3A_444 = arith.index_cast %scan3A_412 : i32 to index
      %swap3A_445 = arith.constant 32 : index
      %swap3A_446 = tpu.vector_load %arg8[%swap3A_444, %swap3A_445] {strides = array<i32>} : memref<128x128xf32, #tpu.memory_space<vmem>>, vector<1x16xf32>,
      %swap3A_447 = vector.shape_cast %swap3A_446 : vector<1x16xf32> to vector<16xf32>
      %swap3A_448 = vector.shape_cast %mul3A_443 : vector<16xf32> to vector<1x16xf32>
      tpu.vector_store %arg8[%swap3A_444, %swap3A_445], %swap3A_448 {strides = array<i32>} : memref<128x128xf32, #tpu.memory_space<vmem>>, vector<1x16xf32>,
      %get3A_449 = arith.index_cast %scan3A_412 : i32 to index
      %get3A_450 = arith.constant 48 : index
      %get3A_451 = tpu.vector_load %arg8[%get3A_449, %get3A_450] {strides = array<i32>} : memref<128x128xf32, #tpu.memory_space<vmem>>, vector<1x16xf32>,
      %get3A_452 = vector.shape_cast %get3A_451 : vector<1x16xf32> to vector<16xf32>
      %mul3A_453 = arith.constant 11.3137083 : f32
      %mul3A_454 = vector.broadcast %mul3A_453 : f32 to vector<16xf32>
      %mul3A_455 = arith.mulf %get3A_452, %mul3A_454 : vector<16xf32>
      %swap3A_456 = arith.index_cast %scan3A_412 : i32 to index
      %swap3A_457 = arith.constant 48 : index
      %swap3A_458 = tpu.vector_load %arg8[%swap3A_456, %swap3A_457] {strides = array<i32>} : memref<128x128xf32, #tpu.memory_space<vmem>>, vector<1x16xf32>,
      %swap3A_459 = vector.shape_cast %swap3A_458 : vector<1x16xf32> to vector<16xf32>
      %swap3A_460 = vector.shape_cast %mul3A_455 : vector<16xf32> to vector<1x16xf32>
      tpu.vector_store %arg8[%swap3A_456, %swap3A_457], %swap3A_460 {strides = array<i32>} : memref<128x128xf32, #tpu.memory_space<vmem>>, vector<1x16xf32>,
      %get3A_461 = arith.index_cast %scan3A_412 : i32 to index
      %get3A_462 = arith.constant 64 : index
      %get3A_463 = tpu.vector_load %arg8[%get3A_461, %get3A_462] {strides = array<i32>} : memref<128x128xf32, #tpu.memory_space<vmem>>, vector<1x16xf32>,
      %get3A_464 = vector.shape_cast %get3A_463 : vector<1x16xf32> to vector<16xf32>
      %mul3A_465 = arith.constant 11.3137083 : f32
      %mul3A_466 = vector.broadcast %mul3A_465 : f32 to vector<16xf32>
      %mul3A_467 = arith.mulf %get3A_464, %mul3A_466 : vector<16xf32>
      %swap3A_468 = arith.index_cast %scan3A_412 : i32 to index
      %swap3A_469 = arith.constant 64 : index
      %swap3A_470 = tpu.vector_load %arg8[%swap3A_468, %swap3A_469] {strides = array<i32>} : memref<128x128xf32, #tpu.memory_space<vmem>>, vector<1x16xf32>,
      %swap3A_471 = vector.shape_cast %swap3A_470 : vector<1x16xf32> to vector<16xf32>
      %swap3A_472 = vector.shape_cast %mul3A_467 : vector<16xf32> to vector<1x16xf32>
      tpu.vector_store %arg8[%swap3A_468, %swap3A_469], %swap3A_472 {strides = array<i32>} : memref<128x128xf32, #tpu.memory_space<vmem>>, vector<1x16xf32>,
      %get3A_473 = arith.index_cast %scan3A_412 : i32 to index
      %get3A_474 = arith.constant 80 : index
      %get3A_475 = tpu.vector_load %arg8[%get3A_473, %get3A_474] {strides = array<i32>} : memref<128x128xf32, #tpu.memory_space<vmem>>, vector<1x16xf32>,
      %get3A_476 = vector.shape_cast %get3A_475 : vector<1x16xf32> to vector<16xf32>
      %mul3A_477 = arith.constant 11.3137083 : f32
      %mul3A_478 = vector.broadcast %mul3A_477 : f32 to vector<16xf32>
      %mul3A_479 = arith.mulf %get3A_476, %mul3A_478 : vector<16xf32>
      %swap3A_480 = arith.index_cast %scan3A_412 : i32 to index
      %swap3A_481 = arith.constant 80 : index
      %swap3A_482 = tpu.vector_load %arg8[%swap3A_480, %swap3A_481] {strides = array<i32>} : memref<128x128xf32, #tpu.memory_space<vmem>>, vector<1x16xf32>,
      %swap3A_483 = vector.shape_cast %swap3A_482 : vector<1x16xf32> to vector<16xf32>
      %swap3A_484 = vector.shape_cast %mul3A_479 : vector<16xf32> to vector<1x16xf32>
      tpu.vector_store %arg8[%swap3A_480, %swap3A_481], %swap3A_484 {strides = array<i32>} : memref<128x128xf32, #tpu.memory_space<vmem>>, vector<1x16xf32>,
      %get3A_485 = arith.index_cast %scan3A_412 : i32 to index
      %get3A_486 = arith.constant 96 : index
      %get3A_487 = tpu.vector_load %arg8[%get3A_485, %get3A_486] {strides = array<i32>} : memref<128x128xf32, #tpu.memory_space<vmem>>, vector<1x16xf32>,
      %get3A_488 = vector.shape_cast %get3A_487 : vector<1x16xf32> to vector<16xf32>
      %mul3A_489 = arith.constant 11.3137083 : f32
      %mul3A_490 = vector.broadcast %mul3A_489 : f32 to vector<16xf32>
      %mul3A_491 = arith.mulf %get3A_488, %mul3A_490 : vector<16xf32>
      %swap3A_492 = arith.index_cast %scan3A_412 : i32 to index
      %swap3A_493 = arith.constant 96 : index
      %swap3A_494 = tpu.vector_load %arg8[%swap3A_492, %swap3A_493] {strides = array<i32>} : memref<128x128xf32, #tpu.memory_space<vmem>>, vector<1x16xf32>,
      %swap3A_495 = vector.shape_cast %swap3A_494 : vector<1x16xf32> to vector<16xf32>
      %swap3A_496 = vector.shape_cast %mul3A_491 : vector<16xf32> to vector<1x16xf32>
      tpu.vector_store %arg8[%swap3A_492, %swap3A_493], %swap3A_496 {strides = array<i32>} : memref<128x128xf32, #tpu.memory_space<vmem>>, vector<1x16xf32>,
      %get3A_497 = arith.index_cast %scan3A_412 : i32 to index
      %get3A_498 = arith.constant 112 : index
      %get3A_499 = tpu.vector_load %arg8[%get3A_497, %get3A_498] {strides = array<i32>} : memref<128x128xf32, #tpu.memory_space<vmem>>, vector<1x16xf32>,
      %get3A_500 = vector.shape_cast %get3A_499 : vector<1x16xf32> to vector<16xf32>
      %mul3A_501 = arith.constant 11.3137083 : f32
      %mul3A_502 = vector.broadcast %mul3A_501 : f32 to vector<16xf32>
      %mul3A_503 = arith.mulf %get3A_500, %mul3A_502 : vector<16xf32>
      %swap3A_504 = arith.index_cast %scan3A_412 : i32 to index
      %swap3A_505 = arith.constant 112 : index
      %swap3A_506 = tpu.vector_load %arg8[%swap3A_504, %swap3A_505] {strides = array<i32>} : memref<128x128xf32, #tpu.memory_space<vmem>>, vector<1x16xf32>,
      %swap3A_507 = vector.shape_cast %swap3A_506 : vector<1x16xf32> to vector<16xf32>
      %swap3A_508 = vector.shape_cast %mul3A_503 : vector<16xf32> to vector<1x16xf32>
      tpu.vector_store %arg8[%swap3A_504, %swap3A_505], %swap3A_508 {strides = array<i32>} : memref<128x128xf32, #tpu.memory_space<vmem>>, vector<1x16xf32>,
    }
    %scan3A_243 = arith.constant 128 : i32
    %add3A_244 = arith.constant 25216 : i32
    %add3A_245 = arith.addi %mul3A_2, %add3A_244 : i32
    %dma_start3A_246 = arith.constant 0 : i32
    %dma_start3A_247 = tpu.memref_slice %arg4[%add3A_245, %dma_start3A_246] : memref<819200x128xf32, #tpu.memory_space<hbm>> -> memref<128x128xf32, #tpu.memory_space<hbm>>
    %dma_start3A_248 = arith.constant 0 : i32
    %dma_start3A_249 = tpu.memref_slice %arg4[%add3A_245, %dma_start3A_248] : memref<819200x128xf32, #tpu.memory_space<hbm>> -> memref<128x128xf32, #tpu.memory_space<hbm>>
    tpu.enqueue_dma source(%arg8 : memref<128x128xf32, #tpu.memory_space<vmem>>) target(%dma_start3A_249 : memref<128x128xf32, #tpu.memory_space<hbm>>) target_semaphore(%arg18 : memref<!tpu.dma_semaphore, #tpu.memory_space<semaphore_mem>>)
    %dma_wait3A_250 = arith.constant 0 : i32
    %dma_wait3A_251 = arith.constant 0 : i32
    %dma_wait3A_252 = tpu.memref_slice %arg3[%dma_wait3A_250, %dma_wait3A_251] : memref<1000000x128xf32, #tpu.memory_space<hbm>> -> memref<128x128xf32, #tpu.memory_space<hbm>>
    %dma_wait3A_253 = arith.constant 0 : i32
    %dma_wait3A_254 = arith.constant 0 : i32
    %dma_wait3A_255 = tpu.memref_slice %arg3[%dma_wait3A_253, %dma_wait3A_254] : memref<1000000x128xf32, #tpu.memory_space<hbm>> -> memref<128x128xf32, #tpu.memory_space<hbm>>
    tpu.wait_dma2 semaphore(%arg14 : memref<!tpu.dma_semaphore, #tpu.memory_space<semaphore_mem>>) src(%dma_wait3A_255 : memref<128x128xf32, #tpu.memory_space<hbm>>) dst(%arg9 : memref<128x128xf32, #tpu.memory_space<vmem>>)
    %scan3A_256 = arith.constant 0 : i32
    %scan3A_257 = arith.constant 0 : i32
    %scan3A_258 = arith.constant 128 : i32
    %scan3A_259 = arith.addi %scan3A_257, %scan3A_258 : i32
    %scan3A_260 = arith.constant 2 : i32
    scf.for %scan3A_316 = %scan3A_257 to %scan3A_259 step %scan3A_260  : i32 {
      %get3A = arith.index_cast %scan3A_316 : i32 to index
      %get3A_317 = arith.constant 0 : index
      %get3A_318 = tpu.vector_load %arg9[%get3A, %get3A_317] {strides = array<i32>} : memref<128x128xf32, #tpu.memory_space<vmem>>, vector<1x16xf32>,
      %get3A_319 = vector.shape_cast %get3A_318 : vector<1x16xf32> to vector<16xf32>
      %mul3A_320 = arith.constant 11.3137083 : f32
      %mul3A_321 = vector.broadcast %mul3A_320 : f32 to vector<16xf32>
      %mul3A_322 = arith.mulf %get3A_319, %mul3A_321 : vector<16xf32>
      %swap3A = arith.index_cast %scan3A_316 : i32 to index
      %swap3A_323 = arith.constant 0 : index
      %swap3A_324 = tpu.vector_load %arg9[%swap3A, %swap3A_323] {strides = array<i32>} : memref<128x128xf32, #tpu.memory_space<vmem>>, vector<1x16xf32>,
      %swap3A_325 = vector.shape_cast %swap3A_324 : vector<1x16xf32> to vector<16xf32>
      %swap3A_326 = vector.shape_cast %mul3A_322 : vector<16xf32> to vector<1x16xf32>
      tpu.vector_store %arg9[%swap3A, %swap3A_323], %swap3A_326 {strides = array<i32>} : memref<128x128xf32, #tpu.memory_space<vmem>>, vector<1x16xf32>,
      %get3A_327 = arith.index_cast %scan3A_316 : i32 to index
      %get3A_328 = arith.constant 16 : index
      %get3A_329 = tpu.vector_load %arg9[%get3A_327, %get3A_328] {strides = array<i32>} : memref<128x128xf32, #tpu.memory_space<vmem>>, vector<1x16xf32>,
      %get3A_330 = vector.shape_cast %get3A_329 : vector<1x16xf32> to vector<16xf32>
      %mul3A_331 = arith.constant 11.3137083 : f32
      %mul3A_332 = vector.broadcast %mul3A_331 : f32 to vector<16xf32>
      %mul3A_333 = arith.mulf %get3A_330, %mul3A_332 : vector<16xf32>
      %swap3A_334 = arith.index_cast %scan3A_316 : i32 to index
      %swap3A_335 = arith.constant 16 : index
      %swap3A_336 = tpu.vector_load %arg9[%swap3A_334, %swap3A_335] {strides = array<i32>} : memref<128x128xf32, #tpu.memory_space<vmem>>, vector<1x16xf32>,
      %swap3A_337 = vector.shape_cast %swap3A_336 : vector<1x16xf32> to vector<16xf32>
      %swap3A_338 = vector.shape_cast %mul3A_333 : vector<16xf32> to vector<1x16xf32>
      tpu.vector_store %arg9[%swap3A_334, %swap3A_335], %swap3A_338 {strides = array<i32>} : memref<128x128xf32, #tpu.memory_space<vmem>>, vector<1x16xf32>,
      %get3A_339 = arith.index_cast %scan3A_316 : i32 to index
      %get3A_340 = arith.constant 32 : index
      %get3A_341 = tpu.vector_load %arg9[%get3A_339, %get3A_340] {strides = array<i32>} : memref<128x128xf32, #tpu.memory_space<vmem>>, vector<1x16xf32>,
      %get3A_342 = vector.shape_cast %get3A_341 : vector<1x16xf32> to vector<16xf32>
      %mul3A_343 = arith.constant 11.3137083 : f32
      %mul3A_344 = vector.broadcast %mul3A_343 : f32 to vector<16xf32>
      %mul3A_345 = arith.mulf %get3A_342, %mul3A_344 : vector<16xf32>
      %swap3A_346 = arith.index_cast %scan3A_316 : i32 to index
      %swap3A_347 = arith.constant 32 : index
      %swap3A_348 = tpu.vector_load %arg9[%swap3A_346, %swap3A_347] {strides = array<i32>} : memref<128x128xf32, #tpu.memory_space<vmem>>, vector<1x16xf32>,
      %swap3A_349 = vector.shape_cast %swap3A_348 : vector<1x16xf32> to vector<16xf32>
      %swap3A_350 = vector.shape_cast %mul3A_345 : vector<16xf32> to vector<1x16xf32>
      tpu.vector_store %arg9[%swap3A_346, %swap3A_347], %swap3A_350 {strides = array<i32>} : memref<128x128xf32, #tpu.memory_space<vmem>>, vector<1x16xf32>,
      %get3A_351 = arith.index_cast %scan3A_316 : i32 to index
      %get3A_352 = arith.constant 48 : index
      %get3A_353 = tpu.vector_load %arg9[%get3A_351, %get3A_352] {strides = array<i32>} : memref<128x128xf32, #tpu.memory_space<vmem>>, vector<1x16xf32>,
      %get3A_354 = vector.shape_cast %get3A_353 : vector<1x16xf32> to vector<16xf32>
      %mul3A_355 = arith.constant 11.3137083 : f32
      %mul3A_356 = vector.broadcast %mul3A_355 : f32 to vector<16xf32>
      %mul3A_357 = arith.mulf %get3A_354, %mul3A_356 : vector<16xf32>
      %swap3A_358 = arith.index_cast %scan3A_316 : i32 to index
      %swap3A_359 = arith.constant 48 : index
      %swap3A_360 = tpu.vector_load %arg9[%swap3A_358, %swap3A_359] {strides = array<i32>} : memref<128x128xf32, #tpu.memory_space<vmem>>, vector<1x16xf32>,
      %swap3A_361 = vector.shape_cast %swap3A_360 : vector<1x16xf32> to vector<16xf32>
      %swap3A_362 = vector.shape_cast %mul3A_357 : vector<16xf32> to vector<1x16xf32>
      tpu.vector_store %arg9[%swap3A_358, %swap3A_359], %swap3A_362 {strides = array<i32>} : memref<128x128xf32, #tpu.memory_space<vmem>>, vector<1x16xf32>,
      %get3A_363 = arith.index_cast %scan3A_316 : i32 to index
      %get3A_364 = arith.constant 64 : index
      %get3A_365 = tpu.vector_load %arg9[%get3A_363, %get3A_364] {strides = array<i32>} : memref<128x128xf32, #tpu.memory_space<vmem>>, vector<1x16xf32>,
      %get3A_366 = vector.shape_cast %get3A_365 : vector<1x16xf32> to vector<16xf32>
      %mul3A_367 = arith.constant 11.3137083 : f32
      %mul3A_368 = vector.broadcast %mul3A_367 : f32 to vector<16xf32>
      %mul3A_369 = arith.mulf %get3A_366, %mul3A_368 : vector<16xf32>
      %swap3A_370 = arith.index_cast %scan3A_316 : i32 to index
      %swap3A_371 = arith.constant 64 : index
      %swap3A_372 = tpu.vector_load %arg9[%swap3A_370, %swap3A_371] {strides = array<i32>} : memref<128x128xf32, #tpu.memory_space<vmem>>, vector<1x16xf32>,
      %swap3A_373 = vector.shape_cast %swap3A_372 : vector<1x16xf32> to vector<16xf32>
      %swap3A_374 = vector.shape_cast %mul3A_369 : vector<16xf32> to vector<1x16xf32>
      tpu.vector_store %arg9[%swap3A_370, %swap3A_371], %swap3A_374 {strides = array<i32>} : memref<128x128xf32, #tpu.memory_space<vmem>>, vector<1x16xf32>,
      %get3A_375 = arith.index_cast %scan3A_316 : i32 to index
      %get3A_376 = arith.constant 80 : index
      %get3A_377 = tpu.vector_load %arg9[%get3A_375, %get3A_376] {strides = array<i32>} : memref<128x128xf32, #tpu.memory_space<vmem>>, vector<1x16xf32>,
      %get3A_378 = vector.shape_cast %get3A_377 : vector<1x16xf32> to vector<16xf32>
      %mul3A_379 = arith.constant 11.3137083 : f32
      %mul3A_380 = vector.broadcast %mul3A_379 : f32 to vector<16xf32>
      %mul3A_381 = arith.mulf %get3A_378, %mul3A_380 : vector<16xf32>
      %swap3A_382 = arith.index_cast %scan3A_316 : i32 to index
      %swap3A_383 = arith.constant 80 : index
      %swap3A_384 = tpu.vector_load %arg9[%swap3A_382, %swap3A_383] {strides = array<i32>} : memref<128x128xf32, #tpu.memory_space<vmem>>, vector<1x16xf32>,
      %swap3A_385 = vector.shape_cast %swap3A_384 : vector<1x16xf32> to vector<16xf32>
      %swap3A_386 = vector.shape_cast %mul3A_381 : vector<16xf32> to vector<1x16xf32>
      tpu.vector_store %arg9[%swap3A_382, %swap3A_383], %swap3A_386 {strides = array<i32>} : memref<128x128xf32, #tpu.memory_space<vmem>>, vector<1x16xf32>,
      %get3A_387 = arith.index_cast %scan3A_316 : i32 to index
      %get3A_388 = arith.constant 96 : index
      %get3A_389 = tpu.vector_load %arg9[%get3A_387, %get3A_388] {strides = array<i32>} : memref<128x128xf32, #tpu.memory_space<vmem>>, vector<1x16xf32>,
      %get3A_390 = vector.shape_cast %get3A_389 : vector<1x16xf32> to vector<16xf32>
      %mul3A_391 = arith.constant 11.3137083 : f32
      %mul3A_392 = vector.broadcast %mul3A_391 : f32 to vector<16xf32>
      %mul3A_393 = arith.mulf %get3A_390, %mul3A_392 : vector<16xf32>
      %swap3A_394 = arith.index_cast %scan3A_316 : i32 to index
      %swap3A_395 = arith.constant 96 : index
      %swap3A_396 = tpu.vector_load %arg9[%swap3A_394, %swap3A_395] {strides = array<i32>} : memref<128x128xf32, #tpu.memory_space<vmem>>, vector<1x16xf32>,
      %swap3A_397 = vector.shape_cast %swap3A_396 : vector<1x16xf32> to vector<16xf32>
      %swap3A_398 = vector.shape_cast %mul3A_393 : vector<16xf32> to vector<1x16xf32>
      tpu.vector_store %arg9[%swap3A_394, %swap3A_395], %swap3A_398 {strides = array<i32>} : memref<128x128xf32, #tpu.memory_space<vmem>>, vector<1x16xf32>,
      %get3A_399 = arith.index_cast %scan3A_316 : i32 to index
      %get3A_400 = arith.constant 112 : index
      %get3A_401 = tpu.vector_load %arg9[%get3A_399, %get3A_400] {strides = array<i32>} : memref<128x128xf32, #tpu.memory_space<vmem>>, vector<1x16xf32>,
      %get3A_402 = vector.shape_cast %get3A_401 : vector<1x16xf32> to vector<16xf32>
      %mul3A_403 = arith.constant 11.3137083 : f32
      %mul3A_404 = vector.broadcast %mul3A_403 : f32 to vector<16xf32>
      %mul3A_405 = arith.mulf %get3A_402, %mul3A_404 : vector<16xf32>
      %swap3A_406 = arith.index_cast %scan3A_316 : i32 to index
      %swap3A_407 = arith.constant 112 : index
      %swap3A_408 = tpu.vector_load %arg9[%swap3A_406, %swap3A_407] {strides = array<i32>} : memref<128x128xf32, #tpu.memory_space<vmem>>, vector<1x16xf32>,
      %swap3A_409 = vector.shape_cast %swap3A_408 : vector<1x16xf32> to vector<16xf32>
      %swap3A_410 = vector.shape_cast %mul3A_405 : vector<16xf32> to vector<1x16xf32>
      tpu.vector_store %arg9[%swap3A_406, %swap3A_407], %swap3A_410 {strides = array<i32>} : memref<128x128xf32, #tpu.memory_space<vmem>>, vector<1x16xf32>,
      %scan3A_411 = arith.constant 1 : i32
      %scan3A_412 = arith.addi %scan3A_316, %scan3A_411 : i32
      %get3A_413 = arith.index_cast %scan3A_412 : i32 to index
      %get3A_414 = arith.constant 0 : index
      %get3A_415 = tpu.vector_load %arg9[%get3A_413, %get3A_414] {strides = array<i32>} : memref<128x128xf32, #tpu.memory_space<vmem>>, vector<1x16xf32>,
      %get3A_416 = vector.shape_cast %get3A_415 : vector<1x16xf32> to vector<16xf32>
      %mul3A_417 = arith.constant 11.3137083 : f32
      %mul3A_418 = vector.broadcast %mul3A_417 : f32 to vector<16xf32>
      %mul3A_419 = arith.mulf %get3A_416, %mul3A_418 : vector<16xf32>
      %swap3A_420 = arith.index_cast %scan3A_412 : i32 to index
      %swap3A_421 = arith.constant 0 : index
      %swap3A_422 = tpu.vector_load %arg9[%swap3A_420, %swap3A_421] {strides = array<i32>} : memref<128x128xf32, #tpu.memory_space<vmem>>, vector<1x16xf32>,
      %swap3A_423 = vector.shape_cast %swap3A_422 : vector<1x16xf32> to vector<16xf32>
      %swap3A_424 = vector.shape_cast %mul3A_419 : vector<16xf32> to vector<1x16xf32>
      tpu.vector_store %arg9[%swap3A_420, %swap3A_421], %swap3A_424 {strides = array<i32>} : memref<128x128xf32, #tpu.memory_space<vmem>>, vector<1x16xf32>,
      %get3A_425 = arith.index_cast %scan3A_412 : i32 to index
      %get3A_426 = arith.constant 16 : index
      %get3A_427 = tpu.vector_load %arg9[%get3A_425, %get3A_426] {strides = array<i32>} : memref<128x128xf32, #tpu.memory_space<vmem>>, vector<1x16xf32>,
      %get3A_428 = vector.shape_cast %get3A_427 : vector<1x16xf32> to vector<16xf32>
      %mul3A_429 = arith.constant 11.3137083 : f32
      %mul3A_430 = vector.broadcast %mul3A_429 : f32 to vector<16xf32>
      %mul3A_431 = arith.mulf %get3A_428, %mul3A_430 : vector<16xf32>
      %swap3A_432 = arith.index_cast %scan3A_412 : i32 to index
      %swap3A_433 = arith.constant 16 : index
      %swap3A_434 = tpu.vector_load %arg9[%swap3A_432, %swap3A_433] {strides = array<i32>} : memref<128x128xf32, #tpu.memory_space<vmem>>, vector<1x16xf32>,
      %swap3A_435 = vector.shape_cast %swap3A_434 : vector<1x16xf32> to vector<16xf32>
      %swap3A_436 = vector.shape_cast %mul3A_431 : vector<16xf32> to vector<1x16xf32>
      tpu.vector_store %arg9[%swap3A_432, %swap3A_433], %swap3A_436 {strides = array<i32>} : memref<128x128xf32, #tpu.memory_space<vmem>>, vector<1x16xf32>,
      %get3A_437 = arith.index_cast %scan3A_412 : i32 to index
      %get3A_438 = arith.constant 32 : index
      %get3A_439 = tpu.vector_load %arg9[%get3A_437, %get3A_438] {strides = array<i32>} : memref<128x128xf32, #tpu.memory_space<vmem>>, vector<1x16xf32>,
      %get3A_440 = vector.shape_cast %get3A_439 : vector<1x16xf32> to vector<16xf32>
      %mul3A_441 = arith.constant 11.3137083 : f32
      %mul3A_442 = vector.broadcast %mul3A_441 : f32 to vector<16xf32>
      %mul3A_443 = arith.mulf %get3A_440, %mul3A_442 : vector<16xf32>
      %swap3A_444 = arith.index_cast %scan3A_412 : i32 to index
      %swap3A_445 = arith.constant 32 : index
      %swap3A_446 = tpu.vector_load %arg9[%swap3A_444, %swap3A_445] {strides = array<i32>} : memref<128x128xf32, #tpu.memory_space<vmem>>, vector<1x16xf32>,
      %swap3A_447 = vector.shape_cast %swap3A_446 : vector<1x16xf32> to vector<16xf32>
      %swap3A_448 = vector.shape_cast %mul3A_443 : vector<16xf32> to vector<1x16xf32>
      tpu.vector_store %arg9[%swap3A_444, %swap3A_445], %swap3A_448 {strides = array<i32>} : memref<128x128xf32, #tpu.memory_space<vmem>>, vector<1x16xf32>,
      %get3A_449 = arith.index_cast %scan3A_412 : i32 to index
      %get3A_450 = arith.constant 48 : index
      %get3A_451 = tpu.vector_load %arg9[%get3A_449, %get3A_450] {strides = array<i32>} : memref<128x128xf32, #tpu.memory_space<vmem>>, vector<1x16xf32>,
      %get3A_452 = vector.shape_cast %get3A_451 : vector<1x16xf32> to vector<16xf32>
      %mul3A_453 = arith.constant 11.3137083 : f32
      %mul3A_454 = vector.broadcast %mul3A_453 : f32 to vector<16xf32>
      %mul3A_455 = arith.mulf %get3A_452, %mul3A_454 : vector<16xf32>
      %swap3A_456 = arith.index_cast %scan3A_412 : i32 to index
      %swap3A_457 = arith.constant 48 : index
      %swap3A_458 = tpu.vector_load %arg9[%swap3A_456, %swap3A_457] {strides = array<i32>} : memref<128x128xf32, #tpu.memory_space<vmem>>, vector<1x16xf32>,
      %swap3A_459 = vector.shape_cast %swap3A_458 : vector<1x16xf32> to vector<16xf32>
      %swap3A_460 = vector.shape_cast %mul3A_455 : vector<16xf32> to vector<1x16xf32>
      tpu.vector_store %arg9[%swap3A_456, %swap3A_457], %swap3A_460 {strides = array<i32>} : memref<128x128xf32, #tpu.memory_space<vmem>>, vector<1x16xf32>,
      %get3A_461 = arith.index_cast %scan3A_412 : i32 to index
      %get3A_462 = arith.constant 64 : index
      %get3A_463 = tpu.vector_load %arg9[%get3A_461, %get3A_462] {strides = array<i32>} : memref<128x128xf32, #tpu.memory_space<vmem>>, vector<1x16xf32>,
      %get3A_464 = vector.shape_cast %get3A_463 : vector<1x16xf32> to vector<16xf32>
      %mul3A_465 = arith.constant 11.3137083 : f32
      %mul3A_466 = vector.broadcast %mul3A_465 : f32 to vector<16xf32>
      %mul3A_467 = arith.mulf %get3A_464, %mul3A_466 : vector<16xf32>
      %swap3A_468 = arith.index_cast %scan3A_412 : i32 to index
      %swap3A_469 = arith.constant 64 : index
      %swap3A_470 = tpu.vector_load %arg9[%swap3A_468, %swap3A_469] {strides = array<i32>} : memref<128x128xf32, #tpu.memory_space<vmem>>, vector<1x16xf32>,
      %swap3A_471 = vector.shape_cast %swap3A_470 : vector<1x16xf32> to vector<16xf32>
      %swap3A_472 = vector.shape_cast %mul3A_467 : vector<16xf32> to vector<1x16xf32>
      tpu.vector_store %arg9[%swap3A_468, %swap3A_469], %swap3A_472 {strides = array<i32>} : memref<128x128xf32, #tpu.memory_space<vmem>>, vector<1x16xf32>,
      %get3A_473 = arith.index_cast %scan3A_412 : i32 to index
      %get3A_474 = arith.constant 80 : index
      %get3A_475 = tpu.vector_load %arg9[%get3A_473, %get3A_474] {strides = array<i32>} : memref<128x128xf32, #tpu.memory_space<vmem>>, vector<1x16xf32>,
      %get3A_476 = vector.shape_cast %get3A_475 : vector<1x16xf32> to vector<16xf32>
      %mul3A_477 = arith.constant 11.3137083 : f32
      %mul3A_478 = vector.broadcast %mul3A_477 : f32 to vector<16xf32>
      %mul3A_479 = arith.mulf %get3A_476, %mul3A_478 : vector<16xf32>
      %swap3A_480 = arith.index_cast %scan3A_412 : i32 to index
      %swap3A_481 = arith.constant 80 : index
      %swap3A_482 = tpu.vector_load %arg9[%swap3A_480, %swap3A_481] {strides = array<i32>} : memref<128x128xf32, #tpu.memory_space<vmem>>, vector<1x16xf32>,
      %swap3A_483 = vector.shape_cast %swap3A_482 : vector<1x16xf32> to vector<16xf32>
      %swap3A_484 = vector.shape_cast %mul3A_479 : vector<16xf32> to vector<1x16xf32>
      tpu.vector_store %arg9[%swap3A_480, %swap3A_481], %swap3A_484 {strides = array<i32>} : memref<128x128xf32, #tpu.memory_space<vmem>>, vector<1x16xf32>,
      %get3A_485 = arith.index_cast %scan3A_412 : i32 to index
      %get3A_486 = arith.constant 96 : index
      %get3A_487 = tpu.vector_load %arg9[%get3A_485, %get3A_486] {strides = array<i32>} : memref<128x128xf32, #tpu.memory_space<vmem>>, vector<1x16xf32>,
      %get3A_488 = vector.shape_cast %get3A_487 : vector<1x16xf32> to vector<16xf32>
      %mul3A_489 = arith.constant 11.3137083 : f32
      %mul3A_490 = vector.broadcast %mul3A_489 : f32 to vector<16xf32>
      %mul3A_491 = arith.mulf %get3A_488, %mul3A_490 : vector<16xf32>
      %swap3A_492 = arith.index_cast %scan3A_412 : i32 to index
      %swap3A_493 = arith.constant 96 : index
      %swap3A_494 = tpu.vector_load %arg9[%swap3A_492, %swap3A_493] {strides = array<i32>} : memref<128x128xf32, #tpu.memory_space<vmem>>, vector<1x16xf32>,
      %swap3A_495 = vector.shape_cast %swap3A_494 : vector<1x16xf32> to vector<16xf32>
      %swap3A_496 = vector.shape_cast %mul3A_491 : vector<16xf32> to vector<1x16xf32>
      tpu.vector_store %arg9[%swap3A_492, %swap3A_493], %swap3A_496 {strides = array<i32>} : memref<128x128xf32, #tpu.memory_space<vmem>>, vector<1x16xf32>,
      %get3A_497 = arith.index_cast %scan3A_412 : i32 to index
      %get3A_498 = arith.constant 112 : index
      %get3A_499 = tpu.vector_load %arg9[%get3A_497, %get3A_498] {strides = array<i32>} : memref<128x128xf32, #tpu.memory_space<vmem>>, vector<1x16xf32>,
      %get3A_500 = vector.shape_cast %get3A_499 : vector<1x16xf32> to vector<16xf32>
      %mul3A_501 = arith.constant 11.3137083 : f32
      %mul3A_502 = vector.broadcast %mul3A_501 : f32 to vector<16xf32>
      %mul3A_503 = arith.mulf %get3A_500, %mul3A_502 : vector<16xf32>
      %swap3A_504 = arith.index_cast %scan3A_412 : i32 to index
      %swap3A_505 = arith.constant 112 : index
      %swap3A_506 = tpu.vector_load %arg9[%swap3A_504, %swap3A_505] {strides = array<i32>} : memref<128x128xf32, #tpu.memory_space<vmem>>, vector<1x16xf32>,
      %swap3A_507 = vector.shape_cast %swap3A_506 : vector<1x16xf32> to vector<16xf32>
      %swap3A_508 = vector.shape_cast %mul3A_503 : vector<16xf32> to vector<1x16xf32>
      tpu.vector_store %arg9[%swap3A_504, %swap3A_505], %swap3A_508 {strides = array<i32>} : memref<128x128xf32, #tpu.memory_space<vmem>>, vector<1x16xf32>,
    }
    %scan3A_261 = arith.constant 128 : i32
    %add3A_262 = arith.constant 25344 : i32
    %add3A_263 = arith.addi %mul3A_2, %add3A_262 : i32
    %dma_start3A_264 = arith.constant 0 : i32
    %dma_start3A_265 = tpu.memref_slice %arg4[%add3A_263, %dma_start3A_264] : memref<819200x128xf32, #tpu.memory_space<hbm>> -> memref<128x128xf32, #tpu.memory_space<hbm>>
    %dma_start3A_266 = arith.constant 0 : i32
    %dma_start3A_267 = tpu.memref_slice %arg4[%add3A_263, %dma_start3A_266] : memref<819200x128xf32, #tpu.memory_space<hbm>> -> memref<128x128xf32, #tpu.memory_space<hbm>>
    tpu.enqueue_dma source(%arg9 : memref<128x128xf32, #tpu.memory_space<vmem>>) target(%dma_start3A_267 : memref<128x128xf32, #tpu.memory_space<hbm>>) target_semaphore(%arg19 : memref<!tpu.dma_semaphore, #tpu.memory_space<semaphore_mem>>)
    %dma_wait3A_268 = arith.constant 0 : i32
    %dma_wait3A_269 = arith.constant 0 : i32
    %dma_wait3A_270 = tpu.memref_slice %arg3[%dma_wait3A_268, %dma_wait3A_269] : memref<1000000x128xf32, #tpu.memory_space<hbm>> -> memref<128x128xf32, #tpu.memory_space<hbm>>
    %dma_wait3A_271 = arith.constant 0 : i32
    %dma_wait3A_272 = arith.constant 0 : i32
    %dma_wait3A_273 = tpu.memref_slice %arg3[%dma_wait3A_271, %dma_wait3A_272] : memref<1000000x128xf32, #tpu.memory_space<hbm>> -> memref<128x128xf32, #tpu.memory_space<hbm>>
    tpu.wait_dma2 semaphore(%arg15 : memref<!tpu.dma_semaphore, #tpu.memory_space<semaphore_mem>>) src(%dma_wait3A_273 : memref<128x128xf32, #tpu.memory_space<hbm>>) dst(%arg10 : memref<128x128xf32, #tpu.memory_space<vmem>>)
    %scan3A_274 = arith.constant 0 : i32
    %scan3A_275 = arith.constant 0 : i32
    %scan3A_276 = arith.constant 128 : i32
    %scan3A_277 = arith.addi %scan3A_275, %scan3A_276 : i32
    %scan3A_278 = arith.constant 2 : i32
    scf.for %scan3A_316 = %scan3A_275 to %scan3A_277 step %scan3A_278  : i32 {
      %get3A = arith.index_cast %scan3A_316 : i32 to index
      %get3A_317 = arith.constant 0 : index
      %get3A_318 = tpu.vector_load %arg10[%get3A, %get3A_317] {strides = array<i32>} : memref<128x128xf32, #tpu.memory_space<vmem>>, vector<1x16xf32>,
      %get3A_319 = vector.shape_cast %get3A_318 : vector<1x16xf32> to vector<16xf32>
      %mul3A_320 = arith.constant 11.3137083 : f32
      %mul3A_321 = vector.broadcast %mul3A_320 : f32 to vector<16xf32>
      %mul3A_322 = arith.mulf %get3A_319, %mul3A_321 : vector<16xf32>
      %swap3A = arith.index_cast %scan3A_316 : i32 to index
      %swap3A_323 = arith.constant 0 : index
      %swap3A_324 = tpu.vector_load %arg10[%swap3A, %swap3A_323] {strides = array<i32>} : memref<128x128xf32, #tpu.memory_space<vmem>>, vector<1x16xf32>,
      %swap3A_325 = vector.shape_cast %swap3A_324 : vector<1x16xf32> to vector<16xf32>
      %swap3A_326 = vector.shape_cast %mul3A_322 : vector<16xf32> to vector<1x16xf32>
      tpu.vector_store %arg10[%swap3A, %swap3A_323], %swap3A_326 {strides = array<i32>} : memref<128x128xf32, #tpu.memory_space<vmem>>, vector<1x16xf32>,
      %get3A_327 = arith.index_cast %scan3A_316 : i32 to index
      %get3A_328 = arith.constant 16 : index
      %get3A_329 = tpu.vector_load %arg10[%get3A_327, %get3A_328] {strides = array<i32>} : memref<128x128xf32, #tpu.memory_space<vmem>>, vector<1x16xf32>,
      %get3A_330 = vector.shape_cast %get3A_329 : vector<1x16xf32> to vector<16xf32>
      %mul3A_331 = arith.constant 11.3137083 : f32
      %mul3A_332 = vector.broadcast %mul3A_331 : f32 to vector<16xf32>
      %mul3A_333 = arith.mulf %get3A_330, %mul3A_332 : vector<16xf32>
      %swap3A_334 = arith.index_cast %scan3A_316 : i32 to index
      %swap3A_335 = arith.constant 16 : index
      %swap3A_336 = tpu.vector_load %arg10[%swap3A_334, %swap3A_335] {strides = array<i32>} : memref<128x128xf32, #tpu.memory_space<vmem>>, vector<1x16xf32>,
      %swap3A_337 = vector.shape_cast %swap3A_336 : vector<1x16xf32> to vector<16xf32>
      %swap3A_338 = vector.shape_cast %mul3A_333 : vector<16xf32> to vector<1x16xf32>
      tpu.vector_store %arg10[%swap3A_334, %swap3A_335], %swap3A_338 {strides = array<i32>} : memref<128x128xf32, #tpu.memory_space<vmem>>, vector<1x16xf32>,
      %get3A_339 = arith.index_cast %scan3A_316 : i32 to index
      %get3A_340 = arith.constant 32 : index
      %get3A_341 = tpu.vector_load %arg10[%get3A_339, %get3A_340] {strides = array<i32>} : memref<128x128xf32, #tpu.memory_space<vmem>>, vector<1x16xf32>,
      %get3A_342 = vector.shape_cast %get3A_341 : vector<1x16xf32> to vector<16xf32>
      %mul3A_343 = arith.constant 11.3137083 : f32
      %mul3A_344 = vector.broadcast %mul3A_343 : f32 to vector<16xf32>
      %mul3A_345 = arith.mulf %get3A_342, %mul3A_344 : vector<16xf32>
      %swap3A_346 = arith.index_cast %scan3A_316 : i32 to index
      %swap3A_347 = arith.constant 32 : index
      %swap3A_348 = tpu.vector_load %arg10[%swap3A_346, %swap3A_347] {strides = array<i32>} : memref<128x128xf32, #tpu.memory_space<vmem>>, vector<1x16xf32>,
      %swap3A_349 = vector.shape_cast %swap3A_348 : vector<1x16xf32> to vector<16xf32>
      %swap3A_350 = vector.shape_cast %mul3A_345 : vector<16xf32> to vector<1x16xf32>
      tpu.vector_store %arg10[%swap3A_346, %swap3A_347], %swap3A_350 {strides = array<i32>} : memref<128x128xf32, #tpu.memory_space<vmem>>, vector<1x16xf32>,
      %get3A_351 = arith.index_cast %scan3A_316 : i32 to index
      %get3A_352 = arith.constant 48 : index
      %get3A_353 = tpu.vector_load %arg10[%get3A_351, %get3A_352] {strides = array<i32>} : memref<128x128xf32, #tpu.memory_space<vmem>>, vector<1x16xf32>,
      %get3A_354 = vector.shape_cast %get3A_353 : vector<1x16xf32> to vector<16xf32>
      %mul3A_355 = arith.constant 11.3137083 : f32
      %mul3A_356 = vector.broadcast %mul3A_355 : f32 to vector<16xf32>
      %mul3A_357 = arith.mulf %get3A_354, %mul3A_356 : vector<16xf32>
      %swap3A_358 = arith.index_cast %scan3A_316 : i32 to index
      %swap3A_359 = arith.constant 48 : index
      %swap3A_360 = tpu.vector_load %arg10[%swap3A_358, %swap3A_359] {strides = array<i32>} : memref<128x128xf32, #tpu.memory_space<vmem>>, vector<1x16xf32>,
      %swap3A_361 = vector.shape_cast %swap3A_360 : vector<1x16xf32> to vector<16xf32>
      %swap3A_362 = vector.shape_cast %mul3A_357 : vector<16xf32> to vector<1x16xf32>
      tpu.vector_store %arg10[%swap3A_358, %swap3A_359], %swap3A_362 {strides = array<i32>} : memref<128x128xf32, #tpu.memory_space<vmem>>, vector<1x16xf32>,
      %get3A_363 = arith.index_cast %scan3A_316 : i32 to index
      %get3A_364 = arith.constant 64 : index
      %get3A_365 = tpu.vector_load %arg10[%get3A_363, %get3A_364] {strides = array<i32>} : memref<128x128xf32, #tpu.memory_space<vmem>>, vector<1x16xf32>,
      %get3A_366 = vector.shape_cast %get3A_365 : vector<1x16xf32> to vector<16xf32>
      %mul3A_367 = arith.constant 11.3137083 : f32
      %mul3A_368 = vector.broadcast %mul3A_367 : f32 to vector<16xf32>
      %mul3A_369 = arith.mulf %get3A_366, %mul3A_368 : vector<16xf32>
      %swap3A_370 = arith.index_cast %scan3A_316 : i32 to index
      %swap3A_371 = arith.constant 64 : index
      %swap3A_372 = tpu.vector_load %arg10[%swap3A_370, %swap3A_371] {strides = array<i32>} : memref<128x128xf32, #tpu.memory_space<vmem>>, vector<1x16xf32>,
      %swap3A_373 = vector.shape_cast %swap3A_372 : vector<1x16xf32> to vector<16xf32>
      %swap3A_374 = vector.shape_cast %mul3A_369 : vector<16xf32> to vector<1x16xf32>
      tpu.vector_store %arg10[%swap3A_370, %swap3A_371], %swap3A_374 {strides = array<i32>} : memref<128x128xf32, #tpu.memory_space<vmem>>, vector<1x16xf32>,
      %get3A_375 = arith.index_cast %scan3A_316 : i32 to index
      %get3A_376 = arith.constant 80 : index
      %get3A_377 = tpu.vector_load %arg10[%get3A_375, %get3A_376] {strides = array<i32>} : memref<128x128xf32, #tpu.memory_space<vmem>>, vector<1x16xf32>,
      %get3A_378 = vector.shape_cast %get3A_377 : vector<1x16xf32> to vector<16xf32>
      %mul3A_379 = arith.constant 11.3137083 : f32
      %mul3A_380 = vector.broadcast %mul3A_379 : f32 to vector<16xf32>
      %mul3A_381 = arith.mulf %get3A_378, %mul3A_380 : vector<16xf32>
      %swap3A_382 = arith.index_cast %scan3A_316 : i32 to index
      %swap3A_383 = arith.constant 80 : index
      %swap3A_384 = tpu.vector_load %arg10[%swap3A_382, %swap3A_383] {strides = array<i32>} : memref<128x128xf32, #tpu.memory_space<vmem>>, vector<1x16xf32>,
      %swap3A_385 = vector.shape_cast %swap3A_384 : vector<1x16xf32> to vector<16xf32>
      %swap3A_386 = vector.shape_cast %mul3A_381 : vector<16xf32> to vector<1x16xf32>
      tpu.vector_store %arg10[%swap3A_382, %swap3A_383], %swap3A_386 {strides = array<i32>} : memref<128x128xf32, #tpu.memory_space<vmem>>, vector<1x16xf32>,
      %get3A_387 = arith.index_cast %scan3A_316 : i32 to index
      %get3A_388 = arith.constant 96 : index
      %get3A_389 = tpu.vector_load %arg10[%get3A_387, %get3A_388] {strides = array<i32>} : memref<128x128xf32, #tpu.memory_space<vmem>>, vector<1x16xf32>,
      %get3A_390 = vector.shape_cast %get3A_389 : vector<1x16xf32> to vector<16xf32>
      %mul3A_391 = arith.constant 11.3137083 : f32
      %mul3A_392 = vector.broadcast %mul3A_391 : f32 to vector<16xf32>
      %mul3A_393 = arith.mulf %get3A_390, %mul3A_392 : vector<16xf32>
      %swap3A_394 = arith.index_cast %scan3A_316 : i32 to index
      %swap3A_395 = arith.constant 96 : index
      %swap3A_396 = tpu.vector_load %arg10[%swap3A_394, %swap3A_395] {strides = array<i32>} : memref<128x128xf32, #tpu.memory_space<vmem>>, vector<1x16xf32>,
      %swap3A_397 = vector.shape_cast %swap3A_396 : vector<1x16xf32> to vector<16xf32>
      %swap3A_398 = vector.shape_cast %mul3A_393 : vector<16xf32> to vector<1x16xf32>
      tpu.vector_store %arg10[%swap3A_394, %swap3A_395], %swap3A_398 {strides = array<i32>} : memref<128x128xf32, #tpu.memory_space<vmem>>, vector<1x16xf32>,
      %get3A_399 = arith.index_cast %scan3A_316 : i32 to index
      %get3A_400 = arith.constant 112 : index
      %get3A_401 = tpu.vector_load %arg10[%get3A_399, %get3A_400] {strides = array<i32>} : memref<128x128xf32, #tpu.memory_space<vmem>>, vector<1x16xf32>,
      %get3A_402 = vector.shape_cast %get3A_401 : vector<1x16xf32> to vector<16xf32>
      %mul3A_403 = arith.constant 11.3137083 : f32
      %mul3A_404 = vector.broadcast %mul3A_403 : f32 to vector<16xf32>
      %mul3A_405 = arith.mulf %get3A_402, %mul3A_404 : vector<16xf32>
      %swap3A_406 = arith.index_cast %scan3A_316 : i32 to index
      %swap3A_407 = arith.constant 112 : index
      %swap3A_408 = tpu.vector_load %arg10[%swap3A_406, %swap3A_407] {strides = array<i32>} : memref<128x128xf32, #tpu.memory_space<vmem>>, vector<1x16xf32>,
      %swap3A_409 = vector.shape_cast %swap3A_408 : vector<1x16xf32> to vector<16xf32>
      %swap3A_410 = vector.shape_cast %mul3A_405 : vector<16xf32> to vector<1x16xf32>
      tpu.vector_store %arg10[%swap3A_406, %swap3A_407], %swap3A_410 {strides = array<i32>} : memref<128x128xf32, #tpu.memory_space<vmem>>, vector<1x16xf32>,
      %scan3A_411 = arith.constant 1 : i32
      %scan3A_412 = arith.addi %scan3A_316, %scan3A_411 : i32
      %get3A_413 = arith.index_cast %scan3A_412 : i32 to index
      %get3A_414 = arith.constant 0 : index
      %get3A_415 = tpu.vector_load %arg10[%get3A_413, %get3A_414] {strides = array<i32>} : memref<128x128xf32, #tpu.memory_space<vmem>>, vector<1x16xf32>,
      %get3A_416 = vector.shape_cast %get3A_415 : vector<1x16xf32> to vector<16xf32>
      %mul3A_417 = arith.constant 11.3137083 : f32
      %mul3A_418 = vector.broadcast %mul3A_417 : f32 to vector<16xf32>
      %mul3A_419 = arith.mulf %get3A_416, %mul3A_418 : vector<16xf32>
      %swap3A_420 = arith.index_cast %scan3A_412 : i32 to index
      %swap3A_421 = arith.constant 0 : index
      %swap3A_422 = tpu.vector_load %arg10[%swap3A_420, %swap3A_421] {strides = array<i32>} : memref<128x128xf32, #tpu.memory_space<vmem>>, vector<1x16xf32>,
      %swap3A_423 = vector.shape_cast %swap3A_422 : vector<1x16xf32> to vector<16xf32>
      %swap3A_424 = vector.shape_cast %mul3A_419 : vector<16xf32> to vector<1x16xf32>
      tpu.vector_store %arg10[%swap3A_420, %swap3A_421], %swap3A_424 {strides = array<i32>} : memref<128x128xf32, #tpu.memory_space<vmem>>, vector<1x16xf32>,
      %get3A_425 = arith.index_cast %scan3A_412 : i32 to index
      %get3A_426 = arith.constant 16 : index
      %get3A_427 = tpu.vector_load %arg10[%get3A_425, %get3A_426] {strides = array<i32>} : memref<128x128xf32, #tpu.memory_space<vmem>>, vector<1x16xf32>,
      %get3A_428 = vector.shape_cast %get3A_427 : vector<1x16xf32> to vector<16xf32>
      %mul3A_429 = arith.constant 11.3137083 : f32
      %mul3A_430 = vector.broadcast %mul3A_429 : f32 to vector<16xf32>
      %mul3A_431 = arith.mulf %get3A_428, %mul3A_430 : vector<16xf32>
      %swap3A_432 = arith.index_cast %scan3A_412 : i32 to index
      %swap3A_433 = arith.constant 16 : index
      %swap3A_434 = tpu.vector_load %arg10[%swap3A_432, %swap3A_433] {strides = array<i32>} : memref<128x128xf32, #tpu.memory_space<vmem>>, vector<1x16xf32>,
      %swap3A_435 = vector.shape_cast %swap3A_434 : vector<1x16xf32> to vector<16xf32>
      %swap3A_436 = vector.shape_cast %mul3A_431 : vector<16xf32> to vector<1x16xf32>
      tpu.vector_store %arg10[%swap3A_432, %swap3A_433], %swap3A_436 {strides = array<i32>} : memref<128x128xf32, #tpu.memory_space<vmem>>, vector<1x16xf32>,
      %get3A_437 = arith.index_cast %scan3A_412 : i32 to index
      %get3A_438 = arith.constant 32 : index
      %get3A_439 = tpu.vector_load %arg10[%get3A_437, %get3A_438] {strides = array<i32>} : memref<128x128xf32, #tpu.memory_space<vmem>>, vector<1x16xf32>,
      %get3A_440 = vector.shape_cast %get3A_439 : vector<1x16xf32> to vector<16xf32>
      %mul3A_441 = arith.constant 11.3137083 : f32
      %mul3A_442 = vector.broadcast %mul3A_441 : f32 to vector<16xf32>
      %mul3A_443 = arith.mulf %get3A_440, %mul3A_442 : vector<16xf32>
      %swap3A_444 = arith.index_cast %scan3A_412 : i32 to index
      %swap3A_445 = arith.constant 32 : index
      %swap3A_446 = tpu.vector_load %arg10[%swap3A_444, %swap3A_445] {strides = array<i32>} : memref<128x128xf32, #tpu.memory_space<vmem>>, vector<1x16xf32>,
      %swap3A_447 = vector.shape_cast %swap3A_446 : vector<1x16xf32> to vector<16xf32>
      %swap3A_448 = vector.shape_cast %mul3A_443 : vector<16xf32> to vector<1x16xf32>
      tpu.vector_store %arg10[%swap3A_444, %swap3A_445], %swap3A_448 {strides = array<i32>} : memref<128x128xf32, #tpu.memory_space<vmem>>, vector<1x16xf32>,
      %get3A_449 = arith.index_cast %scan3A_412 : i32 to index
      %get3A_450 = arith.constant 48 : index
      %get3A_451 = tpu.vector_load %arg10[%get3A_449, %get3A_450] {strides = array<i32>} : memref<128x128xf32, #tpu.memory_space<vmem>>, vector<1x16xf32>,
      %get3A_452 = vector.shape_cast %get3A_451 : vector<1x16xf32> to vector<16xf32>
      %mul3A_453 = arith.constant 11.3137083 : f32
      %mul3A_454 = vector.broadcast %mul3A_453 : f32 to vector<16xf32>
      %mul3A_455 = arith.mulf %get3A_452, %mul3A_454 : vector<16xf32>
      %swap3A_456 = arith.index_cast %scan3A_412 : i32 to index
      %swap3A_457 = arith.constant 48 : index
      %swap3A_458 = tpu.vector_load %arg10[%swap3A_456, %swap3A_457] {strides = array<i32>} : memref<128x128xf32, #tpu.memory_space<vmem>>, vector<1x16xf32>,
      %swap3A_459 = vector.shape_cast %swap3A_458 : vector<1x16xf32> to vector<16xf32>
      %swap3A_460 = vector.shape_cast %mul3A_455 : vector<16xf32> to vector<1x16xf32>
      tpu.vector_store %arg10[%swap3A_456, %swap3A_457], %swap3A_460 {strides = array<i32>} : memref<128x128xf32, #tpu.memory_space<vmem>>, vector<1x16xf32>,
      %get3A_461 = arith.index_cast %scan3A_412 : i32 to index
      %get3A_462 = arith.constant 64 : index
      %get3A_463 = tpu.vector_load %arg10[%get3A_461, %get3A_462] {strides = array<i32>} : memref<128x128xf32, #tpu.memory_space<vmem>>, vector<1x16xf32>,
      %get3A_464 = vector.shape_cast %get3A_463 : vector<1x16xf32> to vector<16xf32>
      %mul3A_465 = arith.constant 11.3137083 : f32
      %mul3A_466 = vector.broadcast %mul3A_465 : f32 to vector<16xf32>
      %mul3A_467 = arith.mulf %get3A_464, %mul3A_466 : vector<16xf32>
      %swap3A_468 = arith.index_cast %scan3A_412 : i32 to index
      %swap3A_469 = arith.constant 64 : index
      %swap3A_470 = tpu.vector_load %arg10[%swap3A_468, %swap3A_469] {strides = array<i32>} : memref<128x128xf32, #tpu.memory_space<vmem>>, vector<1x16xf32>,
      %swap3A_471 = vector.shape_cast %swap3A_470 : vector<1x16xf32> to vector<16xf32>
      %swap3A_472 = vector.shape_cast %mul3A_467 : vector<16xf32> to vector<1x16xf32>
      tpu.vector_store %arg10[%swap3A_468, %swap3A_469], %swap3A_472 {strides = array<i32>} : memref<128x128xf32, #tpu.memory_space<vmem>>, vector<1x16xf32>,
      %get3A_473 = arith.index_cast %scan3A_412 : i32 to index
      %get3A_474 = arith.constant 80 : index
      %get3A_475 = tpu.vector_load %arg10[%get3A_473, %get3A_474] {strides = array<i32>} : memref<128x128xf32, #tpu.memory_space<vmem>>, vector<1x16xf32>,
      %get3A_476 = vector.shape_cast %get3A_475 : vector<1x16xf32> to vector<16xf32>
      %mul3A_477 = arith.constant 11.3137083 : f32
      %mul3A_478 = vector.broadcast %mul3A_477 : f32 to vector<16xf32>
      %mul3A_479 = arith.mulf %get3A_476, %mul3A_478 : vector<16xf32>
      %swap3A_480 = arith.index_cast %scan3A_412 : i32 to index
      %swap3A_481 = arith.constant 80 : index
      %swap3A_482 = tpu.vector_load %arg10[%swap3A_480, %swap3A_481] {strides = array<i32>} : memref<128x128xf32, #tpu.memory_space<vmem>>, vector<1x16xf32>,
      %swap3A_483 = vector.shape_cast %swap3A_482 : vector<1x16xf32> to vector<16xf32>
      %swap3A_484 = vector.shape_cast %mul3A_479 : vector<16xf32> to vector<1x16xf32>
      tpu.vector_store %arg10[%swap3A_480, %swap3A_481], %swap3A_484 {strides = array<i32>} : memref<128x128xf32, #tpu.memory_space<vmem>>, vector<1x16xf32>,
      %get3A_485 = arith.index_cast %scan3A_412 : i32 to index
      %get3A_486 = arith.constant 96 : index
      %get3A_487 = tpu.vector_load %arg10[%get3A_485, %get3A_486] {strides = array<i32>} : memref<128x128xf32, #tpu.memory_space<vmem>>, vector<1x16xf32>,
      %get3A_488 = vector.shape_cast %get3A_487 : vector<1x16xf32> to vector<16xf32>
      %mul3A_489 = arith.constant 11.3137083 : f32
      %mul3A_490 = vector.broadcast %mul3A_489 : f32 to vector<16xf32>
      %mul3A_491 = arith.mulf %get3A_488, %mul3A_490 : vector<16xf32>
      %swap3A_492 = arith.index_cast %scan3A_412 : i32 to index
      %swap3A_493 = arith.constant 96 : index
      %swap3A_494 = tpu.vector_load %arg10[%swap3A_492, %swap3A_493] {strides = array<i32>} : memref<128x128xf32, #tpu.memory_space<vmem>>, vector<1x16xf32>,
      %swap3A_495 = vector.shape_cast %swap3A_494 : vector<1x16xf32> to vector<16xf32>
      %swap3A_496 = vector.shape_cast %mul3A_491 : vector<16xf32> to vector<1x16xf32>
      tpu.vector_store %arg10[%swap3A_492, %swap3A_493], %swap3A_496 {strides = array<i32>} : memref<128x128xf32, #tpu.memory_space<vmem>>, vector<1x16xf32>,
      %get3A_497 = arith.index_cast %scan3A_412 : i32 to index
      %get3A_498 = arith.constant 112 : index
      %get3A_499 = tpu.vector_load %arg10[%get3A_497, %get3A_498] {strides = array<i32>} : memref<128x128xf32, #tpu.memory_space<vmem>>, vector<1x16xf32>,
      %get3A_500 = vector.shape_cast %get3A_499 : vector<1x16xf32> to vector<16xf32>
      %mul3A_501 = arith.constant 11.3137083 : f32
      %mul3A_502 = vector.broadcast %mul3A_501 : f32 to vector<16xf32>
      %mul3A_503 = arith.mulf %get3A_500, %mul3A_502 : vector<16xf32>
      %swap3A_504 = arith.index_cast %scan3A_412 : i32 to index
      %swap3A_505 = arith.constant 112 : index
      %swap3A_506 = tpu.vector_load %arg10[%swap3A_504, %swap3A_505] {strides = array<i32>} : memref<128x128xf32, #tpu.memory_space<vmem>>, vector<1x16xf32>,
      %swap3A_507 = vector.shape_cast %swap3A_506 : vector<1x16xf32> to vector<16xf32>
      %swap3A_508 = vector.shape_cast %mul3A_503 : vector<16xf32> to vector<1x16xf32>
      tpu.vector_store %arg10[%swap3A_504, %swap3A_505], %swap3A_508 {strides = array<i32>} : memref<128x128xf32, #tpu.memory_space<vmem>>, vector<1x16xf32>,
    }
    %scan3A_279 = arith.constant 128 : i32
    %add3A_280 = arith.constant 25472 : i32
    %add3A_281 = arith.addi %mul3A_2, %add3A_280 : i32
    %dma_start3A_282 = arith.constant 0 : i32
    %dma_start3A_283 = tpu.memref_slice %arg4[%add3A_281, %dma_start3A_282] : memref<819200x128xf32, #tpu.memory_space<hbm>> -> memref<128x128xf32, #tpu.memory_space<hbm>>
    %dma_start3A_284 = arith.constant 0 : i32
    %dma_start3A_285 = tpu.memref_slice %arg4[%add3A_281, %dma_start3A_284] : memref<819200x128xf32, #tpu.memory_space<hbm>> -> memref<128x128xf32, #tpu.memory_space<hbm>>
    tpu.enqueue_dma source(%arg10 : memref<128x128xf32, #tpu.memory_space<vmem>>) target(%dma_start3A_285 : memref<128x128xf32, #tpu.memory_space<hbm>>) target_semaphore(%arg20 : memref<!tpu.dma_semaphore, #tpu.memory_space<semaphore_mem>>)
    %dma_wait3A_286 = arith.constant 0 : i32
    %dma_wait3A_287 = arith.constant 0 : i32
    %dma_wait3A_288 = tpu.memref_slice %arg4[%dma_wait3A_286, %dma_wait3A_287] : memref<819200x128xf32, #tpu.memory_space<hbm>> -> memref<128x128xf32, #tpu.memory_space<hbm>>
    %dma_wait3A_289 = arith.constant 0 : i32
    %dma_wait3A_290 = arith.constant 0 : i32
    %dma_wait3A_291 = tpu.memref_slice %arg4[%dma_wait3A_289, %dma_wait3A_290] : memref<819200x128xf32, #tpu.memory_space<hbm>> -> memref<128x128xf32, #tpu.memory_space<hbm>>
    tpu.wait_dma2 semaphore(%arg16 : memref<!tpu.dma_semaphore, #tpu.memory_space<semaphore_mem>>) src(%arg6 : memref<128x128xf32, #tpu.memory_space<vmem>>) dst(%dma_wait3A_291 : memref<128x128xf32, #tpu.memory_space<hbm>>)
    %dma_wait3A_292 = arith.constant 0 : i32
    %dma_wait3A_293 = arith.constant 0 : i32
    %dma_wait3A_294 = tpu.memref_slice %arg4[%dma_wait3A_292, %dma_wait3A_293] : memref<819200x128xf32, #tpu.memory_space<hbm>> -> memref<128x128xf32, #tpu.memory_space<hbm>>
    %dma_wait3A_295 = arith.constant 0 : i32
    %dma_wait3A_296 = arith.constant 0 : i32
    %dma_wait3A_297 = tpu.memref_slice %arg4[%dma_wait3A_295, %dma_wait3A_296] : memref<819200x128xf32, #tpu.memory_space<hbm>> -> memref<128x128xf32, #tpu.memory_space<hbm>>
    tpu.wait_dma2 semaphore(%arg17 : memref<!tpu.dma_semaphore, #tpu.memory_space<semaphore_mem>>) src(%arg7 : memref<128x128xf32, #tpu.memory_space<vmem>>) dst(%dma_wait3A_297 : memref<128x128xf32, #tpu.memory_space<hbm>>)
    %dma_wait3A_298 = arith.constant 0 : i32
    %dma_wait3A_299 = arith.constant 0 : i32
    %dma_wait3A_300 = tpu.memref_slice %arg4[%dma_wait3A_298, %dma_wait3A_299] : memref<819200x128xf32, #tpu.memory_space<hbm>> -> memref<128x128xf32, #tpu.memory_space<hbm>>
    %dma_wait3A_301 = arith.constant 0 : i32
    %dma_wait3A_302 = arith.constant 0 : i32
    %dma_wait3A_303 = tpu.memref_slice %arg4[%dma_wait3A_301, %dma_wait3A_302] : memref<819200x128xf32, #tpu.memory_space<hbm>> -> memref<128x128xf32, #tpu.memory_space<hbm>>
    tpu.wait_dma2 semaphore(%arg18 : memref<!tpu.dma_semaphore, #tpu.memory_space<semaphore_mem>>) src(%arg8 : memref<128x128xf32, #tpu.memory_space<vmem>>) dst(%dma_wait3A_303 : memref<128x128xf32, #tpu.memory_space<hbm>>)
    %dma_wait3A_304 = arith.constant 0 : i32
    %dma_wait3A_305 = arith.constant 0 : i32
    %dma_wait3A_306 = tpu.memref_slice %arg4[%dma_wait3A_304, %dma_wait3A_305] : memref<819200x128xf32, #tpu.memory_space<hbm>> -> memref<128x128xf32, #tpu.memory_space<hbm>>
    %dma_wait3A_307 = arith.constant 0 : i32
    %dma_wait3A_308 = arith.constant 0 : i32
    %dma_wait3A_309 = tpu.memref_slice %arg4[%dma_wait3A_307, %dma_wait3A_308] : memref<819200x128xf32, #tpu.memory_space<hbm>> -> memref<128x128xf32, #tpu.memory_space<hbm>>
    tpu.wait_dma2 semaphore(%arg19 : memref<!tpu.dma_semaphore, #tpu.memory_space<semaphore_mem>>) src(%arg9 : memref<128x128xf32, #tpu.memory_space<vmem>>) dst(%dma_wait3A_309 : memref<128x128xf32, #tpu.memory_space<hbm>>)
    %dma_wait3A_310 = arith.constant 0 : i32
    %dma_wait3A_311 = arith.constant 0 : i32
    %dma_wait3A_312 = tpu.memref_slice %arg4[%dma_wait3A_310, %dma_wait3A_311] : memref<819200x128xf32, #tpu.memory_space<hbm>> -> memref<128x128xf32, #tpu.memory_space<hbm>>
    %dma_wait3A_313 = arith.constant 0 : i32
    %dma_wait3A_314 = arith.constant 0 : i32
    %dma_wait3A_315 = tpu.memref_slice %arg4[%dma_wait3A_313, %dma_wait3A_314] : memref<819200x128xf32, #tpu.memory_space<hbm>> -> memref<128x128xf32, #tpu.memory_space<hbm>>
    tpu.wait_dma2 semaphore(%arg20 : memref<!tpu.dma_semaphore, #tpu.memory_space<semaphore_mem>>) src(%arg10 : memref<128x128xf32, #tpu.memory_space<vmem>>) dst(%dma_wait3A_315 : memref<128x128xf32, #tpu.memory_space<hbm>>)
    return
  }
}

</mosaic_0001>

<sc_bundles>
// kernel: kernel.3.cloned.1.call-start
scs
__scs_entry_jumppad:
0x0: {  	(pc) =	sbr.rel $0x88, $3  }
0x1: {  	(tag) =	ssettag $0x0;
	lr =	simm.s32 $0x1  }
0x2: {  	[smem:$0x3F9F] =	sst lr;
	_ =	strace $0xD0000000  }
0x3: {  	_ = 	snop  }
0x4: {  	_ = 	snop  }
0x5: {  	_ = 	snop  }
0x6: {  	_ = 	snop  }
0x7: {  	_ = 	snop  }
__scs_overlays_trampoline_lowered:
0x8: {  	[smem:$0x3FAE] =	sst s0  }
0x9: {  	[smem:$0x3FAF] =	sst s1  }
0xa: {  	[smem:$0x3FB0] =	sst s2  }
0xb: {  	[smem:$0x3FB1] =	sst s3  }
0xc: {  	[smem:$0x3FB2] =	sst s4  }
0xd: {  	[smem:$0x3FB3] =	sst s5  }
0xe: {  	[smem:$0x3FB4] =	sst s6  }
0xf: {  	[smem:$0x3FB5] =	sst s7  }
0x10: {  	[smem:$0x3FB6] =	sst s8  }
0x11: {  	[smem:$0x3FB7] =	sst s9;
	s0 =	simm.s32 @!p0 $0x0  }
0x12: {  	s1 =	sld [smem:$0x3F9D];
	s0 =	simm.s32 @p0 $0x1  }
0x13: {  	[smem:$0x3FB8] =	sst s0;
	s0 =	simm.s32 @!p1 $0x0  }
0x14: {  	s2 =	sld [smem:$0x3F9C];
	s0 =	simm.s32 @p1 $0x1  }
0x15: {  	[smem:$0x3FB9] =	sst s0;
	s0 =	simm.s32 @!p2 $0x0  }
0x16: {  	s3 =	sld [smem:$0x3FDB];
	s0 =	simm.s32 @p2 $0x1  }
0x17: {  	s4 =	simm.s32 $0x1BF5;
	[smem:$0x3FBB] =	sst s0  }
0x18: {  	s0 =	sld [smem:$0x3F9E];
	_ =	swait.ge [sflag:s4], $0x0  }
0x19: {  	s7 =	sld [smem:$0x3F9F]  }
0x1a: {  	s8 =	sadd.s32 $0xFFFFE003, lr  }
0x1b: {  	s9 =	sadd.s32 $0xFFFFFEF7, lr;
	s5 =	simm.s32 $0xFFFFFFFF;
	p2 =	slt.u32 s8, $0xFFFFF086  }
0x1c: {  	p1 =	slt.u32 s9, $0xF7A;
	s5 =	simm.s32 @!p2 $0x0  }
0x1d: {  	s5 =	simm.s32 @p1 $0x1;
	p0 =	seq.s32 s7, s2  }
0x1e: {  	s7 =	smul.u32 @!p0 $0xF7A, s2;
	p2 =	seq.s32 @!p0 s5, $0x0  }
0x1f: {  	s9 =	smul.u32 $0xF7A, s1;
	s8 =	simm.s32 @!p0 $0x1BF5;
	p2 =	por !p2, p0  }
0x20: {  	[sflag:s8] =	ssyncset.s32 @!p0 $0xFFFFF086;
	s6 =	sadd.s32 @!p0 s3, s7;
	s7 =	simm.s32 @!p0 $0x108  }
0x21: {  	s3 =	sadd.s32 s3, s9;
	s6 =	sadd.s32 @!p0 $0x88, s6;
	s7 =	simm.s32 @p2 $0x1082  }
0x22: {  	[simem:s7], [sflag:s8] =	dma.local @!p0 [hbm:s6], $0xF7A  }
0x23: {  	s9 =	sor.u32 $0xD0000000, s2;
	s6 =	simm.s32 $0x108;
	_ =	swait.ge @!p0 [sflag:s8], $0x0  }
0x24: {  	s3 =	sadd.s32 $0x88, s3;
	s6 =	simm.s32 @!p1 $0x1082;
	[sflag:s4] =	ssyncset.s32 $0xFFFFF086  }
0x25: {  	[simem:s6], [sflag:s4] =	dma.local [hbm:s3], $0xF7A  }
0x26: {  	[smem:$0x3F9F] =	sst s1;
	(tag) =	ssettag s2;
	_ =	strace s9  }
0x27: {  	s1 =	sld [smem:$0x3FAF]  }
0x28: {  	s2 =	sld [smem:$0x3FB0]  }
0x29: {  	s4 =	sld [smem:$0x3FB2]  }
0x2a: {  	p0 =	seq.s32 s5, $0x0;
	s5 =	sld [smem:$0x3FB3]  }
0x2b: {  	s6 =	sld [smem:$0x3FB4]  }
0x2c: {  	s7 =	sld [smem:$0x3FB5]  }
0x2d: {  	s3 =	simm.s32 $0x108;
	s8 =	sld [smem:$0x3FB6]  }
0x2e: {  	s3 =	simm.s32 @!p0 $0x1082;
	s9 =	sld [smem:$0x3FB7]  }
0x2f: {  	lr =	sadd.s32 s0, s3;
	s0 =	sld [smem:$0x3FAE]  }
0x30: {  	s3 =	sld [smem:$0x3FB1]  }
0x31: {  	[smem:$0x3FBA] =	sst s10  }
0x32: {  	s10 =	sld [smem:$0x3FB8];
	_ =	sdelay $0x3  }
0x33: {  	p0 =	seq.s32 s10, $0x1;
	s10 =	sld [smem:$0x3FBA];
	_ =	sdelay $0x3  }
0x34: {  	[smem:$0x3FBA] =	sst s10  }
0x35: {  	s10 =	sld [smem:$0x3FB9];
	_ =	sdelay $0x3  }
0x36: {  	p1 =	seq.s32 s10, $0x1;
	s10 =	sld [smem:$0x3FBA];
	_ =	sdelay $0x3  }
0x37: {  	[smem:$0x3FBA] =	sst s10  }
0x38: {  	s10 =	sld [smem:$0x3FBB]  }
0x39: {  	_ = 	snop;
	(pc) =	sbr.ind lr, $3  }
0x3a: {  	_ = 	snop  }
0x3b: {  	_ = 	snop  }
0x3c: {  	p2 =	seq.s32 s10, $0x1;
	s10 =	sld [smem:$0x3FBA]  }
0x3d: {  	_ =	shalt  }
0x3e: {  	_ =	shalt  }
0x3f: {  	_ =	shalt  }
0x40: {  	_ =	shalt  }
0x41: {  	_ =	shalt  }
0x42: {  	_ =	shalt  }
0x43: {  	_ =	shalt  }
0x44: {  	_ =	shalt  }
0x45: {  	_ =	shalt  }
0x46: {  	_ =	shalt  }
0x47: {  	_ =	shalt  }
0x48: {  	_ =	shalt  }
0x49: {  	_ =	shalt  }
0x4a: {  	_ =	shalt  }
0x4b: {  	_ =	shalt  }
0x4c: {  	_ =	shalt  }
0x4d: {  	_ =	shalt  }
0x4e: {  	_ =	shalt  }
0x4f: {  	_ =	shalt  }
0x50: {  	_ =	shalt  }
0x51: {  	_ =	shalt  }
0x52: {  	_ =	shalt  }
0x53: {  	_ =	shalt  }
0x54: {  	_ =	shalt  }
0x55: {  	_ =	shalt  }
0x56: {  	_ =	shalt  }
0x57: {  	_ =	shalt  }
0x58: {  	_ =	shalt  }
0x59: {  	_ =	shalt  }
0x5a: {  	_ =	shalt  }
0x5b: {  	_ =	shalt  }
0x5c: {  	_ =	shalt  }
0x5d: {  	_ =	shalt  }
0x5e: {  	_ =	shalt  }
0x5f: {  	_ =	shalt  }
0x60: {  	_ =	shalt  }
0x61: {  	_ =	shalt  }
0x62: {  	_ =	shalt  }
0x63: {  	_ =	shalt  }
0x64: {  	_ =	shalt  }
0x65: {  	_ =	shalt  }
0x66: {  	_ =	shalt  }
0x67: {  	_ =	shalt  }
0x68: {  	_ =	shalt  }
0x69: {  	_ =	shalt  }
0x6a: {  	_ =	shalt  }
0x6b: {  	_ =	shalt  }
0x6c: {  	_ =	shalt  }
0x6d: {  	_ =	shalt  }
0x6e: {  	_ =	shalt  }
0x6f: {  	_ =	shalt  }
0x70: {  	_ =	shalt  }
0x71: {  	_ =	shalt  }
0x72: {  	_ =	shalt  }
0x73: {  	_ =	shalt  }
0x74: {  	_ =	shalt  }
0x75: {  	_ =	shalt  }
0x76: {  	_ =	shalt  }
0x77: {  	_ =	shalt  }
0x78: {  	_ =	shalt  }
0x79: {  	_ =	shalt  }
0x7a: {  	_ =	shalt  }
0x7b: {  	_ =	shalt  }
0x7c: {  	_ =	shalt  }
0x7d: {  	_ =	shalt  }
0x7e: {  	_ =	shalt  }
0x7f: {  	_ =	shalt  }
0x80: {  	_ =	shalt  }
0x81: {  	_ =	shalt  }
0x82: {  	_ =	shalt  }
0x83: {  	_ =	shalt  }
0x84: {  	_ =	shalt  }
0x85: {  	_ =	shalt  }
0x86: {  	_ =	shalt  }
0x87: {  	_ =	shalt  }
.Lfunc_end0:
.L_simem_size_0:
called_computation_lowered:
.L_overlay_start_0:
0x88: {  	s2 =	sld [smem:$0x3FD9]  }
0x89: {  	s3 =	sld [smem:$0x3FFE];
	_ =	sdelay $0x1  }
0x8a: {  	s1 =	srdreg.scid  }
0x8b: {  	s0 =	sand.u32 $0x1, s1  }
0x8c: {  	s17 =	sshll.u32 s0, $0xA;
	s2 =	sadd.s32 s3, s2  }
0x8d: {  	s2 =	sadd.s32 s2, s17  }
0x8e: {  	[smem:$0x3FC6] =	sst s2  }
0x8f: {  	_ = 	snop  }
0x90: {  	s2 =	sld [smem:$0x3FC8]  }
0x91: {  	s18 =	sld [smem:$0x3FD0];
	(tm) =	ssettm $0x1  }
0x92: {  	s4 =	sld [smem:$0x3FFB];
	_ =	sdelay $0x3  }
0x93: {  	_ =	strace s4  }
0x94: {  	s4 =	sld [smem:$0x3FFC];
	_ =	sdelay $0x3  }
0x95: {  	_ =	strace s4  }
0x96: {  	s4 =	sld [smem:$0x3FFD];
	_ =	sdelay $0x3  }
0x97: {  	_ =	strace s4  }
0x98: {  	_ =	strace $0x8FFFFFFF  }
0x99: {  	s19 =	sld [smem:$0x3FDB];
	_ =	sdelay $0x1  }
0x9a: {  	s5 =	simm.s32 $_scs_section_size  }
0x9b: {  	s6 =	simm.s32 $_size__tile_overlayer_lowered;
	s7 =	simm.s32 $_tile_overlayer_lowered  }
0x9c: {  	s22 =	simm.s32 $0x1BFF;
	s21 =	sshll.u32 s7, $0x1;
	s4 =	sadd.s32 s5, s19  }
0x9d: {  	s8 =	simm.s32 $0x0;
	s20 =	sshll.u32 s6, $0x1;
	s6 =	sadd.s32 s21, s4  }
0x9e: {  	[timem:s8], [sflag:s22] =	dma.local [hbm:s6], s20  }
0x9f: {  	_ =	swait.ge [sflag:s22], s20  }
0xa0: {  	s5 =	ssub.s32 $0x0, s20;
	[sflag:s22] =	ssyncset.done $0x0  }
0xa1: {  	[sflag:s22] =	ssyncadd.s32 s5;
	_ =	sdelay $0x1  }
0xa2: {  	s23 =	simm.s32 $0x1B8B  }
0xa3: {  	_ =	swait.ge [sflag:s23], $0x1  }
0xa4: {  	[sflag:s23] =	ssyncset.done $0x0  }
0xa5: {  	s25 =	simm.s32 $0x1B8E;
	s24 =	sld [smem:$0x3FFE];
	[sflag:s23] =	ssyncadd.s32 $0xFFFFFFFF  }
0xa6: {  	s26 =	simm.s32 $execute0_lowered;
	[smem:$0x3FD2] =	sst s25  }
0xa7: {  	s6 =	sshll.u32 s26, $0x1;
	_ =	strace $0x80000046;
	[dreg:$0x1] =	wrdreg $0xFFFFFFFF  }
0xa8: {  	s28 =	simm.s32 $_size_execute0_lowered;
	s4 =	sadd.s32 s4, s6;
	[dreg:$0x0] =	wrdreg $0x0  }
0xa9: {  	s6 =	sshll.u32 s28, $0x1;
	[dreg:$0x2] =	wrdreg s4  }
0xaa: {  	[dreg:$0x3] =	wrdreg s6  }
0xab: {  	[dreg:$0x4] =	wrdreg $0xC0  }
0xac: {  	_ =	task [dreg:s8], $0x5FFFF  }
0xad: {  	[dreg:$0x1] =	wrdreg $0xFFFFFFFF  }
0xae: {  	[dreg:$0x0] =	wrdreg $0x60  }
0xaf: {  	[dreg:$0x2] =	wrdreg s24  }
0xb0: {  	[dreg:$0x3] =	wrdreg s2  }
0xb1: {  	[dreg:$0x4] =	wrdreg s18  }
0xb2: {  	[dreg:$0x5] =	wrdreg $0x9  }
0xb3: {  	_ =	task.clear_ibuf [dreg:s8], $0x6FFFF;
	_ =	strace $0x90000046  }
0xb4: {  	s29 =	simm.s32 $0x9;
	_ =	strace $0x80000048  }
0xb5: {  	_ =	swait.ge [sflag:s29], $0x1  }
0xb6: {  	[sflag:s29] =	ssyncadd.s32 $0xFFFFFFFF  }
0xb7: {  	_ =	strace $0x90000048  }
0xb8: {  	_ =	sfence  }
0xb9: {  	s30 =	sld [smem:$0x0];
	_ =	sdelay $0x2  }
0xba: {  	s31 =	sshll.u32 s1, $0xD;
	s1 =	sshrl.u32 s1, $0x2  }
0xbb: {  	s3 =	sand.u32 $0x4000, s31;
	s1 =	sadd.s32 s1, s30  }
0xbc: {  	s0 =	sor.u32 s3, s0;
	s1 =	sshll.u32 s1, $0x11  }
0xbd: {  	s0 =	sor.u32 s1, s0  }
0xbe: {  	s0 =	sadd.s32 $0x8F2B, s0  }
0xbf: {  	[sflag:s0] =	ssyncadd.remote.s32 $0x1  }
0xc0: {  	_ =	sfence.sel $0xFFFF  }
0xc1: {  	[dreg:$0x0] =	wrdreg $0xFFFFFFFF;
	(pc) =	sbr.abs _section_cstart, $3  }
0xc2: {  	[dreg:$0x1] =	wrdreg $0xFFFFFFFF  }
0xc3: {  	_ =	task.clear_ibuf [dreg:s8], $0x2FFFF;
	_ =	strace $0x9FFFFFFF  }
0xc4: {  	(tm) =	ssettm $0x7FFFFFFF  }
0xc5: {  	_ =	shalt  }
tec
execute0_lowered:
.L_overlay_start_1:
0x0: {  	(tag) =	ssettag $0x1  }
0x1: {  	s0 =	srdreg.scid  }
0x2: {  	s2 =	stileid.u32;
	s1 =	rddreg [dreg:$0x0];
	s5 =	simm.s32 $0x0  }
0x3: {  	s28 =	simm.s32 $0x12400;
	s29 =	simm.s32 $0x1;
	s31 =	simm.s32 $0x16400  }
0x4: {  	s30 =	simm.s32 $0x7;
	s9 =	simm.s32 $0x9;
	s10 =	simm.s32 $0xA  }
0x5: {  	s0 =	sand.u32 $0x1, s0;
	s3 =	sshll.u32 s2, $0x1;
	s2 =	rddreg [dreg:$0x1]  }
0x6: {  	s11 =	simm.s32 $0x0;
	[smem:$0x7FF] =	sst s5;
	s6 =	sor.u32 s0, s3  }
0x7: {  	s3 =	rddreg [dreg:$0x2];
	s0 =	ssub.s32 $0x2, s0;
	s8 =	smul.u32 $0x64000, s6  }
0x8: {  	_ =	strace $0x80000047;
	s4 =	smul.u32 $0x6400, s6;
	s17 =	sshrl.u32 s0, $0x1  }
0x9: {  	s6 =	smul.u32 $0x320000, s6;
	s0 =	ssub.s32 s0, s17;
	s8 =	sadd.s32 s3, s8  }
0xa: {  	s7 =	sshrl.u32 s4, $0x3;
	s0 =	smax.u32 s0, $0x1;
	[dreg:$0x4] =	wrdreg s8  }
0xb: {  	s21 =	sshrl.u32 s6, $0x3;
	s18 =	sadd.s32 $0x800, s8;
	[dreg:$0xf] =	wrdreg s0  }
0xc: {  	s12 =	sor.u32 $0x80, s4;
	s19 =	sadd.s32 $0x1000, s8;
	[dreg:$0x6] =	wrdreg s18  }
0xd: {  	s1 =	sadd.s32 s7, s1;
	s20 =	sadd.s32 $0x1800, s8;
	[dreg:$0x7] =	wrdreg s19  }
0xe: {  	s13 =	sor.u32 $0x100, s4;
	s1 =	sadd.s32 $0x400, s1;
	[dreg:$0x8] =	wrdreg s20  }
0xf: {  	s22 =	sadd.s32 $0x2000, s8;
	[dreg:$0x5] =	wrdreg s1;
	s1 =	sadd.s32 s3, s21  }
0x10: {  	s0 =	simm.s32 $0x6;
	[dreg:$0x9] =	wrdreg s22;
	s23 =	sadd.s32 $0x61800, s1  }
0x11: {  	s7 =	simm.s32 $0x8;
	s24 =	sadd.s32 $0x62000, s1;
	[dreg:$0xa] =	wrdreg s23  }
0x12: {  	s8 =	simm.s32 $0x5;
	s25 =	sadd.s32 $0x62800, s1;
	[dreg:$0xb] =	wrdreg s24  }
0x13: {  	s22 =	simm.s32 $0x6400;
	s26 =	sadd.s32 $0x63000, s1;
	[dreg:$0xc] =	wrdreg s25  }
0x14: {  	s21 =	simm.s32 $0x80;
	s1 =	sadd.s32 $0x63800, s1;
	[dreg:$0xd] =	wrdreg s26  }
0x15: {  	[dreg:$0xe] =	wrdreg s1;
	s23 =	simm.s32 $0xA400;
	s25 =	simm.s32 $0xE400  }
0x16: {  	s1 =	simm.s32 $0x2;
	s26 =	simm.s32 $0x3;
	s24 =	simm.s32 $0x4  }
.LBB2_1:
0x17: {  	s6 =	rddreg [dreg:$0x5];
	s18 =	simm.s32 $0xB  }
0x18: {  	[tilespmem:s5], [sflag:$0xB] =	stream.linear.gather [hbm4b:s6+s5], $0x6400, $0x38;
	[tilespmem:$0x1A400] =	vst v63  }
0x19: {  	_ =	swait.ge [sflag:s18], $0x6400  }
0x1a: {  	[sflag:s18] =	ssyncset.done $0x0  }
0x1b: {  	[sflag:s18] =	ssyncadd.s32 $0xFFFF9C00  }
0x1c: {  	[tilespmem:s22], [sflag:$0x1] =	stream.indirect.gather [hbm4b:s2+s21], $0x80, s5, s21, $0xb8;
	[tilespmem:$0x1A400] =	vst v63  }
0x1d: {  	_ = 	snop  }
0x1e: {  	[tilespmem:s23], [sflag:$0x2] =	stream.indirect.gather [hbm4b:s2+s21], $0x80, s21, s21, $0xb8;
	[tilespmem:$0x1A400] =	vst v63  }
0x1f: {  	s19 =	simm.s32 $0x100  }
0x20: {  	[tilespmem:s25], [sflag:$0x3] =	stream.indirect.gather [hbm4b:s2+s21], $0x80, s19, s21, $0xb8;
	[tilespmem:$0x1A400] =	vst v63  }
0x21: {  	s20 =	simm.s32 $0x180  }
0x22: {  	[tilespmem:s28], [sflag:$0x4] =	stream.indirect.gather [hbm4b:s2+s21], $0x80, s20, s21, $0xb8;
	[tilespmem:$0x1A400] =	vst v63  }
0x23: {  	_ =	swait.ge [sflag:s29], $0x4000  }
0x24: {  	[sflag:s29] =	ssyncset.done $0x0  }
0x25: {  	s14 =	simm.s32 $0x6480;
	[sflag:s29] =	ssyncadd.s32 $0xFFFFC000  }
0x26: {  	v0 =	vld [tilespmem:s14+$0xFFFFFF80]  }
0x27: {  	v1 =	vld [tilespmem:s14+$0xFFFFFF90]  }
0x28: {  	v2 =	vld [tilespmem:s14+$0xFFFFFFA0]  }
0x29: {  	v3 =	vld [tilespmem:s14+$0xFFFFFFB0]  }
0x2a: {  	v4 =	vld [tilespmem:s14+$0xFFFFFFC0]  }
0x2b: {  	v5 =	vld [tilespmem:s14+$0xFFFFFFD0];
	v0 =	vmul.f32 $1.131370830e+01, v0  }
0x2c: {  	v6 =	vld [tilespmem:s14+$0xFFFFFFE0];
	v1 =	vmul.f32 $1.131370830e+01, v1  }
0x2d: {  	[tilespmem:s14+$0xFFFFFF80] =	vst v0;
	v0 =	vmul.f32 $1.131370830e+01, v2;
	v2 =	vld [tilespmem:s14+$0x0]  }
0x2e: {  	[tilespmem:s14+$0xFFFFFF90] =	vst v1;
	v1 =	vmul.f32 $1.131370830e+01, v3;
	v3 =	vld [tilespmem:s14+$0x10]  }
0x2f: {  	[tilespmem:s14+$0xFFFFFFA0] =	vst v0;
	v0 =	vmul.f32 $1.131370830e+01, v4;
	v4 =	vld [tilespmem:s14+$0x20]  }
0x30: {  	v7 =	vld [tilespmem:s14+$0x30];
	[tilespmem:s14+$0xFFFFFFB0] =	vst v1;
	v1 =	vmul.f32 $1.131370830e+01, v5  }
0x31: {  	v5 =	vmul.f32 $1.131370830e+01, v6;
	[tilespmem:s14+$0xFFFFFFC0] =	vst v0;
	v0 =	vld [tilespmem:s14+$0x40]  }
0x32: {  	[tilespmem:s14+$0xFFFFFFD0] =	vst v1;
	v1 =	vld [tilespmem:s14+$0x50];
	v2 =	vmul.f32 $1.131370830e+01, v2  }
0x33: {  	[tilespmem:s14+$0xFFFFFFE0] =	vst v5;
	v6 =	vmul.f32 $1.131370830e+01, v3;
	v3 =	vld [tilespmem:s14+$0x60]  }
0x34: {  	[tilespmem:s14+$0x0] =	vst v2;
	v5 =	vmul.f32 $1.131370830e+01, v4;
	v4 =	vld [tilespmem:s14+$0x70]  }
0x35: {  	s15 =	simm.s32 $0x0;
	s6 =	simm.s32 $0x6580;
	v2 =	vld [tilespmem:s14+$0xFFFFFFF0];
	[tilespmem:s14+$0x10] =	vst v6;
	v6 =	vmul.f32 $1.131370830e+01, v7  }
.LBB2_2:
0x36: {  	v7 =	vld [tilespmem:s6+$0xFFFFFF80];
	[tilespmem:s14+$0x20] =	vst v5;
	v0 =	vmul.f32 $1.131370830e+01, v0  }
0x37: {  	v5 =	vld [tilespmem:s6+$0xFFFFFF90];
	[tilespmem:s14+$0x30] =	vst v6;
	v1 =	vmul.f32 $1.131370830e+01, v1  }
0x38: {  	v6 =	vld [tilespmem:s6+$0xFFFFFFA0];
	[tilespmem:s14+$0x40] =	vst v0;
	v0 =	vmul.f32 $1.131370830e+01, v3  }
0x39: {  	v3 =	vld [tilespmem:s6+$0xFFFFFFB0];
	[tilespmem:s14+$0x50] =	vst v1;
	v1 =	vmul.f32 $1.131370830e+01, v4  }
0x3a: {  	v4 =	vld [tilespmem:s6+$0xFFFFFFC0];
	v2 =	vmul.f32 $1.131370830e+01, v2;
	[tilespmem:s14+$0x60] =	vst v0  }
0x3b: {  	v0 =	vmul.f32 $1.131370830e+01, v7;
	v7 =	vld [tilespmem:s6+$0xFFFFFFD0];
	[tilespmem:s14+$0x70] =	vst v1  }
0x3c: {  	v1 =	vmul.f32 $1.131370830e+01, v5;
	v5 =	vld [tilespmem:s6+$0xFFFFFFE0];
	[tilespmem:s14+$0xFFFFFFF0] =	vst v2;
	s14 =	smov.u32 s6  }
0x3d: {  	[tilespmem:s6+$0xFFFFFF80] =	vst v0;
	v0 =	vmul.f32 $1.131370830e+01, v6;
	v2 =	vld [tilespmem:s6+$0x0]  }
0x3e: {  	[tilespmem:s6+$0xFFFFFF90] =	vst v1;
	v1 =	vmul.f32 $1.131370830e+01, v3;
	v3 =	vld [tilespmem:s6+$0x10]  }
0x3f: {  	s15 =	sadd.s32 $0x2, s15;
	[tilespmem:s6+$0xFFFFFFA0] =	vst v0;
	v0 =	vmul.f32 $1.131370830e+01, v4;
	v4 =	vld [tilespmem:s6+$0x20]  }
0x40: {  	p0 =	slt.u32 s15, $0x7E;
	[tilespmem:s6+$0xFFFFFFB0] =	vst v1;
	v1 =	vmul.f32 $1.131370830e+01, v7;
	v6 =	vld [tilespmem:s6+$0x30]  }
.Ltmp0:
0x41: {  	[tilespmem:s6+$0xFFFFFFC0] =	vst v0;
	v5 =	vmul.f32 $1.131370830e+01, v5;
	v0 =	vld [tilespmem:s6+$0x40];
	(pc) =	sbr.rel @p0 .LBB2_2-.Ltmp0, $4  }
0x42: {  	[tilespmem:s6+$0xFFFFFFD0] =	vst v1;
	v2 =	vmul.f32 $1.131370830e+01, v2;
	v1 =	vld [tilespmem:s6+$0x50]  }
0x43: {  	[tilespmem:s6+$0xFFFFFFE0] =	vst v5;
	v7 =	vmul.f32 $1.131370830e+01, v3;
	v3 =	vld [tilespmem:s6+$0x60]  }
0x44: {  	[tilespmem:s6+$0x0] =	vst v2;
	v5 =	vmul.f32 $1.131370830e+01, v4;
	v4 =	vld [tilespmem:s6+$0x70]  }
0x45: {  	s6 =	sadd.s32 $0x100, s6;
	v2 =	vld [tilespmem:s14+$0xFFFFFFF0];
	[tilespmem:s14+$0x10] =	vst v7;
	v6 =	vmul.f32 $1.131370830e+01, v6  }
0x46: {  	[tilespmem:s14+$0x20] =	vst v5;
	v0 =	vmul.f32 $1.131370830e+01, v0  }
0x47: {  	[tilespmem:s14+$0x30] =	vst v6;
	v1 =	vmul.f32 $1.131370830e+01, v1  }
0x48: {  	[tilespmem:s14+$0x40] =	vst v0;
	v0 =	vmul.f32 $1.131370830e+01, v3  }
0x49: {  	[tilespmem:s14+$0x50] =	vst v1;
	v1 =	vmul.f32 $1.131370830e+01, v4  }
0x4a: {  	v2 =	vmul.f32 $1.131370830e+01, v2;
	[tilespmem:s14+$0x60] =	vst v0  }
0x4b: {  	[tilespmem:s14+$0x70] =	vst v1  }
0x4c: {  	s6 =	rddreg [dreg:$0x4];
	[tilespmem:s14+$0xFFFFFFF0] =	vst v2  }
0x4d: {  	[hbm4b:s6+s5] =	stream.linear.scatter [tilespmem:s22], [sflag:$0x6], $0x4000, $0x38;
	[tilespmem:$0x1A400] =	vst v63  }
0x4e: {  	s20 =	simm.s32 $0x200  }
0x4f: {  	[tilespmem:s31], [sflag:$0x5] =	stream.indirect.gather [hbm4b:s2+s21], $0x80, s20, s21, $0xb8;
	[tilespmem:$0x1A400] =	vst v63  }
0x50: {  	_ =	swait.ge [sflag:s1], $0x4000  }
0x51: {  	[sflag:s1] =	ssyncset.done $0x0  }
0x52: {  	s14 =	simm.s32 $0xA480;
	[sflag:s1] =	ssyncadd.s32 $0xFFFFC000  }
0x53: {  	v0 =	vld [tilespmem:s14+$0xFFFFFF80]  }
0x54: {  	v1 =	vld [tilespmem:s14+$0xFFFFFF90]  }
0x55: {  	v2 =	vld [tilespmem:s14+$0xFFFFFFA0]  }
0x56: {  	v3 =	vld [tilespmem:s14+$0xFFFFFFB0]  }
0x57: {  	v4 =	vld [tilespmem:s14+$0xFFFFFFC0]  }
0x58: {  	v5 =	vld [tilespmem:s14+$0xFFFFFFD0];
	v0 =	vmul.f32 $1.131370830e+01, v0  }
0x59: {  	v6 =	vld [tilespmem:s14+$0xFFFFFFE0];
	v1 =	vmul.f32 $1.131370830e+01, v1  }
0x5a: {  	[tilespmem:s14+$0xFFFFFF80] =	vst v0;
	v0 =	vmul.f32 $1.131370830e+01, v2;
	v2 =	vld [tilespmem:s14+$0x0]  }
0x5b: {  	[tilespmem:s14+$0xFFFFFF90] =	vst v1;
	v1 =	vmul.f32 $1.131370830e+01, v3;
	v3 =	vld [tilespmem:s14+$0x10]  }
0x5c: {  	[tilespmem:s14+$0xFFFFFFA0] =	vst v0;
	v0 =	vmul.f32 $1.131370830e+01, v4;
	v4 =	vld [tilespmem:s14+$0x20]  }
0x5d: {  	v7 =	vld [tilespmem:s14+$0x30];
	[tilespmem:s14+$0xFFFFFFB0] =	vst v1;
	v1 =	vmul.f32 $1.131370830e+01, v5  }
0x5e: {  	v5 =	vmul.f32 $1.131370830e+01, v6;
	[tilespmem:s14+$0xFFFFFFC0] =	vst v0;
	v0 =	vld [tilespmem:s14+$0x40]  }
0x5f: {  	[tilespmem:s14+$0xFFFFFFD0] =	vst v1;
	v1 =	vld [tilespmem:s14+$0x50];
	v2 =	vmul.f32 $1.131370830e+01, v2  }
0x60: {  	[tilespmem:s14+$0xFFFFFFE0] =	vst v5;
	v6 =	vmul.f32 $1.131370830e+01, v3;
	v3 =	vld [tilespmem:s14+$0x60]  }
0x61: {  	[tilespmem:s14+$0x0] =	vst v2;
	v5 =	vmul.f32 $1.131370830e+01, v4;
	v4 =	vld [tilespmem:s14+$0x70]  }
0x62: {  	s15 =	simm.s32 $0x0;
	s6 =	simm.s32 $0xA580;
	v2 =	vld [tilespmem:s14+$0xFFFFFFF0];
	[tilespmem:s14+$0x10] =	vst v6;
	v6 =	vmul.f32 $1.131370830e+01, v7  }
.LBB2_4:
0x63: {  	v7 =	vld [tilespmem:s6+$0xFFFFFF80];
	[tilespmem:s14+$0x20] =	vst v5;
	v0 =	vmul.f32 $1.131370830e+01, v0  }
0x64: {  	v5 =	vld [tilespmem:s6+$0xFFFFFF90];
	[tilespmem:s14+$0x30] =	vst v6;
	v1 =	vmul.f32 $1.131370830e+01, v1  }
0x65: {  	v6 =	vld [tilespmem:s6+$0xFFFFFFA0];
	[tilespmem:s14+$0x40] =	vst v0;
	v0 =	vmul.f32 $1.131370830e+01, v3  }
0x66: {  	v3 =	vld [tilespmem:s6+$0xFFFFFFB0];
	[tilespmem:s14+$0x50] =	vst v1;
	v1 =	vmul.f32 $1.131370830e+01, v4  }
0x67: {  	v4 =	vld [tilespmem:s6+$0xFFFFFFC0];
	v2 =	vmul.f32 $1.131370830e+01, v2;
	[tilespmem:s14+$0x60] =	vst v0  }
0x68: {  	v0 =	vmul.f32 $1.131370830e+01, v7;
	v7 =	vld [tilespmem:s6+$0xFFFFFFD0];
	[tilespmem:s14+$0x70] =	vst v1  }
0x69: {  	v1 =	vmul.f32 $1.131370830e+01, v5;
	v5 =	vld [tilespmem:s6+$0xFFFFFFE0];
	[tilespmem:s14+$0xFFFFFFF0] =	vst v2;
	s14 =	smov.u32 s6  }
0x6a: {  	[tilespmem:s6+$0xFFFFFF80] =	vst v0;
	v0 =	vmul.f32 $1.131370830e+01, v6;
	v2 =	vld [tilespmem:s6+$0x0]  }
0x6b: {  	[tilespmem:s6+$0xFFFFFF90] =	vst v1;
	v1 =	vmul.f32 $1.131370830e+01, v3;
	v3 =	vld [tilespmem:s6+$0x10]  }
0x6c: {  	s15 =	sadd.s32 $0x2, s15;
	[tilespmem:s6+$0xFFFFFFA0] =	vst v0;
	v0 =	vmul.f32 $1.131370830e+01, v4;
	v4 =	vld [tilespmem:s6+$0x20]  }
0x6d: {  	p0 =	slt.u32 s15, $0x7E;
	[tilespmem:s6+$0xFFFFFFB0] =	vst v1;
	v1 =	vmul.f32 $1.131370830e+01, v7;
	v6 =	vld [tilespmem:s6+$0x30]  }
.Ltmp1:
0x6e: {  	[tilespmem:s6+$0xFFFFFFC0] =	vst v0;
	v5 =	vmul.f32 $1.131370830e+01, v5;
	v0 =	vld [tilespmem:s6+$0x40];
	(pc) =	sbr.rel @p0 .LBB2_4-.Ltmp1, $4  }
0x6f: {  	[tilespmem:s6+$0xFFFFFFD0] =	vst v1;
	v2 =	vmul.f32 $1.131370830e+01, v2;
	v1 =	vld [tilespmem:s6+$0x50]  }
0x70: {  	[tilespmem:s6+$0xFFFFFFE0] =	vst v5;
	v7 =	vmul.f32 $1.131370830e+01, v3;
	v3 =	vld [tilespmem:s6+$0x60]  }
0x71: {  	[tilespmem:s6+$0x0] =	vst v2;
	v5 =	vmul.f32 $1.131370830e+01, v4;
	v4 =	vld [tilespmem:s6+$0x70]  }
0x72: {  	s6 =	sadd.s32 $0x100, s6;
	v2 =	vld [tilespmem:s14+$0xFFFFFFF0];
	[tilespmem:s14+$0x10] =	vst v7;
	v6 =	vmul.f32 $1.131370830e+01, v6  }
0x73: {  	[tilespmem:s14+$0x20] =	vst v5;
	v0 =	vmul.f32 $1.131370830e+01, v0  }
0x74: {  	[tilespmem:s14+$0x30] =	vst v6;
	v1 =	vmul.f32 $1.131370830e+01, v1  }
0x75: {  	[tilespmem:s14+$0x40] =	vst v0;
	v0 =	vmul.f32 $1.131370830e+01, v3  }
0x76: {  	[tilespmem:s14+$0x50] =	vst v1;
	v1 =	vmul.f32 $1.131370830e+01, v4  }
0x77: {  	v2 =	vmul.f32 $1.131370830e+01, v2;
	[tilespmem:s14+$0x60] =	vst v0  }
0x78: {  	[tilespmem:s14+$0x70] =	vst v1  }
0x79: {  	s6 =	rddreg [dreg:$0x6];
	[tilespmem:s14+$0xFFFFFFF0] =	vst v2  }
0x7a: {  	[hbm4b:s6+s5] =	stream.linear.scatter [tilespmem:s23], [sflag:$0x7], $0x4000, $0x38;
	[tilespmem:$0x1A400] =	vst v63  }
0x7b: {  	_ =	swait.ge [sflag:s0], $0x4000  }
0x7c: {  	[sflag:s0] =	ssyncset.done $0x0  }
0x7d: {  	s20 =	simm.s32 $0x280;
	[sflag:s0] =	ssyncadd.s32 $0xFFFFC000  }
0x7e: {  	[tilespmem:s22], [sflag:$0x1] =	stream.indirect.gather [hbm4b:s2+s21], $0x80, s20, s21, $0xb8;
	[tilespmem:$0x1A400] =	vst v63  }
0x7f: {  	_ =	swait.ge [sflag:s26], $0x4000  }
0x80: {  	[sflag:s26] =	ssyncset.done $0x0  }
0x81: {  	s14 =	simm.s32 $0xE480;
	[sflag:s26] =	ssyncadd.s32 $0xFFFFC000  }
0x82: {  	v0 =	vld [tilespmem:s14+$0xFFFFFF80]  }
0x83: {  	v1 =	vld [tilespmem:s14+$0xFFFFFF90]  }
0x84: {  	v2 =	vld [tilespmem:s14+$0xFFFFFFA0]  }
0x85: {  	v3 =	vld [tilespmem:s14+$0xFFFFFFB0]  }
0x86: {  	v4 =	vld [tilespmem:s14+$0xFFFFFFC0]  }
0x87: {  	v5 =	vld [tilespmem:s14+$0xFFFFFFD0];
	v0 =	vmul.f32 $1.131370830e+01, v0  }
0x88: {  	v6 =	vld [tilespmem:s14+$0xFFFFFFE0];
	v1 =	vmul.f32 $1.131370830e+01, v1  }
0x89: {  	[tilespmem:s14+$0xFFFFFF80] =	vst v0;
	v0 =	vmul.f32 $1.131370830e+01, v2;
	v2 =	vld [tilespmem:s14+$0x0]  }
0x8a: {  	[tilespmem:s14+$0xFFFFFF90] =	vst v1;
	v1 =	vmul.f32 $1.131370830e+01, v3;
	v3 =	vld [tilespmem:s14+$0x10]  }
0x8b: {  	[tilespmem:s14+$0xFFFFFFA0] =	vst v0;
	v0 =	vmul.f32 $1.131370830e+01, v4;
	v4 =	vld [tilespmem:s14+$0x20]  }
0x8c: {  	v7 =	vld [tilespmem:s14+$0x30];
	[tilespmem:s14+$0xFFFFFFB0] =	vst v1;
	v1 =	vmul.f32 $1.131370830e+01, v5  }
0x8d: {  	v5 =	vmul.f32 $1.131370830e+01, v6;
	[tilespmem:s14+$0xFFFFFFC0] =	vst v0;
	v0 =	vld [tilespmem:s14+$0x40]  }
0x8e: {  	[tilespmem:s14+$0xFFFFFFD0] =	vst v1;
	v1 =	vld [tilespmem:s14+$0x50];
	v2 =	vmul.f32 $1.131370830e+01, v2  }
0x8f: {  	[tilespmem:s14+$0xFFFFFFE0] =	vst v5;
	v6 =	vmul.f32 $1.131370830e+01, v3;
	v3 =	vld [tilespmem:s14+$0x60]  }
0x90: {  	[tilespmem:s14+$0x0] =	vst v2;
	v5 =	vmul.f32 $1.131370830e+01, v4;
	v4 =	vld [tilespmem:s14+$0x70]  }
0x91: {  	s15 =	simm.s32 $0x0;
	s6 =	simm.s32 $0xE580;
	v2 =	vld [tilespmem:s14+$0xFFFFFFF0];
	[tilespmem:s14+$0x10] =	vst v6;
	v6 =	vmul.f32 $1.131370830e+01, v7  }
.LBB2_6:
0x92: {  	v7 =	vld [tilespmem:s6+$0xFFFFFF80];
	[tilespmem:s14+$0x20] =	vst v5;
	v0 =	vmul.f32 $1.131370830e+01, v0  }
0x93: {  	v5 =	vld [tilespmem:s6+$0xFFFFFF90];
	[tilespmem:s14+$0x30] =	vst v6;
	v1 =	vmul.f32 $1.131370830e+01, v1  }
0x94: {  	v6 =	vld [tilespmem:s6+$0xFFFFFFA0];
	[tilespmem:s14+$0x40] =	vst v0;
	v0 =	vmul.f32 $1.131370830e+01, v3  }
0x95: {  	v3 =	vld [tilespmem:s6+$0xFFFFFFB0];
	[tilespmem:s14+$0x50] =	vst v1;
	v1 =	vmul.f32 $1.131370830e+01, v4  }
0x96: {  	v4 =	vld [tilespmem:s6+$0xFFFFFFC0];
	v2 =	vmul.f32 $1.131370830e+01, v2;
	[tilespmem:s14+$0x60] =	vst v0  }
0x97: {  	v0 =	vmul.f32 $1.131370830e+01, v7;
	v7 =	vld [tilespmem:s6+$0xFFFFFFD0];
	[tilespmem:s14+$0x70] =	vst v1  }
0x98: {  	v1 =	vmul.f32 $1.131370830e+01, v5;
	v5 =	vld [tilespmem:s6+$0xFFFFFFE0];
	[tilespmem:s14+$0xFFFFFFF0] =	vst v2;
	s14 =	smov.u32 s6  }
0x99: {  	[tilespmem:s6+$0xFFFFFF80] =	vst v0;
	v0 =	vmul.f32 $1.131370830e+01, v6;
	v2 =	vld [tilespmem:s6+$0x0]  }
0x9a: {  	[tilespmem:s6+$0xFFFFFF90] =	vst v1;
	v1 =	vmul.f32 $1.131370830e+01, v3;
	v3 =	vld [tilespmem:s6+$0x10]  }
0x9b: {  	s15 =	sadd.s32 $0x2, s15;
	[tilespmem:s6+$0xFFFFFFA0] =	vst v0;
	v0 =	vmul.f32 $1.131370830e+01, v4;
	v4 =	vld [tilespmem:s6+$0x20]  }
0x9c: {  	p0 =	slt.u32 s15, $0x7E;
	[tilespmem:s6+$0xFFFFFFB0] =	vst v1;
	v1 =	vmul.f32 $1.131370830e+01, v7;
	v6 =	vld [tilespmem:s6+$0x30]  }
.Ltmp2:
0x9d: {  	[tilespmem:s6+$0xFFFFFFC0] =	vst v0;
	v5 =	vmul.f32 $1.131370830e+01, v5;
	v0 =	vld [tilespmem:s6+$0x40];
	(pc) =	sbr.rel @p0 .LBB2_6-.Ltmp2, $4  }
0x9e: {  	[tilespmem:s6+$0xFFFFFFD0] =	vst v1;
	v2 =	vmul.f32 $1.131370830e+01, v2;
	v1 =	vld [tilespmem:s6+$0x50]  }
0x9f: {  	[tilespmem:s6+$0xFFFFFFE0] =	vst v5;
	v7 =	vmul.f32 $1.131370830e+01, v3;
	v3 =	vld [tilespmem:s6+$0x60]  }
0xa0: {  	[tilespmem:s6+$0x0] =	vst v2;
	v5 =	vmul.f32 $1.131370830e+01, v4;
	v4 =	vld [tilespmem:s6+$0x70]  }
0xa1: {  	s6 =	sadd.s32 $0x100, s6;
	v2 =	vld [tilespmem:s14+$0xFFFFFFF0];
	[tilespmem:s14+$0x10] =	vst v7;
	v6 =	vmul.f32 $1.131370830e+01, v6  }
0xa2: {  	[tilespmem:s14+$0x20] =	vst v5;
	v0 =	vmul.f32 $1.131370830e+01, v0  }
0xa3: {  	[tilespmem:s14+$0x30] =	vst v6;
	v1 =	vmul.f32 $1.131370830e+01, v1  }
0xa4: {  	[tilespmem:s14+$0x40] =	vst v0;
	v0 =	vmul.f32 $1.131370830e+01, v3  }
0xa5: {  	[tilespmem:s14+$0x50] =	vst v1;
	v1 =	vmul.f32 $1.131370830e+01, v4  }
0xa6: {  	v2 =	vmul.f32 $1.131370830e+01, v2;
	[tilespmem:s14+$0x60] =	vst v0  }
0xa7: {  	[tilespmem:s14+$0x70] =	vst v1  }
0xa8: {  	s6 =	rddreg [dreg:$0x7];
	[tilespmem:s14+$0xFFFFFFF0] =	vst v2  }
0xa9: {  	[hbm4b:s6+s5] =	stream.linear.scatter [tilespmem:s25], [sflag:$0x8], $0x4000, $0x38;
	[tilespmem:$0x1A400] =	vst v63  }
0xaa: {  	_ =	swait.ge [sflag:s30], $0x4000  }
0xab: {  	[sflag:s30] =	ssyncset.done $0x0  }
0xac: {  	s20 =	simm.s32 $0x300;
	[sflag:s30] =	ssyncadd.s32 $0xFFFFC000  }
0xad: {  	[tilespmem:s23], [sflag:$0x2] =	stream.indirect.gather [hbm4b:s2+s21], $0x80, s20, s21, $0xb8;
	[tilespmem:$0x1A400] =	vst v63  }
0xae: {  	_ =	swait.ge [sflag:s24], $0x4000  }
0xaf: {  	[sflag:s24] =	ssyncset.done $0x0  }
0xb0: {  	s14 =	simm.s32 $0x12480;
	[sflag:s24] =	ssyncadd.s32 $0xFFFFC000  }
0xb1: {  	v0 =	vld [tilespmem:s14+$0xFFFFFF80]  }
0xb2: {  	v1 =	vld [tilespmem:s14+$0xFFFFFF90]  }
0xb3: {  	v2 =	vld [tilespmem:s14+$0xFFFFFFA0]  }
0xb4: {  	v3 =	vld [tilespmem:s14+$0xFFFFFFB0]  }
0xb5: {  	v4 =	vld [tilespmem:s14+$0xFFFFFFC0]  }
0xb6: {  	v5 =	vld [tilespmem:s14+$0xFFFFFFD0];
	v0 =	vmul.f32 $1.131370830e+01, v0  }
0xb7: {  	v6 =	vld [tilespmem:s14+$0xFFFFFFE0];
	v1 =	vmul.f32 $1.131370830e+01, v1  }
0xb8: {  	[tilespmem:s14+$0xFFFFFF80] =	vst v0;
	v0 =	vmul.f32 $1.131370830e+01, v2;
	v2 =	vld [tilespmem:s14+$0x0]  }
0xb9: {  	[tilespmem:s14+$0xFFFFFF90] =	vst v1;
	v1 =	vmul.f32 $1.131370830e+01, v3;
	v3 =	vld [tilespmem:s14+$0x10]  }
0xba: {  	[tilespmem:s14+$0xFFFFFFA0] =	vst v0;
	v0 =	vmul.f32 $1.131370830e+01, v4;
	v4 =	vld [tilespmem:s14+$0x20]  }
0xbb: {  	v7 =	vld [tilespmem:s14+$0x30];
	[tilespmem:s14+$0xFFFFFFB0] =	vst v1;
	v1 =	vmul.f32 $1.131370830e+01, v5  }
0xbc: {  	v5 =	vmul.f32 $1.131370830e+01, v6;
	[tilespmem:s14+$0xFFFFFFC0] =	vst v0;
	v0 =	vld [tilespmem:s14+$0x40]  }
0xbd: {  	[tilespmem:s14+$0xFFFFFFD0] =	vst v1;
	v1 =	vld [tilespmem:s14+$0x50];
	v2 =	vmul.f32 $1.131370830e+01, v2  }
0xbe: {  	[tilespmem:s14+$0xFFFFFFE0] =	vst v5;
	v6 =	vmul.f32 $1.131370830e+01, v3;
	v3 =	vld [tilespmem:s14+$0x60]  }
0xbf: {  	[tilespmem:s14+$0x0] =	vst v2;
	v5 =	vmul.f32 $1.131370830e+01, v4;
	v4 =	vld [tilespmem:s14+$0x70]  }
0xc0: {  	s15 =	simm.s32 $0x0;
	s6 =	simm.s32 $0x12580;
	v2 =	vld [tilespmem:s14+$0xFFFFFFF0];
	[tilespmem:s14+$0x10] =	vst v6;
	v6 =	vmul.f32 $1.131370830e+01, v7  }
.LBB2_8:
0xc1: {  	v7 =	vld [tilespmem:s6+$0xFFFFFF80];
	[tilespmem:s14+$0x20] =	vst v5;
	v0 =	vmul.f32 $1.131370830e+01, v0  }
0xc2: {  	v5 =	vld [tilespmem:s6+$0xFFFFFF90];
	[tilespmem:s14+$0x30] =	vst v6;
	v1 =	vmul.f32 $1.131370830e+01, v1  }
0xc3: {  	v6 =	vld [tilespmem:s6+$0xFFFFFFA0];
	[tilespmem:s14+$0x40] =	vst v0;
	v0 =	vmul.f32 $1.131370830e+01, v3  }
0xc4: {  	v3 =	vld [tilespmem:s6+$0xFFFFFFB0];
	[tilespmem:s14+$0x50] =	vst v1;
	v1 =	vmul.f32 $1.131370830e+01, v4  }
0xc5: {  	v4 =	vld [tilespmem:s6+$0xFFFFFFC0];
	v2 =	vmul.f32 $1.131370830e+01, v2;
	[tilespmem:s14+$0x60] =	vst v0  }
0xc6: {  	v0 =	vmul.f32 $1.131370830e+01, v7;
	v7 =	vld [tilespmem:s6+$0xFFFFFFD0];
	[tilespmem:s14+$0x70] =	vst v1  }
0xc7: {  	v1 =	vmul.f32 $1.131370830e+01, v5;
	v5 =	vld [tilespmem:s6+$0xFFFFFFE0];
	[tilespmem:s14+$0xFFFFFFF0] =	vst v2;
	s14 =	smov.u32 s6  }
0xc8: {  	[tilespmem:s6+$0xFFFFFF80] =	vst v0;
	v0 =	vmul.f32 $1.131370830e+01, v6;
	v2 =	vld [tilespmem:s6+$0x0]  }
0xc9: {  	[tilespmem:s6+$0xFFFFFF90] =	vst v1;
	v1 =	vmul.f32 $1.131370830e+01, v3;
	v3 =	vld [tilespmem:s6+$0x10]  }
0xca: {  	s15 =	sadd.s32 $0x2, s15;
	[tilespmem:s6+$0xFFFFFFA0] =	vst v0;
	v0 =	vmul.f32 $1.131370830e+01, v4;
	v4 =	vld [tilespmem:s6+$0x20]  }
0xcb: {  	p0 =	slt.u32 s15, $0x7E;
	[tilespmem:s6+$0xFFFFFFB0] =	vst v1;
	v1 =	vmul.f32 $1.131370830e+01, v7;
	v6 =	vld [tilespmem:s6+$0x30]  }
.Ltmp3:
0xcc: {  	[tilespmem:s6+$0xFFFFFFC0] =	vst v0;
	v5 =	vmul.f32 $1.131370830e+01, v5;
	v0 =	vld [tilespmem:s6+$0x40];
	(pc) =	sbr.rel @p0 .LBB2_8-.Ltmp3, $4  }
0xcd: {  	[tilespmem:s6+$0xFFFFFFD0] =	vst v1;
	v2 =	vmul.f32 $1.131370830e+01, v2;
	v1 =	vld [tilespmem:s6+$0x50]  }
0xce: {  	[tilespmem:s6+$0xFFFFFFE0] =	vst v5;
	v7 =	vmul.f32 $1.131370830e+01, v3;
	v3 =	vld [tilespmem:s6+$0x60]  }
0xcf: {  	[tilespmem:s6+$0x0] =	vst v2;
	v5 =	vmul.f32 $1.131370830e+01, v4;
	v4 =	vld [tilespmem:s6+$0x70]  }
0xd0: {  	s6 =	sadd.s32 $0x100, s6;
	v2 =	vld [tilespmem:s14+$0xFFFFFFF0];
	[tilespmem:s14+$0x10] =	vst v7;
	v6 =	vmul.f32 $1.131370830e+01, v6  }
0xd1: {  	[tilespmem:s14+$0x20] =	vst v5;
	v0 =	vmul.f32 $1.131370830e+01, v0  }
0xd2: {  	[tilespmem:s14+$0x30] =	vst v6;
	v1 =	vmul.f32 $1.131370830e+01, v1  }
0xd3: {  	[tilespmem:s14+$0x40] =	vst v0;
	v0 =	vmul.f32 $1.131370830e+01, v3  }
0xd4: {  	[tilespmem:s14+$0x50] =	vst v1;
	v1 =	vmul.f32 $1.131370830e+01, v4  }
0xd5: {  	v2 =	vmul.f32 $1.131370830e+01, v2;
	[tilespmem:s14+$0x60] =	vst v0  }
0xd6: {  	[tilespmem:s14+$0x70] =	vst v1  }
0xd7: {  	s6 =	rddreg [dreg:$0x8];
	[tilespmem:s14+$0xFFFFFFF0] =	vst v2  }
0xd8: {  	[hbm4b:s6+s5] =	stream.linear.scatter [tilespmem:s28], [sflag:$0x9], $0x4000, $0x38;
	[tilespmem:$0x1A400] =	vst v63  }
0xd9: {  	_ =	swait.ge [sflag:s7], $0x4000  }
0xda: {  	[sflag:s7] =	ssyncset.done $0x0  }
0xdb: {  	s20 =	simm.s32 $0x380;
	[sflag:s7] =	ssyncadd.s32 $0xFFFFC000  }
0xdc: {  	[tilespmem:s25], [sflag:$0x3] =	stream.indirect.gather [hbm4b:s2+s21], $0x80, s20, s21, $0xb8;
	[tilespmem:$0x1A400] =	vst v63  }
0xdd: {  	_ =	swait.ge [sflag:s8], $0x4000  }
0xde: {  	[sflag:s8] =	ssyncset.done $0x0  }
0xdf: {  	s14 =	simm.s32 $0x16480;
	[sflag:s8] =	ssyncadd.s32 $0xFFFFC000  }
0xe0: {  	v0 =	vld [tilespmem:s14+$0xFFFFFF80]  }
0xe1: {  	v1 =	vld [tilespmem:s14+$0xFFFFFF90]  }
0xe2: {  	v2 =	vld [tilespmem:s14+$0xFFFFFFA0]  }
0xe3: {  	v3 =	vld [tilespmem:s14+$0xFFFFFFB0]  }
0xe4: {  	v4 =	vld [tilespmem:s14+$0xFFFFFFC0]  }
0xe5: {  	v5 =	vld [tilespmem:s14+$0xFFFFFFD0];
	v0 =	vmul.f32 $1.131370830e+01, v0  }
0xe6: {  	v6 =	vld [tilespmem:s14+$0xFFFFFFE0];
	v1 =	vmul.f32 $1.131370830e+01, v1  }
0xe7: {  	[tilespmem:s14+$0xFFFFFF80] =	vst v0;
	v0 =	vmul.f32 $1.131370830e+01, v2;
	v2 =	vld [tilespmem:s14+$0x0]  }
0xe8: {  	[tilespmem:s14+$0xFFFFFF90] =	vst v1;
	v1 =	vmul.f32 $1.131370830e+01, v3;
	v3 =	vld [tilespmem:s14+$0x10]  }
0xe9: {  	[tilespmem:s14+$0xFFFFFFA0] =	vst v0;
	v0 =	vmul.f32 $1.131370830e+01, v4;
	v4 =	vld [tilespmem:s14+$0x20]  }
0xea: {  	v7 =	vld [tilespmem:s14+$0x30];
	[tilespmem:s14+$0xFFFFFFB0] =	vst v1;
	v1 =	vmul.f32 $1.131370830e+01, v5  }
0xeb: {  	v5 =	vmul.f32 $1.131370830e+01, v6;
	[tilespmem:s14+$0xFFFFFFC0] =	vst v0;
	v0 =	vld [tilespmem:s14+$0x40]  }
0xec: {  	[tilespmem:s14+$0xFFFFFFD0] =	vst v1;
	v1 =	vld [tilespmem:s14+$0x50];
	v2 =	vmul.f32 $1.131370830e+01, v2  }
0xed: {  	[tilespmem:s14+$0xFFFFFFE0] =	vst v5;
	v6 =	vmul.f32 $1.131370830e+01, v3;
	v3 =	vld [tilespmem:s14+$0x60]  }
0xee: {  	[tilespmem:s14+$0x0] =	vst v2;
	v5 =	vmul.f32 $1.131370830e+01, v4;
	v4 =	vld [tilespmem:s14+$0x70]  }
0xef: {  	s15 =	simm.s32 $0x0;
	s6 =	simm.s32 $0x16580;
	v2 =	vld [tilespmem:s14+$0xFFFFFFF0];
	[tilespmem:s14+$0x10] =	vst v6;
	v6 =	vmul.f32 $1.131370830e+01, v7  }
.LBB2_10:
0xf0: {  	v7 =	vld [tilespmem:s6+$0xFFFFFF80];
	[tilespmem:s14+$0x20] =	vst v5;
	v0 =	vmul.f32 $1.131370830e+01, v0  }
0xf1: {  	v5 =	vld [tilespmem:s6+$0xFFFFFF90];
	[tilespmem:s14+$0x30] =	vst v6;
	v1 =	vmul.f32 $1.131370830e+01, v1  }
0xf2: {  	v6 =	vld [tilespmem:s6+$0xFFFFFFA0];
	[tilespmem:s14+$0x40] =	vst v0;
	v0 =	vmul.f32 $1.131370830e+01, v3  }
0xf3: {  	v3 =	vld [tilespmem:s6+$0xFFFFFFB0];
	[tilespmem:s14+$0x50] =	vst v1;
	v1 =	vmul.f32 $1.131370830e+01, v4  }
0xf4: {  	v4 =	vld [tilespmem:s6+$0xFFFFFFC0];
	v2 =	vmul.f32 $1.131370830e+01, v2;
	[tilespmem:s14+$0x60] =	vst v0  }
0xf5: {  	v0 =	vmul.f32 $1.131370830e+01, v7;
	v7 =	vld [tilespmem:s6+$0xFFFFFFD0];
	[tilespmem:s14+$0x70] =	vst v1  }
0xf6: {  	v1 =	vmul.f32 $1.131370830e+01, v5;
	v5 =	vld [tilespmem:s6+$0xFFFFFFE0];
	[tilespmem:s14+$0xFFFFFFF0] =	vst v2;
	s14 =	smov.u32 s6  }
0xf7: {  	[tilespmem:s6+$0xFFFFFF80] =	vst v0;
	v0 =	vmul.f32 $1.131370830e+01, v6;
	v2 =	vld [tilespmem:s6+$0x0]  }
0xf8: {  	[tilespmem:s6+$0xFFFFFF90] =	vst v1;
	v1 =	vmul.f32 $1.131370830e+01, v3;
	v3 =	vld [tilespmem:s6+$0x10]  }
0xf9: {  	s15 =	sadd.s32 $0x2, s15;
	[tilespmem:s6+$0xFFFFFFA0] =	vst v0;
	v0 =	vmul.f32 $1.131370830e+01, v4;
	v4 =	vld [tilespmem:s6+$0x20]  }
0xfa: {  	p0 =	slt.u32 s15, $0x7E;
	[tilespmem:s6+$0xFFFFFFB0] =	vst v1;
	v1 =	vmul.f32 $1.131370830e+01, v7;
	v6 =	vld [tilespmem:s6+$0x30]  }
.Ltmp4:
0xfb: {  	[tilespmem:s6+$0xFFFFFFC0] =	vst v0;
	v5 =	vmul.f32 $1.131370830e+01, v5;
	v0 =	vld [tilespmem:s6+$0x40];
	(pc) =	sbr.rel @p0 .LBB2_10-.Ltmp4, $4  }
0xfc: {  	[tilespmem:s6+$0xFFFFFFD0] =	vst v1;
	v2 =	vmul.f32 $1.131370830e+01, v2;
	v1 =	vld [tilespmem:s6+$0x50]  }
0xfd: {  	[tilespmem:s6+$0xFFFFFFE0] =	vst v5;
	v7 =	vmul.f32 $1.131370830e+01, v3;
	v3 =	vld [tilespmem:s6+$0x60]  }
0xfe: {  	[tilespmem:s6+$0x0] =	vst v2;
	v5 =	vmul.f32 $1.131370830e+01, v4;
	v4 =	vld [tilespmem:s6+$0x70]  }
0xff: {  	s6 =	sadd.s32 $0x100, s6;
	v2 =	vld [tilespmem:s14+$0xFFFFFFF0];
	[tilespmem:s14+$0x10] =	vst v7;
	v6 =	vmul.f32 $1.131370830e+01, v6  }
0x100: {  	[tilespmem:s14+$0x20] =	vst v5;
	v0 =	vmul.f32 $1.131370830e+01, v0  }
0x101: {  	[tilespmem:s14+$0x30] =	vst v6;
	v1 =	vmul.f32 $1.131370830e+01, v1  }
0x102: {  	[tilespmem:s14+$0x40] =	vst v0;
	v62 =	vmul.f32 $1.131370830e+01, v3  }
0x103: {  	[tilespmem:s14+$0x50] =	vst v1;
	v63 =	vmul.f32 $1.131370830e+01, v4  }
0x104: {  	v2 =	vmul.f32 $1.131370830e+01, v2;
	[tilespmem:s14+$0x60] =	vst v62  }
0x105: {  	[tilespmem:s14+$0x70] =	vst v63  }
0x106: {  	s6 =	rddreg [dreg:$0x9];
	[tilespmem:s14+$0xFFFFFFF0] =	vst v2;
	s14 =	simm.s32 $0x1  }
0x107: {  	[hbm4b:s6+s5] =	stream.linear.scatter [tilespmem:s31], [sflag:$0xA], $0x4000, $0x38;
	[tilespmem:$0x1A400] =	vst v63  }
.LBB2_12:
0x108: {  	_ =	swait.ge [sflag:s9], $0x4000;
	s17 =	smul.u32 $0x280, s14  }
0x109: {  	[sflag:s9] =	ssyncset.done $0x0  }
0x10a: {  	[sflag:s9] =	ssyncadd.s32 $0xFFFFC000;
	s15 =	sadd.s32 $0x180, s17  }
0x10b: {  	[tilespmem:s28], [sflag:$0x4] =	stream.indirect.gather [hbm4b:s2+s21], $0x80, s15, s21, $0xb8;
	[tilespmem:$0x1A400] =	vst v63  }
0x10c: {  	_ =	swait.ge [sflag:s29], $0x4000  }
0x10d: {  	[sflag:s29] =	ssyncset.done $0x0  }
0x10e: {  	s16 =	simm.s32 $0x6480;
	[sflag:s29] =	ssyncadd.s32 $0xFFFFC000  }
0x10f: {  	v0 =	vld [tilespmem:s16+$0xFFFFFF80]  }
0x110: {  	v1 =	vld [tilespmem:s16+$0xFFFFFF90]  }
0x111: {  	v2 =	vld [tilespmem:s16+$0xFFFFFFA0]  }
0x112: {  	v3 =	vld [tilespmem:s16+$0xFFFFFFB0]  }
0x113: {  	v4 =	vld [tilespmem:s16+$0xFFFFFFC0]  }
0x114: {  	v5 =	vld [tilespmem:s16+$0xFFFFFFD0];
	v0 =	vmul.f32 $1.131370830e+01, v0  }
0x115: {  	v6 =	vld [tilespmem:s16+$0xFFFFFFE0];
	v1 =	vmul.f32 $1.131370830e+01, v1  }
0x116: {  	[tilespmem:s16+$0xFFFFFF80] =	vst v0;
	v0 =	vmul.f32 $1.131370830e+01, v2;
	v2 =	vld [tilespmem:s16+$0x0]  }
0x117: {  	[tilespmem:s16+$0xFFFFFF90] =	vst v1;
	v1 =	vmul.f32 $1.131370830e+01, v3;
	v3 =	vld [tilespmem:s16+$0x10]  }
0x118: {  	[tilespmem:s16+$0xFFFFFFA0] =	vst v0;
	v0 =	vmul.f32 $1.131370830e+01, v4;
	v4 =	vld [tilespmem:s16+$0x20]  }
0x119: {  	v7 =	vld [tilespmem:s16+$0x30];
	[tilespmem:s16+$0xFFFFFFB0] =	vst v1;
	v1 =	vmul.f32 $1.131370830e+01, v5  }
0x11a: {  	v5 =	vmul.f32 $1.131370830e+01, v6;
	[tilespmem:s16+$0xFFFFFFC0] =	vst v0;
	v0 =	vld [tilespmem:s16+$0x40]  }
0x11b: {  	[tilespmem:s16+$0xFFFFFFD0] =	vst v1;
	v1 =	vld [tilespmem:s16+$0x50];
	v2 =	vmul.f32 $1.131370830e+01, v2  }
0x11c: {  	[tilespmem:s16+$0xFFFFFFE0] =	vst v5;
	v6 =	vmul.f32 $1.131370830e+01, v3;
	v3 =	vld [tilespmem:s16+$0x60]  }
0x11d: {  	[tilespmem:s16+$0x0] =	vst v2;
	v5 =	vmul.f32 $1.131370830e+01, v4;
	v4 =	vld [tilespmem:s16+$0x70]  }
0x11e: {  	s18 =	simm.s32 $0x0;
	s6 =	simm.s32 $0x6580;
	v2 =	vld [tilespmem:s16+$0xFFFFFFF0];
	[tilespmem:s16+$0x10] =	vst v6;
	v6 =	vmul.f32 $1.131370830e+01, v7  }
.LBB2_13:
0x11f: {  	v7 =	vld [tilespmem:s6+$0xFFFFFF80];
	[tilespmem:s16+$0x20] =	vst v5;
	v0 =	vmul.f32 $1.131370830e+01, v0  }
0x120: {  	v5 =	vld [tilespmem:s6+$0xFFFFFF90];
	[tilespmem:s16+$0x30] =	vst v6;
	v1 =	vmul.f32 $1.131370830e+01, v1  }
0x121: {  	v6 =	vld [tilespmem:s6+$0xFFFFFFA0];
	[tilespmem:s16+$0x40] =	vst v0;
	v0 =	vmul.f32 $1.131370830e+01, v3  }
0x122: {  	v3 =	vld [tilespmem:s6+$0xFFFFFFB0];
	[tilespmem:s16+$0x50] =	vst v1;
	v1 =	vmul.f32 $1.131370830e+01, v4  }
0x123: {  	v4 =	vld [tilespmem:s6+$0xFFFFFFC0];
	v2 =	vmul.f32 $1.131370830e+01, v2;
	[tilespmem:s16+$0x60] =	vst v0  }
0x124: {  	v0 =	vmul.f32 $1.131370830e+01, v7;
	v7 =	vld [tilespmem:s6+$0xFFFFFFD0];
	[tilespmem:s16+$0x70] =	vst v1  }
0x125: {  	v1 =	vmul.f32 $1.131370830e+01, v5;
	v5 =	vld [tilespmem:s6+$0xFFFFFFE0];
	[tilespmem:s16+$0xFFFFFFF0] =	vst v2;
	s16 =	smov.u32 s6  }
0x126: {  	[tilespmem:s6+$0xFFFFFF80] =	vst v0;
	v0 =	vmul.f32 $1.131370830e+01, v6;
	v2 =	vld [tilespmem:s6+$0x0]  }
0x127: {  	[tilespmem:s6+$0xFFFFFF90] =	vst v1;
	v1 =	vmul.f32 $1.131370830e+01, v3;
	v3 =	vld [tilespmem:s6+$0x10]  }
0x128: {  	s18 =	sadd.s32 $0x2, s18;
	[tilespmem:s6+$0xFFFFFFA0] =	vst v0;
	v0 =	vmul.f32 $1.131370830e+01, v4;
	v4 =	vld [tilespmem:s6+$0x20]  }
0x129: {  	p0 =	slt.u32 s18, $0x7E;
	[tilespmem:s6+$0xFFFFFFB0] =	vst v1;
	v1 =	vmul.f32 $1.131370830e+01, v7;
	v6 =	vld [tilespmem:s6+$0x30]  }
.Ltmp5:
0x12a: {  	[tilespmem:s6+$0xFFFFFFC0] =	vst v0;
	v5 =	vmul.f32 $1.131370830e+01, v5;
	v0 =	vld [tilespmem:s6+$0x40];
	(pc) =	sbr.rel @p0 .LBB2_13-.Ltmp5, $4  }
0x12b: {  	[tilespmem:s6+$0xFFFFFFD0] =	vst v1;
	v2 =	vmul.f32 $1.131370830e+01, v2;
	v1 =	vld [tilespmem:s6+$0x50]  }
0x12c: {  	[tilespmem:s6+$0xFFFFFFE0] =	vst v5;
	v7 =	vmul.f32 $1.131370830e+01, v3;
	v3 =	vld [tilespmem:s6+$0x60]  }
0x12d: {  	[tilespmem:s6+$0x0] =	vst v2;
	v5 =	vmul.f32 $1.131370830e+01, v4;
	v4 =	vld [tilespmem:s6+$0x70]  }
0x12e: {  	s6 =	sadd.s32 $0x100, s6;
	v2 =	vld [tilespmem:s16+$0xFFFFFFF0];
	[tilespmem:s16+$0x10] =	vst v7;
	v6 =	vmul.f32 $1.131370830e+01, v6  }
0x12f: {  	[tilespmem:s16+$0x20] =	vst v5;
	v0 =	vmul.f32 $1.131370830e+01, v0  }
0x130: {  	[tilespmem:s16+$0x30] =	vst v6;
	v1 =	vmul.f32 $1.131370830e+01, v1  }
0x131: {  	[tilespmem:s16+$0x40] =	vst v0;
	v0 =	vmul.f32 $1.131370830e+01, v3  }
0x132: {  	[tilespmem:s16+$0x50] =	vst v1;
	v1 =	vmul.f32 $1.131370830e+01, v4  }
0x133: {  	s6 =	sadd.s32 s4, s17;
	v2 =	vmul.f32 $1.131370830e+01, v2;
	[tilespmem:s16+$0x60] =	vst v0  }
0x134: {  	s6 =	sshll.u32 s6, $0x4;
	[tilespmem:s16+$0x70] =	vst v1  }
0x135: {  	s6 =	sadd.s32 s3, s6;
	[tilespmem:s16+$0xFFFFFFF0] =	vst v2  }
0x136: {  	[hbm4b:s6+s5] =	stream.linear.scatter [tilespmem:s22], [sflag:$0x6], $0x4000, $0x38;
	[tilespmem:$0x1A400] =	vst v63  }
0x137: {  	_ =	swait.ge [sflag:s10], $0x4000  }
0x138: {  	[sflag:s10] =	ssyncset.done $0x0  }
0x139: {  	s16 =	sadd.s32 $0x200, s17;
	[sflag:s10] =	ssyncadd.s32 $0xFFFFC000  }
0x13a: {  	[tilespmem:s31], [sflag:$0x5] =	stream.indirect.gather [hbm4b:s2+s21], $0x80, s16, s21, $0xb8;
	[tilespmem:$0x1A400] =	vst v63  }
0x13b: {  	_ =	swait.ge [sflag:s1], $0x4000  }
0x13c: {  	[sflag:s1] =	ssyncset.done $0x0  }
0x13d: {  	s18 =	simm.s32 $0xA480;
	[sflag:s1] =	ssyncadd.s32 $0xFFFFC000  }
0x13e: {  	v0 =	vld [tilespmem:s18+$0xFFFFFF80]  }
0x13f: {  	v1 =	vld [tilespmem:s18+$0xFFFFFF90]  }
0x140: {  	v2 =	vld [tilespmem:s18+$0xFFFFFFA0]  }
0x141: {  	v3 =	vld [tilespmem:s18+$0xFFFFFFB0]  }
0x142: {  	v4 =	vld [tilespmem:s18+$0xFFFFFFC0]  }
0x143: {  	v5 =	vld [tilespmem:s18+$0xFFFFFFD0];
	v0 =	vmul.f32 $1.131370830e+01, v0  }
0x144: {  	v6 =	vld [tilespmem:s18+$0xFFFFFFE0];
	v1 =	vmul.f32 $1.131370830e+01, v1  }
0x145: {  	[tilespmem:s18+$0xFFFFFF80] =	vst v0;
	v0 =	vmul.f32 $1.131370830e+01, v2;
	v2 =	vld [tilespmem:s18+$0x0]  }
0x146: {  	[tilespmem:s18+$0xFFFFFF90] =	vst v1;
	v1 =	vmul.f32 $1.131370830e+01, v3;
	v3 =	vld [tilespmem:s18+$0x10]  }
0x147: {  	[tilespmem:s18+$0xFFFFFFA0] =	vst v0;
	v0 =	vmul.f32 $1.131370830e+01, v4;
	v4 =	vld [tilespmem:s18+$0x20]  }
0x148: {  	v7 =	vld [tilespmem:s18+$0x30];
	[tilespmem:s18+$0xFFFFFFB0] =	vst v1;
	v1 =	vmul.f32 $1.131370830e+01, v5  }
0x149: {  	v5 =	vmul.f32 $1.131370830e+01, v6;
	[tilespmem:s18+$0xFFFFFFC0] =	vst v0;
	v0 =	vld [tilespmem:s18+$0x40]  }
0x14a: {  	[tilespmem:s18+$0xFFFFFFD0] =	vst v1;
	v1 =	vld [tilespmem:s18+$0x50];
	v2 =	vmul.f32 $1.131370830e+01, v2  }
0x14b: {  	[tilespmem:s18+$0xFFFFFFE0] =	vst v5;
	v6 =	vmul.f32 $1.131370830e+01, v3;
	v3 =	vld [tilespmem:s18+$0x60]  }
0x14c: {  	[tilespmem:s18+$0x0] =	vst v2;
	v5 =	vmul.f32 $1.131370830e+01, v4;
	v4 =	vld [tilespmem:s18+$0x70]  }
0x14d: {  	s19 =	simm.s32 $0x0;
	s6 =	simm.s32 $0xA580;
	v2 =	vld [tilespmem:s18+$0xFFFFFFF0];
	[tilespmem:s18+$0x10] =	vst v6;
	v6 =	vmul.f32 $1.131370830e+01, v7  }
.LBB2_15:
0x14e: {  	v7 =	vld [tilespmem:s6+$0xFFFFFF80];
	[tilespmem:s18+$0x20] =	vst v5;
	v0 =	vmul.f32 $1.131370830e+01, v0  }
0x14f: {  	v5 =	vld [tilespmem:s6+$0xFFFFFF90];
	[tilespmem:s18+$0x30] =	vst v6;
	v1 =	vmul.f32 $1.131370830e+01, v1  }
0x150: {  	v6 =	vld [tilespmem:s6+$0xFFFFFFA0];
	[tilespmem:s18+$0x40] =	vst v0;
	v0 =	vmul.f32 $1.131370830e+01, v3  }
0x151: {  	v3 =	vld [tilespmem:s6+$0xFFFFFFB0];
	[tilespmem:s18+$0x50] =	vst v1;
	v1 =	vmul.f32 $1.131370830e+01, v4  }
0x152: {  	v4 =	vld [tilespmem:s6+$0xFFFFFFC0];
	v2 =	vmul.f32 $1.131370830e+01, v2;
	[tilespmem:s18+$0x60] =	vst v0  }
0x153: {  	v0 =	vmul.f32 $1.131370830e+01, v7;
	v7 =	vld [tilespmem:s6+$0xFFFFFFD0];
	[tilespmem:s18+$0x70] =	vst v1  }
0x154: {  	v1 =	vmul.f32 $1.131370830e+01, v5;
	v5 =	vld [tilespmem:s6+$0xFFFFFFE0];
	[tilespmem:s18+$0xFFFFFFF0] =	vst v2;
	s18 =	smov.u32 s6  }
0x155: {  	[tilespmem:s6+$0xFFFFFF80] =	vst v0;
	v0 =	vmul.f32 $1.131370830e+01, v6;
	v2 =	vld [tilespmem:s6+$0x0]  }
0x156: {  	[tilespmem:s6+$0xFFFFFF90] =	vst v1;
	v1 =	vmul.f32 $1.131370830e+01, v3;
	v3 =	vld [tilespmem:s6+$0x10]  }
0x157: {  	s19 =	sadd.s32 $0x2, s19;
	[tilespmem:s6+$0xFFFFFFA0] =	vst v0;
	v0 =	vmul.f32 $1.131370830e+01, v4;
	v4 =	vld [tilespmem:s6+$0x20]  }
0x158: {  	p0 =	slt.u32 s19, $0x7E;
	[tilespmem:s6+$0xFFFFFFB0] =	vst v1;
	v1 =	vmul.f32 $1.131370830e+01, v7;
	v6 =	vld [tilespmem:s6+$0x30]  }
.Ltmp6:
0x159: {  	[tilespmem:s6+$0xFFFFFFC0] =	vst v0;
	v5 =	vmul.f32 $1.131370830e+01, v5;
	v0 =	vld [tilespmem:s6+$0x40];
	(pc) =	sbr.rel @p0 .LBB2_15-.Ltmp6, $4  }
0x15a: {  	[tilespmem:s6+$0xFFFFFFD0] =	vst v1;
	v2 =	vmul.f32 $1.131370830e+01, v2;
	v1 =	vld [tilespmem:s6+$0x50]  }
0x15b: {  	[tilespmem:s6+$0xFFFFFFE0] =	vst v5;
	v7 =	vmul.f32 $1.131370830e+01, v3;
	v3 =	vld [tilespmem:s6+$0x60]  }
0x15c: {  	[tilespmem:s6+$0x0] =	vst v2;
	v5 =	vmul.f32 $1.131370830e+01, v4;
	v4 =	vld [tilespmem:s6+$0x70]  }
0x15d: {  	s6 =	sadd.s32 $0x100, s6;
	v2 =	vld [tilespmem:s18+$0xFFFFFFF0];
	[tilespmem:s18+$0x10] =	vst v7;
	v6 =	vmul.f32 $1.131370830e+01, v6  }
0x15e: {  	[tilespmem:s18+$0x20] =	vst v5;
	v0 =	vmul.f32 $1.131370830e+01, v0  }
0x15f: {  	[tilespmem:s18+$0x30] =	vst v6;
	v1 =	vmul.f32 $1.131370830e+01, v1  }
0x160: {  	[tilespmem:s18+$0x40] =	vst v0;
	v0 =	vmul.f32 $1.131370830e+01, v3  }
0x161: {  	[tilespmem:s18+$0x50] =	vst v1;
	v1 =	vmul.f32 $1.131370830e+01, v4  }
0x162: {  	s6 =	sadd.s32 s17, s12;
	v2 =	vmul.f32 $1.131370830e+01, v2;
	[tilespmem:s18+$0x60] =	vst v0  }
0x163: {  	s6 =	sshll.u32 s6, $0x4;
	[tilespmem:s18+$0x70] =	vst v1  }
0x164: {  	s20 =	smul.u32 $0xA00, s14;
	s6 =	sadd.s32 s3, s6;
	[tilespmem:s18+$0xFFFFFFF0] =	vst v2  }
0x165: {  	[hbm4b:s6+s5] =	stream.linear.scatter [tilespmem:s23], [sflag:$0x7], $0x4000, $0x38;
	[tilespmem:$0x1A400] =	vst v63  }
0x166: {  	_ =	swait.ge [sflag:s0], $0x4000  }
0x167: {  	s18 =	sshra.s32 s20, $0x2;
	[sflag:s0] =	ssyncset.done $0x0  }
0x168: {  	s6 =	sadd.s32 $0x280, s18;
	[sflag:s0] =	ssyncadd.s32 $0xFFFFC000  }
0x169: {  	[tilespmem:s22], [sflag:$0x1] =	stream.indirect.gather [hbm4b:s2+s21], $0x80, s6, s21, $0xb8;
	[tilespmem:$0x1A400] =	vst v63  }
0x16a: {  	_ =	swait.ge [sflag:s26], $0x4000  }
0x16b: {  	[sflag:s26] =	ssyncset.done $0x0  }
0x16c: {  	s19 =	simm.s32 $0xE480;
	[sflag:s26] =	ssyncadd.s32 $0xFFFFC000  }
0x16d: {  	v0 =	vld [tilespmem:s19+$0xFFFFFF80]  }
0x16e: {  	v1 =	vld [tilespmem:s19+$0xFFFFFF90]  }
0x16f: {  	v2 =	vld [tilespmem:s19+$0xFFFFFFA0]  }
0x170: {  	v3 =	vld [tilespmem:s19+$0xFFFFFFB0]  }
0x171: {  	v4 =	vld [tilespmem:s19+$0xFFFFFFC0]  }
0x172: {  	v5 =	vld [tilespmem:s19+$0xFFFFFFD0];
	v0 =	vmul.f32 $1.131370830e+01, v0  }
0x173: {  	v6 =	vld [tilespmem:s19+$0xFFFFFFE0];
	v1 =	vmul.f32 $1.131370830e+01, v1  }
0x174: {  	[tilespmem:s19+$0xFFFFFF80] =	vst v0;
	v0 =	vmul.f32 $1.131370830e+01, v2;
	v2 =	vld [tilespmem:s19+$0x0]  }
0x175: {  	[tilespmem:s19+$0xFFFFFF90] =	vst v1;
	v1 =	vmul.f32 $1.131370830e+01, v3;
	v3 =	vld [tilespmem:s19+$0x10]  }
0x176: {  	[tilespmem:s19+$0xFFFFFFA0] =	vst v0;
	v0 =	vmul.f32 $1.131370830e+01, v4;
	v4 =	vld [tilespmem:s19+$0x20]  }
0x177: {  	v7 =	vld [tilespmem:s19+$0x30];
	[tilespmem:s19+$0xFFFFFFB0] =	vst v1;
	v1 =	vmul.f32 $1.131370830e+01, v5  }
0x178: {  	v5 =	vmul.f32 $1.131370830e+01, v6;
	[tilespmem:s19+$0xFFFFFFC0] =	vst v0;
	v0 =	vld [tilespmem:s19+$0x40]  }
0x179: {  	[tilespmem:s19+$0xFFFFFFD0] =	vst v1;
	v1 =	vld [tilespmem:s19+$0x50];
	v2 =	vmul.f32 $1.131370830e+01, v2  }
0x17a: {  	[tilespmem:s19+$0xFFFFFFE0] =	vst v5;
	v6 =	vmul.f32 $1.131370830e+01, v3;
	v3 =	vld [tilespmem:s19+$0x60]  }
0x17b: {  	[tilespmem:s19+$0x0] =	vst v2;
	v5 =	vmul.f32 $1.131370830e+01, v4;
	v4 =	vld [tilespmem:s19+$0x70]  }
0x17c: {  	s20 =	simm.s32 $0xE580;
	s6 =	simm.s32 $0x0;
	v2 =	vld [tilespmem:s19+$0xFFFFFFF0];
	[tilespmem:s19+$0x10] =	vst v6;
	v6 =	vmul.f32 $1.131370830e+01, v7  }
.LBB2_17:
0x17d: {  	v7 =	vld [tilespmem:s20+$0xFFFFFF80];
	[tilespmem:s19+$0x20] =	vst v5;
	v0 =	vmul.f32 $1.131370830e+01, v0  }
0x17e: {  	v5 =	vld [tilespmem:s20+$0xFFFFFF90];
	[tilespmem:s19+$0x30] =	vst v6;
	v1 =	vmul.f32 $1.131370830e+01, v1  }
0x17f: {  	v6 =	vld [tilespmem:s20+$0xFFFFFFA0];
	[tilespmem:s19+$0x40] =	vst v0;
	v0 =	vmul.f32 $1.131370830e+01, v3  }
0x180: {  	v3 =	vld [tilespmem:s20+$0xFFFFFFB0];
	[tilespmem:s19+$0x50] =	vst v1;
	v1 =	vmul.f32 $1.131370830e+01, v4  }
0x181: {  	v4 =	vld [tilespmem:s20+$0xFFFFFFC0];
	v2 =	vmul.f32 $1.131370830e+01, v2;
	[tilespmem:s19+$0x60] =	vst v0  }
0x182: {  	v0 =	vmul.f32 $1.131370830e+01, v7;
	v7 =	vld [tilespmem:s20+$0xFFFFFFD0];
	[tilespmem:s19+$0x70] =	vst v1  }
0x183: {  	v1 =	vmul.f32 $1.131370830e+01, v5;
	v5 =	vld [tilespmem:s20+$0xFFFFFFE0];
	[tilespmem:s19+$0xFFFFFFF0] =	vst v2;
	s19 =	smov.u32 s20  }
0x184: {  	[tilespmem:s20+$0xFFFFFF80] =	vst v0;
	v0 =	vmul.f32 $1.131370830e+01, v6;
	v2 =	vld [tilespmem:s20+$0x0]  }
0x185: {  	[tilespmem:s20+$0xFFFFFF90] =	vst v1;
	v1 =	vmul.f32 $1.131370830e+01, v3;
	v3 =	vld [tilespmem:s20+$0x10]  }
0x186: {  	s6 =	sadd.s32 $0x2, s6;
	[tilespmem:s20+$0xFFFFFFA0] =	vst v0;
	v0 =	vmul.f32 $1.131370830e+01, v4;
	v4 =	vld [tilespmem:s20+$0x20]  }
0x187: {  	p0 =	slt.u32 s6, $0x7E;
	[tilespmem:s20+$0xFFFFFFB0] =	vst v1;
	v1 =	vmul.f32 $1.131370830e+01, v7;
	v6 =	vld [tilespmem:s20+$0x30]  }
.Ltmp7:
0x188: {  	[tilespmem:s20+$0xFFFFFFC0] =	vst v0;
	v5 =	vmul.f32 $1.131370830e+01, v5;
	v0 =	vld [tilespmem:s20+$0x40];
	(pc) =	sbr.rel @p0 .LBB2_17-.Ltmp7, $4  }
0x189: {  	[tilespmem:s20+$0xFFFFFFD0] =	vst v1;
	v2 =	vmul.f32 $1.131370830e+01, v2;
	v1 =	vld [tilespmem:s20+$0x50]  }
0x18a: {  	[tilespmem:s20+$0xFFFFFFE0] =	vst v5;
	v7 =	vmul.f32 $1.131370830e+01, v3;
	v3 =	vld [tilespmem:s20+$0x60]  }
0x18b: {  	[tilespmem:s20+$0x0] =	vst v2;
	v5 =	vmul.f32 $1.131370830e+01, v4;
	v4 =	vld [tilespmem:s20+$0x70]  }
0x18c: {  	s20 =	sadd.s32 $0x100, s20;
	v2 =	vld [tilespmem:s19+$0xFFFFFFF0];
	[tilespmem:s19+$0x10] =	vst v7;
	v6 =	vmul.f32 $1.131370830e+01, v6  }
0x18d: {  	[tilespmem:s19+$0x20] =	vst v5;
	v0 =	vmul.f32 $1.131370830e+01, v0  }
0x18e: {  	[tilespmem:s19+$0x30] =	vst v6;
	v1 =	vmul.f32 $1.131370830e+01, v1  }
0x18f: {  	[tilespmem:s19+$0x40] =	vst v0;
	v0 =	vmul.f32 $1.131370830e+01, v3  }
0x190: {  	[tilespmem:s19+$0x50] =	vst v1;
	v1 =	vmul.f32 $1.131370830e+01, v4  }
0x191: {  	s6 =	sadd.s32 s17, s13;
	v2 =	vmul.f32 $1.131370830e+01, v2;
	[tilespmem:s19+$0x60] =	vst v0  }
0x192: {  	s6 =	sshll.u32 s6, $0x4;
	[tilespmem:s19+$0x70] =	vst v1  }
0x193: {  	s6 =	sadd.s32 s3, s6;
	[tilespmem:s19+$0xFFFFFFF0] =	vst v2  }
0x194: {  	[hbm4b:s6+s5] =	stream.linear.scatter [tilespmem:s25], [sflag:$0x8], $0x4000, $0x38;
	[tilespmem:$0x1A400] =	vst v63  }
0x195: {  	_ =	swait.ge [sflag:s30], $0x4000  }
0x196: {  	[sflag:s30] =	ssyncset.done $0x0  }
0x197: {  	s20 =	sadd.s32 $0x300, s18;
	[sflag:s30] =	ssyncadd.s32 $0xFFFFC000  }
0x198: {  	[tilespmem:s23], [sflag:$0x2] =	stream.indirect.gather [hbm4b:s2+s21], $0x80, s20, s21, $0xb8;
	[tilespmem:$0x1A400] =	vst v63  }
0x199: {  	_ =	swait.ge [sflag:s24], $0x4000  }
0x19a: {  	[sflag:s24] =	ssyncset.done $0x0  }
0x19b: {  	s17 =	simm.s32 $0x12480;
	[sflag:s24] =	ssyncadd.s32 $0xFFFFC000  }
0x19c: {  	v0 =	vld [tilespmem:s17+$0xFFFFFF80]  }
0x19d: {  	v1 =	vld [tilespmem:s17+$0xFFFFFF90]  }
0x19e: {  	v2 =	vld [tilespmem:s17+$0xFFFFFFA0]  }
0x19f: {  	v3 =	vld [tilespmem:s17+$0xFFFFFFB0]  }
0x1a0: {  	v4 =	vld [tilespmem:s17+$0xFFFFFFC0]  }
0x1a1: {  	v5 =	vld [tilespmem:s17+$0xFFFFFFD0];
	v0 =	vmul.f32 $1.131370830e+01, v0  }
0x1a2: {  	v6 =	vld [tilespmem:s17+$0xFFFFFFE0];
	v1 =	vmul.f32 $1.131370830e+01, v1  }
0x1a3: {  	[tilespmem:s17+$0xFFFFFF80] =	vst v0;
	v0 =	vmul.f32 $1.131370830e+01, v2;
	v2 =	vld [tilespmem:s17+$0x0]  }
0x1a4: {  	[tilespmem:s17+$0xFFFFFF90] =	vst v1;
	v1 =	vmul.f32 $1.131370830e+01, v3;
	v3 =	vld [tilespmem:s17+$0x10]  }
0x1a5: {  	[tilespmem:s17+$0xFFFFFFA0] =	vst v0;
	v0 =	vmul.f32 $1.131370830e+01, v4;
	v4 =	vld [tilespmem:s17+$0x20]  }
0x1a6: {  	v7 =	vld [tilespmem:s17+$0x30];
	[tilespmem:s17+$0xFFFFFFB0] =	vst v1;
	v1 =	vmul.f32 $1.131370830e+01, v5  }
0x1a7: {  	v5 =	vmul.f32 $1.131370830e+01, v6;
	[tilespmem:s17+$0xFFFFFFC0] =	vst v0;
	v0 =	vld [tilespmem:s17+$0x40]  }
0x1a8: {  	[tilespmem:s17+$0xFFFFFFD0] =	vst v1;
	v1 =	vld [tilespmem:s17+$0x50];
	v2 =	vmul.f32 $1.131370830e+01, v2  }
0x1a9: {  	[tilespmem:s17+$0xFFFFFFE0] =	vst v5;
	v6 =	vmul.f32 $1.131370830e+01, v3;
	v3 =	vld [tilespmem:s17+$0x60]  }
0x1aa: {  	[tilespmem:s17+$0x0] =	vst v2;
	v5 =	vmul.f32 $1.131370830e+01, v4;
	v4 =	vld [tilespmem:s17+$0x70]  }
0x1ab: {  	s19 =	simm.s32 $0x12580;
	s6 =	simm.s32 $0x0;
	v2 =	vld [tilespmem:s17+$0xFFFFFFF0];
	[tilespmem:s17+$0x10] =	vst v6;
	v6 =	vmul.f32 $1.131370830e+01, v7  }
.LBB2_19:
0x1ac: {  	v7 =	vld [tilespmem:s19+$0xFFFFFF80];
	[tilespmem:s17+$0x20] =	vst v5;
	v0 =	vmul.f32 $1.131370830e+01, v0  }
0x1ad: {  	v5 =	vld [tilespmem:s19+$0xFFFFFF90];
	[tilespmem:s17+$0x30] =	vst v6;
	v1 =	vmul.f32 $1.131370830e+01, v1  }
0x1ae: {  	v6 =	vld [tilespmem:s19+$0xFFFFFFA0];
	[tilespmem:s17+$0x40] =	vst v0;
	v0 =	vmul.f32 $1.131370830e+01, v3  }
0x1af: {  	v3 =	vld [tilespmem:s19+$0xFFFFFFB0];
	[tilespmem:s17+$0x50] =	vst v1;
	v1 =	vmul.f32 $1.131370830e+01, v4  }
0x1b0: {  	v4 =	vld [tilespmem:s19+$0xFFFFFFC0];
	v2 =	vmul.f32 $1.131370830e+01, v2;
	[tilespmem:s17+$0x60] =	vst v0  }
0x1b1: {  	v0 =	vmul.f32 $1.131370830e+01, v7;
	v7 =	vld [tilespmem:s19+$0xFFFFFFD0];
	[tilespmem:s17+$0x70] =	vst v1  }
0x1b2: {  	v1 =	vmul.f32 $1.131370830e+01, v5;
	v5 =	vld [tilespmem:s19+$0xFFFFFFE0];
	[tilespmem:s17+$0xFFFFFFF0] =	vst v2;
	s17 =	smov.u32 s19  }
0x1b3: {  	[tilespmem:s19+$0xFFFFFF80] =	vst v0;
	v0 =	vmul.f32 $1.131370830e+01, v6;
	v2 =	vld [tilespmem:s19+$0x0]  }
0x1b4: {  	[tilespmem:s19+$0xFFFFFF90] =	vst v1;
	v1 =	vmul.f32 $1.131370830e+01, v3;
	v3 =	vld [tilespmem:s19+$0x10]  }
0x1b5: {  	s6 =	sadd.s32 $0x2, s6;
	[tilespmem:s19+$0xFFFFFFA0] =	vst v0;
	v0 =	vmul.f32 $1.131370830e+01, v4;
	v4 =	vld [tilespmem:s19+$0x20]  }
0x1b6: {  	p0 =	slt.u32 s6, $0x7E;
	[tilespmem:s19+$0xFFFFFFB0] =	vst v1;
	v1 =	vmul.f32 $1.131370830e+01, v7;
	v6 =	vld [tilespmem:s19+$0x30]  }
.Ltmp8:
0x1b7: {  	[tilespmem:s19+$0xFFFFFFC0] =	vst v0;
	v5 =	vmul.f32 $1.131370830e+01, v5;
	v0 =	vld [tilespmem:s19+$0x40];
	(pc) =	sbr.rel @p0 .LBB2_19-.Ltmp8, $4  }
0x1b8: {  	[tilespmem:s19+$0xFFFFFFD0] =	vst v1;
	v2 =	vmul.f32 $1.131370830e+01, v2;
	v1 =	vld [tilespmem:s19+$0x50]  }
0x1b9: {  	[tilespmem:s19+$0xFFFFFFE0] =	vst v5;
	v7 =	vmul.f32 $1.131370830e+01, v3;
	v3 =	vld [tilespmem:s19+$0x60]  }
0x1ba: {  	[tilespmem:s19+$0x0] =	vst v2;
	v5 =	vmul.f32 $1.131370830e+01, v4;
	v4 =	vld [tilespmem:s19+$0x70]  }
0x1bb: {  	s19 =	sadd.s32 $0x100, s19;
	v2 =	vld [tilespmem:s17+$0xFFFFFFF0];
	[tilespmem:s17+$0x10] =	vst v7;
	v6 =	vmul.f32 $1.131370830e+01, v6  }
0x1bc: {  	[tilespmem:s17+$0x20] =	vst v5;
	v0 =	vmul.f32 $1.131370830e+01, v0  }
0x1bd: {  	[tilespmem:s17+$0x30] =	vst v6;
	v1 =	vmul.f32 $1.131370830e+01, v1  }
0x1be: {  	[tilespmem:s17+$0x40] =	vst v0;
	v0 =	vmul.f32 $1.131370830e+01, v3  }
0x1bf: {  	[tilespmem:s17+$0x50] =	vst v1;
	v1 =	vmul.f32 $1.131370830e+01, v4  }
0x1c0: {  	s6 =	sadd.s32 s4, s15;
	v2 =	vmul.f32 $1.131370830e+01, v2;
	[tilespmem:s17+$0x60] =	vst v0  }
0x1c1: {  	s6 =	sshll.u32 s6, $0x4;
	[tilespmem:s17+$0x70] =	vst v1  }
0x1c2: {  	s6 =	sadd.s32 s3, s6;
	[tilespmem:s17+$0xFFFFFFF0] =	vst v2  }
0x1c3: {  	[hbm4b:s6+s5] =	stream.linear.scatter [tilespmem:s28], [sflag:$0x9], $0x4000, $0x38;
	[tilespmem:$0x1A400] =	vst v63  }
0x1c4: {  	_ =	swait.ge [sflag:s7], $0x4000  }
0x1c5: {  	[sflag:s7] =	ssyncset.done $0x0  }
0x1c6: {  	s20 =	sadd.s32 $0x380, s18;
	[sflag:s7] =	ssyncadd.s32 $0xFFFFC000  }
0x1c7: {  	[tilespmem:s25], [sflag:$0x3] =	stream.indirect.gather [hbm4b:s2+s21], $0x80, s20, s21, $0xb8;
	[tilespmem:$0x1A400] =	vst v63  }
0x1c8: {  	_ =	swait.ge [sflag:s8], $0x4000  }
0x1c9: {  	[sflag:s8] =	ssyncset.done $0x0  }
0x1ca: {  	s15 =	simm.s32 $0x16480;
	[sflag:s8] =	ssyncadd.s32 $0xFFFFC000  }
0x1cb: {  	v0 =	vld [tilespmem:s15+$0xFFFFFF80]  }
0x1cc: {  	v1 =	vld [tilespmem:s15+$0xFFFFFF90]  }
0x1cd: {  	v2 =	vld [tilespmem:s15+$0xFFFFFFA0]  }
0x1ce: {  	v3 =	vld [tilespmem:s15+$0xFFFFFFB0]  }
0x1cf: {  	v4 =	vld [tilespmem:s15+$0xFFFFFFC0]  }
0x1d0: {  	v5 =	vld [tilespmem:s15+$0xFFFFFFD0];
	v0 =	vmul.f32 $1.131370830e+01, v0  }
0x1d1: {  	v6 =	vld [tilespmem:s15+$0xFFFFFFE0];
	v1 =	vmul.f32 $1.131370830e+01, v1  }
0x1d2: {  	[tilespmem:s15+$0xFFFFFF80] =	vst v0;
	v0 =	vmul.f32 $1.131370830e+01, v2;
	v2 =	vld [tilespmem:s15+$0x0]  }
0x1d3: {  	[tilespmem:s15+$0xFFFFFF90] =	vst v1;
	v1 =	vmul.f32 $1.131370830e+01, v3;
	v3 =	vld [tilespmem:s15+$0x10]  }
0x1d4: {  	[tilespmem:s15+$0xFFFFFFA0] =	vst v0;
	v0 =	vmul.f32 $1.131370830e+01, v4;
	v4 =	vld [tilespmem:s15+$0x20]  }
0x1d5: {  	v7 =	vld [tilespmem:s15+$0x30];
	[tilespmem:s15+$0xFFFFFFB0] =	vst v1;
	v1 =	vmul.f32 $1.131370830e+01, v5  }
0x1d6: {  	v5 =	vmul.f32 $1.131370830e+01, v6;
	[tilespmem:s15+$0xFFFFFFC0] =	vst v0;
	v0 =	vld [tilespmem:s15+$0x40]  }
0x1d7: {  	[tilespmem:s15+$0xFFFFFFD0] =	vst v1;
	v1 =	vld [tilespmem:s15+$0x50];
	v2 =	vmul.f32 $1.131370830e+01, v2  }
0x1d8: {  	[tilespmem:s15+$0xFFFFFFE0] =	vst v5;
	v6 =	vmul.f32 $1.131370830e+01, v3;
	v3 =	vld [tilespmem:s15+$0x60]  }
0x1d9: {  	[tilespmem:s15+$0x0] =	vst v2;
	v5 =	vmul.f32 $1.131370830e+01, v4;
	v4 =	vld [tilespmem:s15+$0x70]  }
0x1da: {  	s17 =	simm.s32 $0x16580;
	s6 =	simm.s32 $0x0;
	v2 =	vld [tilespmem:s15+$0xFFFFFFF0];
	[tilespmem:s15+$0x10] =	vst v6;
	v6 =	vmul.f32 $1.131370830e+01, v7  }
.LBB2_21:
0x1db: {  	v7 =	vld [tilespmem:s17+$0xFFFFFF80];
	[tilespmem:s15+$0x20] =	vst v5;
	v0 =	vmul.f32 $1.131370830e+01, v0  }
0x1dc: {  	v5 =	vld [tilespmem:s17+$0xFFFFFF90];
	[tilespmem:s15+$0x30] =	vst v6;
	v1 =	vmul.f32 $1.131370830e+01, v1  }
0x1dd: {  	v6 =	vld [tilespmem:s17+$0xFFFFFFA0];
	[tilespmem:s15+$0x40] =	vst v0;
	v0 =	vmul.f32 $1.131370830e+01, v3  }
0x1de: {  	v3 =	vld [tilespmem:s17+$0xFFFFFFB0];
	[tilespmem:s15+$0x50] =	vst v1;
	v1 =	vmul.f32 $1.131370830e+01, v4  }
0x1df: {  	v4 =	vld [tilespmem:s17+$0xFFFFFFC0];
	v2 =	vmul.f32 $1.131370830e+01, v2;
	[tilespmem:s15+$0x60] =	vst v0  }
0x1e0: {  	v0 =	vmul.f32 $1.131370830e+01, v7;
	v7 =	vld [tilespmem:s17+$0xFFFFFFD0];
	[tilespmem:s15+$0x70] =	vst v1  }
0x1e1: {  	v1 =	vmul.f32 $1.131370830e+01, v5;
	v5 =	vld [tilespmem:s17+$0xFFFFFFE0];
	[tilespmem:s15+$0xFFFFFFF0] =	vst v2;
	s15 =	smov.u32 s17  }
0x1e2: {  	[tilespmem:s17+$0xFFFFFF80] =	vst v0;
	v0 =	vmul.f32 $1.131370830e+01, v6;
	v2 =	vld [tilespmem:s17+$0x0]  }
0x1e3: {  	[tilespmem:s17+$0xFFFFFF90] =	vst v1;
	v1 =	vmul.f32 $1.131370830e+01, v3;
	v3 =	vld [tilespmem:s17+$0x10]  }
0x1e4: {  	s6 =	sadd.s32 $0x2, s6;
	[tilespmem:s17+$0xFFFFFFA0] =	vst v0;
	v0 =	vmul.f32 $1.131370830e+01, v4;
	v4 =	vld [tilespmem:s17+$0x20]  }
0x1e5: {  	p0 =	slt.u32 s6, $0x7E;
	[tilespmem:s17+$0xFFFFFFB0] =	vst v1;
	v1 =	vmul.f32 $1.131370830e+01, v7;
	v6 =	vld [tilespmem:s17+$0x30]  }
.Ltmp9:
0x1e6: {  	[tilespmem:s17+$0xFFFFFFC0] =	vst v0;
	v5 =	vmul.f32 $1.131370830e+01, v5;
	v0 =	vld [tilespmem:s17+$0x40];
	(pc) =	sbr.rel @p0 .LBB2_21-.Ltmp9, $4  }
0x1e7: {  	[tilespmem:s17+$0xFFFFFFD0] =	vst v1;
	v2 =	vmul.f32 $1.131370830e+01, v2;
	v1 =	vld [tilespmem:s17+$0x50]  }
0x1e8: {  	[tilespmem:s17+$0xFFFFFFE0] =	vst v5;
	v7 =	vmul.f32 $1.131370830e+01, v3;
	v3 =	vld [tilespmem:s17+$0x60]  }
0x1e9: {  	[tilespmem:s17+$0x0] =	vst v2;
	v5 =	vmul.f32 $1.131370830e+01, v4;
	v4 =	vld [tilespmem:s17+$0x70]  }
0x1ea: {  	s17 =	sadd.s32 $0x100, s17;
	v2 =	vld [tilespmem:s15+$0xFFFFFFF0];
	[tilespmem:s15+$0x10] =	vst v7;
	v6 =	vmul.f32 $1.131370830e+01, v6  }
0x1eb: {  	[tilespmem:s15+$0x20] =	vst v5;
	v0 =	vmul.f32 $1.131370830e+01, v0  }
0x1ec: {  	s14 =	sadd.s32 $0x1, s14;
	[tilespmem:s15+$0x30] =	vst v6;
	v1 =	vmul.f32 $1.131370830e+01, v1  }
0x1ed: {  	p0 =	sne.s32 s14, $0x27;
	[tilespmem:s15+$0x40] =	vst v0;
	v62 =	vmul.f32 $1.131370830e+01, v3  }
.Ltmp10:
0x1ee: {  	[tilespmem:s15+$0x50] =	vst v1;
	v63 =	vmul.f32 $1.131370830e+01, v4;
	(pc) =	sbr.rel @p0 .LBB2_12-.Ltmp10, $4  }
0x1ef: {  	s6 =	sadd.s32 s4, s16;
	v2 =	vmul.f32 $1.131370830e+01, v2;
	[tilespmem:s15+$0x60] =	vst v62  }
0x1f0: {  	s6 =	sshll.u32 s6, $0x4;
	[tilespmem:s15+$0x70] =	vst v63  }
0x1f1: {  	s6 =	sadd.s32 s3, s6;
	[tilespmem:s15+$0xFFFFFFF0] =	vst v2  }
0x1f2: {  	[hbm4b:s6+s5] =	stream.linear.scatter [tilespmem:s31], [sflag:$0xA], $0x4000, $0x38;
	[tilespmem:$0x1A400] =	vst v63  }
0x1f3: {  	_ =	swait.ge [sflag:s9], $0x4000  }
0x1f4: {  	[sflag:s9] =	ssyncset.done $0x0  }
0x1f5: {  	s6 =	simm.s32 $0x6300;
	[sflag:s9] =	ssyncadd.s32 $0xFFFFC000  }
0x1f6: {  	[tilespmem:s28], [sflag:$0x4] =	stream.indirect.gather [hbm4b:s2+s21], $0x80, s6, s21, $0xb8;
	[tilespmem:$0x1A400] =	vst v63  }
0x1f7: {  	_ =	swait.ge [sflag:s29], $0x4000  }
0x1f8: {  	[sflag:s29] =	ssyncset.done $0x0  }
0x1f9: {  	s14 =	simm.s32 $0x6480;
	[sflag:s29] =	ssyncadd.s32 $0xFFFFC000  }
0x1fa: {  	v0 =	vld [tilespmem:s14+$0xFFFFFF80]  }
0x1fb: {  	v1 =	vld [tilespmem:s14+$0xFFFFFF90]  }
0x1fc: {  	v2 =	vld [tilespmem:s14+$0xFFFFFFA0]  }
0x1fd: {  	v3 =	vld [tilespmem:s14+$0xFFFFFFB0]  }
0x1fe: {  	v4 =	vld [tilespmem:s14+$0xFFFFFFC0]  }
0x1ff: {  	v5 =	vld [tilespmem:s14+$0xFFFFFFD0];
	v0 =	vmul.f32 $1.131370830e+01, v0  }
0x200: {  	v6 =	vld [tilespmem:s14+$0xFFFFFFE0];
	v1 =	vmul.f32 $1.131370830e+01, v1  }
0x201: {  	[tilespmem:s14+$0xFFFFFF80] =	vst v0;
	v0 =	vmul.f32 $1.131370830e+01, v2;
	v2 =	vld [tilespmem:s14+$0x0]  }
0x202: {  	[tilespmem:s14+$0xFFFFFF90] =	vst v1;
	v1 =	vmul.f32 $1.131370830e+01, v3;
	v3 =	vld [tilespmem:s14+$0x10]  }
0x203: {  	[tilespmem:s14+$0xFFFFFFA0] =	vst v0;
	v0 =	vmul.f32 $1.131370830e+01, v4;
	v4 =	vld [tilespmem:s14+$0x20]  }
0x204: {  	v7 =	vld [tilespmem:s14+$0x30];
	[tilespmem:s14+$0xFFFFFFB0] =	vst v1;
	v1 =	vmul.f32 $1.131370830e+01, v5  }
0x205: {  	v5 =	vmul.f32 $1.131370830e+01, v6;
	[tilespmem:s14+$0xFFFFFFC0] =	vst v0;
	v0 =	vld [tilespmem:s14+$0x40]  }
0x206: {  	[tilespmem:s14+$0xFFFFFFD0] =	vst v1;
	v1 =	vld [tilespmem:s14+$0x50];
	v2 =	vmul.f32 $1.131370830e+01, v2  }
0x207: {  	[tilespmem:s14+$0xFFFFFFE0] =	vst v5;
	v6 =	vmul.f32 $1.131370830e+01, v3;
	v3 =	vld [tilespmem:s14+$0x60]  }
0x208: {  	[tilespmem:s14+$0x0] =	vst v2;
	v5 =	vmul.f32 $1.131370830e+01, v4;
	v4 =	vld [tilespmem:s14+$0x70]  }
0x209: {  	s15 =	simm.s32 $0x6580;
	s6 =	simm.s32 $0x0;
	v2 =	vld [tilespmem:s14+$0xFFFFFFF0];
	[tilespmem:s14+$0x10] =	vst v6;
	v6 =	vmul.f32 $1.131370830e+01, v7  }
.LBB2_24:
0x20a: {  	v7 =	vld [tilespmem:s15+$0xFFFFFF80];
	[tilespmem:s14+$0x20] =	vst v5;
	v0 =	vmul.f32 $1.131370830e+01, v0  }
0x20b: {  	v5 =	vld [tilespmem:s15+$0xFFFFFF90];
	[tilespmem:s14+$0x30] =	vst v6;
	v1 =	vmul.f32 $1.131370830e+01, v1  }
0x20c: {  	v6 =	vld [tilespmem:s15+$0xFFFFFFA0];
	[tilespmem:s14+$0x40] =	vst v0;
	v0 =	vmul.f32 $1.131370830e+01, v3  }
0x20d: {  	v3 =	vld [tilespmem:s15+$0xFFFFFFB0];
	[tilespmem:s14+$0x50] =	vst v1;
	v1 =	vmul.f32 $1.131370830e+01, v4  }
0x20e: {  	v4 =	vld [tilespmem:s15+$0xFFFFFFC0];
	v2 =	vmul.f32 $1.131370830e+01, v2;
	[tilespmem:s14+$0x60] =	vst v0  }
0x20f: {  	v0 =	vmul.f32 $1.131370830e+01, v7;
	v7 =	vld [tilespmem:s15+$0xFFFFFFD0];
	[tilespmem:s14+$0x70] =	vst v1  }
0x210: {  	v1 =	vmul.f32 $1.131370830e+01, v5;
	v5 =	vld [tilespmem:s15+$0xFFFFFFE0];
	[tilespmem:s14+$0xFFFFFFF0] =	vst v2;
	s14 =	smov.u32 s15  }
0x211: {  	[tilespmem:s15+$0xFFFFFF80] =	vst v0;
	v0 =	vmul.f32 $1.131370830e+01, v6;
	v2 =	vld [tilespmem:s15+$0x0]  }
0x212: {  	[tilespmem:s15+$0xFFFFFF90] =	vst v1;
	v1 =	vmul.f32 $1.131370830e+01, v3;
	v3 =	vld [tilespmem:s15+$0x10]  }
0x213: {  	s6 =	sadd.s32 $0x2, s6;
	[tilespmem:s15+$0xFFFFFFA0] =	vst v0;
	v0 =	vmul.f32 $1.131370830e+01, v4;
	v4 =	vld [tilespmem:s15+$0x20]  }
0x214: {  	p0 =	slt.u32 s6, $0x7E;
	[tilespmem:s15+$0xFFFFFFB0] =	vst v1;
	v1 =	vmul.f32 $1.131370830e+01, v7;
	v6 =	vld [tilespmem:s15+$0x30]  }
.Ltmp11:
0x215: {  	[tilespmem:s15+$0xFFFFFFC0] =	vst v0;
	v5 =	vmul.f32 $1.131370830e+01, v5;
	v0 =	vld [tilespmem:s15+$0x40];
	(pc) =	sbr.rel @p0 .LBB2_24-.Ltmp11, $4  }
0x216: {  	[tilespmem:s15+$0xFFFFFFD0] =	vst v1;
	v2 =	vmul.f32 $1.131370830e+01, v2;
	v1 =	vld [tilespmem:s15+$0x50]  }
0x217: {  	[tilespmem:s15+$0xFFFFFFE0] =	vst v5;
	v7 =	vmul.f32 $1.131370830e+01, v3;
	v3 =	vld [tilespmem:s15+$0x60]  }
0x218: {  	[tilespmem:s15+$0x0] =	vst v2;
	v5 =	vmul.f32 $1.131370830e+01, v4;
	v4 =	vld [tilespmem:s15+$0x70]  }
0x219: {  	s15 =	sadd.s32 $0x100, s15;
	v2 =	vld [tilespmem:s14+$0xFFFFFFF0];
	[tilespmem:s14+$0x10] =	vst v7;
	v6 =	vmul.f32 $1.131370830e+01, v6  }
0x21a: {  	[tilespmem:s14+$0x20] =	vst v5;
	v0 =	vmul.f32 $1.131370830e+01, v0  }
0x21b: {  	[tilespmem:s14+$0x30] =	vst v6;
	v1 =	vmul.f32 $1.131370830e+01, v1  }
0x21c: {  	[tilespmem:s14+$0x40] =	vst v0;
	v0 =	vmul.f32 $1.131370830e+01, v3  }
0x21d: {  	[tilespmem:s14+$0x50] =	vst v1;
	v1 =	vmul.f32 $1.131370830e+01, v4  }
0x21e: {  	v2 =	vmul.f32 $1.131370830e+01, v2;
	[tilespmem:s14+$0x60] =	vst v0  }
0x21f: {  	[tilespmem:s14+$0x70] =	vst v1  }
0x220: {  	s6 =	rddreg [dreg:$0xa];
	[tilespmem:s14+$0xFFFFFFF0] =	vst v2  }
0x221: {  	[hbm4b:s6+s5] =	stream.linear.scatter [tilespmem:s22], [sflag:$0x6], $0x4000, $0x38;
	[tilespmem:$0x1A400] =	vst v63  }
0x222: {  	_ =	swait.ge [sflag:s10], $0x4000  }
0x223: {  	[sflag:s10] =	ssyncset.done $0x0  }
0x224: {  	s20 =	simm.s32 $0x6380;
	[sflag:s10] =	ssyncadd.s32 $0xFFFFC000  }
0x225: {  	[tilespmem:s31], [sflag:$0x5] =	stream.indirect.gather [hbm4b:s2+s21], $0x80, s20, s21, $0xb8;
	[tilespmem:$0x1A400] =	vst v63  }
0x226: {  	_ =	swait.ge [sflag:s1], $0x4000  }
0x227: {  	[sflag:s1] =	ssyncset.done $0x0  }
0x228: {  	s14 =	simm.s32 $0xA480;
	[sflag:s1] =	ssyncadd.s32 $0xFFFFC000  }
0x229: {  	v0 =	vld [tilespmem:s14+$0xFFFFFF80]  }
0x22a: {  	v1 =	vld [tilespmem:s14+$0xFFFFFF90]  }
0x22b: {  	v2 =	vld [tilespmem:s14+$0xFFFFFFA0]  }
0x22c: {  	v3 =	vld [tilespmem:s14+$0xFFFFFFB0]  }
0x22d: {  	v4 =	vld [tilespmem:s14+$0xFFFFFFC0]  }
0x22e: {  	v5 =	vld [tilespmem:s14+$0xFFFFFFD0];
	v0 =	vmul.f32 $1.131370830e+01, v0  }
0x22f: {  	v6 =	vld [tilespmem:s14+$0xFFFFFFE0];
	v1 =	vmul.f32 $1.131370830e+01, v1  }
0x230: {  	[tilespmem:s14+$0xFFFFFF80] =	vst v0;
	v0 =	vmul.f32 $1.131370830e+01, v2;
	v2 =	vld [tilespmem:s14+$0x0]  }
0x231: {  	[tilespmem:s14+$0xFFFFFF90] =	vst v1;
	v1 =	vmul.f32 $1.131370830e+01, v3;
	v3 =	vld [tilespmem:s14+$0x10]  }
0x232: {  	[tilespmem:s14+$0xFFFFFFA0] =	vst v0;
	v0 =	vmul.f32 $1.131370830e+01, v4;
	v4 =	vld [tilespmem:s14+$0x20]  }
0x233: {  	v7 =	vld [tilespmem:s14+$0x30];
	[tilespmem:s14+$0xFFFFFFB0] =	vst v1;
	v1 =	vmul.f32 $1.131370830e+01, v5  }
0x234: {  	v5 =	vmul.f32 $1.131370830e+01, v6;
	[tilespmem:s14+$0xFFFFFFC0] =	vst v0;
	v0 =	vld [tilespmem:s14+$0x40]  }
0x235: {  	[tilespmem:s14+$0xFFFFFFD0] =	vst v1;
	v1 =	vld [tilespmem:s14+$0x50];
	v2 =	vmul.f32 $1.131370830e+01, v2  }
0x236: {  	[tilespmem:s14+$0xFFFFFFE0] =	vst v5;
	v6 =	vmul.f32 $1.131370830e+01, v3;
	v3 =	vld [tilespmem:s14+$0x60]  }
0x237: {  	[tilespmem:s14+$0x0] =	vst v2;
	v5 =	vmul.f32 $1.131370830e+01, v4;
	v4 =	vld [tilespmem:s14+$0x70]  }
0x238: {  	s15 =	simm.s32 $0xA580;
	s6 =	simm.s32 $0x0;
	v2 =	vld [tilespmem:s14+$0xFFFFFFF0];
	[tilespmem:s14+$0x10] =	vst v6;
	v6 =	vmul.f32 $1.131370830e+01, v7  }
.LBB2_26:
0x239: {  	v7 =	vld [tilespmem:s15+$0xFFFFFF80];
	[tilespmem:s14+$0x20] =	vst v5;
	v0 =	vmul.f32 $1.131370830e+01, v0  }
0x23a: {  	v5 =	vld [tilespmem:s15+$0xFFFFFF90];
	[tilespmem:s14+$0x30] =	vst v6;
	v1 =	vmul.f32 $1.131370830e+01, v1  }
0x23b: {  	v6 =	vld [tilespmem:s15+$0xFFFFFFA0];
	[tilespmem:s14+$0x40] =	vst v0;
	v0 =	vmul.f32 $1.131370830e+01, v3  }
0x23c: {  	v3 =	vld [tilespmem:s15+$0xFFFFFFB0];
	[tilespmem:s14+$0x50] =	vst v1;
	v1 =	vmul.f32 $1.131370830e+01, v4  }
0x23d: {  	v4 =	vld [tilespmem:s15+$0xFFFFFFC0];
	v2 =	vmul.f32 $1.131370830e+01, v2;
	[tilespmem:s14+$0x60] =	vst v0  }
0x23e: {  	v0 =	vmul.f32 $1.131370830e+01, v7;
	v7 =	vld [tilespmem:s15+$0xFFFFFFD0];
	[tilespmem:s14+$0x70] =	vst v1  }
0x23f: {  	v1 =	vmul.f32 $1.131370830e+01, v5;
	v5 =	vld [tilespmem:s15+$0xFFFFFFE0];
	[tilespmem:s14+$0xFFFFFFF0] =	vst v2;
	s14 =	smov.u32 s15  }
0x240: {  	[tilespmem:s15+$0xFFFFFF80] =	vst v0;
	v0 =	vmul.f32 $1.131370830e+01, v6;
	v2 =	vld [tilespmem:s15+$0x0]  }
0x241: {  	[tilespmem:s15+$0xFFFFFF90] =	vst v1;
	v1 =	vmul.f32 $1.131370830e+01, v3;
	v3 =	vld [tilespmem:s15+$0x10]  }
0x242: {  	s6 =	sadd.s32 $0x2, s6;
	[tilespmem:s15+$0xFFFFFFA0] =	vst v0;
	v0 =	vmul.f32 $1.131370830e+01, v4;
	v4 =	vld [tilespmem:s15+$0x20]  }
0x243: {  	p0 =	slt.u32 s6, $0x7E;
	[tilespmem:s15+$0xFFFFFFB0] =	vst v1;
	v1 =	vmul.f32 $1.131370830e+01, v7;
	v6 =	vld [tilespmem:s15+$0x30]  }
.Ltmp12:
0x244: {  	[tilespmem:s15+$0xFFFFFFC0] =	vst v0;
	v5 =	vmul.f32 $1.131370830e+01, v5;
	v0 =	vld [tilespmem:s15+$0x40];
	(pc) =	sbr.rel @p0 .LBB2_26-.Ltmp12, $4  }
0x245: {  	[tilespmem:s15+$0xFFFFFFD0] =	vst v1;
	v2 =	vmul.f32 $1.131370830e+01, v2;
	v1 =	vld [tilespmem:s15+$0x50]  }
0x246: {  	[tilespmem:s15+$0xFFFFFFE0] =	vst v5;
	v7 =	vmul.f32 $1.131370830e+01, v3;
	v3 =	vld [tilespmem:s15+$0x60]  }
0x247: {  	[tilespmem:s15+$0x0] =	vst v2;
	v5 =	vmul.f32 $1.131370830e+01, v4;
	v4 =	vld [tilespmem:s15+$0x70]  }
0x248: {  	s15 =	sadd.s32 $0x100, s15;
	v2 =	vld [tilespmem:s14+$0xFFFFFFF0];
	[tilespmem:s14+$0x10] =	vst v7;
	v6 =	vmul.f32 $1.131370830e+01, v6  }
0x249: {  	[tilespmem:s14+$0x20] =	vst v5;
	v0 =	vmul.f32 $1.131370830e+01, v0  }
0x24a: {  	[tilespmem:s14+$0x30] =	vst v6;
	v1 =	vmul.f32 $1.131370830e+01, v1  }
0x24b: {  	[tilespmem:s14+$0x40] =	vst v0;
	v0 =	vmul.f32 $1.131370830e+01, v3  }
0x24c: {  	[tilespmem:s14+$0x50] =	vst v1;
	v1 =	vmul.f32 $1.131370830e+01, v4  }
0x24d: {  	v2 =	vmul.f32 $1.131370830e+01, v2;
	[tilespmem:s14+$0x60] =	vst v0  }
0x24e: {  	[tilespmem:s14+$0x70] =	vst v1  }
0x24f: {  	s6 =	rddreg [dreg:$0xb];
	[tilespmem:s14+$0xFFFFFFF0] =	vst v2  }
0x250: {  	[hbm4b:s6+s5] =	stream.linear.scatter [tilespmem:s23], [sflag:$0x7], $0x4000, $0x38;
	[tilespmem:$0x1A400] =	vst v63  }
0x251: {  	_ =	swait.ge [sflag:s26], $0x4000  }
0x252: {  	[sflag:s26] =	ssyncset.done $0x0  }
0x253: {  	s14 =	simm.s32 $0xE480;
	[sflag:s26] =	ssyncadd.s32 $0xFFFFC000  }
0x254: {  	v0 =	vld [tilespmem:s14+$0xFFFFFF80]  }
0x255: {  	v1 =	vld [tilespmem:s14+$0xFFFFFF90]  }
0x256: {  	v2 =	vld [tilespmem:s14+$0xFFFFFFA0]  }
0x257: {  	v3 =	vld [tilespmem:s14+$0xFFFFFFB0]  }
0x258: {  	v4 =	vld [tilespmem:s14+$0xFFFFFFC0]  }
0x259: {  	v5 =	vld [tilespmem:s14+$0xFFFFFFD0];
	v0 =	vmul.f32 $1.131370830e+01, v0  }
0x25a: {  	v6 =	vld [tilespmem:s14+$0xFFFFFFE0];
	v1 =	vmul.f32 $1.131370830e+01, v1  }
0x25b: {  	[tilespmem:s14+$0xFFFFFF80] =	vst v0;
	v0 =	vmul.f32 $1.131370830e+01, v2;
	v2 =	vld [tilespmem:s14+$0x0]  }
0x25c: {  	[tilespmem:s14+$0xFFFFFF90] =	vst v1;
	v1 =	vmul.f32 $1.131370830e+01, v3;
	v3 =	vld [tilespmem:s14+$0x10]  }
0x25d: {  	[tilespmem:s14+$0xFFFFFFA0] =	vst v0;
	v0 =	vmul.f32 $1.131370830e+01, v4;
	v4 =	vld [tilespmem:s14+$0x20]  }
0x25e: {  	v7 =	vld [tilespmem:s14+$0x30];
	[tilespmem:s14+$0xFFFFFFB0] =	vst v1;
	v1 =	vmul.f32 $1.131370830e+01, v5  }
0x25f: {  	v5 =	vmul.f32 $1.131370830e+01, v6;
	[tilespmem:s14+$0xFFFFFFC0] =	vst v0;
	v0 =	vld [tilespmem:s14+$0x40]  }
0x260: {  	[tilespmem:s14+$0xFFFFFFD0] =	vst v1;
	v1 =	vld [tilespmem:s14+$0x50];
	v2 =	vmul.f32 $1.131370830e+01, v2  }
0x261: {  	[tilespmem:s14+$0xFFFFFFE0] =	vst v5;
	v6 =	vmul.f32 $1.131370830e+01, v3;
	v3 =	vld [tilespmem:s14+$0x60]  }
0x262: {  	[tilespmem:s14+$0x0] =	vst v2;
	v5 =	vmul.f32 $1.131370830e+01, v4;
	v4 =	vld [tilespmem:s14+$0x70]  }
0x263: {  	s15 =	simm.s32 $0xE580;
	s6 =	simm.s32 $0x0;
	v2 =	vld [tilespmem:s14+$0xFFFFFFF0];
	[tilespmem:s14+$0x10] =	vst v6;
	v6 =	vmul.f32 $1.131370830e+01, v7  }
.LBB2_28:
0x264: {  	v7 =	vld [tilespmem:s15+$0xFFFFFF80];
	[tilespmem:s14+$0x20] =	vst v5;
	v0 =	vmul.f32 $1.131370830e+01, v0  }
0x265: {  	v5 =	vld [tilespmem:s15+$0xFFFFFF90];
	[tilespmem:s14+$0x30] =	vst v6;
	v1 =	vmul.f32 $1.131370830e+01, v1  }
0x266: {  	v6 =	vld [tilespmem:s15+$0xFFFFFFA0];
	[tilespmem:s14+$0x40] =	vst v0;
	v0 =	vmul.f32 $1.131370830e+01, v3  }
0x267: {  	v3 =	vld [tilespmem:s15+$0xFFFFFFB0];
	[tilespmem:s14+$0x50] =	vst v1;
	v1 =	vmul.f32 $1.131370830e+01, v4  }
0x268: {  	v4 =	vld [tilespmem:s15+$0xFFFFFFC0];
	v2 =	vmul.f32 $1.131370830e+01, v2;
	[tilespmem:s14+$0x60] =	vst v0  }
0x269: {  	v0 =	vmul.f32 $1.131370830e+01, v7;
	v7 =	vld [tilespmem:s15+$0xFFFFFFD0];
	[tilespmem:s14+$0x70] =	vst v1  }
0x26a: {  	v1 =	vmul.f32 $1.131370830e+01, v5;
	v5 =	vld [tilespmem:s15+$0xFFFFFFE0];
	[tilespmem:s14+$0xFFFFFFF0] =	vst v2;
	s14 =	smov.u32 s15  }
0x26b: {  	[tilespmem:s15+$0xFFFFFF80] =	vst v0;
	v0 =	vmul.f32 $1.131370830e+01, v6;
	v2 =	vld [tilespmem:s15+$0x0]  }
0x26c: {  	[tilespmem:s15+$0xFFFFFF90] =	vst v1;
	v1 =	vmul.f32 $1.131370830e+01, v3;
	v3 =	vld [tilespmem:s15+$0x10]  }
0x26d: {  	s6 =	sadd.s32 $0x2, s6;
	[tilespmem:s15+$0xFFFFFFA0] =	vst v0;
	v0 =	vmul.f32 $1.131370830e+01, v4;
	v4 =	vld [tilespmem:s15+$0x20]  }
0x26e: {  	p0 =	slt.u32 s6, $0x7E;
	[tilespmem:s15+$0xFFFFFFB0] =	vst v1;
	v1 =	vmul.f32 $1.131370830e+01, v7;
	v6 =	vld [tilespmem:s15+$0x30]  }
.Ltmp13:
0x26f: {  	[tilespmem:s15+$0xFFFFFFC0] =	vst v0;
	v5 =	vmul.f32 $1.131370830e+01, v5;
	v0 =	vld [tilespmem:s15+$0x40];
	(pc) =	sbr.rel @p0 .LBB2_28-.Ltmp13, $4  }
0x270: {  	[tilespmem:s15+$0xFFFFFFD0] =	vst v1;
	v2 =	vmul.f32 $1.131370830e+01, v2;
	v1 =	vld [tilespmem:s15+$0x50]  }
0x271: {  	[tilespmem:s15+$0xFFFFFFE0] =	vst v5;
	v7 =	vmul.f32 $1.131370830e+01, v3;
	v3 =	vld [tilespmem:s15+$0x60]  }
0x272: {  	[tilespmem:s15+$0x0] =	vst v2;
	v5 =	vmul.f32 $1.131370830e+01, v4;
	v4 =	vld [tilespmem:s15+$0x70]  }
0x273: {  	s15 =	sadd.s32 $0x100, s15;
	v2 =	vld [tilespmem:s14+$0xFFFFFFF0];
	[tilespmem:s14+$0x10] =	vst v7;
	v6 =	vmul.f32 $1.131370830e+01, v6  }
0x274: {  	[tilespmem:s14+$0x20] =	vst v5;
	v0 =	vmul.f32 $1.131370830e+01, v0  }
0x275: {  	[tilespmem:s14+$0x30] =	vst v6;
	v1 =	vmul.f32 $1.131370830e+01, v1  }
0x276: {  	[tilespmem:s14+$0x40] =	vst v0;
	v0 =	vmul.f32 $1.131370830e+01, v3  }
0x277: {  	[tilespmem:s14+$0x50] =	vst v1;
	v1 =	vmul.f32 $1.131370830e+01, v4  }
0x278: {  	v2 =	vmul.f32 $1.131370830e+01, v2;
	[tilespmem:s14+$0x60] =	vst v0  }
0x279: {  	[tilespmem:s14+$0x70] =	vst v1  }
0x27a: {  	s6 =	rddreg [dreg:$0xc];
	[tilespmem:s14+$0xFFFFFFF0] =	vst v2  }
0x27b: {  	[hbm4b:s6+s5] =	stream.linear.scatter [tilespmem:s25], [sflag:$0x8], $0x4000, $0x38;
	[tilespmem:$0x1A400] =	vst v63  }
0x27c: {  	_ =	swait.ge [sflag:s24], $0x4000  }
0x27d: {  	[sflag:s24] =	ssyncset.done $0x0  }
0x27e: {  	s14 =	simm.s32 $0x12480;
	[sflag:s24] =	ssyncadd.s32 $0xFFFFC000  }
0x27f: {  	v0 =	vld [tilespmem:s14+$0xFFFFFF80]  }
0x280: {  	v1 =	vld [tilespmem:s14+$0xFFFFFF90]  }
0x281: {  	v2 =	vld [tilespmem:s14+$0xFFFFFFA0]  }
0x282: {  	v3 =	vld [tilespmem:s14+$0xFFFFFFB0]  }
0x283: {  	v4 =	vld [tilespmem:s14+$0xFFFFFFC0]  }
0x284: {  	v5 =	vld [tilespmem:s14+$0xFFFFFFD0];
	v0 =	vmul.f32 $1.131370830e+01, v0  }
0x285: {  	v6 =	vld [tilespmem:s14+$0xFFFFFFE0];
	v1 =	vmul.f32 $1.131370830e+01, v1  }
0x286: {  	[tilespmem:s14+$0xFFFFFF80] =	vst v0;
	v0 =	vmul.f32 $1.131370830e+01, v2;
	v2 =	vld [tilespmem:s14+$0x0]  }
0x287: {  	[tilespmem:s14+$0xFFFFFF90] =	vst v1;
	v1 =	vmul.f32 $1.131370830e+01, v3;
	v3 =	vld [tilespmem:s14+$0x10]  }
0x288: {  	[tilespmem:s14+$0xFFFFFFA0] =	vst v0;
	v0 =	vmul.f32 $1.131370830e+01, v4;
	v4 =	vld [tilespmem:s14+$0x20]  }
0x289: {  	v7 =	vld [tilespmem:s14+$0x30];
	[tilespmem:s14+$0xFFFFFFB0] =	vst v1;
	v1 =	vmul.f32 $1.131370830e+01, v5  }
0x28a: {  	v5 =	vmul.f32 $1.131370830e+01, v6;
	[tilespmem:s14+$0xFFFFFFC0] =	vst v0;
	v0 =	vld [tilespmem:s14+$0x40]  }
0x28b: {  	[tilespmem:s14+$0xFFFFFFD0] =	vst v1;
	v1 =	vld [tilespmem:s14+$0x50];
	v2 =	vmul.f32 $1.131370830e+01, v2  }
0x28c: {  	[tilespmem:s14+$0xFFFFFFE0] =	vst v5;
	v6 =	vmul.f32 $1.131370830e+01, v3;
	v3 =	vld [tilespmem:s14+$0x60]  }
0x28d: {  	[tilespmem:s14+$0x0] =	vst v2;
	v5 =	vmul.f32 $1.131370830e+01, v4;
	v4 =	vld [tilespmem:s14+$0x70]  }
0x28e: {  	s15 =	simm.s32 $0x12580;
	s6 =	simm.s32 $0x0;
	v2 =	vld [tilespmem:s14+$0xFFFFFFF0];
	[tilespmem:s14+$0x10] =	vst v6;
	v6 =	vmul.f32 $1.131370830e+01, v7  }
.LBB2_30:
0x28f: {  	v7 =	vld [tilespmem:s15+$0xFFFFFF80];
	[tilespmem:s14+$0x20] =	vst v5;
	v0 =	vmul.f32 $1.131370830e+01, v0  }
0x290: {  	v5 =	vld [tilespmem:s15+$0xFFFFFF90];
	[tilespmem:s14+$0x30] =	vst v6;
	v1 =	vmul.f32 $1.131370830e+01, v1  }
0x291: {  	v6 =	vld [tilespmem:s15+$0xFFFFFFA0];
	[tilespmem:s14+$0x40] =	vst v0;
	v0 =	vmul.f32 $1.131370830e+01, v3  }
0x292: {  	v3 =	vld [tilespmem:s15+$0xFFFFFFB0];
	[tilespmem:s14+$0x50] =	vst v1;
	v1 =	vmul.f32 $1.131370830e+01, v4  }
0x293: {  	v4 =	vld [tilespmem:s15+$0xFFFFFFC0];
	v2 =	vmul.f32 $1.131370830e+01, v2;
	[tilespmem:s14+$0x60] =	vst v0  }
0x294: {  	v0 =	vmul.f32 $1.131370830e+01, v7;
	v7 =	vld [tilespmem:s15+$0xFFFFFFD0];
	[tilespmem:s14+$0x70] =	vst v1  }
0x295: {  	v1 =	vmul.f32 $1.131370830e+01, v5;
	v5 =	vld [tilespmem:s15+$0xFFFFFFE0];
	[tilespmem:s14+$0xFFFFFFF0] =	vst v2;
	s14 =	smov.u32 s15  }
0x296: {  	[tilespmem:s15+$0xFFFFFF80] =	vst v0;
	v0 =	vmul.f32 $1.131370830e+01, v6;
	v2 =	vld [tilespmem:s15+$0x0]  }
0x297: {  	[tilespmem:s15+$0xFFFFFF90] =	vst v1;
	v1 =	vmul.f32 $1.131370830e+01, v3;
	v3 =	vld [tilespmem:s15+$0x10]  }
0x298: {  	s6 =	sadd.s32 $0x2, s6;
	[tilespmem:s15+$0xFFFFFFA0] =	vst v0;
	v0 =	vmul.f32 $1.131370830e+01, v4;
	v4 =	vld [tilespmem:s15+$0x20]  }
0x299: {  	p0 =	slt.u32 s6, $0x7E;
	[tilespmem:s15+$0xFFFFFFB0] =	vst v1;
	v1 =	vmul.f32 $1.131370830e+01, v7;
	v6 =	vld [tilespmem:s15+$0x30]  }
.Ltmp14:
0x29a: {  	[tilespmem:s15+$0xFFFFFFC0] =	vst v0;
	v5 =	vmul.f32 $1.131370830e+01, v5;
	v0 =	vld [tilespmem:s15+$0x40];
	(pc) =	sbr.rel @p0 .LBB2_30-.Ltmp14, $4  }
0x29b: {  	[tilespmem:s15+$0xFFFFFFD0] =	vst v1;
	v2 =	vmul.f32 $1.131370830e+01, v2;
	v1 =	vld [tilespmem:s15+$0x50]  }
0x29c: {  	[tilespmem:s15+$0xFFFFFFE0] =	vst v5;
	v7 =	vmul.f32 $1.131370830e+01, v3;
	v3 =	vld [tilespmem:s15+$0x60]  }
0x29d: {  	[tilespmem:s15+$0x0] =	vst v2;
	v5 =	vmul.f32 $1.131370830e+01, v4;
	v4 =	vld [tilespmem:s15+$0x70]  }
0x29e: {  	s15 =	sadd.s32 $0x100, s15;
	v2 =	vld [tilespmem:s14+$0xFFFFFFF0];
	[tilespmem:s14+$0x10] =	vst v7;
	v6 =	vmul.f32 $1.131370830e+01, v6  }
0x29f: {  	[tilespmem:s14+$0x20] =	vst v5;
	v0 =	vmul.f32 $1.131370830e+01, v0  }
0x2a0: {  	[tilespmem:s14+$0x30] =	vst v6;
	v1 =	vmul.f32 $1.131370830e+01, v1  }
0x2a1: {  	[tilespmem:s14+$0x40] =	vst v0;
	v0 =	vmul.f32 $1.131370830e+01, v3  }
0x2a2: {  	[tilespmem:s14+$0x50] =	vst v1;
	v1 =	vmul.f32 $1.131370830e+01, v4  }
0x2a3: {  	v2 =	vmul.f32 $1.131370830e+01, v2;
	[tilespmem:s14+$0x60] =	vst v0  }
0x2a4: {  	[tilespmem:s14+$0x70] =	vst v1  }
0x2a5: {  	s6 =	rddreg [dreg:$0xd];
	[tilespmem:s14+$0xFFFFFFF0] =	vst v2  }
0x2a6: {  	[hbm4b:s6+s5] =	stream.linear.scatter [tilespmem:s28], [sflag:$0x9], $0x4000, $0x38;
	[tilespmem:$0x1A400] =	vst v63  }
0x2a7: {  	_ =	swait.ge [sflag:s8], $0x4000  }
0x2a8: {  	[sflag:s8] =	ssyncset.done $0x0  }
0x2a9: {  	s14 =	simm.s32 $0x16480;
	[sflag:s8] =	ssyncadd.s32 $0xFFFFC000  }
0x2aa: {  	v0 =	vld [tilespmem:s14+$0xFFFFFF80]  }
0x2ab: {  	v1 =	vld [tilespmem:s14+$0xFFFFFF90]  }
0x2ac: {  	v2 =	vld [tilespmem:s14+$0xFFFFFFA0]  }
0x2ad: {  	v3 =	vld [tilespmem:s14+$0xFFFFFFB0]  }
0x2ae: {  	v4 =	vld [tilespmem:s14+$0xFFFFFFC0]  }
0x2af: {  	v5 =	vld [tilespmem:s14+$0xFFFFFFD0];
	v0 =	vmul.f32 $1.131370830e+01, v0  }
0x2b0: {  	v6 =	vld [tilespmem:s14+$0xFFFFFFE0];
	v1 =	vmul.f32 $1.131370830e+01, v1  }
0x2b1: {  	[tilespmem:s14+$0xFFFFFF80] =	vst v0;
	v0 =	vmul.f32 $1.131370830e+01, v2;
	v2 =	vld [tilespmem:s14+$0x0]  }
0x2b2: {  	[tilespmem:s14+$0xFFFFFF90] =	vst v1;
	v1 =	vmul.f32 $1.131370830e+01, v3;
	v3 =	vld [tilespmem:s14+$0x10]  }
0x2b3: {  	[tilespmem:s14+$0xFFFFFFA0] =	vst v0;
	v0 =	vmul.f32 $1.131370830e+01, v4;
	v4 =	vld [tilespmem:s14+$0x20]  }
0x2b4: {  	v7 =	vld [tilespmem:s14+$0x30];
	[tilespmem:s14+$0xFFFFFFB0] =	vst v1;
	v1 =	vmul.f32 $1.131370830e+01, v5  }
0x2b5: {  	v5 =	vmul.f32 $1.131370830e+01, v6;
	[tilespmem:s14+$0xFFFFFFC0] =	vst v0;
	v0 =	vld [tilespmem:s14+$0x40]  }
0x2b6: {  	[tilespmem:s14+$0xFFFFFFD0] =	vst v1;
	v1 =	vld [tilespmem:s14+$0x50];
	v2 =	vmul.f32 $1.131370830e+01, v2  }
0x2b7: {  	[tilespmem:s14+$0xFFFFFFE0] =	vst v5;
	v6 =	vmul.f32 $1.131370830e+01, v3;
	v3 =	vld [tilespmem:s14+$0x60]  }
0x2b8: {  	[tilespmem:s14+$0x0] =	vst v2;
	v5 =	vmul.f32 $1.131370830e+01, v4;
	v4 =	vld [tilespmem:s14+$0x70]  }
0x2b9: {  	s15 =	simm.s32 $0x16580;
	s6 =	simm.s32 $0x0;
	v2 =	vld [tilespmem:s14+$0xFFFFFFF0];
	[tilespmem:s14+$0x10] =	vst v6;
	v6 =	vmul.f32 $1.131370830e+01, v7  }
.LBB2_32:
0x2ba: {  	v7 =	vld [tilespmem:s15+$0xFFFFFF80];
	[tilespmem:s14+$0x20] =	vst v5;
	v0 =	vmul.f32 $1.131370830e+01, v0  }
0x2bb: {  	v5 =	vld [tilespmem:s15+$0xFFFFFF90];
	[tilespmem:s14+$0x30] =	vst v6;
	v1 =	vmul.f32 $1.131370830e+01, v1  }
0x2bc: {  	v6 =	vld [tilespmem:s15+$0xFFFFFFA0];
	[tilespmem:s14+$0x40] =	vst v0;
	v0 =	vmul.f32 $1.131370830e+01, v3  }
0x2bd: {  	v3 =	vld [tilespmem:s15+$0xFFFFFFB0];
	[tilespmem:s14+$0x50] =	vst v1;
	v1 =	vmul.f32 $1.131370830e+01, v4  }
0x2be: {  	v4 =	vld [tilespmem:s15+$0xFFFFFFC0];
	v2 =	vmul.f32 $1.131370830e+01, v2;
	[tilespmem:s14+$0x60] =	vst v0  }
0x2bf: {  	v0 =	vmul.f32 $1.131370830e+01, v7;
	v7 =	vld [tilespmem:s15+$0xFFFFFFD0];
	[tilespmem:s14+$0x70] =	vst v1  }
0x2c0: {  	v1 =	vmul.f32 $1.131370830e+01, v5;
	v5 =	vld [tilespmem:s15+$0xFFFFFFE0];
	[tilespmem:s14+$0xFFFFFFF0] =	vst v2;
	s14 =	smov.u32 s15  }
0x2c1: {  	[tilespmem:s15+$0xFFFFFF80] =	vst v0;
	v0 =	vmul.f32 $1.131370830e+01, v6;
	v2 =	vld [tilespmem:s15+$0x0]  }
0x2c2: {  	[tilespmem:s15+$0xFFFFFF90] =	vst v1;
	v1 =	vmul.f32 $1.131370830e+01, v3;
	v3 =	vld [tilespmem:s15+$0x10]  }
0x2c3: {  	s6 =	sadd.s32 $0x2, s6;
	[tilespmem:s15+$0xFFFFFFA0] =	vst v0;
	v0 =	vmul.f32 $1.131370830e+01, v4;
	v4 =	vld [tilespmem:s15+$0x20]  }
0x2c4: {  	p0 =	slt.u32 s6, $0x7E;
	[tilespmem:s15+$0xFFFFFFB0] =	vst v1;
	v1 =	vmul.f32 $1.131370830e+01, v7;
	v6 =	vld [tilespmem:s15+$0x30]  }
.Ltmp15:
0x2c5: {  	[tilespmem:s15+$0xFFFFFFC0] =	vst v0;
	v5 =	vmul.f32 $1.131370830e+01, v5;
	v0 =	vld [tilespmem:s15+$0x40];
	(pc) =	sbr.rel @p0 .LBB2_32-.Ltmp15, $4  }
0x2c6: {  	[tilespmem:s15+$0xFFFFFFD0] =	vst v1;
	v2 =	vmul.f32 $1.131370830e+01, v2;
	v1 =	vld [tilespmem:s15+$0x50]  }
0x2c7: {  	[tilespmem:s15+$0xFFFFFFE0] =	vst v5;
	v7 =	vmul.f32 $1.131370830e+01, v3;
	v3 =	vld [tilespmem:s15+$0x60]  }
0x2c8: {  	[tilespmem:s15+$0x0] =	vst v2;
	v5 =	vmul.f32 $1.131370830e+01, v4;
	v4 =	vld [tilespmem:s15+$0x70]  }
0x2c9: {  	s15 =	sadd.s32 $0x100, s15;
	v2 =	vld [tilespmem:s14+$0xFFFFFFF0];
	[tilespmem:s14+$0x10] =	vst v7;
	v6 =	vmul.f32 $1.131370830e+01, v6  }
0x2ca: {  	[tilespmem:s14+$0x20] =	vst v5;
	v0 =	vmul.f32 $1.131370830e+01, v0  }
0x2cb: {  	[tilespmem:s14+$0x30] =	vst v6;
	v1 =	vmul.f32 $1.131370830e+01, v1  }
0x2cc: {  	[tilespmem:s14+$0x40] =	vst v0;
	v62 =	vmul.f32 $1.131370830e+01, v3  }
0x2cd: {  	[tilespmem:s14+$0x50] =	vst v1;
	v63 =	vmul.f32 $1.131370830e+01, v4  }
0x2ce: {  	v2 =	vmul.f32 $1.131370830e+01, v2;
	[tilespmem:s14+$0x60] =	vst v62  }
0x2cf: {  	[tilespmem:s14+$0x70] =	vst v63  }
0x2d0: {  	s6 =	rddreg [dreg:$0xe];
	[tilespmem:s14+$0xFFFFFFF0] =	vst v2  }
0x2d1: {  	[hbm4b:s6+s5] =	stream.linear.scatter [tilespmem:s31], [sflag:$0xA], $0x4000, $0x38;
	[tilespmem:$0x1A400] =	vst v63  }
0x2d2: {  	_ =	swait.ge [sflag:s0], $0x4000  }
0x2d3: {  	[sflag:s0] =	ssyncset.done $0x0  }
0x2d4: {  	[sflag:s0] =	ssyncadd.s32 $0xFFFFC000  }
0x2d5: {  	_ =	swait.ge [sflag:s30], $0x4000  }
0x2d6: {  	[sflag:s30] =	ssyncset.done $0x0  }
0x2d7: {  	[sflag:s30] =	ssyncadd.s32 $0xFFFFC000  }
0x2d8: {  	_ =	swait.ge [sflag:s7], $0x4000  }
0x2d9: {  	[sflag:s7] =	ssyncset.done $0x0  }
0x2da: {  	[sflag:s7] =	ssyncadd.s32 $0xFFFFC000  }
0x2db: {  	_ =	swait.ge [sflag:s9], $0x4000  }
0x2dc: {  	[sflag:s9] =	ssyncset.done $0x0  }
0x2dd: {  	[sflag:s9] =	ssyncadd.s32 $0xFFFFC000  }
0x2de: {  	_ =	swait.ge [sflag:s10], $0x4000  }
0x2df: {  	s11 =	sadd.s32 $0x1, s11;
	s20 =	rddreg [dreg:$0xf]  }
0x2e0: {  	p0 =	sne.s32 s11, s20  }
.Ltmp16:
0x2e1: {  	_ = 	snop;
	(pc) =	sbr.rel @p0 .LBB2_1-.Ltmp16, $3  }
0x2e2: {  	_ =	sdelay $0x1  }
0x2e3: {  	[sflag:s10] =	ssyncset.done $0x0  }
0x2e4: {  	[sflag:s10] =	ssyncadd.s32 $0xFFFFC000  }
0x2e5: {  	_ =	sfence.sel $0x180000  }
0x2e6: {  	[bflag:$0x0] =	sbarrier.arrive $0xFFFF  }
0x2e7: {  	_ =	strace $0x90000047  }
0x2e8: {  	s0 =	stileid.u32;
	[bflag:$0x2] =	sbarrier.arrive $0xFFFF  }
0x2e9: {  	p0 =	sne.s32 s0, $0x0;
	s0 =	rddreg [dreg:$0x3]  }
0x2ea: {  	s0 =	sadd.s32 @!p0 $0x100000, s0  }
0x2eb: {  	[sflag:s0] =	ssyncadd.tile.s32 @!p0 $0x1;
	_ =	shalt  }
.Lfunc_end2:
_tile_overlayer_lowered:
.L_overlay_start_2:
0x2ec: {  	(tag) =	ssettag $0x2  }
0x2ed: {  	s0 =	rddreg [dreg:$0x0];
	s2 =	stileid.u32  }
0x2ee: {  	s1 =	rddreg [dreg:$0x1];
	p0 =	sne.s32 s2, $0x0  }
0x2ef: {  	s3 =	rddreg [dreg:$0x2];
	[bflag:$0x3] =	sbarrier.arrive $0xFFFF;
	s2 =	simm.s32 @!p0 $0x1C0B  }
0x2f0: {  	[timem:s3], [sflag:s2] =	dma.local @!p0 [hbm:s0], s1  }
0x2f1: {  	s0 =	simm.s32 @!p0 $0xB  }
0x2f2: {  	_ =	swait.ge @!p0 [sflag:s0], s1  }
0x2f3: {  	s1 =	ssub.s32 @!p0 $0x0, s1;
	[sflag:s0] =	ssyncset.done @!p0 $0x0  }
0x2f4: {  	[sflag:s0] =	ssyncadd.s32 @!p0 s1  }
0x2f5: {  	[bflag:$0x3] =	sbarrier.arrive $0xFFFF  }
0x2f6: {  	_ =	shalt  }

</sc_bundles>
